<compile_context>
chip_gen: v7x
topology: tpu7x:2x2x1
jax: 0.10.2.dev20260603
libtpu: 0.0.44.dev20260713+nightly
codegen_flags: <defaults>
</compile_context>

<pallas_src>
import functools

import jax
import jax.numpy as jnp
from jax import lax
from jax.experimental import pallas as pl
from jax.experimental.pallas import tpu as pltpu
from jax.experimental.pallas import tpu_sc as plsc

B = 4096
F = 26
D_DENSE = 13
FEAT = 4000
DIM = 16
TOTAL = F * FEAT
WCOL = F * DIM
ROW = 512

NC = 2
NS = 16
NW = NC * NS
NB = B // NW
CHUNK = 4
NCHUNK = NB // CHUNK
ROWS_PER_CHUNK = CHUNK * F


def _sc_gather_cross(table, sp_flat):
    mesh = plsc.VectorSubcoreMesh(core_axis_name="c", subcore_axis_name="s")

    @functools.partial(
        pl.kernel,
        mesh=mesh,
        out_type=jax.ShapeDtypeStruct((B, DIM), jnp.float32),
        scratch_types=[
            pltpu.VMEM((NB * F,), jnp.int32),
            pltpu.VMEM((ROWS_PER_CHUNK, ROW), jnp.float32),
            pltpu.VMEM((NB, DIM), jnp.float32),
            pltpu.SemaphoreType.DMA,
        ],
    )
    def k(table_hbm, sp_hbm, out_hbm, idx_v, rows_v, out_v, sem):
        wid = lax.axis_index("s") * NC + lax.axis_index("c")
        base = wid * (NB * F)
        pltpu.sync_copy(sp_hbm.at[pl.ds(base, NB * F)], idx_v)

        def chunk_body(c, carry):
            pltpu.async_copy(
                table_hbm.at[idx_v.at[pl.ds(c * ROWS_PER_CHUNK,
                                            ROWS_PER_CHUNK)]],
                rows_v, sem).wait()

            def b_body(bb, carry2):
                r0 = bb * F
                acc = jnp.zeros((DIM,), jnp.float32)
                for i in range(F - 1):
                    for j in range(i + 1, F):
                        acc = acc + (rows_v[r0 + i, pl.ds(j * DIM, DIM)] *
                                     rows_v[r0 + j, pl.ds(i * DIM, DIM)])
                for i in range(F):
                    acc = acc + rows_v[r0 + i, pl.ds(WCOL, DIM)]
                out_v[c * CHUNK + bb, :] = acc
                return carry2

            lax.fori_loop(0, CHUNK, b_body, 0, unroll=False)
            return carry

        lax.fori_loop(0, NCHUNK, chunk_body, 0, unroll=False)
        pltpu.sync_copy(out_v, out_hbm.at[pl.ds(wid * NB, NB)])

    return k(table, sp_flat)



def _final_body(dense_ref, wd_ref, b_ref, part_ref, o_ref):
    lin = jnp.sum(dense_ref[...] * wd_ref[...], axis=1, keepdims=True)
    cross = jnp.sum(part_ref[...], axis=1, keepdims=True)
    o_ref[...] = jax.nn.sigmoid(lin + cross + b_ref[0, 0])


def _final(dense, wd_row, bias11, partial):
    return pl.pallas_call(
        _final_body,
        out_shape=jax.ShapeDtypeStruct((B, 1), jnp.float32),
    )(dense, wd_row, bias11, partial)



def kernel(dense_input, sparse_input, bias, weight_dense, weight_sparse,
           embed_tables):
    offs = jnp.arange(F, dtype=jnp.int32) * FEAT
    sp_flat = (sparse_input + offs[None, :]).reshape(B * F)
    table = jnp.concatenate(
        [jnp.transpose(embed_tables, (1, 0, 2)).reshape(TOTAL, WCOL),
         weight_sparse,
         jnp.zeros((TOTAL, ROW - WCOL - 1), jnp.float32)], axis=1)
    partial = _sc_gather_cross(table, sp_flat)
    return _final(dense_input, weight_dense.reshape(1, D_DENSE),
                  bias.reshape(1, 1), partial)

# --- scband reference (transcript-rebuilt; emitter-appended) ---
"""Pipeline reference for scband-ffmlayer-57535381897662 (READ-ONLY COPY).

The authoritative reference and input builder live on the scoring server;
editing this copy changes nothing except your own understanding.
"""

import jax, jax.numpy as jnp
import numpy as np

B = 4096
F = 26
D_DENSE = 13
FEAT = 4000
DIM = 16
TOTAL = F * FEAT


def setup_inputs(seed: int = 0) -> dict:
    key = jax.random.key(seed)
    ks = jax.random.split(key, 6)
    dense_input = jax.random.normal(ks[0], (B, D_DENSE), dtype=jnp.float32)
    sparse_input = jax.random.randint(ks[1], (B, F), 0, FEAT, dtype=jnp.int32)
    bias = jnp.zeros((1,), dtype=jnp.float32)
    weight_dense = jax.random.normal(ks[2], (D_DENSE, 1), dtype=jnp.float32) * 0.02
    weight_sparse = jax.random.normal(ks[3], (TOTAL, 1), dtype=jnp.float32) * 0.02
    embed_tables = jax.random.normal(ks[4], (F, TOTAL, DIM), dtype=jnp.float32) * 0.02
    return {
        "dense_input": dense_input,
        "sparse_input": sparse_input,
        "bias": bias,
        "weight_dense": weight_dense,
        "weight_sparse": weight_sparse,
        "embed_tables": embed_tables,
    }


def reference(dense_input, sparse_input, bias, weight_dense, weight_sparse, embed_tables):
    field_dim = np.full(F, FEAT, dtype=np.int64)
    offset = jnp.asarray(
        np.concatenate([[0], np.cumsum(field_dim)[:-1]]).astype(np.int32)
    )
    sp = sparse_input + offset[None, :]  # [B, F] global indices

    # Linear part
    linear_dense = jnp.tensordot(dense_input, weight_dense, axes=(1, 0))  # [B, 1]
    linear_sparse = jnp.sum(jnp.take(weight_sparse, sp, axis=0), axis=1)  # [B, 1]
    linear_result = bias + linear_dense + linear_sparse  # [B, 1]

    # FFM part: one embedding table per field, each applied to all F field indices
    sparse_embed = [jnp.take(embed_tables[i], sp, axis=0) for i in range(F)]  # each [B, F, DIM]

    feature_cross = []
    for i in range(F - 1):
        for j in range(i + 1, F):
            feature_cross.append(
                jnp.sum(sparse_embed[j][:, i] * sparse_embed[i][:, j], axis=1, keepdims=True)
            )
    feature_cross_result = jnp.sum(
        jnp.concatenate(feature_cross, axis=1), axis=1, keepdims=True
    )  # [B, 1]

    return jax.nn.sigmoid(linear_result + feature_cross_result)

if __name__ == "__main__":
    import jax
    _d = setup_inputs()
    print(jax.jit(kernel)(*tuple(_d.values())))

</pallas_src>

<mosaic_0001>
#map = affine_map<(d0, d1) -> (0, 0)>
#map1 = affine_map<(d0, d1) -> (0)>
module attributes {stable_mosaic.version = 14 : i64} {
  func.func @k(%arg0: i32, %arg1: i32, %arg2: memref<104000x512xf32, #tpu.memory_space<hbm>>, %arg3: memref<106496xi32, #tpu.memory_space<hbm>>, %arg4: memref<4096x16xf32, #tpu.memory_space<hbm>>, %arg5: memref<3328xi32, #tpu.memory_space<vmem>>, %arg6: memref<104x512xf32, #tpu.memory_space<vmem>>, %arg7: memref<128x16xf32, #tpu.memory_space<vmem>>, %arg8: memref<!tpu.dma_semaphore, #tpu.memory_space<semaphore_mem>>) attributes {dimension_semantics = [#tpu.dimension_semantics<core_parallel>, #tpu.dimension_semantics<subcore_parallel>], iteration_bounds = array<i64: 2, 16>, scalar_prefetch = 0 : i64, scratch_operands = 4 : i64, tpu.core_type = #tpu.core_type<sc_vector_subcore>, window_params = [{transform_indices = #map}, {transform_indices = #map1}, {transform_indices = #map}]} {
    %mul3A = arith.constant 2 : i32
    %mul3A_0 = arith.muli %arg1, %mul3A : i32
    %add3A = arith.addi %mul3A_0, %arg0 : i32
    %mul3A_1 = arith.constant 3328 : i32
    %mul3A_2 = arith.muli %add3A, %mul3A_1 : i32
    "tpu.region"() ({
      %run_scoped3A = tpu.sem_alloc : memref<!tpu.dma_semaphore, #tpu.memory_space<semaphore_mem>>
      %dma_start3A = tpu.memref_slice %arg3[%mul3A_2] : memref<106496xi32, #tpu.memory_space<hbm>> -> memref<3328xi32, #tpu.memory_space<hbm>>
      %dma_start3A_10 = tpu.memref_slice %arg3[%mul3A_2] : memref<106496xi32, #tpu.memory_space<hbm>> -> memref<3328xi32, #tpu.memory_space<hbm>>
      tpu.enqueue_dma source(%dma_start3A_10 : memref<3328xi32, #tpu.memory_space<hbm>>) target(%arg5 : memref<3328xi32, #tpu.memory_space<vmem>>) target_semaphore(%run_scoped3A : memref<!tpu.dma_semaphore, #tpu.memory_space<semaphore_mem>>)
      %dma_wait3A = tpu.memref_slice %arg3[%mul3A_2] : memref<106496xi32, #tpu.memory_space<hbm>> -> memref<3328xi32, #tpu.memory_space<hbm>>
      %dma_wait3A_11 = tpu.memref_slice %arg3[%mul3A_2] : memref<106496xi32, #tpu.memory_space<hbm>> -> memref<3328xi32, #tpu.memory_space<hbm>>
      tpu.wait_dma2 semaphore(%run_scoped3A : memref<!tpu.dma_semaphore, #tpu.memory_space<semaphore_mem>>) src(%dma_wait3A_11 : memref<3328xi32, #tpu.memory_space<hbm>>) dst(%arg5 : memref<3328xi32, #tpu.memory_space<vmem>>)
      tpu.yield
    }) : () -> ()
    %scan3A = arith.constant 0 : i32
    %scan3A_3 = arith.constant 0 : i32
    %scan3A_4 = arith.constant 32 : i32
    %scan3A_5 = arith.addi %scan3A_3, %scan3A_4 : i32
    %scan3A_6 = arith.constant 1 : i32
    scf.for %scan3A_10 = %scan3A_3 to %scan3A_5 step %scan3A_6  : i32 {
      %mul3A_11 = arith.constant 104 : i32
      %mul3A_12 = arith.muli %scan3A_10, %mul3A_11 : i32
      %dma_start3A = tpu.memref_slice %arg5[%mul3A_12] : memref<3328xi32, #tpu.memory_space<vmem>> -> memref<104xi32, #tpu.memory_space<vmem>>
      %dma_start3A_13 = arith.constant 0 : i32
      %dma_start3A_14 = arith.constant 0 : i32
      %dma_start3A_15 = tpu.memref_slice %arg2[%dma_start3A_13, %dma_start3A_14] : memref<104000x512xf32, #tpu.memory_space<hbm>> -> memref<104000x512xf32, #tpu.memory_space<hbm>>
      tpu.enqueue_indirect_dma source(%dma_start3A_15 : memref<104000x512xf32, #tpu.memory_space<hbm>>) target(%arg6 : memref<104x512xf32, #tpu.memory_space<vmem>>) offsets(%dma_start3A : memref<104xi32, #tpu.memory_space<vmem>>) semaphore(%arg8 : memref<!tpu.dma_semaphore, #tpu.memory_space<semaphore_mem>>)
      %dma_wait3A = tpu.memref_slice %arg5[%mul3A_12] : memref<3328xi32, #tpu.memory_space<vmem>> -> memref<104xi32, #tpu.memory_space<vmem>>
      %dma_wait3A_16 = arith.constant 0 : i32
      %dma_wait3A_17 = arith.constant 0 : i32
      %dma_wait3A_18 = tpu.memref_slice %arg2[%dma_wait3A_16, %dma_wait3A_17] : memref<104000x512xf32, #tpu.memory_space<hbm>> -> memref<104000x512xf32, #tpu.memory_space<hbm>>
      tpu.wait_indirect_dma semaphore(%arg8 : memref<!tpu.dma_semaphore, #tpu.memory_space<semaphore_mem>>) src(%dma_wait3A_18 : memref<104000x512xf32, #tpu.memory_space<hbm>>) dst(%arg6 : memref<104x512xf32, #tpu.memory_space<vmem>>)
      %scan3A_19 = arith.constant 0 : i32
      %scan3A_20 = arith.constant 0 : i32
      %scan3A_21 = arith.constant 4 : i32
      %scan3A_22 = arith.addi %scan3A_20, %scan3A_21 : i32
      %scan3A_23 = arith.constant 1 : i32
      scf.for %scan3A_25 = %scan3A_20 to %scan3A_22 step %scan3A_23  : i32 {
        %mul3A_26 = arith.constant 26 : i32
        %mul3A_27 = arith.muli %scan3A_25, %mul3A_26 : i32
        %broadcast_in_dim3A = arith.constant 0.000000e+00 : f32
        %broadcast_in_dim3A_28 = vector.broadcast %broadcast_in_dim3A : f32 to vector<16xf32>
        %add3A_29 = arith.constant 0 : i32
        %add3A_30 = arith.addi %mul3A_27, %add3A_29 : i32
        %get3A = arith.index_cast %add3A_30 : i32 to index
        %get3A_31 = arith.constant 16 : index
        %get3A_32 = tpu.vector_load %arg6[%get3A, %get3A_31] {strides = array<i32>} : memref<104x512xf32, #tpu.memory_space<vmem>>, vector<1x16xf32>,
        %get3A_33 = vector.shape_cast %get3A_32 : vector<1x16xf32> to vector<16xf32>
        %add3A_34 = arith.constant 1 : i32
        %add3A_35 = arith.addi %mul3A_27, %add3A_34 : i32
        %get3A_36 = arith.index_cast %add3A_35 : i32 to index
        %get3A_37 = arith.constant 0 : index
        %get3A_38 = tpu.vector_load %arg6[%get3A_36, %get3A_37] {strides = array<i32>} : memref<104x512xf32, #tpu.memory_space<vmem>>, vector<1x16xf32>,
        %get3A_39 = vector.shape_cast %get3A_38 : vector<1x16xf32> to vector<16xf32>
        %mul3A_40 = arith.mulf %get3A_33, %get3A_39 : vector<16xf32>
        %add3A_41 = arith.addf %broadcast_in_dim3A_28, %mul3A_40 : vector<16xf32>
        %add3A_42 = arith.constant 0 : i32
        %add3A_43 = arith.addi %mul3A_27, %add3A_42 : i32
        %get3A_44 = arith.index_cast %add3A_43 : i32 to index
        %get3A_45 = arith.constant 32 : index
        %get3A_46 = tpu.vector_load %arg6[%get3A_44, %get3A_45] {strides = array<i32>} : memref<104x512xf32, #tpu.memory_space<vmem>>, vector<1x16xf32>,
        %get3A_47 = vector.shape_cast %get3A_46 : vector<1x16xf32> to vector<16xf32>
        %add3A_48 = arith.constant 2 : i32
        %add3A_49 = arith.addi %mul3A_27, %add3A_48 : i32
        %get3A_50 = arith.index_cast %add3A_49 : i32 to index
        %get3A_51 = arith.constant 0 : index
        %get3A_52 = tpu.vector_load %arg6[%get3A_50, %get3A_51] {strides = array<i32>} : memref<104x512xf32, #tpu.memory_space<vmem>>, vector<1x16xf32>,
        %get3A_53 = vector.shape_cast %get3A_52 : vector<1x16xf32> to vector<16xf32>
        %mul3A_54 = arith.mulf %get3A_47, %get3A_53 : vector<16xf32>
        %add3A_55 = arith.addf %add3A_41, %mul3A_54 : vector<16xf32>
        %add3A_56 = arith.constant 0 : i32
        %add3A_57 = arith.addi %mul3A_27, %add3A_56 : i32
        %get3A_58 = arith.index_cast %add3A_57 : i32 to index
        %get3A_59 = arith.constant 48 : index
        %get3A_60 = tpu.vector_load %arg6[%get3A_58, %get3A_59] {strides = array<i32>} : memref<104x512xf32, #tpu.memory_space<vmem>>, vector<1x16xf32>,
        %get3A_61 = vector.shape_cast %get3A_60 : vector<1x16xf32> to vector<16xf32>
        %add3A_62 = arith.constant 3 : i32
        %add3A_63 = arith.addi %mul3A_27, %add3A_62 : i32
        %get3A_64 = arith.index_cast %add3A_63 : i32 to index
        %get3A_65 = arith.constant 0 : index
        %get3A_66 = tpu.vector_load %arg6[%get3A_64, %get3A_65] {strides = array<i32>} : memref<104x512xf32, #tpu.memory_space<vmem>>, vector<1x16xf32>,
        %get3A_67 = vector.shape_cast %get3A_66 : vector<1x16xf32> to vector<16xf32>
        %mul3A_68 = arith.mulf %get3A_61, %get3A_67 : vector<16xf32>
        %add3A_69 = arith.addf %add3A_55, %mul3A_68 : vector<16xf32>
        %add3A_70 = arith.constant 0 : i32
        %add3A_71 = arith.addi %mul3A_27, %add3A_70 : i32
        %get3A_72 = arith.index_cast %add3A_71 : i32 to index
        %get3A_73 = arith.constant 64 : index
        %get3A_74 = tpu.vector_load %arg6[%get3A_72, %get3A_73] {strides = array<i32>} : memref<104x512xf32, #tpu.memory_space<vmem>>, vector<1x16xf32>,
        %get3A_75 = vector.shape_cast %get3A_74 : vector<1x16xf32> to vector<16xf32>
        %add3A_76 = arith.constant 4 : i32
        %add3A_77 = arith.addi %mul3A_27, %add3A_76 : i32
        %get3A_78 = arith.index_cast %add3A_77 : i32 to index
        %get3A_79 = arith.constant 0 : index
        %get3A_80 = tpu.vector_load %arg6[%get3A_78, %get3A_79] {strides = array<i32>} : memref<104x512xf32, #tpu.memory_space<vmem>>, vector<1x16xf32>,
        %get3A_81 = vector.shape_cast %get3A_80 : vector<1x16xf32> to vector<16xf32>
        %mul3A_82 = arith.mulf %get3A_75, %get3A_81 : vector<16xf32>
        %add3A_83 = arith.addf %add3A_69, %mul3A_82 : vector<16xf32>
        %add3A_84 = arith.constant 0 : i32
        %add3A_85 = arith.addi %mul3A_27, %add3A_84 : i32
        %get3A_86 = arith.index_cast %add3A_85 : i32 to index
        %get3A_87 = arith.constant 80 : index
        %get3A_88 = tpu.vector_load %arg6[%get3A_86, %get3A_87] {strides = array<i32>} : memref<104x512xf32, #tpu.memory_space<vmem>>, vector<1x16xf32>,
        %get3A_89 = vector.shape_cast %get3A_88 : vector<1x16xf32> to vector<16xf32>
        %add3A_90 = arith.constant 5 : i32
        %add3A_91 = arith.addi %mul3A_27, %add3A_90 : i32
        %get3A_92 = arith.index_cast %add3A_91 : i32 to index
        %get3A_93 = arith.constant 0 : index
        %get3A_94 = tpu.vector_load %arg6[%get3A_92, %get3A_93] {strides = array<i32>} : memref<104x512xf32, #tpu.memory_space<vmem>>, vector<1x16xf32>,
        %get3A_95 = vector.shape_cast %get3A_94 : vector<1x16xf32> to vector<16xf32>
        %mul3A_96 = arith.mulf %get3A_89, %get3A_95 : vector<16xf32>
        %add3A_97 = arith.addf %add3A_83, %mul3A_96 : vector<16xf32>
        %add3A_98 = arith.constant 0 : i32
        %add3A_99 = arith.addi %mul3A_27, %add3A_98 : i32
        %get3A_100 = arith.index_cast %add3A_99 : i32 to index
        %get3A_101 = arith.constant 96 : index
        %get3A_102 = tpu.vector_load %arg6[%get3A_100, %get3A_101] {strides = array<i32>} : memref<104x512xf32, #tpu.memory_space<vmem>>, vector<1x16xf32>,
        %get3A_103 = vector.shape_cast %get3A_102 : vector<1x16xf32> to vector<16xf32>
        %add3A_104 = arith.constant 6 : i32
        %add3A_105 = arith.addi %mul3A_27, %add3A_104 : i32
        %get3A_106 = arith.index_cast %add3A_105 : i32 to index
        %get3A_107 = arith.constant 0 : index
        %get3A_108 = tpu.vector_load %arg6[%get3A_106, %get3A_107] {strides = array<i32>} : memref<104x512xf32, #tpu.memory_space<vmem>>, vector<1x16xf32>,
        %get3A_109 = vector.shape_cast %get3A_108 : vector<1x16xf32> to vector<16xf32>
        %mul3A_110 = arith.mulf %get3A_103, %get3A_109 : vector<16xf32>
        %add3A_111 = arith.addf %add3A_97, %mul3A_110 : vector<16xf32>
        %add3A_112 = arith.constant 0 : i32
        %add3A_113 = arith.addi %mul3A_27, %add3A_112 : i32
        %get3A_114 = arith.index_cast %add3A_113 : i32 to index
        %get3A_115 = arith.constant 112 : index
        %get3A_116 = tpu.vector_load %arg6[%get3A_114, %get3A_115] {strides = array<i32>} : memref<104x512xf32, #tpu.memory_space<vmem>>, vector<1x16xf32>,
        %get3A_117 = vector.shape_cast %get3A_116 : vector<1x16xf32> to vector<16xf32>
        %add3A_118 = arith.constant 7 : i32
        %add3A_119 = arith.addi %mul3A_27, %add3A_118 : i32
        %get3A_120 = arith.index_cast %add3A_119 : i32 to index
        %get3A_121 = arith.constant 0 : index
        %get3A_122 = tpu.vector_load %arg6[%get3A_120, %get3A_121] {strides = array<i32>} : memref<104x512xf32, #tpu.memory_space<vmem>>, vector<1x16xf32>,
        %get3A_123 = vector.shape_cast %get3A_122 : vector<1x16xf32> to vector<16xf32>
        %mul3A_124 = arith.mulf %get3A_117, %get3A_123 : vector<16xf32>
        %add3A_125 = arith.addf %add3A_111, %mul3A_124 : vector<16xf32>
        %add3A_126 = arith.constant 0 : i32
        %add3A_127 = arith.addi %mul3A_27, %add3A_126 : i32
        %get3A_128 = arith.index_cast %add3A_127 : i32 to index
        %get3A_129 = arith.constant 128 : index
        %get3A_130 = tpu.vector_load %arg6[%get3A_128, %get3A_129] {strides = array<i32>} : memref<104x512xf32, #tpu.memory_space<vmem>>, vector<1x16xf32>,
        %get3A_131 = vector.shape_cast %get3A_130 : vector<1x16xf32> to vector<16xf32>
        %add3A_132 = arith.constant 8 : i32
        %add3A_133 = arith.addi %mul3A_27, %add3A_132 : i32
        %get3A_134 = arith.index_cast %add3A_133 : i32 to index
        %get3A_135 = arith.constant 0 : index
        %get3A_136 = tpu.vector_load %arg6[%get3A_134, %get3A_135] {strides = array<i32>} : memref<104x512xf32, #tpu.memory_space<vmem>>, vector<1x16xf32>,
        %get3A_137 = vector.shape_cast %get3A_136 : vector<1x16xf32> to vector<16xf32>
        %mul3A_138 = arith.mulf %get3A_131, %get3A_137 : vector<16xf32>
        %add3A_139 = arith.addf %add3A_125, %mul3A_138 : vector<16xf32>
        %add3A_140 = arith.constant 0 : i32
        %add3A_141 = arith.addi %mul3A_27, %add3A_140 : i32
        %get3A_142 = arith.index_cast %add3A_141 : i32 to index
        %get3A_143 = arith.constant 144 : index
        %get3A_144 = tpu.vector_load %arg6[%get3A_142, %get3A_143] {strides = array<i32>} : memref<104x512xf32, #tpu.memory_space<vmem>>, vector<1x16xf32>,
        %get3A_145 = vector.shape_cast %get3A_144 : vector<1x16xf32> to vector<16xf32>
        %add3A_146 = arith.constant 9 : i32
        %add3A_147 = arith.addi %mul3A_27, %add3A_146 : i32
        %get3A_148 = arith.index_cast %add3A_147 : i32 to index
        %get3A_149 = arith.constant 0 : index
        %get3A_150 = tpu.vector_load %arg6[%get3A_148, %get3A_149] {strides = array<i32>} : memref<104x512xf32, #tpu.memory_space<vmem>>, vector<1x16xf32>,
        %get3A_151 = vector.shape_cast %get3A_150 : vector<1x16xf32> to vector<16xf32>
        %mul3A_152 = arith.mulf %get3A_145, %get3A_151 : vector<16xf32>
        %add3A_153 = arith.addf %add3A_139, %mul3A_152 : vector<16xf32>
        %add3A_154 = arith.constant 0 : i32
        %add3A_155 = arith.addi %mul3A_27, %add3A_154 : i32
        %get3A_156 = arith.index_cast %add3A_155 : i32 to index
        %get3A_157 = arith.constant 160 : index
        %get3A_158 = tpu.vector_load %arg6[%get3A_156, %get3A_157] {strides = array<i32>} : memref<104x512xf32, #tpu.memory_space<vmem>>, vector<1x16xf32>,
        %get3A_159 = vector.shape_cast %get3A_158 : vector<1x16xf32> to vector<16xf32>
        %add3A_160 = arith.constant 10 : i32
        %add3A_161 = arith.addi %mul3A_27, %add3A_160 : i32
        %get3A_162 = arith.index_cast %add3A_161 : i32 to index
        %get3A_163 = arith.constant 0 : index
        %get3A_164 = tpu.vector_load %arg6[%get3A_162, %get3A_163] {strides = array<i32>} : memref<104x512xf32, #tpu.memory_space<vmem>>, vector<1x16xf32>,
        %get3A_165 = vector.shape_cast %get3A_164 : vector<1x16xf32> to vector<16xf32>
        %mul3A_166 = arith.mulf %get3A_159, %get3A_165 : vector<16xf32>
        %add3A_167 = arith.addf %add3A_153, %mul3A_166 : vector<16xf32>
        %add3A_168 = arith.constant 0 : i32
        %add3A_169 = arith.addi %mul3A_27, %add3A_168 : i32
        %get3A_170 = arith.index_cast %add3A_169 : i32 to index
        %get3A_171 = arith.constant 176 : index
        %get3A_172 = tpu.vector_load %arg6[%get3A_170, %get3A_171] {strides = array<i32>} : memref<104x512xf32, #tpu.memory_space<vmem>>, vector<1x16xf32>,
        %get3A_173 = vector.shape_cast %get3A_172 : vector<1x16xf32> to vector<16xf32>
        %add3A_174 = arith.constant 11 : i32
        %add3A_175 = arith.addi %mul3A_27, %add3A_174 : i32
        %get3A_176 = arith.index_cast %add3A_175 : i32 to index
        %get3A_177 = arith.constant 0 : index
        %get3A_178 = tpu.vector_load %arg6[%get3A_176, %get3A_177] {strides = array<i32>} : memref<104x512xf32, #tpu.memory_space<vmem>>, vector<1x16xf32>,
        %get3A_179 = vector.shape_cast %get3A_178 : vector<1x16xf32> to vector<16xf32>
        %mul3A_180 = arith.mulf %get3A_173, %get3A_179 : vector<16xf32>
        %add3A_181 = arith.addf %add3A_167, %mul3A_180 : vector<16xf32>
        %add3A_182 = arith.constant 0 : i32
        %add3A_183 = arith.addi %mul3A_27, %add3A_182 : i32
        %get3A_184 = arith.index_cast %add3A_183 : i32 to index
        %get3A_185 = arith.constant 192 : index
        %get3A_186 = tpu.vector_load %arg6[%get3A_184, %get3A_185] {strides = array<i32>} : memref<104x512xf32, #tpu.memory_space<vmem>>, vector<1x16xf32>,
        %get3A_187 = vector.shape_cast %get3A_186 : vector<1x16xf32> to vector<16xf32>
        %add3A_188 = arith.constant 12 : i32
        %add3A_189 = arith.addi %mul3A_27, %add3A_188 : i32
        %get3A_190 = arith.index_cast %add3A_189 : i32 to index
        %get3A_191 = arith.constant 0 : index
        %get3A_192 = tpu.vector_load %arg6[%get3A_190, %get3A_191] {strides = array<i32>} : memref<104x512xf32, #tpu.memory_space<vmem>>, vector<1x16xf32>,
        %get3A_193 = vector.shape_cast %get3A_192 : vector<1x16xf32> to vector<16xf32>
        %mul3A_194 = arith.mulf %get3A_187, %get3A_193 : vector<16xf32>
        %add3A_195 = arith.addf %add3A_181, %mul3A_194 : vector<16xf32>
        %add3A_196 = arith.constant 0 : i32
        %add3A_197 = arith.addi %mul3A_27, %add3A_196 : i32
        %get3A_198 = arith.index_cast %add3A_197 : i32 to index
        %get3A_199 = arith.constant 208 : index
        %get3A_200 = tpu.vector_load %arg6[%get3A_198, %get3A_199] {strides = array<i32>} : memref<104x512xf32, #tpu.memory_space<vmem>>, vector<1x16xf32>,
        %get3A_201 = vector.shape_cast %get3A_200 : vector<1x16xf32> to vector<16xf32>
        %add3A_202 = arith.constant 13 : i32
        %add3A_203 = arith.addi %mul3A_27, %add3A_202 : i32
        %get3A_204 = arith.index_cast %add3A_203 : i32 to index
        %get3A_205 = arith.constant 0 : index
        %get3A_206 = tpu.vector_load %arg6[%get3A_204, %get3A_205] {strides = array<i32>} : memref<104x512xf32, #tpu.memory_space<vmem>>, vector<1x16xf32>,
        %get3A_207 = vector.shape_cast %get3A_206 : vector<1x16xf32> to vector<16xf32>
        %mul3A_208 = arith.mulf %get3A_201, %get3A_207 : vector<16xf32>
        %add3A_209 = arith.addf %add3A_195, %mul3A_208 : vector<16xf32>
        %add3A_210 = arith.constant 0 : i32
        %add3A_211 = arith.addi %mul3A_27, %add3A_210 : i32
        %get3A_212 = arith.index_cast %add3A_211 : i32 to index
        %get3A_213 = arith.constant 224 : index
        %get3A_214 = tpu.vector_load %arg6[%get3A_212, %get3A_213] {strides = array<i32>} : memref<104x512xf32, #tpu.memory_space<vmem>>, vector<1x16xf32>,
        %get3A_215 = vector.shape_cast %get3A_214 : vector<1x16xf32> to vector<16xf32>
        %add3A_216 = arith.constant 14 : i32
        %add3A_217 = arith.addi %mul3A_27, %add3A_216 : i32
        %get3A_218 = arith.index_cast %add3A_217 : i32 to index
        %get3A_219 = arith.constant 0 : index
        %get3A_220 = tpu.vector_load %arg6[%get3A_218, %get3A_219] {strides = array<i32>} : memref<104x512xf32, #tpu.memory_space<vmem>>, vector<1x16xf32>,
        %get3A_221 = vector.shape_cast %get3A_220 : vector<1x16xf32> to vector<16xf32>
        %mul3A_222 = arith.mulf %get3A_215, %get3A_221 : vector<16xf32>
        %add3A_223 = arith.addf %add3A_209, %mul3A_222 : vector<16xf32>
        %add3A_224 = arith.constant 0 : i32
        %add3A_225 = arith.addi %mul3A_27, %add3A_224 : i32
        %get3A_226 = arith.index_cast %add3A_225 : i32 to index
        %get3A_227 = arith.constant 240 : index
        %get3A_228 = tpu.vector_load %arg6[%get3A_226, %get3A_227] {strides = array<i32>} : memref<104x512xf32, #tpu.memory_space<vmem>>, vector<1x16xf32>,
        %get3A_229 = vector.shape_cast %get3A_228 : vector<1x16xf32> to vector<16xf32>
        %add3A_230 = arith.constant 15 : i32
        %add3A_231 = arith.addi %mul3A_27, %add3A_230 : i32
        %get3A_232 = arith.index_cast %add3A_231 : i32 to index
        %get3A_233 = arith.constant 0 : index
        %get3A_234 = tpu.vector_load %arg6[%get3A_232, %get3A_233] {strides = array<i32>} : memref<104x512xf32, #tpu.memory_space<vmem>>, vector<1x16xf32>,
        %get3A_235 = vector.shape_cast %get3A_234 : vector<1x16xf32> to vector<16xf32>
        %mul3A_236 = arith.mulf %get3A_229, %get3A_235 : vector<16xf32>
        %add3A_237 = arith.addf %add3A_223, %mul3A_236 : vector<16xf32>
        %add3A_238 = arith.constant 0 : i32
        %add3A_239 = arith.addi %mul3A_27, %add3A_238 : i32
        %get3A_240 = arith.index_cast %add3A_239 : i32 to index
        %get3A_241 = arith.constant 256 : index
        %get3A_242 = tpu.vector_load %arg6[%get3A_240, %get3A_241] {strides = array<i32>} : memref<104x512xf32, #tpu.memory_space<vmem>>, vector<1x16xf32>,
        %get3A_243 = vector.shape_cast %get3A_242 : vector<1x16xf32> to vector<16xf32>
        %add3A_244 = arith.constant 16 : i32
        %add3A_245 = arith.addi %mul3A_27, %add3A_244 : i32
        %get3A_246 = arith.index_cast %add3A_245 : i32 to index
        %get3A_247 = arith.constant 0 : index
        %get3A_248 = tpu.vector_load %arg6[%get3A_246, %get3A_247] {strides = array<i32>} : memref<104x512xf32, #tpu.memory_space<vmem>>, vector<1x16xf32>,
        %get3A_249 = vector.shape_cast %get3A_248 : vector<1x16xf32> to vector<16xf32>
        %mul3A_250 = arith.mulf %get3A_243, %get3A_249 : vector<16xf32>
        %add3A_251 = arith.addf %add3A_237, %mul3A_250 : vector<16xf32>
        %add3A_252 = arith.constant 0 : i32
        %add3A_253 = arith.addi %mul3A_27, %add3A_252 : i32
        %get3A_254 = arith.index_cast %add3A_253 : i32 to index
        %get3A_255 = arith.constant 272 : index
        %get3A_256 = tpu.vector_load %arg6[%get3A_254, %get3A_255] {strides = array<i32>} : memref<104x512xf32, #tpu.memory_space<vmem>>, vector<1x16xf32>,
        %get3A_257 = vector.shape_cast %get3A_256 : vector<1x16xf32> to vector<16xf32>
        %add3A_258 = arith.constant 17 : i32
        %add3A_259 = arith.addi %mul3A_27, %add3A_258 : i32
        %get3A_260 = arith.index_cast %add3A_259 : i32 to index
        %get3A_261 = arith.constant 0 : index
        %get3A_262 = tpu.vector_load %arg6[%get3A_260, %get3A_261] {strides = array<i32>} : memref<104x512xf32, #tpu.memory_space<vmem>>, vector<1x16xf32>,
        %get3A_263 = vector.shape_cast %get3A_262 : vector<1x16xf32> to vector<16xf32>
        %mul3A_264 = arith.mulf %get3A_257, %get3A_263 : vector<16xf32>
        %add3A_265 = arith.addf %add3A_251, %mul3A_264 : vector<16xf32>
        %add3A_266 = arith.constant 0 : i32
        %add3A_267 = arith.addi %mul3A_27, %add3A_266 : i32
        %get3A_268 = arith.index_cast %add3A_267 : i32 to index
        %get3A_269 = arith.constant 288 : index
        %get3A_270 = tpu.vector_load %arg6[%get3A_268, %get3A_269] {strides = array<i32>} : memref<104x512xf32, #tpu.memory_space<vmem>>, vector<1x16xf32>,
        %get3A_271 = vector.shape_cast %get3A_270 : vector<1x16xf32> to vector<16xf32>
        %add3A_272 = arith.constant 18 : i32
        %add3A_273 = arith.addi %mul3A_27, %add3A_272 : i32
        %get3A_274 = arith.index_cast %add3A_273 : i32 to index
        %get3A_275 = arith.constant 0 : index
        %get3A_276 = tpu.vector_load %arg6[%get3A_274, %get3A_275] {strides = array<i32>} : memref<104x512xf32, #tpu.memory_space<vmem>>, vector<1x16xf32>,
        %get3A_277 = vector.shape_cast %get3A_276 : vector<1x16xf32> to vector<16xf32>
        %mul3A_278 = arith.mulf %get3A_271, %get3A_277 : vector<16xf32>
        %add3A_279 = arith.addf %add3A_265, %mul3A_278 : vector<16xf32>
        %add3A_280 = arith.constant 0 : i32
        %add3A_281 = arith.addi %mul3A_27, %add3A_280 : i32
        %get3A_282 = arith.index_cast %add3A_281 : i32 to index
        %get3A_283 = arith.constant 304 : index
        %get3A_284 = tpu.vector_load %arg6[%get3A_282, %get3A_283] {strides = array<i32>} : memref<104x512xf32, #tpu.memory_space<vmem>>, vector<1x16xf32>,
        %get3A_285 = vector.shape_cast %get3A_284 : vector<1x16xf32> to vector<16xf32>
        %add3A_286 = arith.constant 19 : i32
        %add3A_287 = arith.addi %mul3A_27, %add3A_286 : i32
        %get3A_288 = arith.index_cast %add3A_287 : i32 to index
        %get3A_289 = arith.constant 0 : index
        %get3A_290 = tpu.vector_load %arg6[%get3A_288, %get3A_289] {strides = array<i32>} : memref<104x512xf32, #tpu.memory_space<vmem>>, vector<1x16xf32>,
        %get3A_291 = vector.shape_cast %get3A_290 : vector<1x16xf32> to vector<16xf32>
        %mul3A_292 = arith.mulf %get3A_285, %get3A_291 : vector<16xf32>
        %add3A_293 = arith.addf %add3A_279, %mul3A_292 : vector<16xf32>
        %add3A_294 = arith.constant 0 : i32
        %add3A_295 = arith.addi %mul3A_27, %add3A_294 : i32
        %get3A_296 = arith.index_cast %add3A_295 : i32 to index
        %get3A_297 = arith.constant 320 : index
        %get3A_298 = tpu.vector_load %arg6[%get3A_296, %get3A_297] {strides = array<i32>} : memref<104x512xf32, #tpu.memory_space<vmem>>, vector<1x16xf32>,
        %get3A_299 = vector.shape_cast %get3A_298 : vector<1x16xf32> to vector<16xf32>
        %add3A_300 = arith.constant 20 : i32
        %add3A_301 = arith.addi %mul3A_27, %add3A_300 : i32
        %get3A_302 = arith.index_cast %add3A_301 : i32 to index
        %get3A_303 = arith.constant 0 : index
        %get3A_304 = tpu.vector_load %arg6[%get3A_302, %get3A_303] {strides = array<i32>} : memref<104x512xf32, #tpu.memory_space<vmem>>, vector<1x16xf32>,
        %get3A_305 = vector.shape_cast %get3A_304 : vector<1x16xf32> to vector<16xf32>
        %mul3A_306 = arith.mulf %get3A_299, %get3A_305 : vector<16xf32>
        %add3A_307 = arith.addf %add3A_293, %mul3A_306 : vector<16xf32>
        %add3A_308 = arith.constant 0 : i32
        %add3A_309 = arith.addi %mul3A_27, %add3A_308 : i32
        %get3A_310 = arith.index_cast %add3A_309 : i32 to index
        %get3A_311 = arith.constant 336 : index
        %get3A_312 = tpu.vector_load %arg6[%get3A_310, %get3A_311] {strides = array<i32>} : memref<104x512xf32, #tpu.memory_space<vmem>>, vector<1x16xf32>,
        %get3A_313 = vector.shape_cast %get3A_312 : vector<1x16xf32> to vector<16xf32>
        %add3A_314 = arith.constant 21 : i32
        %add3A_315 = arith.addi %mul3A_27, %add3A_314 : i32
        %get3A_316 = arith.index_cast %add3A_315 : i32 to index
        %get3A_317 = arith.constant 0 : index
        %get3A_318 = tpu.vector_load %arg6[%get3A_316, %get3A_317] {strides = array<i32>} : memref<104x512xf32, #tpu.memory_space<vmem>>, vector<1x16xf32>,
        %get3A_319 = vector.shape_cast %get3A_318 : vector<1x16xf32> to vector<16xf32>
        %mul3A_320 = arith.mulf %get3A_313, %get3A_319 : vector<16xf32>
        %add3A_321 = arith.addf %add3A_307, %mul3A_320 : vector<16xf32>
        %add3A_322 = arith.constant 0 : i32
        %add3A_323 = arith.addi %mul3A_27, %add3A_322 : i32
        %get3A_324 = arith.index_cast %add3A_323 : i32 to index
        %get3A_325 = arith.constant 352 : index
        %get3A_326 = tpu.vector_load %arg6[%get3A_324, %get3A_325] {strides = array<i32>} : memref<104x512xf32, #tpu.memory_space<vmem>>, vector<1x16xf32>,
        %get3A_327 = vector.shape_cast %get3A_326 : vector<1x16xf32> to vector<16xf32>
        %add3A_328 = arith.constant 22 : i32
        %add3A_329 = arith.addi %mul3A_27, %add3A_328 : i32
        %get3A_330 = arith.index_cast %add3A_329 : i32 to index
        %get3A_331 = arith.constant 0 : index
        %get3A_332 = tpu.vector_load %arg6[%get3A_330, %get3A_331] {strides = array<i32>} : memref<104x512xf32, #tpu.memory_space<vmem>>, vector<1x16xf32>,
        %get3A_333 = vector.shape_cast %get3A_332 : vector<1x16xf32> to vector<16xf32>
        %mul3A_334 = arith.mulf %get3A_327, %get3A_333 : vector<16xf32>
        %add3A_335 = arith.addf %add3A_321, %mul3A_334 : vector<16xf32>
        %add3A_336 = arith.constant 0 : i32
        %add3A_337 = arith.addi %mul3A_27, %add3A_336 : i32
        %get3A_338 = arith.index_cast %add3A_337 : i32 to index
        %get3A_339 = arith.constant 368 : index
        %get3A_340 = tpu.vector_load %arg6[%get3A_338, %get3A_339] {strides = array<i32>} : memref<104x512xf32, #tpu.memory_space<vmem>>, vector<1x16xf32>,
        %get3A_341 = vector.shape_cast %get3A_340 : vector<1x16xf32> to vector<16xf32>
        %add3A_342 = arith.constant 23 : i32
        %add3A_343 = arith.addi %mul3A_27, %add3A_342 : i32
        %get3A_344 = arith.index_cast %add3A_343 : i32 to index
        %get3A_345 = arith.constant 0 : index
        %get3A_346 = tpu.vector_load %arg6[%get3A_344, %get3A_345] {strides = array<i32>} : memref<104x512xf32, #tpu.memory_space<vmem>>, vector<1x16xf32>,
        %get3A_347 = vector.shape_cast %get3A_346 : vector<1x16xf32> to vector<16xf32>
        %mul3A_348 = arith.mulf %get3A_341, %get3A_347 : vector<16xf32>
        %add3A_349 = arith.addf %add3A_335, %mul3A_348 : vector<16xf32>
        %add3A_350 = arith.constant 0 : i32
        %add3A_351 = arith.addi %mul3A_27, %add3A_350 : i32
        %get3A_352 = arith.index_cast %add3A_351 : i32 to index
        %get3A_353 = arith.constant 384 : index
        %get3A_354 = tpu.vector_load %arg6[%get3A_352, %get3A_353] {strides = array<i32>} : memref<104x512xf32, #tpu.memory_space<vmem>>, vector<1x16xf32>,
        %get3A_355 = vector.shape_cast %get3A_354 : vector<1x16xf32> to vector<16xf32>
        %add3A_356 = arith.constant 24 : i32
        %add3A_357 = arith.addi %mul3A_27, %add3A_356 : i32
        %get3A_358 = arith.index_cast %add3A_357 : i32 to index
        %get3A_359 = arith.constant 0 : index
        %get3A_360 = tpu.vector_load %arg6[%get3A_358, %get3A_359] {strides = array<i32>} : memref<104x512xf32, #tpu.memory_space<vmem>>, vector<1x16xf32>,
        %get3A_361 = vector.shape_cast %get3A_360 : vector<1x16xf32> to vector<16xf32>
        %mul3A_362 = arith.mulf %get3A_355, %get3A_361 : vector<16xf32>
        %add3A_363 = arith.addf %add3A_349, %mul3A_362 : vector<16xf32>
        %add3A_364 = arith.constant 0 : i32
        %add3A_365 = arith.addi %mul3A_27, %add3A_364 : i32
        %get3A_366 = arith.index_cast %add3A_365 : i32 to index
        %get3A_367 = arith.constant 400 : index
        %get3A_368 = tpu.vector_load %arg6[%get3A_366, %get3A_367] {strides = array<i32>} : memref<104x512xf32, #tpu.memory_space<vmem>>, vector<1x16xf32>,
        %get3A_369 = vector.shape_cast %get3A_368 : vector<1x16xf32> to vector<16xf32>
        %add3A_370 = arith.constant 25 : i32
        %add3A_371 = arith.addi %mul3A_27, %add3A_370 : i32
        %get3A_372 = arith.index_cast %add3A_371 : i32 to index
        %get3A_373 = arith.constant 0 : index
        %get3A_374 = tpu.vector_load %arg6[%get3A_372, %get3A_373] {strides = array<i32>} : memref<104x512xf32, #tpu.memory_space<vmem>>, vector<1x16xf32>,
        %get3A_375 = vector.shape_cast %get3A_374 : vector<1x16xf32> to vector<16xf32>
        %mul3A_376 = arith.mulf %get3A_369, %get3A_375 : vector<16xf32>
        %add3A_377 = arith.addf %add3A_363, %mul3A_376 : vector<16xf32>
        %add3A_378 = arith.constant 1 : i32
        %add3A_379 = arith.addi %mul3A_27, %add3A_378 : i32
        %get3A_380 = arith.index_cast %add3A_379 : i32 to index
        %get3A_381 = arith.constant 32 : index
        %get3A_382 = tpu.vector_load %arg6[%get3A_380, %get3A_381] {strides = array<i32>} : memref<104x512xf32, #tpu.memory_space<vmem>>, vector<1x16xf32>,
        %get3A_383 = vector.shape_cast %get3A_382 : vector<1x16xf32> to vector<16xf32>
        %add3A_384 = arith.constant 2 : i32
        %add3A_385 = arith.addi %mul3A_27, %add3A_384 : i32
        %get3A_386 = arith.index_cast %add3A_385 : i32 to index
        %get3A_387 = arith.constant 16 : index
        %get3A_388 = tpu.vector_load %arg6[%get3A_386, %get3A_387] {strides = array<i32>} : memref<104x512xf32, #tpu.memory_space<vmem>>, vector<1x16xf32>,
        %get3A_389 = vector.shape_cast %get3A_388 : vector<1x16xf32> to vector<16xf32>
        %mul3A_390 = arith.mulf %get3A_383, %get3A_389 : vector<16xf32>
        %add3A_391 = arith.addf %add3A_377, %mul3A_390 : vector<16xf32>
        %add3A_392 = arith.constant 1 : i32
        %add3A_393 = arith.addi %mul3A_27, %add3A_392 : i32
        %get3A_394 = arith.index_cast %add3A_393 : i32 to index
        %get3A_395 = arith.constant 48 : index
        %get3A_396 = tpu.vector_load %arg6[%get3A_394, %get3A_395] {strides = array<i32>} : memref<104x512xf32, #tpu.memory_space<vmem>>, vector<1x16xf32>,
        %get3A_397 = vector.shape_cast %get3A_396 : vector<1x16xf32> to vector<16xf32>
        %add3A_398 = arith.constant 3 : i32
        %add3A_399 = arith.addi %mul3A_27, %add3A_398 : i32
        %get3A_400 = arith.index_cast %add3A_399 : i32 to index
        %get3A_401 = arith.constant 16 : index
        %get3A_402 = tpu.vector_load %arg6[%get3A_400, %get3A_401] {strides = array<i32>} : memref<104x512xf32, #tpu.memory_space<vmem>>, vector<1x16xf32>,
        %get3A_403 = vector.shape_cast %get3A_402 : vector<1x16xf32> to vector<16xf32>
        %mul3A_404 = arith.mulf %get3A_397, %get3A_403 : vector<16xf32>
        %add3A_405 = arith.addf %add3A_391, %mul3A_404 : vector<16xf32>
        %add3A_406 = arith.constant 1 : i32
        %add3A_407 = arith.addi %mul3A_27, %add3A_406 : i32
        %get3A_408 = arith.index_cast %add3A_407 : i32 to index
        %get3A_409 = arith.constant 64 : index
        %get3A_410 = tpu.vector_load %arg6[%get3A_408, %get3A_409] {strides = array<i32>} : memref<104x512xf32, #tpu.memory_space<vmem>>, vector<1x16xf32>,
        %get3A_411 = vector.shape_cast %get3A_410 : vector<1x16xf32> to vector<16xf32>
        %add3A_412 = arith.constant 4 : i32
        %add3A_413 = arith.addi %mul3A_27, %add3A_412 : i32
        %get3A_414 = arith.index_cast %add3A_413 : i32 to index
        %get3A_415 = arith.constant 16 : index
        %get3A_416 = tpu.vector_load %arg6[%get3A_414, %get3A_415] {strides = array<i32>} : memref<104x512xf32, #tpu.memory_space<vmem>>, vector<1x16xf32>,
        %get3A_417 = vector.shape_cast %get3A_416 : vector<1x16xf32> to vector<16xf32>
        %mul3A_418 = arith.mulf %get3A_411, %get3A_417 : vector<16xf32>
        %add3A_419 = arith.addf %add3A_405, %mul3A_418 : vector<16xf32>
        %add3A_420 = arith.constant 1 : i32
        %add3A_421 = arith.addi %mul3A_27, %add3A_420 : i32
        %get3A_422 = arith.index_cast %add3A_421 : i32 to index
        %get3A_423 = arith.constant 80 : index
        %get3A_424 = tpu.vector_load %arg6[%get3A_422, %get3A_423] {strides = array<i32>} : memref<104x512xf32, #tpu.memory_space<vmem>>, vector<1x16xf32>,
        %get3A_425 = vector.shape_cast %get3A_424 : vector<1x16xf32> to vector<16xf32>
        %add3A_426 = arith.constant 5 : i32
        %add3A_427 = arith.addi %mul3A_27, %add3A_426 : i32
        %get3A_428 = arith.index_cast %add3A_427 : i32 to index
        %get3A_429 = arith.constant 16 : index
        %get3A_430 = tpu.vector_load %arg6[%get3A_428, %get3A_429] {strides = array<i32>} : memref<104x512xf32, #tpu.memory_space<vmem>>, vector<1x16xf32>,
        %get3A_431 = vector.shape_cast %get3A_430 : vector<1x16xf32> to vector<16xf32>
        %mul3A_432 = arith.mulf %get3A_425, %get3A_431 : vector<16xf32>
        %add3A_433 = arith.addf %add3A_419, %mul3A_432 : vector<16xf32>
        %add3A_434 = arith.constant 1 : i32
        %add3A_435 = arith.addi %mul3A_27, %add3A_434 : i32
        %get3A_436 = arith.index_cast %add3A_435 : i32 to index
        %get3A_437 = arith.constant 96 : index
        %get3A_438 = tpu.vector_load %arg6[%get3A_436, %get3A_437] {strides = array<i32>} : memref<104x512xf32, #tpu.memory_space<vmem>>, vector<1x16xf32>,
        %get3A_439 = vector.shape_cast %get3A_438 : vector<1x16xf32> to vector<16xf32>
        %add3A_440 = arith.constant 6 : i32
        %add3A_441 = arith.addi %mul3A_27, %add3A_440 : i32
        %get3A_442 = arith.index_cast %add3A_441 : i32 to index
        %get3A_443 = arith.constant 16 : index
        %get3A_444 = tpu.vector_load %arg6[%get3A_442, %get3A_443] {strides = array<i32>} : memref<104x512xf32, #tpu.memory_space<vmem>>, vector<1x16xf32>,
        %get3A_445 = vector.shape_cast %get3A_444 : vector<1x16xf32> to vector<16xf32>
        %mul3A_446 = arith.mulf %get3A_439, %get3A_445 : vector<16xf32>
        %add3A_447 = arith.addf %add3A_433, %mul3A_446 : vector<16xf32>
        %add3A_448 = arith.constant 1 : i32
        %add3A_449 = arith.addi %mul3A_27, %add3A_448 : i32
        %get3A_450 = arith.index_cast %add3A_449 : i32 to index
        %get3A_451 = arith.constant 112 : index
        %get3A_452 = tpu.vector_load %arg6[%get3A_450, %get3A_451] {strides = array<i32>} : memref<104x512xf32, #tpu.memory_space<vmem>>, vector<1x16xf32>,
        %get3A_453 = vector.shape_cast %get3A_452 : vector<1x16xf32> to vector<16xf32>
        %add3A_454 = arith.constant 7 : i32
        %add3A_455 = arith.addi %mul3A_27, %add3A_454 : i32
        %get3A_456 = arith.index_cast %add3A_455 : i32 to index
        %get3A_457 = arith.constant 16 : index
        %get3A_458 = tpu.vector_load %arg6[%get3A_456, %get3A_457] {strides = array<i32>} : memref<104x512xf32, #tpu.memory_space<vmem>>, vector<1x16xf32>,
        %get3A_459 = vector.shape_cast %get3A_458 : vector<1x16xf32> to vector<16xf32>
        %mul3A_460 = arith.mulf %get3A_453, %get3A_459 : vector<16xf32>
        %add3A_461 = arith.addf %add3A_447, %mul3A_460 : vector<16xf32>
        %add3A_462 = arith.constant 1 : i32
        %add3A_463 = arith.addi %mul3A_27, %add3A_462 : i32
        %get3A_464 = arith.index_cast %add3A_463 : i32 to index
        %get3A_465 = arith.constant 128 : index
        %get3A_466 = tpu.vector_load %arg6[%get3A_464, %get3A_465] {strides = array<i32>} : memref<104x512xf32, #tpu.memory_space<vmem>>, vector<1x16xf32>,
        %get3A_467 = vector.shape_cast %get3A_466 : vector<1x16xf32> to vector<16xf32>
        %add3A_468 = arith.constant 8 : i32
        %add3A_469 = arith.addi %mul3A_27, %add3A_468 : i32
        %get3A_470 = arith.index_cast %add3A_469 : i32 to index
        %get3A_471 = arith.constant 16 : index
        %get3A_472 = tpu.vector_load %arg6[%get3A_470, %get3A_471] {strides = array<i32>} : memref<104x512xf32, #tpu.memory_space<vmem>>, vector<1x16xf32>,
        %get3A_473 = vector.shape_cast %get3A_472 : vector<1x16xf32> to vector<16xf32>
        %mul3A_474 = arith.mulf %get3A_467, %get3A_473 : vector<16xf32>
        %add3A_475 = arith.addf %add3A_461, %mul3A_474 : vector<16xf32>
        %add3A_476 = arith.constant 1 : i32
        %add3A_477 = arith.addi %mul3A_27, %add3A_476 : i32
        %get3A_478 = arith.index_cast %add3A_477 : i32 to index
        %get3A_479 = arith.constant 144 : index
        %get3A_480 = tpu.vector_load %arg6[%get3A_478, %get3A_479] {strides = array<i32>} : memref<104x512xf32, #tpu.memory_space<vmem>>, vector<1x16xf32>,
        %get3A_481 = vector.shape_cast %get3A_480 : vector<1x16xf32> to vector<16xf32>
        %add3A_482 = arith.constant 9 : i32
        %add3A_483 = arith.addi %mul3A_27, %add3A_482 : i32
        %get3A_484 = arith.index_cast %add3A_483 : i32 to index
        %get3A_485 = arith.constant 16 : index
        %get3A_486 = tpu.vector_load %arg6[%get3A_484, %get3A_485] {strides = array<i32>} : memref<104x512xf32, #tpu.memory_space<vmem>>, vector<1x16xf32>,
        %get3A_487 = vector.shape_cast %get3A_486 : vector<1x16xf32> to vector<16xf32>
        %mul3A_488 = arith.mulf %get3A_481, %get3A_487 : vector<16xf32>
        %add3A_489 = arith.addf %add3A_475, %mul3A_488 : vector<16xf32>
        %add3A_490 = arith.constant 1 : i32
        %add3A_491 = arith.addi %mul3A_27, %add3A_490 : i32
        %get3A_492 = arith.index_cast %add3A_491 : i32 to index
        %get3A_493 = arith.constant 160 : index
        %get3A_494 = tpu.vector_load %arg6[%get3A_492, %get3A_493] {strides = array<i32>} : memref<104x512xf32, #tpu.memory_space<vmem>>, vector<1x16xf32>,
        %get3A_495 = vector.shape_cast %get3A_494 : vector<1x16xf32> to vector<16xf32>
        %add3A_496 = arith.constant 10 : i32
        %add3A_497 = arith.addi %mul3A_27, %add3A_496 : i32
        %get3A_498 = arith.index_cast %add3A_497 : i32 to index
        %get3A_499 = arith.constant 16 : index
        %get3A_500 = tpu.vector_load %arg6[%get3A_498, %get3A_499] {strides = array<i32>} : memref<104x512xf32, #tpu.memory_space<vmem>>, vector<1x16xf32>,
        %get3A_501 = vector.shape_cast %get3A_500 : vector<1x16xf32> to vector<16xf32>
        %mul3A_502 = arith.mulf %get3A_495, %get3A_501 : vector<16xf32>
        %add3A_503 = arith.addf %add3A_489, %mul3A_502 : vector<16xf32>
        %add3A_504 = arith.constant 1 : i32
        %add3A_505 = arith.addi %mul3A_27, %add3A_504 : i32
        %get3A_506 = arith.index_cast %add3A_505 : i32 to index
        %get3A_507 = arith.constant 176 : index
        %get3A_508 = tpu.vector_load %arg6[%get3A_506, %get3A_507] {strides = array<i32>} : memref<104x512xf32, #tpu.memory_space<vmem>>, vector<1x16xf32>,
        %get3A_509 = vector.shape_cast %get3A_508 : vector<1x16xf32> to vector<16xf32>
        %add3A_510 = arith.constant 11 : i32
        %add3A_511 = arith.addi %mul3A_27, %add3A_510 : i32
        %get3A_512 = arith.index_cast %add3A_511 : i32 to index
        %get3A_513 = arith.constant 16 : index
        %get3A_514 = tpu.vector_load %arg6[%get3A_512, %get3A_513] {strides = array<i32>} : memref<104x512xf32, #tpu.memory_space<vmem>>, vector<1x16xf32>,
        %get3A_515 = vector.shape_cast %get3A_514 : vector<1x16xf32> to vector<16xf32>
        %mul3A_516 = arith.mulf %get3A_509, %get3A_515 : vector<16xf32>
        %add3A_517 = arith.addf %add3A_503, %mul3A_516 : vector<16xf32>
        %add3A_518 = arith.constant 1 : i32
        %add3A_519 = arith.addi %mul3A_27, %add3A_518 : i32
        %get3A_520 = arith.index_cast %add3A_519 : i32 to index
        %get3A_521 = arith.constant 192 : index
        %get3A_522 = tpu.vector_load %arg6[%get3A_520, %get3A_521] {strides = array<i32>} : memref<104x512xf32, #tpu.memory_space<vmem>>, vector<1x16xf32>,
        %get3A_523 = vector.shape_cast %get3A_522 : vector<1x16xf32> to vector<16xf32>
        %add3A_524 = arith.constant 12 : i32
        %add3A_525 = arith.addi %mul3A_27, %add3A_524 : i32
        %get3A_526 = arith.index_cast %add3A_525 : i32 to index
        %get3A_527 = arith.constant 16 : index
        %get3A_528 = tpu.vector_load %arg6[%get3A_526, %get3A_527] {strides = array<i32>} : memref<104x512xf32, #tpu.memory_space<vmem>>, vector<1x16xf32>,
        %get3A_529 = vector.shape_cast %get3A_528 : vector<1x16xf32> to vector<16xf32>
        %mul3A_530 = arith.mulf %get3A_523, %get3A_529 : vector<16xf32>
        %add3A_531 = arith.addf %add3A_517, %mul3A_530 : vector<16xf32>
        %add3A_532 = arith.constant 1 : i32
        %add3A_533 = arith.addi %mul3A_27, %add3A_532 : i32
        %get3A_534 = arith.index_cast %add3A_533 : i32 to index
        %get3A_535 = arith.constant 208 : index
        %get3A_536 = tpu.vector_load %arg6[%get3A_534, %get3A_535] {strides = array<i32>} : memref<104x512xf32, #tpu.memory_space<vmem>>, vector<1x16xf32>,
        %get3A_537 = vector.shape_cast %get3A_536 : vector<1x16xf32> to vector<16xf32>
        %add3A_538 = arith.constant 13 : i32
        %add3A_539 = arith.addi %mul3A_27, %add3A_538 : i32
        %get3A_540 = arith.index_cast %add3A_539 : i32 to index
        %get3A_541 = arith.constant 16 : index
        %get3A_542 = tpu.vector_load %arg6[%get3A_540, %get3A_541] {strides = array<i32>} : memref<104x512xf32, #tpu.memory_space<vmem>>, vector<1x16xf32>,
        %get3A_543 = vector.shape_cast %get3A_542 : vector<1x16xf32> to vector<16xf32>
        %mul3A_544 = arith.mulf %get3A_537, %get3A_543 : vector<16xf32>
        %add3A_545 = arith.addf %add3A_531, %mul3A_544 : vector<16xf32>
        %add3A_546 = arith.constant 1 : i32
        %add3A_547 = arith.addi %mul3A_27, %add3A_546 : i32
        %get3A_548 = arith.index_cast %add3A_547 : i32 to index
        %get3A_549 = arith.constant 224 : index
        %get3A_550 = tpu.vector_load %arg6[%get3A_548, %get3A_549] {strides = array<i32>} : memref<104x512xf32, #tpu.memory_space<vmem>>, vector<1x16xf32>,
        %get3A_551 = vector.shape_cast %get3A_550 : vector<1x16xf32> to vector<16xf32>
        %add3A_552 = arith.constant 14 : i32
        %add3A_553 = arith.addi %mul3A_27, %add3A_552 : i32
        %get3A_554 = arith.index_cast %add3A_553 : i32 to index
        %get3A_555 = arith.constant 16 : index
        %get3A_556 = tpu.vector_load %arg6[%get3A_554, %get3A_555] {strides = array<i32>} : memref<104x512xf32, #tpu.memory_space<vmem>>, vector<1x16xf32>,
        %get3A_557 = vector.shape_cast %get3A_556 : vector<1x16xf32> to vector<16xf32>
        %mul3A_558 = arith.mulf %get3A_551, %get3A_557 : vector<16xf32>
        %add3A_559 = arith.addf %add3A_545, %mul3A_558 : vector<16xf32>
        %add3A_560 = arith.constant 1 : i32
        %add3A_561 = arith.addi %mul3A_27, %add3A_560 : i32
        %get3A_562 = arith.index_cast %add3A_561 : i32 to index
        %get3A_563 = arith.constant 240 : index
        %get3A_564 = tpu.vector_load %arg6[%get3A_562, %get3A_563] {strides = array<i32>} : memref<104x512xf32, #tpu.memory_space<vmem>>, vector<1x16xf32>,
        %get3A_565 = vector.shape_cast %get3A_564 : vector<1x16xf32> to vector<16xf32>
        %add3A_566 = arith.constant 15 : i32
        %add3A_567 = arith.addi %mul3A_27, %add3A_566 : i32
        %get3A_568 = arith.index_cast %add3A_567 : i32 to index
        %get3A_569 = arith.constant 16 : index
        %get3A_570 = tpu.vector_load %arg6[%get3A_568, %get3A_569] {strides = array<i32>} : memref<104x512xf32, #tpu.memory_space<vmem>>, vector<1x16xf32>,
        %get3A_571 = vector.shape_cast %get3A_570 : vector<1x16xf32> to vector<16xf32>
        %mul3A_572 = arith.mulf %get3A_565, %get3A_571 : vector<16xf32>
        %add3A_573 = arith.addf %add3A_559, %mul3A_572 : vector<16xf32>
        %add3A_574 = arith.constant 1 : i32
        %add3A_575 = arith.addi %mul3A_27, %add3A_574 : i32
        %get3A_576 = arith.index_cast %add3A_575 : i32 to index
        %get3A_577 = arith.constant 256 : index
        %get3A_578 = tpu.vector_load %arg6[%get3A_576, %get3A_577] {strides = array<i32>} : memref<104x512xf32, #tpu.memory_space<vmem>>, vector<1x16xf32>,
        %get3A_579 = vector.shape_cast %get3A_578 : vector<1x16xf32> to vector<16xf32>
        %add3A_580 = arith.constant 16 : i32
        %add3A_581 = arith.addi %mul3A_27, %add3A_580 : i32
        %get3A_582 = arith.index_cast %add3A_581 : i32 to index
        %get3A_583 = arith.constant 16 : index
        %get3A_584 = tpu.vector_load %arg6[%get3A_582, %get3A_583] {strides = array<i32>} : memref<104x512xf32, #tpu.memory_space<vmem>>, vector<1x16xf32>,
        %get3A_585 = vector.shape_cast %get3A_584 : vector<1x16xf32> to vector<16xf32>
        %mul3A_586 = arith.mulf %get3A_579, %get3A_585 : vector<16xf32>
        %add3A_587 = arith.addf %add3A_573, %mul3A_586 : vector<16xf32>
        %add3A_588 = arith.constant 1 : i32
        %add3A_589 = arith.addi %mul3A_27, %add3A_588 : i32
        %get3A_590 = arith.index_cast %add3A_589 : i32 to index
        %get3A_591 = arith.constant 272 : index
        %get3A_592 = tpu.vector_load %arg6[%get3A_590, %get3A_591] {strides = array<i32>} : memref<104x512xf32, #tpu.memory_space<vmem>>, vector<1x16xf32>,
        %get3A_593 = vector.shape_cast %get3A_592 : vector<1x16xf32> to vector<16xf32>
        %add3A_594 = arith.constant 17 : i32
        %add3A_595 = arith.addi %mul3A_27, %add3A_594 : i32
        %get3A_596 = arith.index_cast %add3A_595 : i32 to index
        %get3A_597 = arith.constant 16 : index
        %get3A_598 = tpu.vector_load %arg6[%get3A_596, %get3A_597] {strides = array<i32>} : memref<104x512xf32, #tpu.memory_space<vmem>>, vector<1x16xf32>,
        %get3A_599 = vector.shape_cast %get3A_598 : vector<1x16xf32> to vector<16xf32>
        %mul3A_600 = arith.mulf %get3A_593, %get3A_599 : vector<16xf32>
        %add3A_601 = arith.addf %add3A_587, %mul3A_600 : vector<16xf32>
        %add3A_602 = arith.constant 1 : i32
        %add3A_603 = arith.addi %mul3A_27, %add3A_602 : i32
        %get3A_604 = arith.index_cast %add3A_603 : i32 to index
        %get3A_605 = arith.constant 288 : index
        %get3A_606 = tpu.vector_load %arg6[%get3A_604, %get3A_605] {strides = array<i32>} : memref<104x512xf32, #tpu.memory_space<vmem>>, vector<1x16xf32>,
        %get3A_607 = vector.shape_cast %get3A_606 : vector<1x16xf32> to vector<16xf32>
        %add3A_608 = arith.constant 18 : i32
        %add3A_609 = arith.addi %mul3A_27, %add3A_608 : i32
        %get3A_610 = arith.index_cast %add3A_609 : i32 to index
        %get3A_611 = arith.constant 16 : index
        %get3A_612 = tpu.vector_load %arg6[%get3A_610, %get3A_611] {strides = array<i32>} : memref<104x512xf32, #tpu.memory_space<vmem>>, vector<1x16xf32>,
        %get3A_613 = vector.shape_cast %get3A_612 : vector<1x16xf32> to vector<16xf32>
        %mul3A_614 = arith.mulf %get3A_607, %get3A_613 : vector<16xf32>
        %add3A_615 = arith.addf %add3A_601, %mul3A_614 : vector<16xf32>
        %add3A_616 = arith.constant 1 : i32
        %add3A_617 = arith.addi %mul3A_27, %add3A_616 : i32
        %get3A_618 = arith.index_cast %add3A_617 : i32 to index
        %get3A_619 = arith.constant 304 : index
        %get3A_620 = tpu.vector_load %arg6[%get3A_618, %get3A_619] {strides = array<i32>} : memref<104x512xf32, #tpu.memory_space<vmem>>, vector<1x16xf32>,
        %get3A_621 = vector.shape_cast %get3A_620 : vector<1x16xf32> to vector<16xf32>
        %add3A_622 = arith.constant 19 : i32
        %add3A_623 = arith.addi %mul3A_27, %add3A_622 : i32
        %get3A_624 = arith.index_cast %add3A_623 : i32 to index
        %get3A_625 = arith.constant 16 : index
        %get3A_626 = tpu.vector_load %arg6[%get3A_624, %get3A_625] {strides = array<i32>} : memref<104x512xf32, #tpu.memory_space<vmem>>, vector<1x16xf32>,
        %get3A_627 = vector.shape_cast %get3A_626 : vector<1x16xf32> to vector<16xf32>
        %mul3A_628 = arith.mulf %get3A_621, %get3A_627 : vector<16xf32>
        %add3A_629 = arith.addf %add3A_615, %mul3A_628 : vector<16xf32>
        %add3A_630 = arith.constant 1 : i32
        %add3A_631 = arith.addi %mul3A_27, %add3A_630 : i32
        %get3A_632 = arith.index_cast %add3A_631 : i32 to index
        %get3A_633 = arith.constant 320 : index
        %get3A_634 = tpu.vector_load %arg6[%get3A_632, %get3A_633] {strides = array<i32>} : memref<104x512xf32, #tpu.memory_space<vmem>>, vector<1x16xf32>,
        %get3A_635 = vector.shape_cast %get3A_634 : vector<1x16xf32> to vector<16xf32>
        %add3A_636 = arith.constant 20 : i32
        %add3A_637 = arith.addi %mul3A_27, %add3A_636 : i32
        %get3A_638 = arith.index_cast %add3A_637 : i32 to index
        %get3A_639 = arith.constant 16 : index
        %get3A_640 = tpu.vector_load %arg6[%get3A_638, %get3A_639] {strides = array<i32>} : memref<104x512xf32, #tpu.memory_space<vmem>>, vector<1x16xf32>,
        %get3A_641 = vector.shape_cast %get3A_640 : vector<1x16xf32> to vector<16xf32>
        %mul3A_642 = arith.mulf %get3A_635, %get3A_641 : vector<16xf32>
        %add3A_643 = arith.addf %add3A_629, %mul3A_642 : vector<16xf32>
        %add3A_644 = arith.constant 1 : i32
        %add3A_645 = arith.addi %mul3A_27, %add3A_644 : i32
        %get3A_646 = arith.index_cast %add3A_645 : i32 to index
        %get3A_647 = arith.constant 336 : index
        %get3A_648 = tpu.vector_load %arg6[%get3A_646, %get3A_647] {strides = array<i32>} : memref<104x512xf32, #tpu.memory_space<vmem>>, vector<1x16xf32>,
        %get3A_649 = vector.shape_cast %get3A_648 : vector<1x16xf32> to vector<16xf32>
        %add3A_650 = arith.constant 21 : i32
        %add3A_651 = arith.addi %mul3A_27, %add3A_650 : i32
        %get3A_652 = arith.index_cast %add3A_651 : i32 to index
        %get3A_653 = arith.constant 16 : index
        %get3A_654 = tpu.vector_load %arg6[%get3A_652, %get3A_653] {strides = array<i32>} : memref<104x512xf32, #tpu.memory_space<vmem>>, vector<1x16xf32>,
        %get3A_655 = vector.shape_cast %get3A_654 : vector<1x16xf32> to vector<16xf32>
        %mul3A_656 = arith.mulf %get3A_649, %get3A_655 : vector<16xf32>
        %add3A_657 = arith.addf %add3A_643, %mul3A_656 : vector<16xf32>
        %add3A_658 = arith.constant 1 : i32
        %add3A_659 = arith.addi %mul3A_27, %add3A_658 : i32
        %get3A_660 = arith.index_cast %add3A_659 : i32 to index
        %get3A_661 = arith.constant 352 : index
        %get3A_662 = tpu.vector_load %arg6[%get3A_660, %get3A_661] {strides = array<i32>} : memref<104x512xf32, #tpu.memory_space<vmem>>, vector<1x16xf32>,
        %get3A_663 = vector.shape_cast %get3A_662 : vector<1x16xf32> to vector<16xf32>
        %add3A_664 = arith.constant 22 : i32
        %add3A_665 = arith.addi %mul3A_27, %add3A_664 : i32
        %get3A_666 = arith.index_cast %add3A_665 : i32 to index
        %get3A_667 = arith.constant 16 : index
        %get3A_668 = tpu.vector_load %arg6[%get3A_666, %get3A_667] {strides = array<i32>} : memref<104x512xf32, #tpu.memory_space<vmem>>, vector<1x16xf32>,
        %get3A_669 = vector.shape_cast %get3A_668 : vector<1x16xf32> to vector<16xf32>
        %mul3A_670 = arith.mulf %get3A_663, %get3A_669 : vector<16xf32>
        %add3A_671 = arith.addf %add3A_657, %mul3A_670 : vector<16xf32>
        %add3A_672 = arith.constant 1 : i32
        %add3A_673 = arith.addi %mul3A_27, %add3A_672 : i32
        %get3A_674 = arith.index_cast %add3A_673 : i32 to index
        %get3A_675 = arith.constant 368 : index
        %get3A_676 = tpu.vector_load %arg6[%get3A_674, %get3A_675] {strides = array<i32>} : memref<104x512xf32, #tpu.memory_space<vmem>>, vector<1x16xf32>,
        %get3A_677 = vector.shape_cast %get3A_676 : vector<1x16xf32> to vector<16xf32>
        %add3A_678 = arith.constant 23 : i32
        %add3A_679 = arith.addi %mul3A_27, %add3A_678 : i32
        %get3A_680 = arith.index_cast %add3A_679 : i32 to index
        %get3A_681 = arith.constant 16 : index
        %get3A_682 = tpu.vector_load %arg6[%get3A_680, %get3A_681] {strides = array<i32>} : memref<104x512xf32, #tpu.memory_space<vmem>>, vector<1x16xf32>,
        %get3A_683 = vector.shape_cast %get3A_682 : vector<1x16xf32> to vector<16xf32>
        %mul3A_684 = arith.mulf %get3A_677, %get3A_683 : vector<16xf32>
        %add3A_685 = arith.addf %add3A_671, %mul3A_684 : vector<16xf32>
        %add3A_686 = arith.constant 1 : i32
        %add3A_687 = arith.addi %mul3A_27, %add3A_686 : i32
        %get3A_688 = arith.index_cast %add3A_687 : i32 to index
        %get3A_689 = arith.constant 384 : index
        %get3A_690 = tpu.vector_load %arg6[%get3A_688, %get3A_689] {strides = array<i32>} : memref<104x512xf32, #tpu.memory_space<vmem>>, vector<1x16xf32>,
        %get3A_691 = vector.shape_cast %get3A_690 : vector<1x16xf32> to vector<16xf32>
        %add3A_692 = arith.constant 24 : i32
        %add3A_693 = arith.addi %mul3A_27, %add3A_692 : i32
        %get3A_694 = arith.index_cast %add3A_693 : i32 to index
        %get3A_695 = arith.constant 16 : index
        %get3A_696 = tpu.vector_load %arg6[%get3A_694, %get3A_695] {strides = array<i32>} : memref<104x512xf32, #tpu.memory_space<vmem>>, vector<1x16xf32>,
        %get3A_697 = vector.shape_cast %get3A_696 : vector<1x16xf32> to vector<16xf32>
        %mul3A_698 = arith.mulf %get3A_691, %get3A_697 : vector<16xf32>
        %add3A_699 = arith.addf %add3A_685, %mul3A_698 : vector<16xf32>
        %add3A_700 = arith.constant 1 : i32
        %add3A_701 = arith.addi %mul3A_27, %add3A_700 : i32
        %get3A_702 = arith.index_cast %add3A_701 : i32 to index
        %get3A_703 = arith.constant 400 : index
        %get3A_704 = tpu.vector_load %arg6[%get3A_702, %get3A_703] {strides = array<i32>} : memref<104x512xf32, #tpu.memory_space<vmem>>, vector<1x16xf32>,
        %get3A_705 = vector.shape_cast %get3A_704 : vector<1x16xf32> to vector<16xf32>
        %add3A_706 = arith.constant 25 : i32
        %add3A_707 = arith.addi %mul3A_27, %add3A_706 : i32
        %get3A_708 = arith.index_cast %add3A_707 : i32 to index
        %get3A_709 = arith.constant 16 : index
        %get3A_710 = tpu.vector_load %arg6[%get3A_708, %get3A_709] {strides = array<i32>} : memref<104x512xf32, #tpu.memory_space<vmem>>, vector<1x16xf32>,
        %get3A_711 = vector.shape_cast %get3A_710 : vector<1x16xf32> to vector<16xf32>
        %mul3A_712 = arith.mulf %get3A_705, %get3A_711 : vector<16xf32>
        %add3A_713 = arith.addf %add3A_699, %mul3A_712 : vector<16xf32>
        %add3A_714 = arith.constant 2 : i32
        %add3A_715 = arith.addi %mul3A_27, %add3A_714 : i32
        %get3A_716 = arith.index_cast %add3A_715 : i32 to index
        %get3A_717 = arith.constant 48 : index
        %get3A_718 = tpu.vector_load %arg6[%get3A_716, %get3A_717] {strides = array<i32>} : memref<104x512xf32, #tpu.memory_space<vmem>>, vector<1x16xf32>,
        %get3A_719 = vector.shape_cast %get3A_718 : vector<1x16xf32> to vector<16xf32>
        %add3A_720 = arith.constant 3 : i32
        %add3A_721 = arith.addi %mul3A_27, %add3A_720 : i32
        %get3A_722 = arith.index_cast %add3A_721 : i32 to index
        %get3A_723 = arith.constant 32 : index
        %get3A_724 = tpu.vector_load %arg6[%get3A_722, %get3A_723] {strides = array<i32>} : memref<104x512xf32, #tpu.memory_space<vmem>>, vector<1x16xf32>,
        %get3A_725 = vector.shape_cast %get3A_724 : vector<1x16xf32> to vector<16xf32>
        %mul3A_726 = arith.mulf %get3A_719, %get3A_725 : vector<16xf32>
        %add3A_727 = arith.addf %add3A_713, %mul3A_726 : vector<16xf32>
        %add3A_728 = arith.constant 2 : i32
        %add3A_729 = arith.addi %mul3A_27, %add3A_728 : i32
        %get3A_730 = arith.index_cast %add3A_729 : i32 to index
        %get3A_731 = arith.constant 64 : index
        %get3A_732 = tpu.vector_load %arg6[%get3A_730, %get3A_731] {strides = array<i32>} : memref<104x512xf32, #tpu.memory_space<vmem>>, vector<1x16xf32>,
        %get3A_733 = vector.shape_cast %get3A_732 : vector<1x16xf32> to vector<16xf32>
        %add3A_734 = arith.constant 4 : i32
        %add3A_735 = arith.addi %mul3A_27, %add3A_734 : i32
        %get3A_736 = arith.index_cast %add3A_735 : i32 to index
        %get3A_737 = arith.constant 32 : index
        %get3A_738 = tpu.vector_load %arg6[%get3A_736, %get3A_737] {strides = array<i32>} : memref<104x512xf32, #tpu.memory_space<vmem>>, vector<1x16xf32>,
        %get3A_739 = vector.shape_cast %get3A_738 : vector<1x16xf32> to vector<16xf32>
        %mul3A_740 = arith.mulf %get3A_733, %get3A_739 : vector<16xf32>
        %add3A_741 = arith.addf %add3A_727, %mul3A_740 : vector<16xf32>
        %add3A_742 = arith.constant 2 : i32
        %add3A_743 = arith.addi %mul3A_27, %add3A_742 : i32
        %get3A_744 = arith.index_cast %add3A_743 : i32 to index
        %get3A_745 = arith.constant 80 : index
        %get3A_746 = tpu.vector_load %arg6[%get3A_744, %get3A_745] {strides = array<i32>} : memref<104x512xf32, #tpu.memory_space<vmem>>, vector<1x16xf32>,
        %get3A_747 = vector.shape_cast %get3A_746 : vector<1x16xf32> to vector<16xf32>
        %add3A_748 = arith.constant 5 : i32
        %add3A_749 = arith.addi %mul3A_27, %add3A_748 : i32
        %get3A_750 = arith.index_cast %add3A_749 : i32 to index
        %get3A_751 = arith.constant 32 : index
        %get3A_752 = tpu.vector_load %arg6[%get3A_750, %get3A_751] {strides = array<i32>} : memref<104x512xf32, #tpu.memory_space<vmem>>, vector<1x16xf32>,
        %get3A_753 = vector.shape_cast %get3A_752 : vector<1x16xf32> to vector<16xf32>
        %mul3A_754 = arith.mulf %get3A_747, %get3A_753 : vector<16xf32>
        %add3A_755 = arith.addf %add3A_741, %mul3A_754 : vector<16xf32>
        %add3A_756 = arith.constant 2 : i32
        %add3A_757 = arith.addi %mul3A_27, %add3A_756 : i32
        %get3A_758 = arith.index_cast %add3A_757 : i32 to index
        %get3A_759 = arith.constant 96 : index
        %get3A_760 = tpu.vector_load %arg6[%get3A_758, %get3A_759] {strides = array<i32>} : memref<104x512xf32, #tpu.memory_space<vmem>>, vector<1x16xf32>,
        %get3A_761 = vector.shape_cast %get3A_760 : vector<1x16xf32> to vector<16xf32>
        %add3A_762 = arith.constant 6 : i32
        %add3A_763 = arith.addi %mul3A_27, %add3A_762 : i32
        %get3A_764 = arith.index_cast %add3A_763 : i32 to index
        %get3A_765 = arith.constant 32 : index
        %get3A_766 = tpu.vector_load %arg6[%get3A_764, %get3A_765] {strides = array<i32>} : memref<104x512xf32, #tpu.memory_space<vmem>>, vector<1x16xf32>,
        %get3A_767 = vector.shape_cast %get3A_766 : vector<1x16xf32> to vector<16xf32>
        %mul3A_768 = arith.mulf %get3A_761, %get3A_767 : vector<16xf32>
        %add3A_769 = arith.addf %add3A_755, %mul3A_768 : vector<16xf32>
        %add3A_770 = arith.constant 2 : i32
        %add3A_771 = arith.addi %mul3A_27, %add3A_770 : i32
        %get3A_772 = arith.index_cast %add3A_771 : i32 to index
        %get3A_773 = arith.constant 112 : index
        %get3A_774 = tpu.vector_load %arg6[%get3A_772, %get3A_773] {strides = array<i32>} : memref<104x512xf32, #tpu.memory_space<vmem>>, vector<1x16xf32>,
        %get3A_775 = vector.shape_cast %get3A_774 : vector<1x16xf32> to vector<16xf32>
        %add3A_776 = arith.constant 7 : i32
        %add3A_777 = arith.addi %mul3A_27, %add3A_776 : i32
        %get3A_778 = arith.index_cast %add3A_777 : i32 to index
        %get3A_779 = arith.constant 32 : index
        %get3A_780 = tpu.vector_load %arg6[%get3A_778, %get3A_779] {strides = array<i32>} : memref<104x512xf32, #tpu.memory_space<vmem>>, vector<1x16xf32>,
        %get3A_781 = vector.shape_cast %get3A_780 : vector<1x16xf32> to vector<16xf32>
        %mul3A_782 = arith.mulf %get3A_775, %get3A_781 : vector<16xf32>
        %add3A_783 = arith.addf %add3A_769, %mul3A_782 : vector<16xf32>
        %add3A_784 = arith.constant 2 : i32
        %add3A_785 = arith.addi %mul3A_27, %add3A_784 : i32
        %get3A_786 = arith.index_cast %add3A_785 : i32 to index
        %get3A_787 = arith.constant 128 : index
        %get3A_788 = tpu.vector_load %arg6[%get3A_786, %get3A_787] {strides = array<i32>} : memref<104x512xf32, #tpu.memory_space<vmem>>, vector<1x16xf32>,
        %get3A_789 = vector.shape_cast %get3A_788 : vector<1x16xf32> to vector<16xf32>
        %add3A_790 = arith.constant 8 : i32
        %add3A_791 = arith.addi %mul3A_27, %add3A_790 : i32
        %get3A_792 = arith.index_cast %add3A_791 : i32 to index
        %get3A_793 = arith.constant 32 : index
        %get3A_794 = tpu.vector_load %arg6[%get3A_792, %get3A_793] {strides = array<i32>} : memref<104x512xf32, #tpu.memory_space<vmem>>, vector<1x16xf32>,
        %get3A_795 = vector.shape_cast %get3A_794 : vector<1x16xf32> to vector<16xf32>
        %mul3A_796 = arith.mulf %get3A_789, %get3A_795 : vector<16xf32>
        %add3A_797 = arith.addf %add3A_783, %mul3A_796 : vector<16xf32>
        %add3A_798 = arith.constant 2 : i32
        %add3A_799 = arith.addi %mul3A_27, %add3A_798 : i32
        %get3A_800 = arith.index_cast %add3A_799 : i32 to index
        %get3A_801 = arith.constant 144 : index
        %get3A_802 = tpu.vector_load %arg6[%get3A_800, %get3A_801] {strides = array<i32>} : memref<104x512xf32, #tpu.memory_space<vmem>>, vector<1x16xf32>,
        %get3A_803 = vector.shape_cast %get3A_802 : vector<1x16xf32> to vector<16xf32>
        %add3A_804 = arith.constant 9 : i32
        %add3A_805 = arith.addi %mul3A_27, %add3A_804 : i32
        %get3A_806 = arith.index_cast %add3A_805 : i32 to index
        %get3A_807 = arith.constant 32 : index
        %get3A_808 = tpu.vector_load %arg6[%get3A_806, %get3A_807] {strides = array<i32>} : memref<104x512xf32, #tpu.memory_space<vmem>>, vector<1x16xf32>,
        %get3A_809 = vector.shape_cast %get3A_808 : vector<1x16xf32> to vector<16xf32>
        %mul3A_810 = arith.mulf %get3A_803, %get3A_809 : vector<16xf32>
        %add3A_811 = arith.addf %add3A_797, %mul3A_810 : vector<16xf32>
        %add3A_812 = arith.constant 2 : i32
        %add3A_813 = arith.addi %mul3A_27, %add3A_812 : i32
        %get3A_814 = arith.index_cast %add3A_813 : i32 to index
        %get3A_815 = arith.constant 160 : index
        %get3A_816 = tpu.vector_load %arg6[%get3A_814, %get3A_815] {strides = array<i32>} : memref<104x512xf32, #tpu.memory_space<vmem>>, vector<1x16xf32>,
        %get3A_817 = vector.shape_cast %get3A_816 : vector<1x16xf32> to vector<16xf32>
        %add3A_818 = arith.constant 10 : i32
        %add3A_819 = arith.addi %mul3A_27, %add3A_818 : i32
        %get3A_820 = arith.index_cast %add3A_819 : i32 to index
        %get3A_821 = arith.constant 32 : index
        %get3A_822 = tpu.vector_load %arg6[%get3A_820, %get3A_821] {strides = array<i32>} : memref<104x512xf32, #tpu.memory_space<vmem>>, vector<1x16xf32>,
        %get3A_823 = vector.shape_cast %get3A_822 : vector<1x16xf32> to vector<16xf32>
        %mul3A_824 = arith.mulf %get3A_817, %get3A_823 : vector<16xf32>
        %add3A_825 = arith.addf %add3A_811, %mul3A_824 : vector<16xf32>
        %add3A_826 = arith.constant 2 : i32
        %add3A_827 = arith.addi %mul3A_27, %add3A_826 : i32
        %get3A_828 = arith.index_cast %add3A_827 : i32 to index
        %get3A_829 = arith.constant 176 : index
        %get3A_830 = tpu.vector_load %arg6[%get3A_828, %get3A_829] {strides = array<i32>} : memref<104x512xf32, #tpu.memory_space<vmem>>, vector<1x16xf32>,
        %get3A_831 = vector.shape_cast %get3A_830 : vector<1x16xf32> to vector<16xf32>
        %add3A_832 = arith.constant 11 : i32
        %add3A_833 = arith.addi %mul3A_27, %add3A_832 : i32
        %get3A_834 = arith.index_cast %add3A_833 : i32 to index
        %get3A_835 = arith.constant 32 : index
        %get3A_836 = tpu.vector_load %arg6[%get3A_834, %get3A_835] {strides = array<i32>} : memref<104x512xf32, #tpu.memory_space<vmem>>, vector<1x16xf32>,
        %get3A_837 = vector.shape_cast %get3A_836 : vector<1x16xf32> to vector<16xf32>
        %mul3A_838 = arith.mulf %get3A_831, %get3A_837 : vector<16xf32>
        %add3A_839 = arith.addf %add3A_825, %mul3A_838 : vector<16xf32>
        %add3A_840 = arith.constant 2 : i32
        %add3A_841 = arith.addi %mul3A_27, %add3A_840 : i32
        %get3A_842 = arith.index_cast %add3A_841 : i32 to index
        %get3A_843 = arith.constant 192 : index
        %get3A_844 = tpu.vector_load %arg6[%get3A_842, %get3A_843] {strides = array<i32>} : memref<104x512xf32, #tpu.memory_space<vmem>>, vector<1x16xf32>,
        %get3A_845 = vector.shape_cast %get3A_844 : vector<1x16xf32> to vector<16xf32>
        %add3A_846 = arith.constant 12 : i32
        %add3A_847 = arith.addi %mul3A_27, %add3A_846 : i32
        %get3A_848 = arith.index_cast %add3A_847 : i32 to index
        %get3A_849 = arith.constant 32 : index
        %get3A_850 = tpu.vector_load %arg6[%get3A_848, %get3A_849] {strides = array<i32>} : memref<104x512xf32, #tpu.memory_space<vmem>>, vector<1x16xf32>,
        %get3A_851 = vector.shape_cast %get3A_850 : vector<1x16xf32> to vector<16xf32>
        %mul3A_852 = arith.mulf %get3A_845, %get3A_851 : vector<16xf32>
        %add3A_853 = arith.addf %add3A_839, %mul3A_852 : vector<16xf32>
        %add3A_854 = arith.constant 2 : i32
        %add3A_855 = arith.addi %mul3A_27, %add3A_854 : i32
        %get3A_856 = arith.index_cast %add3A_855 : i32 to index
        %get3A_857 = arith.constant 208 : index
        %get3A_858 = tpu.vector_load %arg6[%get3A_856, %get3A_857] {strides = array<i32>} : memref<104x512xf32, #tpu.memory_space<vmem>>, vector<1x16xf32>,
        %get3A_859 = vector.shape_cast %get3A_858 : vector<1x16xf32> to vector<16xf32>
        %add3A_860 = arith.constant 13 : i32
        %add3A_861 = arith.addi %mul3A_27, %add3A_860 : i32
        %get3A_862 = arith.index_cast %add3A_861 : i32 to index
        %get3A_863 = arith.constant 32 : index
        %get3A_864 = tpu.vector_load %arg6[%get3A_862, %get3A_863] {strides = array<i32>} : memref<104x512xf32, #tpu.memory_space<vmem>>, vector<1x16xf32>,
        %get3A_865 = vector.shape_cast %get3A_864 : vector<1x16xf32> to vector<16xf32>
        %mul3A_866 = arith.mulf %get3A_859, %get3A_865 : vector<16xf32>
        %add3A_867 = arith.addf %add3A_853, %mul3A_866 : vector<16xf32>
        %add3A_868 = arith.constant 2 : i32
        %add3A_869 = arith.addi %mul3A_27, %add3A_868 : i32
        %get3A_870 = arith.index_cast %add3A_869 : i32 to index
        %get3A_871 = arith.constant 224 : index
        %get3A_872 = tpu.vector_load %arg6[%get3A_870, %get3A_871] {strides = array<i32>} : memref<104x512xf32, #tpu.memory_space<vmem>>, vector<1x16xf32>,
        %get3A_873 = vector.shape_cast %get3A_872 : vector<1x16xf32> to vector<16xf32>
        %add3A_874 = arith.constant 14 : i32
        %add3A_875 = arith.addi %mul3A_27, %add3A_874 : i32
        %get3A_876 = arith.index_cast %add3A_875 : i32 to index
        %get3A_877 = arith.constant 32 : index
        %get3A_878 = tpu.vector_load %arg6[%get3A_876, %get3A_877] {strides = array<i32>} : memref<104x512xf32, #tpu.memory_space<vmem>>, vector<1x16xf32>,
        %get3A_879 = vector.shape_cast %get3A_878 : vector<1x16xf32> to vector<16xf32>
        %mul3A_880 = arith.mulf %get3A_873, %get3A_879 : vector<16xf32>
        %add3A_881 = arith.addf %add3A_867, %mul3A_880 : vector<16xf32>
        %add3A_882 = arith.constant 2 : i32
        %add3A_883 = arith.addi %mul3A_27, %add3A_882 : i32
        %get3A_884 = arith.index_cast %add3A_883 : i32 to index
        %get3A_885 = arith.constant 240 : index
        %get3A_886 = tpu.vector_load %arg6[%get3A_884, %get3A_885] {strides = array<i32>} : memref<104x512xf32, #tpu.memory_space<vmem>>, vector<1x16xf32>,
        %get3A_887 = vector.shape_cast %get3A_886 : vector<1x16xf32> to vector<16xf32>
        %add3A_888 = arith.constant 15 : i32
        %add3A_889 = arith.addi %mul3A_27, %add3A_888 : i32
        %get3A_890 = arith.index_cast %add3A_889 : i32 to index
        %get3A_891 = arith.constant 32 : index
        %get3A_892 = tpu.vector_load %arg6[%get3A_890, %get3A_891] {strides = array<i32>} : memref<104x512xf32, #tpu.memory_space<vmem>>, vector<1x16xf32>,
        %get3A_893 = vector.shape_cast %get3A_892 : vector<1x16xf32> to vector<16xf32>
        %mul3A_894 = arith.mulf %get3A_887, %get3A_893 : vector<16xf32>
        %add3A_895 = arith.addf %add3A_881, %mul3A_894 : vector<16xf32>
        %add3A_896 = arith.constant 2 : i32
        %add3A_897 = arith.addi %mul3A_27, %add3A_896 : i32
        %get3A_898 = arith.index_cast %add3A_897 : i32 to index
        %get3A_899 = arith.constant 256 : index
        %get3A_900 = tpu.vector_load %arg6[%get3A_898, %get3A_899] {strides = array<i32>} : memref<104x512xf32, #tpu.memory_space<vmem>>, vector<1x16xf32>,
        %get3A_901 = vector.shape_cast %get3A_900 : vector<1x16xf32> to vector<16xf32>
        %add3A_902 = arith.constant 16 : i32
        %add3A_903 = arith.addi %mul3A_27, %add3A_902 : i32
        %get3A_904 = arith.index_cast %add3A_903 : i32 to index
        %get3A_905 = arith.constant 32 : index
        %get3A_906 = tpu.vector_load %arg6[%get3A_904, %get3A_905] {strides = array<i32>} : memref<104x512xf32, #tpu.memory_space<vmem>>, vector<1x16xf32>,
        %get3A_907 = vector.shape_cast %get3A_906 : vector<1x16xf32> to vector<16xf32>
        %mul3A_908 = arith.mulf %get3A_901, %get3A_907 : vector<16xf32>
        %add3A_909 = arith.addf %add3A_895, %mul3A_908 : vector<16xf32>
        %add3A_910 = arith.constant 2 : i32
        %add3A_911 = arith.addi %mul3A_27, %add3A_910 : i32
        %get3A_912 = arith.index_cast %add3A_911 : i32 to index
        %get3A_913 = arith.constant 272 : index
        %get3A_914 = tpu.vector_load %arg6[%get3A_912, %get3A_913] {strides = array<i32>} : memref<104x512xf32, #tpu.memory_space<vmem>>, vector<1x16xf32>,
        %get3A_915 = vector.shape_cast %get3A_914 : vector<1x16xf32> to vector<16xf32>
        %add3A_916 = arith.constant 17 : i32
        %add3A_917 = arith.addi %mul3A_27, %add3A_916 : i32
        %get3A_918 = arith.index_cast %add3A_917 : i32 to index
        %get3A_919 = arith.constant 32 : index
        %get3A_920 = tpu.vector_load %arg6[%get3A_918, %get3A_919] {strides = array<i32>} : memref<104x512xf32, #tpu.memory_space<vmem>>, vector<1x16xf32>,
        %get3A_921 = vector.shape_cast %get3A_920 : vector<1x16xf32> to vector<16xf32>
        %mul3A_922 = arith.mulf %get3A_915, %get3A_921 : vector<16xf32>
        %add3A_923 = arith.addf %add3A_909, %mul3A_922 : vector<16xf32>
        %add3A_924 = arith.constant 2 : i32
        %add3A_925 = arith.addi %mul3A_27, %add3A_924 : i32
        %get3A_926 = arith.index_cast %add3A_925 : i32 to index
        %get3A_927 = arith.constant 288 : index
        %get3A_928 = tpu.vector_load %arg6[%get3A_926, %get3A_927] {strides = array<i32>} : memref<104x512xf32, #tpu.memory_space<vmem>>, vector<1x16xf32>,
        %get3A_929 = vector.shape_cast %get3A_928 : vector<1x16xf32> to vector<16xf32>
        %add3A_930 = arith.constant 18 : i32
        %add3A_931 = arith.addi %mul3A_27, %add3A_930 : i32
        %get3A_932 = arith.index_cast %add3A_931 : i32 to index
        %get3A_933 = arith.constant 32 : index
        %get3A_934 = tpu.vector_load %arg6[%get3A_932, %get3A_933] {strides = array<i32>} : memref<104x512xf32, #tpu.memory_space<vmem>>, vector<1x16xf32>,
        %get3A_935 = vector.shape_cast %get3A_934 : vector<1x16xf32> to vector<16xf32>
        %mul3A_936 = arith.mulf %get3A_929, %get3A_935 : vector<16xf32>
        %add3A_937 = arith.addf %add3A_923, %mul3A_936 : vector<16xf32>
        %add3A_938 = arith.constant 2 : i32
        %add3A_939 = arith.addi %mul3A_27, %add3A_938 : i32
        %get3A_940 = arith.index_cast %add3A_939 : i32 to index
        %get3A_941 = arith.constant 304 : index
        %get3A_942 = tpu.vector_load %arg6[%get3A_940, %get3A_941] {strides = array<i32>} : memref<104x512xf32, #tpu.memory_space<vmem>>, vector<1x16xf32>,
        %get3A_943 = vector.shape_cast %get3A_942 : vector<1x16xf32> to vector<16xf32>
        %add3A_944 = arith.constant 19 : i32
        %add3A_945 = arith.addi %mul3A_27, %add3A_944 : i32
        %get3A_946 = arith.index_cast %add3A_945 : i32 to index
        %get3A_947 = arith.constant 32 : index
        %get3A_948 = tpu.vector_load %arg6[%get3A_946, %get3A_947] {strides = array<i32>} : memref<104x512xf32, #tpu.memory_space<vmem>>, vector<1x16xf32>,
        %get3A_949 = vector.shape_cast %get3A_948 : vector<1x16xf32> to vector<16xf32>
        %mul3A_950 = arith.mulf %get3A_943, %get3A_949 : vector<16xf32>
        %add3A_951 = arith.addf %add3A_937, %mul3A_950 : vector<16xf32>
        %add3A_952 = arith.constant 2 : i32
        %add3A_953 = arith.addi %mul3A_27, %add3A_952 : i32
        %get3A_954 = arith.index_cast %add3A_953 : i32 to index
        %get3A_955 = arith.constant 320 : index
        %get3A_956 = tpu.vector_load %arg6[%get3A_954, %get3A_955] {strides = array<i32>} : memref<104x512xf32, #tpu.memory_space<vmem>>, vector<1x16xf32>,
        %get3A_957 = vector.shape_cast %get3A_956 : vector<1x16xf32> to vector<16xf32>
        %add3A_958 = arith.constant 20 : i32
        %add3A_959 = arith.addi %mul3A_27, %add3A_958 : i32
        %get3A_960 = arith.index_cast %add3A_959 : i32 to index
        %get3A_961 = arith.constant 32 : index
        %get3A_962 = tpu.vector_load %arg6[%get3A_960, %get3A_961] {strides = array<i32>} : memref<104x512xf32, #tpu.memory_space<vmem>>, vector<1x16xf32>,
        %get3A_963 = vector.shape_cast %get3A_962 : vector<1x16xf32> to vector<16xf32>
        %mul3A_964 = arith.mulf %get3A_957, %get3A_963 : vector<16xf32>
        %add3A_965 = arith.addf %add3A_951, %mul3A_964 : vector<16xf32>
        %add3A_966 = arith.constant 2 : i32
        %add3A_967 = arith.addi %mul3A_27, %add3A_966 : i32
        %get3A_968 = arith.index_cast %add3A_967 : i32 to index
        %get3A_969 = arith.constant 336 : index
        %get3A_970 = tpu.vector_load %arg6[%get3A_968, %get3A_969] {strides = array<i32>} : memref<104x512xf32, #tpu.memory_space<vmem>>, vector<1x16xf32>,
        %get3A_971 = vector.shape_cast %get3A_970 : vector<1x16xf32> to vector<16xf32>
        %add3A_972 = arith.constant 21 : i32
        %add3A_973 = arith.addi %mul3A_27, %add3A_972 : i32
        %get3A_974 = arith.index_cast %add3A_973 : i32 to index
        %get3A_975 = arith.constant 32 : index
        %get3A_976 = tpu.vector_load %arg6[%get3A_974, %get3A_975] {strides = array<i32>} : memref<104x512xf32, #tpu.memory_space<vmem>>, vector<1x16xf32>,
        %get3A_977 = vector.shape_cast %get3A_976 : vector<1x16xf32> to vector<16xf32>
        %mul3A_978 = arith.mulf %get3A_971, %get3A_977 : vector<16xf32>
        %add3A_979 = arith.addf %add3A_965, %mul3A_978 : vector<16xf32>
        %add3A_980 = arith.constant 2 : i32
        %add3A_981 = arith.addi %mul3A_27, %add3A_980 : i32
        %get3A_982 = arith.index_cast %add3A_981 : i32 to index
        %get3A_983 = arith.constant 352 : index
        %get3A_984 = tpu.vector_load %arg6[%get3A_982, %get3A_983] {strides = array<i32>} : memref<104x512xf32, #tpu.memory_space<vmem>>, vector<1x16xf32>,
        %get3A_985 = vector.shape_cast %get3A_984 : vector<1x16xf32> to vector<16xf32>
        %add3A_986 = arith.constant 22 : i32
        %add3A_987 = arith.addi %mul3A_27, %add3A_986 : i32
        %get3A_988 = arith.index_cast %add3A_987 : i32 to index
        %get3A_989 = arith.constant 32 : index
        %get3A_990 = tpu.vector_load %arg6[%get3A_988, %get3A_989] {strides = array<i32>} : memref<104x512xf32, #tpu.memory_space<vmem>>, vector<1x16xf32>,
        %get3A_991 = vector.shape_cast %get3A_990 : vector<1x16xf32> to vector<16xf32>
        %mul3A_992 = arith.mulf %get3A_985, %get3A_991 : vector<16xf32>
        %add3A_993 = arith.addf %add3A_979, %mul3A_992 : vector<16xf32>
        %add3A_994 = arith.constant 2 : i32
        %add3A_995 = arith.addi %mul3A_27, %add3A_994 : i32
        %get3A_996 = arith.index_cast %add3A_995 : i32 to index
        %get3A_997 = arith.constant 368 : index
        %get3A_998 = tpu.vector_load %arg6[%get3A_996, %get3A_997] {strides = array<i32>} : memref<104x512xf32, #tpu.memory_space<vmem>>, vector<1x16xf32>,
        %get3A_999 = vector.shape_cast %get3A_998 : vector<1x16xf32> to vector<16xf32>
        %add3A_1000 = arith.constant 23 : i32
        %add3A_1001 = arith.addi %mul3A_27, %add3A_1000 : i32
        %get3A_1002 = arith.index_cast %add3A_1001 : i32 to index
        %get3A_1003 = arith.constant 32 : index
        %get3A_1004 = tpu.vector_load %arg6[%get3A_1002, %get3A_1003] {strides = array<i32>} : memref<104x512xf32, #tpu.memory_space<vmem>>, vector<1x16xf32>,
        %get3A_1005 = vector.shape_cast %get3A_1004 : vector<1x16xf32> to vector<16xf32>
        %mul3A_1006 = arith.mulf %get3A_999, %get3A_1005 : vector<16xf32>
        %add3A_1007 = arith.addf %add3A_993, %mul3A_1006 : vector<16xf32>
        %add3A_1008 = arith.constant 2 : i32
        %add3A_1009 = arith.addi %mul3A_27, %add3A_1008 : i32
        %get3A_1010 = arith.index_cast %add3A_1009 : i32 to index
        %get3A_1011 = arith.constant 384 : index
        %get3A_1012 = tpu.vector_load %arg6[%get3A_1010, %get3A_1011] {strides = array<i32>} : memref<104x512xf32, #tpu.memory_space<vmem>>, vector<1x16xf32>,
        %get3A_1013 = vector.shape_cast %get3A_1012 : vector<1x16xf32> to vector<16xf32>
        %add3A_1014 = arith.constant 24 : i32
        %add3A_1015 = arith.addi %mul3A_27, %add3A_1014 : i32
        %get3A_1016 = arith.index_cast %add3A_1015 : i32 to index
        %get3A_1017 = arith.constant 32 : index
        %get3A_1018 = tpu.vector_load %arg6[%get3A_1016, %get3A_1017] {strides = array<i32>} : memref<104x512xf32, #tpu.memory_space<vmem>>, vector<1x16xf32>,
        %get3A_1019 = vector.shape_cast %get3A_1018 : vector<1x16xf32> to vector<16xf32>
        %mul3A_1020 = arith.mulf %get3A_1013, %get3A_1019 : vector<16xf32>
        %add3A_1021 = arith.addf %add3A_1007, %mul3A_1020 : vector<16xf32>
        %add3A_1022 = arith.constant 2 : i32
        %add3A_1023 = arith.addi %mul3A_27, %add3A_1022 : i32
        %get3A_1024 = arith.index_cast %add3A_1023 : i32 to index
        %get3A_1025 = arith.constant 400 : index
        %get3A_1026 = tpu.vector_load %arg6[%get3A_1024, %get3A_1025] {strides = array<i32>} : memref<104x512xf32, #tpu.memory_space<vmem>>, vector<1x16xf32>,
        %get3A_1027 = vector.shape_cast %get3A_1026 : vector<1x16xf32> to vector<16xf32>
        %add3A_1028 = arith.constant 25 : i32
        %add3A_1029 = arith.addi %mul3A_27, %add3A_1028 : i32
        %get3A_1030 = arith.index_cast %add3A_1029 : i32 to index
        %get3A_1031 = arith.constant 32 : index
        %get3A_1032 = tpu.vector_load %arg6[%get3A_1030, %get3A_1031] {strides = array<i32>} : memref<104x512xf32, #tpu.memory_space<vmem>>, vector<1x16xf32>,
        %get3A_1033 = vector.shape_cast %get3A_1032 : vector<1x16xf32> to vector<16xf32>
        %mul3A_1034 = arith.mulf %get3A_1027, %get3A_1033 : vector<16xf32>
        %add3A_1035 = arith.addf %add3A_1021, %mul3A_1034 : vector<16xf32>
        %add3A_1036 = arith.constant 3 : i32
        %add3A_1037 = arith.addi %mul3A_27, %add3A_1036 : i32
        %get3A_1038 = arith.index_cast %add3A_1037 : i32 to index
        %get3A_1039 = arith.constant 64 : index
        %get3A_1040 = tpu.vector_load %arg6[%get3A_1038, %get3A_1039] {strides = array<i32>} : memref<104x512xf32, #tpu.memory_space<vmem>>, vector<1x16xf32>,
        %get3A_1041 = vector.shape_cast %get3A_1040 : vector<1x16xf32> to vector<16xf32>
        %add3A_1042 = arith.constant 4 : i32
        %add3A_1043 = arith.addi %mul3A_27, %add3A_1042 : i32
        %get3A_1044 = arith.index_cast %add3A_1043 : i32 to index
        %get3A_1045 = arith.constant 48 : index
        %get3A_1046 = tpu.vector_load %arg6[%get3A_1044, %get3A_1045] {strides = array<i32>} : memref<104x512xf32, #tpu.memory_space<vmem>>, vector<1x16xf32>,
        %get3A_1047 = vector.shape_cast %get3A_1046 : vector<1x16xf32> to vector<16xf32>
        %mul3A_1048 = arith.mulf %get3A_1041, %get3A_1047 : vector<16xf32>
        %add3A_1049 = arith.addf %add3A_1035, %mul3A_1048 : vector<16xf32>
        %add3A_1050 = arith.constant 3 : i32
        %add3A_1051 = arith.addi %mul3A_27, %add3A_1050 : i32
        %get3A_1052 = arith.index_cast %add3A_1051 : i32 to index
        %get3A_1053 = arith.constant 80 : index
        %get3A_1054 = tpu.vector_load %arg6[%get3A_1052, %get3A_1053] {strides = array<i32>} : memref<104x512xf32, #tpu.memory_space<vmem>>, vector<1x16xf32>,
        %get3A_1055 = vector.shape_cast %get3A_1054 : vector<1x16xf32> to vector<16xf32>
        %add3A_1056 = arith.constant 5 : i32
        %add3A_1057 = arith.addi %mul3A_27, %add3A_1056 : i32
        %get3A_1058 = arith.index_cast %add3A_1057 : i32 to index
        %get3A_1059 = arith.constant 48 : index
        %get3A_1060 = tpu.vector_load %arg6[%get3A_1058, %get3A_1059] {strides = array<i32>} : memref<104x512xf32, #tpu.memory_space<vmem>>, vector<1x16xf32>,
        %get3A_1061 = vector.shape_cast %get3A_1060 : vector<1x16xf32> to vector<16xf32>
        %mul3A_1062 = arith.mulf %get3A_1055, %get3A_1061 : vector<16xf32>
        %add3A_1063 = arith.addf %add3A_1049, %mul3A_1062 : vector<16xf32>
        %add3A_1064 = arith.constant 3 : i32
        %add3A_1065 = arith.addi %mul3A_27, %add3A_1064 : i32
        %get3A_1066 = arith.index_cast %add3A_1065 : i32 to index
        %get3A_1067 = arith.constant 96 : index
        %get3A_1068 = tpu.vector_load %arg6[%get3A_1066, %get3A_1067] {strides = array<i32>} : memref<104x512xf32, #tpu.memory_space<vmem>>, vector<1x16xf32>,
        %get3A_1069 = vector.shape_cast %get3A_1068 : vector<1x16xf32> to vector<16xf32>
        %add3A_1070 = arith.constant 6 : i32
        %add3A_1071 = arith.addi %mul3A_27, %add3A_1070 : i32
        %get3A_1072 = arith.index_cast %add3A_1071 : i32 to index
        %get3A_1073 = arith.constant 48 : index
        %get3A_1074 = tpu.vector_load %arg6[%get3A_1072, %get3A_1073] {strides = array<i32>} : memref<104x512xf32, #tpu.memory_space<vmem>>, vector<1x16xf32>,
        %get3A_1075 = vector.shape_cast %get3A_1074 : vector<1x16xf32> to vector<16xf32>
        %mul3A_1076 = arith.mulf %get3A_1069, %get3A_1075 : vector<16xf32>
        %add3A_1077 = arith.addf %add3A_1063, %mul3A_1076 : vector<16xf32>
        %add3A_1078 = arith.constant 3 : i32
        %add3A_1079 = arith.addi %mul3A_27, %add3A_1078 : i32
        %get3A_1080 = arith.index_cast %add3A_1079 : i32 to index
        %get3A_1081 = arith.constant 112 : index
        %get3A_1082 = tpu.vector_load %arg6[%get3A_1080, %get3A_1081] {strides = array<i32>} : memref<104x512xf32, #tpu.memory_space<vmem>>, vector<1x16xf32>,
        %get3A_1083 = vector.shape_cast %get3A_1082 : vector<1x16xf32> to vector<16xf32>
        %add3A_1084 = arith.constant 7 : i32
        %add3A_1085 = arith.addi %mul3A_27, %add3A_1084 : i32
        %get3A_1086 = arith.index_cast %add3A_1085 : i32 to index
        %get3A_1087 = arith.constant 48 : index
        %get3A_1088 = tpu.vector_load %arg6[%get3A_1086, %get3A_1087] {strides = array<i32>} : memref<104x512xf32, #tpu.memory_space<vmem>>, vector<1x16xf32>,
        %get3A_1089 = vector.shape_cast %get3A_1088 : vector<1x16xf32> to vector<16xf32>
        %mul3A_1090 = arith.mulf %get3A_1083, %get3A_1089 : vector<16xf32>
        %add3A_1091 = arith.addf %add3A_1077, %mul3A_1090 : vector<16xf32>
        %add3A_1092 = arith.constant 3 : i32
        %add3A_1093 = arith.addi %mul3A_27, %add3A_1092 : i32
        %get3A_1094 = arith.index_cast %add3A_1093 : i32 to index
        %get3A_1095 = arith.constant 128 : index
        %get3A_1096 = tpu.vector_load %arg6[%get3A_1094, %get3A_1095] {strides = array<i32>} : memref<104x512xf32, #tpu.memory_space<vmem>>, vector<1x16xf32>,
        %get3A_1097 = vector.shape_cast %get3A_1096 : vector<1x16xf32> to vector<16xf32>
        %add3A_1098 = arith.constant 8 : i32
        %add3A_1099 = arith.addi %mul3A_27, %add3A_1098 : i32
        %get3A_1100 = arith.index_cast %add3A_1099 : i32 to index
        %get3A_1101 = arith.constant 48 : index
        %get3A_1102 = tpu.vector_load %arg6[%get3A_1100, %get3A_1101] {strides = array<i32>} : memref<104x512xf32, #tpu.memory_space<vmem>>, vector<1x16xf32>,
        %get3A_1103 = vector.shape_cast %get3A_1102 : vector<1x16xf32> to vector<16xf32>
        %mul3A_1104 = arith.mulf %get3A_1097, %get3A_1103 : vector<16xf32>
        %add3A_1105 = arith.addf %add3A_1091, %mul3A_1104 : vector<16xf32>
        %add3A_1106 = arith.constant 3 : i32
        %add3A_1107 = arith.addi %mul3A_27, %add3A_1106 : i32
        %get3A_1108 = arith.index_cast %add3A_1107 : i32 to index
        %get3A_1109 = arith.constant 144 : index
        %get3A_1110 = tpu.vector_load %arg6[%get3A_1108, %get3A_1109] {strides = array<i32>} : memref<104x512xf32, #tpu.memory_space<vmem>>, vector<1x16xf32>,
        %get3A_1111 = vector.shape_cast %get3A_1110 : vector<1x16xf32> to vector<16xf32>
        %add3A_1112 = arith.constant 9 : i32
        %add3A_1113 = arith.addi %mul3A_27, %add3A_1112 : i32
        %get3A_1114 = arith.index_cast %add3A_1113 : i32 to index
        %get3A_1115 = arith.constant 48 : index
        %get3A_1116 = tpu.vector_load %arg6[%get3A_1114, %get3A_1115] {strides = array<i32>} : memref<104x512xf32, #tpu.memory_space<vmem>>, vector<1x16xf32>,
        %get3A_1117 = vector.shape_cast %get3A_1116 : vector<1x16xf32> to vector<16xf32>
        %mul3A_1118 = arith.mulf %get3A_1111, %get3A_1117 : vector<16xf32>
        %add3A_1119 = arith.addf %add3A_1105, %mul3A_1118 : vector<16xf32>
        %add3A_1120 = arith.constant 3 : i32
        %add3A_1121 = arith.addi %mul3A_27, %add3A_1120 : i32
        %get3A_1122 = arith.index_cast %add3A_1121 : i32 to index
        %get3A_1123 = arith.constant 160 : index
        %get3A_1124 = tpu.vector_load %arg6[%get3A_1122, %get3A_1123] {strides = array<i32>} : memref<104x512xf32, #tpu.memory_space<vmem>>, vector<1x16xf32>,
        %get3A_1125 = vector.shape_cast %get3A_1124 : vector<1x16xf32> to vector<16xf32>
        %add3A_1126 = arith.constant 10 : i32
        %add3A_1127 = arith.addi %mul3A_27, %add3A_1126 : i32
        %get3A_1128 = arith.index_cast %add3A_1127 : i32 to index
        %get3A_1129 = arith.constant 48 : index
        %get3A_1130 = tpu.vector_load %arg6[%get3A_1128, %get3A_1129] {strides = array<i32>} : memref<104x512xf32, #tpu.memory_space<vmem>>, vector<1x16xf32>,
        %get3A_1131 = vector.shape_cast %get3A_1130 : vector<1x16xf32> to vector<16xf32>
        %mul3A_1132 = arith.mulf %get3A_1125, %get3A_1131 : vector<16xf32>
        %add3A_1133 = arith.addf %add3A_1119, %mul3A_1132 : vector<16xf32>
        %add3A_1134 = arith.constant 3 : i32
        %add3A_1135 = arith.addi %mul3A_27, %add3A_1134 : i32
        %get3A_1136 = arith.index_cast %add3A_1135 : i32 to index
        %get3A_1137 = arith.constant 176 : index
        %get3A_1138 = tpu.vector_load %arg6[%get3A_1136, %get3A_1137] {strides = array<i32>} : memref<104x512xf32, #tpu.memory_space<vmem>>, vector<1x16xf32>,
        %get3A_1139 = vector.shape_cast %get3A_1138 : vector<1x16xf32> to vector<16xf32>
        %add3A_1140 = arith.constant 11 : i32
        %add3A_1141 = arith.addi %mul3A_27, %add3A_1140 : i32
        %get3A_1142 = arith.index_cast %add3A_1141 : i32 to index
        %get3A_1143 = arith.constant 48 : index
        %get3A_1144 = tpu.vector_load %arg6[%get3A_1142, %get3A_1143] {strides = array<i32>} : memref<104x512xf32, #tpu.memory_space<vmem>>, vector<1x16xf32>,
        %get3A_1145 = vector.shape_cast %get3A_1144 : vector<1x16xf32> to vector<16xf32>
        %mul3A_1146 = arith.mulf %get3A_1139, %get3A_1145 : vector<16xf32>
        %add3A_1147 = arith.addf %add3A_1133, %mul3A_1146 : vector<16xf32>
        %add3A_1148 = arith.constant 3 : i32
        %add3A_1149 = arith.addi %mul3A_27, %add3A_1148 : i32
        %get3A_1150 = arith.index_cast %add3A_1149 : i32 to index
        %get3A_1151 = arith.constant 192 : index
        %get3A_1152 = tpu.vector_load %arg6[%get3A_1150, %get3A_1151] {strides = array<i32>} : memref<104x512xf32, #tpu.memory_space<vmem>>, vector<1x16xf32>,
        %get3A_1153 = vector.shape_cast %get3A_1152 : vector<1x16xf32> to vector<16xf32>
        %add3A_1154 = arith.constant 12 : i32
        %add3A_1155 = arith.addi %mul3A_27, %add3A_1154 : i32
        %get3A_1156 = arith.index_cast %add3A_1155 : i32 to index
        %get3A_1157 = arith.constant 48 : index
        %get3A_1158 = tpu.vector_load %arg6[%get3A_1156, %get3A_1157] {strides = array<i32>} : memref<104x512xf32, #tpu.memory_space<vmem>>, vector<1x16xf32>,
        %get3A_1159 = vector.shape_cast %get3A_1158 : vector<1x16xf32> to vector<16xf32>
        %mul3A_1160 = arith.mulf %get3A_1153, %get3A_1159 : vector<16xf32>
        %add3A_1161 = arith.addf %add3A_1147, %mul3A_1160 : vector<16xf32>
        %add3A_1162 = arith.constant 3 : i32
        %add3A_1163 = arith.addi %mul3A_27, %add3A_1162 : i32
        %get3A_1164 = arith.index_cast %add3A_1163 : i32 to index
        %get3A_1165 = arith.constant 208 : index
        %get3A_1166 = tpu.vector_load %arg6[%get3A_1164, %get3A_1165] {strides = array<i32>} : memref<104x512xf32, #tpu.memory_space<vmem>>, vector<1x16xf32>,
        %get3A_1167 = vector.shape_cast %get3A_1166 : vector<1x16xf32> to vector<16xf32>
        %add3A_1168 = arith.constant 13 : i32
        %add3A_1169 = arith.addi %mul3A_27, %add3A_1168 : i32
        %get3A_1170 = arith.index_cast %add3A_1169 : i32 to index
        %get3A_1171 = arith.constant 48 : index
        %get3A_1172 = tpu.vector_load %arg6[%get3A_1170, %get3A_1171] {strides = array<i32>} : memref<104x512xf32, #tpu.memory_space<vmem>>, vector<1x16xf32>,
        %get3A_1173 = vector.shape_cast %get3A_1172 : vector<1x16xf32> to vector<16xf32>
        %mul3A_1174 = arith.mulf %get3A_1167, %get3A_1173 : vector<16xf32>
        %add3A_1175 = arith.addf %add3A_1161, %mul3A_1174 : vector<16xf32>
        %add3A_1176 = arith.constant 3 : i32
        %add3A_1177 = arith.addi %mul3A_27, %add3A_1176 : i32
        %get3A_1178 = arith.index_cast %add3A_1177 : i32 to index
        %get3A_1179 = arith.constant 224 : index
        %get3A_1180 = tpu.vector_load %arg6[%get3A_1178, %get3A_1179] {strides = array<i32>} : memref<104x512xf32, #tpu.memory_space<vmem>>, vector<1x16xf32>,
        %get3A_1181 = vector.shape_cast %get3A_1180 : vector<1x16xf32> to vector<16xf32>
        %add3A_1182 = arith.constant 14 : i32
        %add3A_1183 = arith.addi %mul3A_27, %add3A_1182 : i32
        %get3A_1184 = arith.index_cast %add3A_1183 : i32 to index
        %get3A_1185 = arith.constant 48 : index
        %get3A_1186 = tpu.vector_load %arg6[%get3A_1184, %get3A_1185] {strides = array<i32>} : memref<104x512xf32, #tpu.memory_space<vmem>>, vector<1x16xf32>,
        %get3A_1187 = vector.shape_cast %get3A_1186 : vector<1x16xf32> to vector<16xf32>
        %mul3A_1188 = arith.mulf %get3A_1181, %get3A_1187 : vector<16xf32>
        %add3A_1189 = arith.addf %add3A_1175, %mul3A_1188 : vector<16xf32>
        %add3A_1190 = arith.constant 3 : i32
        %add3A_1191 = arith.addi %mul3A_27, %add3A_1190 : i32
        %get3A_1192 = arith.index_cast %add3A_1191 : i32 to index
        %get3A_1193 = arith.constant 240 : index
        %get3A_1194 = tpu.vector_load %arg6[%get3A_1192, %get3A_1193] {strides = array<i32>} : memref<104x512xf32, #tpu.memory_space<vmem>>, vector<1x16xf32>,
        %get3A_1195 = vector.shape_cast %get3A_1194 : vector<1x16xf32> to vector<16xf32>
        %add3A_1196 = arith.constant 15 : i32
        %add3A_1197 = arith.addi %mul3A_27, %add3A_1196 : i32
        %get3A_1198 = arith.index_cast %add3A_1197 : i32 to index
        %get3A_1199 = arith.constant 48 : index
        %get3A_1200 = tpu.vector_load %arg6[%get3A_1198, %get3A_1199] {strides = array<i32>} : memref<104x512xf32, #tpu.memory_space<vmem>>, vector<1x16xf32>,
        %get3A_1201 = vector.shape_cast %get3A_1200 : vector<1x16xf32> to vector<16xf32>
        %mul3A_1202 = arith.mulf %get3A_1195, %get3A_1201 : vector<16xf32>
        %add3A_1203 = arith.addf %add3A_1189, %mul3A_1202 : vector<16xf32>
        %add3A_1204 = arith.constant 3 : i32
        %add3A_1205 = arith.addi %mul3A_27, %add3A_1204 : i32
        %get3A_1206 = arith.index_cast %add3A_1205 : i32 to index
        %get3A_1207 = arith.constant 256 : index
        %get3A_1208 = tpu.vector_load %arg6[%get3A_1206, %get3A_1207] {strides = array<i32>} : memref<104x512xf32, #tpu.memory_space<vmem>>, vector<1x16xf32>,
        %get3A_1209 = vector.shape_cast %get3A_1208 : vector<1x16xf32> to vector<16xf32>
        %add3A_1210 = arith.constant 16 : i32
        %add3A_1211 = arith.addi %mul3A_27, %add3A_1210 : i32
        %get3A_1212 = arith.index_cast %add3A_1211 : i32 to index
        %get3A_1213 = arith.constant 48 : index
        %get3A_1214 = tpu.vector_load %arg6[%get3A_1212, %get3A_1213] {strides = array<i32>} : memref<104x512xf32, #tpu.memory_space<vmem>>, vector<1x16xf32>,
        %get3A_1215 = vector.shape_cast %get3A_1214 : vector<1x16xf32> to vector<16xf32>
        %mul3A_1216 = arith.mulf %get3A_1209, %get3A_1215 : vector<16xf32>
        %add3A_1217 = arith.addf %add3A_1203, %mul3A_1216 : vector<16xf32>
        %add3A_1218 = arith.constant 3 : i32
        %add3A_1219 = arith.addi %mul3A_27, %add3A_1218 : i32
        %get3A_1220 = arith.index_cast %add3A_1219 : i32 to index
        %get3A_1221 = arith.constant 272 : index
        %get3A_1222 = tpu.vector_load %arg6[%get3A_1220, %get3A_1221] {strides = array<i32>} : memref<104x512xf32, #tpu.memory_space<vmem>>, vector<1x16xf32>,
        %get3A_1223 = vector.shape_cast %get3A_1222 : vector<1x16xf32> to vector<16xf32>
        %add3A_1224 = arith.constant 17 : i32
        %add3A_1225 = arith.addi %mul3A_27, %add3A_1224 : i32
        %get3A_1226 = arith.index_cast %add3A_1225 : i32 to index
        %get3A_1227 = arith.constant 48 : index
        %get3A_1228 = tpu.vector_load %arg6[%get3A_1226, %get3A_1227] {strides = array<i32>} : memref<104x512xf32, #tpu.memory_space<vmem>>, vector<1x16xf32>,
        %get3A_1229 = vector.shape_cast %get3A_1228 : vector<1x16xf32> to vector<16xf32>
        %mul3A_1230 = arith.mulf %get3A_1223, %get3A_1229 : vector<16xf32>
        %add3A_1231 = arith.addf %add3A_1217, %mul3A_1230 : vector<16xf32>
        %add3A_1232 = arith.constant 3 : i32
        %add3A_1233 = arith.addi %mul3A_27, %add3A_1232 : i32
        %get3A_1234 = arith.index_cast %add3A_1233 : i32 to index
        %get3A_1235 = arith.constant 288 : index
        %get3A_1236 = tpu.vector_load %arg6[%get3A_1234, %get3A_1235] {strides = array<i32>} : memref<104x512xf32, #tpu.memory_space<vmem>>, vector<1x16xf32>,
        %get3A_1237 = vector.shape_cast %get3A_1236 : vector<1x16xf32> to vector<16xf32>
        %add3A_1238 = arith.constant 18 : i32
        %add3A_1239 = arith.addi %mul3A_27, %add3A_1238 : i32
        %get3A_1240 = arith.index_cast %add3A_1239 : i32 to index
        %get3A_1241 = arith.constant 48 : index
        %get3A_1242 = tpu.vector_load %arg6[%get3A_1240, %get3A_1241] {strides = array<i32>} : memref<104x512xf32, #tpu.memory_space<vmem>>, vector<1x16xf32>,
        %get3A_1243 = vector.shape_cast %get3A_1242 : vector<1x16xf32> to vector<16xf32>
        %mul3A_1244 = arith.mulf %get3A_1237, %get3A_1243 : vector<16xf32>
        %add3A_1245 = arith.addf %add3A_1231, %mul3A_1244 : vector<16xf32>
        %add3A_1246 = arith.constant 3 : i32
        %add3A_1247 = arith.addi %mul3A_27, %add3A_1246 : i32
        %get3A_1248 = arith.index_cast %add3A_1247 : i32 to index
        %get3A_1249 = arith.constant 304 : index
        %get3A_1250 = tpu.vector_load %arg6[%get3A_1248, %get3A_1249] {strides = array<i32>} : memref<104x512xf32, #tpu.memory_space<vmem>>, vector<1x16xf32>,
        %get3A_1251 = vector.shape_cast %get3A_1250 : vector<1x16xf32> to vector<16xf32>
        %add3A_1252 = arith.constant 19 : i32
        %add3A_1253 = arith.addi %mul3A_27, %add3A_1252 : i32
        %get3A_1254 = arith.index_cast %add3A_1253 : i32 to index
        %get3A_1255 = arith.constant 48 : index
        %get3A_1256 = tpu.vector_load %arg6[%get3A_1254, %get3A_1255] {strides = array<i32>} : memref<104x512xf32, #tpu.memory_space<vmem>>, vector<1x16xf32>,
        %get3A_1257 = vector.shape_cast %get3A_1256 : vector<1x16xf32> to vector<16xf32>
        %mul3A_1258 = arith.mulf %get3A_1251, %get3A_1257 : vector<16xf32>
        %add3A_1259 = arith.addf %add3A_1245, %mul3A_1258 : vector<16xf32>
        %add3A_1260 = arith.constant 3 : i32
        %add3A_1261 = arith.addi %mul3A_27, %add3A_1260 : i32
        %get3A_1262 = arith.index_cast %add3A_1261 : i32 to index
        %get3A_1263 = arith.constant 320 : index
        %get3A_1264 = tpu.vector_load %arg6[%get3A_1262, %get3A_1263] {strides = array<i32>} : memref<104x512xf32, #tpu.memory_space<vmem>>, vector<1x16xf32>,
        %get3A_1265 = vector.shape_cast %get3A_1264 : vector<1x16xf32> to vector<16xf32>
        %add3A_1266 = arith.constant 20 : i32
        %add3A_1267 = arith.addi %mul3A_27, %add3A_1266 : i32
        %get3A_1268 = arith.index_cast %add3A_1267 : i32 to index
        %get3A_1269 = arith.constant 48 : index
        %get3A_1270 = tpu.vector_load %arg6[%get3A_1268, %get3A_1269] {strides = array<i32>} : memref<104x512xf32, #tpu.memory_space<vmem>>, vector<1x16xf32>,
        %get3A_1271 = vector.shape_cast %get3A_1270 : vector<1x16xf32> to vector<16xf32>
        %mul3A_1272 = arith.mulf %get3A_1265, %get3A_1271 : vector<16xf32>
        %add3A_1273 = arith.addf %add3A_1259, %mul3A_1272 : vector<16xf32>
        %add3A_1274 = arith.constant 3 : i32
        %add3A_1275 = arith.addi %mul3A_27, %add3A_1274 : i32
        %get3A_1276 = arith.index_cast %add3A_1275 : i32 to index
        %get3A_1277 = arith.constant 336 : index
        %get3A_1278 = tpu.vector_load %arg6[%get3A_1276, %get3A_1277] {strides = array<i32>} : memref<104x512xf32, #tpu.memory_space<vmem>>, vector<1x16xf32>,
        %get3A_1279 = vector.shape_cast %get3A_1278 : vector<1x16xf32> to vector<16xf32>
        %add3A_1280 = arith.constant 21 : i32
        %add3A_1281 = arith.addi %mul3A_27, %add3A_1280 : i32
        %get3A_1282 = arith.index_cast %add3A_1281 : i32 to index
        %get3A_1283 = arith.constant 48 : index
        %get3A_1284 = tpu.vector_load %arg6[%get3A_1282, %get3A_1283] {strides = array<i32>} : memref<104x512xf32, #tpu.memory_space<vmem>>, vector<1x16xf32>,
        %get3A_1285 = vector.shape_cast %get3A_1284 : vector<1x16xf32> to vector<16xf32>
        %mul3A_1286 = arith.mulf %get3A_1279, %get3A_1285 : vector<16xf32>
        %add3A_1287 = arith.addf %add3A_1273, %mul3A_1286 : vector<16xf32>
        %add3A_1288 = arith.constant 3 : i32
        %add3A_1289 = arith.addi %mul3A_27, %add3A_1288 : i32
        %get3A_1290 = arith.index_cast %add3A_1289 : i32 to index
        %get3A_1291 = arith.constant 352 : index
        %get3A_1292 = tpu.vector_load %arg6[%get3A_1290, %get3A_1291] {strides = array<i32>} : memref<104x512xf32, #tpu.memory_space<vmem>>, vector<1x16xf32>,
        %get3A_1293 = vector.shape_cast %get3A_1292 : vector<1x16xf32> to vector<16xf32>
        %add3A_1294 = arith.constant 22 : i32
        %add3A_1295 = arith.addi %mul3A_27, %add3A_1294 : i32
        %get3A_1296 = arith.index_cast %add3A_1295 : i32 to index
        %get3A_1297 = arith.constant 48 : index
        %get3A_1298 = tpu.vector_load %arg6[%get3A_1296, %get3A_1297] {strides = array<i32>} : memref<104x512xf32, #tpu.memory_space<vmem>>, vector<1x16xf32>,
        %get3A_1299 = vector.shape_cast %get3A_1298 : vector<1x16xf32> to vector<16xf32>
        %mul3A_1300 = arith.mulf %get3A_1293, %get3A_1299 : vector<16xf32>
        %add3A_1301 = arith.addf %add3A_1287, %mul3A_1300 : vector<16xf32>
        %add3A_1302 = arith.constant 3 : i32
        %add3A_1303 = arith.addi %mul3A_27, %add3A_1302 : i32
        %get3A_1304 = arith.index_cast %add3A_1303 : i32 to index
        %get3A_1305 = arith.constant 368 : index
        %get3A_1306 = tpu.vector_load %arg6[%get3A_1304, %get3A_1305] {strides = array<i32>} : memref<104x512xf32, #tpu.memory_space<vmem>>, vector<1x16xf32>,
        %get3A_1307 = vector.shape_cast %get3A_1306 : vector<1x16xf32> to vector<16xf32>
        %add3A_1308 = arith.constant 23 : i32
        %add3A_1309 = arith.addi %mul3A_27, %add3A_1308 : i32
        %get3A_1310 = arith.index_cast %add3A_1309 : i32 to index
        %get3A_1311 = arith.constant 48 : index
        %get3A_1312 = tpu.vector_load %arg6[%get3A_1310, %get3A_1311] {strides = array<i32>} : memref<104x512xf32, #tpu.memory_space<vmem>>, vector<1x16xf32>,
        %get3A_1313 = vector.shape_cast %get3A_1312 : vector<1x16xf32> to vector<16xf32>
        %mul3A_1314 = arith.mulf %get3A_1307, %get3A_1313 : vector<16xf32>
        %add3A_1315 = arith.addf %add3A_1301, %mul3A_1314 : vector<16xf32>
        %add3A_1316 = arith.constant 3 : i32
        %add3A_1317 = arith.addi %mul3A_27, %add3A_1316 : i32
        %get3A_1318 = arith.index_cast %add3A_1317 : i32 to index
        %get3A_1319 = arith.constant 384 : index
        %get3A_1320 = tpu.vector_load %arg6[%get3A_1318, %get3A_1319] {strides = array<i32>} : memref<104x512xf32, #tpu.memory_space<vmem>>, vector<1x16xf32>,
        %get3A_1321 = vector.shape_cast %get3A_1320 : vector<1x16xf32> to vector<16xf32>
        %add3A_1322 = arith.constant 24 : i32
        %add3A_1323 = arith.addi %mul3A_27, %add3A_1322 : i32
        %get3A_1324 = arith.index_cast %add3A_1323 : i32 to index
        %get3A_1325 = arith.constant 48 : index
        %get3A_1326 = tpu.vector_load %arg6[%get3A_1324, %get3A_1325] {strides = array<i32>} : memref<104x512xf32, #tpu.memory_space<vmem>>, vector<1x16xf32>,
        %get3A_1327 = vector.shape_cast %get3A_1326 : vector<1x16xf32> to vector<16xf32>
        %mul3A_1328 = arith.mulf %get3A_1321, %get3A_1327 : vector<16xf32>
        %add3A_1329 = arith.addf %add3A_1315, %mul3A_1328 : vector<16xf32>
        %add3A_1330 = arith.constant 3 : i32
        %add3A_1331 = arith.addi %mul3A_27, %add3A_1330 : i32
        %get3A_1332 = arith.index_cast %add3A_1331 : i32 to index
        %get3A_1333 = arith.constant 400 : index
        %get3A_1334 = tpu.vector_load %arg6[%get3A_1332, %get3A_1333] {strides = array<i32>} : memref<104x512xf32, #tpu.memory_space<vmem>>, vector<1x16xf32>,
        %get3A_1335 = vector.shape_cast %get3A_1334 : vector<1x16xf32> to vector<16xf32>
        %add3A_1336 = arith.constant 25 : i32
        %add3A_1337 = arith.addi %mul3A_27, %add3A_1336 : i32
        %get3A_1338 = arith.index_cast %add3A_1337 : i32 to index
        %get3A_1339 = arith.constant 48 : index
        %get3A_1340 = tpu.vector_load %arg6[%get3A_1338, %get3A_1339] {strides = array<i32>} : memref<104x512xf32, #tpu.memory_space<vmem>>, vector<1x16xf32>,
        %get3A_1341 = vector.shape_cast %get3A_1340 : vector<1x16xf32> to vector<16xf32>
        %mul3A_1342 = arith.mulf %get3A_1335, %get3A_1341 : vector<16xf32>
        %add3A_1343 = arith.addf %add3A_1329, %mul3A_1342 : vector<16xf32>
        %add3A_1344 = arith.constant 4 : i32
        %add3A_1345 = arith.addi %mul3A_27, %add3A_1344 : i32
        %get3A_1346 = arith.index_cast %add3A_1345 : i32 to index
        %get3A_1347 = arith.constant 80 : index
        %get3A_1348 = tpu.vector_load %arg6[%get3A_1346, %get3A_1347] {strides = array<i32>} : memref<104x512xf32, #tpu.memory_space<vmem>>, vector<1x16xf32>,
        %get3A_1349 = vector.shape_cast %get3A_1348 : vector<1x16xf32> to vector<16xf32>
        %add3A_1350 = arith.constant 5 : i32
        %add3A_1351 = arith.addi %mul3A_27, %add3A_1350 : i32
        %get3A_1352 = arith.index_cast %add3A_1351 : i32 to index
        %get3A_1353 = arith.constant 64 : index
        %get3A_1354 = tpu.vector_load %arg6[%get3A_1352, %get3A_1353] {strides = array<i32>} : memref<104x512xf32, #tpu.memory_space<vmem>>, vector<1x16xf32>,
        %get3A_1355 = vector.shape_cast %get3A_1354 : vector<1x16xf32> to vector<16xf32>
        %mul3A_1356 = arith.mulf %get3A_1349, %get3A_1355 : vector<16xf32>
        %add3A_1357 = arith.addf %add3A_1343, %mul3A_1356 : vector<16xf32>
        %add3A_1358 = arith.constant 4 : i32
        %add3A_1359 = arith.addi %mul3A_27, %add3A_1358 : i32
        %get3A_1360 = arith.index_cast %add3A_1359 : i32 to index
        %get3A_1361 = arith.constant 96 : index
        %get3A_1362 = tpu.vector_load %arg6[%get3A_1360, %get3A_1361] {strides = array<i32>} : memref<104x512xf32, #tpu.memory_space<vmem>>, vector<1x16xf32>,
        %get3A_1363 = vector.shape_cast %get3A_1362 : vector<1x16xf32> to vector<16xf32>
        %add3A_1364 = arith.constant 6 : i32
        %add3A_1365 = arith.addi %mul3A_27, %add3A_1364 : i32
        %get3A_1366 = arith.index_cast %add3A_1365 : i32 to index
        %get3A_1367 = arith.constant 64 : index
        %get3A_1368 = tpu.vector_load %arg6[%get3A_1366, %get3A_1367] {strides = array<i32>} : memref<104x512xf32, #tpu.memory_space<vmem>>, vector<1x16xf32>,
        %get3A_1369 = vector.shape_cast %get3A_1368 : vector<1x16xf32> to vector<16xf32>
        %mul3A_1370 = arith.mulf %get3A_1363, %get3A_1369 : vector<16xf32>
        %add3A_1371 = arith.addf %add3A_1357, %mul3A_1370 : vector<16xf32>
        %add3A_1372 = arith.constant 4 : i32
        %add3A_1373 = arith.addi %mul3A_27, %add3A_1372 : i32
        %get3A_1374 = arith.index_cast %add3A_1373 : i32 to index
        %get3A_1375 = arith.constant 112 : index
        %get3A_1376 = tpu.vector_load %arg6[%get3A_1374, %get3A_1375] {strides = array<i32>} : memref<104x512xf32, #tpu.memory_space<vmem>>, vector<1x16xf32>,
        %get3A_1377 = vector.shape_cast %get3A_1376 : vector<1x16xf32> to vector<16xf32>
        %add3A_1378 = arith.constant 7 : i32
        %add3A_1379 = arith.addi %mul3A_27, %add3A_1378 : i32
        %get3A_1380 = arith.index_cast %add3A_1379 : i32 to index
        %get3A_1381 = arith.constant 64 : index
        %get3A_1382 = tpu.vector_load %arg6[%get3A_1380, %get3A_1381] {strides = array<i32>} : memref<104x512xf32, #tpu.memory_space<vmem>>, vector<1x16xf32>,
        %get3A_1383 = vector.shape_cast %get3A_1382 : vector<1x16xf32> to vector<16xf32>
        %mul3A_1384 = arith.mulf %get3A_1377, %get3A_1383 : vector<16xf32>
        %add3A_1385 = arith.addf %add3A_1371, %mul3A_1384 : vector<16xf32>
        %add3A_1386 = arith.constant 4 : i32
        %add3A_1387 = arith.addi %mul3A_27, %add3A_1386 : i32
        %get3A_1388 = arith.index_cast %add3A_1387 : i32 to index
        %get3A_1389 = arith.constant 128 : index
        %get3A_1390 = tpu.vector_load %arg6[%get3A_1388, %get3A_1389] {strides = array<i32>} : memref<104x512xf32, #tpu.memory_space<vmem>>, vector<1x16xf32>,
        %get3A_1391 = vector.shape_cast %get3A_1390 : vector<1x16xf32> to vector<16xf32>
        %add3A_1392 = arith.constant 8 : i32
        %add3A_1393 = arith.addi %mul3A_27, %add3A_1392 : i32
        %get3A_1394 = arith.index_cast %add3A_1393 : i32 to index
        %get3A_1395 = arith.constant 64 : index
        %get3A_1396 = tpu.vector_load %arg6[%get3A_1394, %get3A_1395] {strides = array<i32>} : memref<104x512xf32, #tpu.memory_space<vmem>>, vector<1x16xf32>,
        %get3A_1397 = vector.shape_cast %get3A_1396 : vector<1x16xf32> to vector<16xf32>
        %mul3A_1398 = arith.mulf %get3A_1391, %get3A_1397 : vector<16xf32>
        %add3A_1399 = arith.addf %add3A_1385, %mul3A_1398 : vector<16xf32>
        %add3A_1400 = arith.constant 4 : i32
        %add3A_1401 = arith.addi %mul3A_27, %add3A_1400 : i32
        %get3A_1402 = arith.index_cast %add3A_1401 : i32 to index
        %get3A_1403 = arith.constant 144 : index
        %get3A_1404 = tpu.vector_load %arg6[%get3A_1402, %get3A_1403] {strides = array<i32>} : memref<104x512xf32, #tpu.memory_space<vmem>>, vector<1x16xf32>,
        %get3A_1405 = vector.shape_cast %get3A_1404 : vector<1x16xf32> to vector<16xf32>
        %add3A_1406 = arith.constant 9 : i32
        %add3A_1407 = arith.addi %mul3A_27, %add3A_1406 : i32
        %get3A_1408 = arith.index_cast %add3A_1407 : i32 to index
        %get3A_1409 = arith.constant 64 : index
        %get3A_1410 = tpu.vector_load %arg6[%get3A_1408, %get3A_1409] {strides = array<i32>} : memref<104x512xf32, #tpu.memory_space<vmem>>, vector<1x16xf32>,
        %get3A_1411 = vector.shape_cast %get3A_1410 : vector<1x16xf32> to vector<16xf32>
        %mul3A_1412 = arith.mulf %get3A_1405, %get3A_1411 : vector<16xf32>
        %add3A_1413 = arith.addf %add3A_1399, %mul3A_1412 : vector<16xf32>
        %add3A_1414 = arith.constant 4 : i32
        %add3A_1415 = arith.addi %mul3A_27, %add3A_1414 : i32
        %get3A_1416 = arith.index_cast %add3A_1415 : i32 to index
        %get3A_1417 = arith.constant 160 : index
        %get3A_1418 = tpu.vector_load %arg6[%get3A_1416, %get3A_1417] {strides = array<i32>} : memref<104x512xf32, #tpu.memory_space<vmem>>, vector<1x16xf32>,
        %get3A_1419 = vector.shape_cast %get3A_1418 : vector<1x16xf32> to vector<16xf32>
        %add3A_1420 = arith.constant 10 : i32
        %add3A_1421 = arith.addi %mul3A_27, %add3A_1420 : i32
        %get3A_1422 = arith.index_cast %add3A_1421 : i32 to index
        %get3A_1423 = arith.constant 64 : index
        %get3A_1424 = tpu.vector_load %arg6[%get3A_1422, %get3A_1423] {strides = array<i32>} : memref<104x512xf32, #tpu.memory_space<vmem>>, vector<1x16xf32>,
        %get3A_1425 = vector.shape_cast %get3A_1424 : vector<1x16xf32> to vector<16xf32>
        %mul3A_1426 = arith.mulf %get3A_1419, %get3A_1425 : vector<16xf32>
        %add3A_1427 = arith.addf %add3A_1413, %mul3A_1426 : vector<16xf32>
        %add3A_1428 = arith.constant 4 : i32
        %add3A_1429 = arith.addi %mul3A_27, %add3A_1428 : i32
        %get3A_1430 = arith.index_cast %add3A_1429 : i32 to index
        %get3A_1431 = arith.constant 176 : index
        %get3A_1432 = tpu.vector_load %arg6[%get3A_1430, %get3A_1431] {strides = array<i32>} : memref<104x512xf32, #tpu.memory_space<vmem>>, vector<1x16xf32>,
        %get3A_1433 = vector.shape_cast %get3A_1432 : vector<1x16xf32> to vector<16xf32>
        %add3A_1434 = arith.constant 11 : i32
        %add3A_1435 = arith.addi %mul3A_27, %add3A_1434 : i32
        %get3A_1436 = arith.index_cast %add3A_1435 : i32 to index
        %get3A_1437 = arith.constant 64 : index
        %get3A_1438 = tpu.vector_load %arg6[%get3A_1436, %get3A_1437] {strides = array<i32>} : memref<104x512xf32, #tpu.memory_space<vmem>>, vector<1x16xf32>,
        %get3A_1439 = vector.shape_cast %get3A_1438 : vector<1x16xf32> to vector<16xf32>
        %mul3A_1440 = arith.mulf %get3A_1433, %get3A_1439 : vector<16xf32>
        %add3A_1441 = arith.addf %add3A_1427, %mul3A_1440 : vector<16xf32>
        %add3A_1442 = arith.constant 4 : i32
        %add3A_1443 = arith.addi %mul3A_27, %add3A_1442 : i32
        %get3A_1444 = arith.index_cast %add3A_1443 : i32 to index
        %get3A_1445 = arith.constant 192 : index
        %get3A_1446 = tpu.vector_load %arg6[%get3A_1444, %get3A_1445] {strides = array<i32>} : memref<104x512xf32, #tpu.memory_space<vmem>>, vector<1x16xf32>,
        %get3A_1447 = vector.shape_cast %get3A_1446 : vector<1x16xf32> to vector<16xf32>
        %add3A_1448 = arith.constant 12 : i32
        %add3A_1449 = arith.addi %mul3A_27, %add3A_1448 : i32
        %get3A_1450 = arith.index_cast %add3A_1449 : i32 to index
        %get3A_1451 = arith.constant 64 : index
        %get3A_1452 = tpu.vector_load %arg6[%get3A_1450, %get3A_1451] {strides = array<i32>} : memref<104x512xf32, #tpu.memory_space<vmem>>, vector<1x16xf32>,
        %get3A_1453 = vector.shape_cast %get3A_1452 : vector<1x16xf32> to vector<16xf32>
        %mul3A_1454 = arith.mulf %get3A_1447, %get3A_1453 : vector<16xf32>
        %add3A_1455 = arith.addf %add3A_1441, %mul3A_1454 : vector<16xf32>
        %add3A_1456 = arith.constant 4 : i32
        %add3A_1457 = arith.addi %mul3A_27, %add3A_1456 : i32
        %get3A_1458 = arith.index_cast %add3A_1457 : i32 to index
        %get3A_1459 = arith.constant 208 : index
        %get3A_1460 = tpu.vector_load %arg6[%get3A_1458, %get3A_1459] {strides = array<i32>} : memref<104x512xf32, #tpu.memory_space<vmem>>, vector<1x16xf32>,
        %get3A_1461 = vector.shape_cast %get3A_1460 : vector<1x16xf32> to vector<16xf32>
        %add3A_1462 = arith.constant 13 : i32
        %add3A_1463 = arith.addi %mul3A_27, %add3A_1462 : i32
        %get3A_1464 = arith.index_cast %add3A_1463 : i32 to index
        %get3A_1465 = arith.constant 64 : index
        %get3A_1466 = tpu.vector_load %arg6[%get3A_1464, %get3A_1465] {strides = array<i32>} : memref<104x512xf32, #tpu.memory_space<vmem>>, vector<1x16xf32>,
        %get3A_1467 = vector.shape_cast %get3A_1466 : vector<1x16xf32> to vector<16xf32>
        %mul3A_1468 = arith.mulf %get3A_1461, %get3A_1467 : vector<16xf32>
        %add3A_1469 = arith.addf %add3A_1455, %mul3A_1468 : vector<16xf32>
        %add3A_1470 = arith.constant 4 : i32
        %add3A_1471 = arith.addi %mul3A_27, %add3A_1470 : i32
        %get3A_1472 = arith.index_cast %add3A_1471 : i32 to index
        %get3A_1473 = arith.constant 224 : index
        %get3A_1474 = tpu.vector_load %arg6[%get3A_1472, %get3A_1473] {strides = array<i32>} : memref<104x512xf32, #tpu.memory_space<vmem>>, vector<1x16xf32>,
        %get3A_1475 = vector.shape_cast %get3A_1474 : vector<1x16xf32> to vector<16xf32>
        %add3A_1476 = arith.constant 14 : i32
        %add3A_1477 = arith.addi %mul3A_27, %add3A_1476 : i32
        %get3A_1478 = arith.index_cast %add3A_1477 : i32 to index
        %get3A_1479 = arith.constant 64 : index
        %get3A_1480 = tpu.vector_load %arg6[%get3A_1478, %get3A_1479] {strides = array<i32>} : memref<104x512xf32, #tpu.memory_space<vmem>>, vector<1x16xf32>,
        %get3A_1481 = vector.shape_cast %get3A_1480 : vector<1x16xf32> to vector<16xf32>
        %mul3A_1482 = arith.mulf %get3A_1475, %get3A_1481 : vector<16xf32>
        %add3A_1483 = arith.addf %add3A_1469, %mul3A_1482 : vector<16xf32>
        %add3A_1484 = arith.constant 4 : i32
        %add3A_1485 = arith.addi %mul3A_27, %add3A_1484 : i32
        %get3A_1486 = arith.index_cast %add3A_1485 : i32 to index
        %get3A_1487 = arith.constant 240 : index
        %get3A_1488 = tpu.vector_load %arg6[%get3A_1486, %get3A_1487] {strides = array<i32>} : memref<104x512xf32, #tpu.memory_space<vmem>>, vector<1x16xf32>,
        %get3A_1489 = vector.shape_cast %get3A_1488 : vector<1x16xf32> to vector<16xf32>
        %add3A_1490 = arith.constant 15 : i32
        %add3A_1491 = arith.addi %mul3A_27, %add3A_1490 : i32
        %get3A_1492 = arith.index_cast %add3A_1491 : i32 to index
        %get3A_1493 = arith.constant 64 : index
        %get3A_1494 = tpu.vector_load %arg6[%get3A_1492, %get3A_1493] {strides = array<i32>} : memref<104x512xf32, #tpu.memory_space<vmem>>, vector<1x16xf32>,
        %get3A_1495 = vector.shape_cast %get3A_1494 : vector<1x16xf32> to vector<16xf32>
        %mul3A_1496 = arith.mulf %get3A_1489, %get3A_1495 : vector<16xf32>
        %add3A_1497 = arith.addf %add3A_1483, %mul3A_1496 : vector<16xf32>
        %add3A_1498 = arith.constant 4 : i32
        %add3A_1499 = arith.addi %mul3A_27, %add3A_1498 : i32
        %get3A_1500 = arith.index_cast %add3A_1499 : i32 to index
        %get3A_1501 = arith.constant 256 : index
        %get3A_1502 = tpu.vector_load %arg6[%get3A_1500, %get3A_1501] {strides = array<i32>} : memref<104x512xf32, #tpu.memory_space<vmem>>, vector<1x16xf32>,
        %get3A_1503 = vector.shape_cast %get3A_1502 : vector<1x16xf32> to vector<16xf32>
        %add3A_1504 = arith.constant 16 : i32
        %add3A_1505 = arith.addi %mul3A_27, %add3A_1504 : i32
        %get3A_1506 = arith.index_cast %add3A_1505 : i32 to index
        %get3A_1507 = arith.constant 64 : index
        %get3A_1508 = tpu.vector_load %arg6[%get3A_1506, %get3A_1507] {strides = array<i32>} : memref<104x512xf32, #tpu.memory_space<vmem>>, vector<1x16xf32>,
        %get3A_1509 = vector.shape_cast %get3A_1508 : vector<1x16xf32> to vector<16xf32>
        %mul3A_1510 = arith.mulf %get3A_1503, %get3A_1509 : vector<16xf32>
        %add3A_1511 = arith.addf %add3A_1497, %mul3A_1510 : vector<16xf32>
        %add3A_1512 = arith.constant 4 : i32
        %add3A_1513 = arith.addi %mul3A_27, %add3A_1512 : i32
        %get3A_1514 = arith.index_cast %add3A_1513 : i32 to index
        %get3A_1515 = arith.constant 272 : index
        %get3A_1516 = tpu.vector_load %arg6[%get3A_1514, %get3A_1515] {strides = array<i32>} : memref<104x512xf32, #tpu.memory_space<vmem>>, vector<1x16xf32>,
        %get3A_1517 = vector.shape_cast %get3A_1516 : vector<1x16xf32> to vector<16xf32>
        %add3A_1518 = arith.constant 17 : i32
        %add3A_1519 = arith.addi %mul3A_27, %add3A_1518 : i32
        %get3A_1520 = arith.index_cast %add3A_1519 : i32 to index
        %get3A_1521 = arith.constant 64 : index
        %get3A_1522 = tpu.vector_load %arg6[%get3A_1520, %get3A_1521] {strides = array<i32>} : memref<104x512xf32, #tpu.memory_space<vmem>>, vector<1x16xf32>,
        %get3A_1523 = vector.shape_cast %get3A_1522 : vector<1x16xf32> to vector<16xf32>
        %mul3A_1524 = arith.mulf %get3A_1517, %get3A_1523 : vector<16xf32>
        %add3A_1525 = arith.addf %add3A_1511, %mul3A_1524 : vector<16xf32>
        %add3A_1526 = arith.constant 4 : i32
        %add3A_1527 = arith.addi %mul3A_27, %add3A_1526 : i32
        %get3A_1528 = arith.index_cast %add3A_1527 : i32 to index
        %get3A_1529 = arith.constant 288 : index
        %get3A_1530 = tpu.vector_load %arg6[%get3A_1528, %get3A_1529] {strides = array<i32>} : memref<104x512xf32, #tpu.memory_space<vmem>>, vector<1x16xf32>,
        %get3A_1531 = vector.shape_cast %get3A_1530 : vector<1x16xf32> to vector<16xf32>
        %add3A_1532 = arith.constant 18 : i32
        %add3A_1533 = arith.addi %mul3A_27, %add3A_1532 : i32
        %get3A_1534 = arith.index_cast %add3A_1533 : i32 to index
        %get3A_1535 = arith.constant 64 : index
        %get3A_1536 = tpu.vector_load %arg6[%get3A_1534, %get3A_1535] {strides = array<i32>} : memref<104x512xf32, #tpu.memory_space<vmem>>, vector<1x16xf32>,
        %get3A_1537 = vector.shape_cast %get3A_1536 : vector<1x16xf32> to vector<16xf32>
        %mul3A_1538 = arith.mulf %get3A_1531, %get3A_1537 : vector<16xf32>
        %add3A_1539 = arith.addf %add3A_1525, %mul3A_1538 : vector<16xf32>
        %add3A_1540 = arith.constant 4 : i32
        %add3A_1541 = arith.addi %mul3A_27, %add3A_1540 : i32
        %get3A_1542 = arith.index_cast %add3A_1541 : i32 to index
        %get3A_1543 = arith.constant 304 : index
        %get3A_1544 = tpu.vector_load %arg6[%get3A_1542, %get3A_1543] {strides = array<i32>} : memref<104x512xf32, #tpu.memory_space<vmem>>, vector<1x16xf32>,
        %get3A_1545 = vector.shape_cast %get3A_1544 : vector<1x16xf32> to vector<16xf32>
        %add3A_1546 = arith.constant 19 : i32
        %add3A_1547 = arith.addi %mul3A_27, %add3A_1546 : i32
        %get3A_1548 = arith.index_cast %add3A_1547 : i32 to index
        %get3A_1549 = arith.constant 64 : index
        %get3A_1550 = tpu.vector_load %arg6[%get3A_1548, %get3A_1549] {strides = array<i32>} : memref<104x512xf32, #tpu.memory_space<vmem>>, vector<1x16xf32>,
        %get3A_1551 = vector.shape_cast %get3A_1550 : vector<1x16xf32> to vector<16xf32>
        %mul3A_1552 = arith.mulf %get3A_1545, %get3A_1551 : vector<16xf32>
        %add3A_1553 = arith.addf %add3A_1539, %mul3A_1552 : vector<16xf32>
        %add3A_1554 = arith.constant 4 : i32
        %add3A_1555 = arith.addi %mul3A_27, %add3A_1554 : i32
        %get3A_1556 = arith.index_cast %add3A_1555 : i32 to index
        %get3A_1557 = arith.constant 320 : index
        %get3A_1558 = tpu.vector_load %arg6[%get3A_1556, %get3A_1557] {strides = array<i32>} : memref<104x512xf32, #tpu.memory_space<vmem>>, vector<1x16xf32>,
        %get3A_1559 = vector.shape_cast %get3A_1558 : vector<1x16xf32> to vector<16xf32>
        %add3A_1560 = arith.constant 20 : i32
        %add3A_1561 = arith.addi %mul3A_27, %add3A_1560 : i32
        %get3A_1562 = arith.index_cast %add3A_1561 : i32 to index
        %get3A_1563 = arith.constant 64 : index
        %get3A_1564 = tpu.vector_load %arg6[%get3A_1562, %get3A_1563] {strides = array<i32>} : memref<104x512xf32, #tpu.memory_space<vmem>>, vector<1x16xf32>,
        %get3A_1565 = vector.shape_cast %get3A_1564 : vector<1x16xf32> to vector<16xf32>
        %mul3A_1566 = arith.mulf %get3A_1559, %get3A_1565 : vector<16xf32>
        %add3A_1567 = arith.addf %add3A_1553, %mul3A_1566 : vector<16xf32>
        %add3A_1568 = arith.constant 4 : i32
        %add3A_1569 = arith.addi %mul3A_27, %add3A_1568 : i32
        %get3A_1570 = arith.index_cast %add3A_1569 : i32 to index
        %get3A_1571 = arith.constant 336 : index
        %get3A_1572 = tpu.vector_load %arg6[%get3A_1570, %get3A_1571] {strides = array<i32>} : memref<104x512xf32, #tpu.memory_space<vmem>>, vector<1x16xf32>,
        %get3A_1573 = vector.shape_cast %get3A_1572 : vector<1x16xf32> to vector<16xf32>
        %add3A_1574 = arith.constant 21 : i32
        %add3A_1575 = arith.addi %mul3A_27, %add3A_1574 : i32
        %get3A_1576 = arith.index_cast %add3A_1575 : i32 to index
        %get3A_1577 = arith.constant 64 : index
        %get3A_1578 = tpu.vector_load %arg6[%get3A_1576, %get3A_1577] {strides = array<i32>} : memref<104x512xf32, #tpu.memory_space<vmem>>, vector<1x16xf32>,
        %get3A_1579 = vector.shape_cast %get3A_1578 : vector<1x16xf32> to vector<16xf32>
        %mul3A_1580 = arith.mulf %get3A_1573, %get3A_1579 : vector<16xf32>
        %add3A_1581 = arith.addf %add3A_1567, %mul3A_1580 : vector<16xf32>
        %add3A_1582 = arith.constant 4 : i32
        %add3A_1583 = arith.addi %mul3A_27, %add3A_1582 : i32
        %get3A_1584 = arith.index_cast %add3A_1583 : i32 to index
        %get3A_1585 = arith.constant 352 : index
        %get3A_1586 = tpu.vector_load %arg6[%get3A_1584, %get3A_1585] {strides = array<i32>} : memref<104x512xf32, #tpu.memory_space<vmem>>, vector<1x16xf32>,
        %get3A_1587 = vector.shape_cast %get3A_1586 : vector<1x16xf32> to vector<16xf32>
        %add3A_1588 = arith.constant 22 : i32
        %add3A_1589 = arith.addi %mul3A_27, %add3A_1588 : i32
        %get3A_1590 = arith.index_cast %add3A_1589 : i32 to index
        %get3A_1591 = arith.constant 64 : index
        %get3A_1592 = tpu.vector_load %arg6[%get3A_1590, %get3A_1591] {strides = array<i32>} : memref<104x512xf32, #tpu.memory_space<vmem>>, vector<1x16xf32>,
        %get3A_1593 = vector.shape_cast %get3A_1592 : vector<1x16xf32> to vector<16xf32>
        %mul3A_1594 = arith.mulf %get3A_1587, %get3A_1593 : vector<16xf32>
        %add3A_1595 = arith.addf %add3A_1581, %mul3A_1594 : vector<16xf32>
        %add3A_1596 = arith.constant 4 : i32
        %add3A_1597 = arith.addi %mul3A_27, %add3A_1596 : i32
        %get3A_1598 = arith.index_cast %add3A_1597 : i32 to index
        %get3A_1599 = arith.constant 368 : index
        %get3A_1600 = tpu.vector_load %arg6[%get3A_1598, %get3A_1599] {strides = array<i32>} : memref<104x512xf32, #tpu.memory_space<vmem>>, vector<1x16xf32>,
        %get3A_1601 = vector.shape_cast %get3A_1600 : vector<1x16xf32> to vector<16xf32>
        %add3A_1602 = arith.constant 23 : i32
        %add3A_1603 = arith.addi %mul3A_27, %add3A_1602 : i32
        %get3A_1604 = arith.index_cast %add3A_1603 : i32 to index
        %get3A_1605 = arith.constant 64 : index
        %get3A_1606 = tpu.vector_load %arg6[%get3A_1604, %get3A_1605] {strides = array<i32>} : memref<104x512xf32, #tpu.memory_space<vmem>>, vector<1x16xf32>,
        %get3A_1607 = vector.shape_cast %get3A_1606 : vector<1x16xf32> to vector<16xf32>
        %mul3A_1608 = arith.mulf %get3A_1601, %get3A_1607 : vector<16xf32>
        %add3A_1609 = arith.addf %add3A_1595, %mul3A_1608 : vector<16xf32>
        %add3A_1610 = arith.constant 4 : i32
        %add3A_1611 = arith.addi %mul3A_27, %add3A_1610 : i32
        %get3A_1612 = arith.index_cast %add3A_1611 : i32 to index
        %get3A_1613 = arith.constant 384 : index
        %get3A_1614 = tpu.vector_load %arg6[%get3A_1612, %get3A_1613] {strides = array<i32>} : memref<104x512xf32, #tpu.memory_space<vmem>>, vector<1x16xf32>,
        %get3A_1615 = vector.shape_cast %get3A_1614 : vector<1x16xf32> to vector<16xf32>
        %add3A_1616 = arith.constant 24 : i32
        %add3A_1617 = arith.addi %mul3A_27, %add3A_1616 : i32
        %get3A_1618 = arith.index_cast %add3A_1617 : i32 to index
        %get3A_1619 = arith.constant 64 : index
        %get3A_1620 = tpu.vector_load %arg6[%get3A_1618, %get3A_1619] {strides = array<i32>} : memref<104x512xf32, #tpu.memory_space<vmem>>, vector<1x16xf32>,
        %get3A_1621 = vector.shape_cast %get3A_1620 : vector<1x16xf32> to vector<16xf32>
        %mul3A_1622 = arith.mulf %get3A_1615, %get3A_1621 : vector<16xf32>
        %add3A_1623 = arith.addf %add3A_1609, %mul3A_1622 : vector<16xf32>
        %add3A_1624 = arith.constant 4 : i32
        %add3A_1625 = arith.addi %mul3A_27, %add3A_1624 : i32
        %get3A_1626 = arith.index_cast %add3A_1625 : i32 to index
        %get3A_1627 = arith.constant 400 : index
        %get3A_1628 = tpu.vector_load %arg6[%get3A_1626, %get3A_1627] {strides = array<i32>} : memref<104x512xf32, #tpu.memory_space<vmem>>, vector<1x16xf32>,
        %get3A_1629 = vector.shape_cast %get3A_1628 : vector<1x16xf32> to vector<16xf32>
        %add3A_1630 = arith.constant 25 : i32
        %add3A_1631 = arith.addi %mul3A_27, %add3A_1630 : i32
        %get3A_1632 = arith.index_cast %add3A_1631 : i32 to index
        %get3A_1633 = arith.constant 64 : index
        %get3A_1634 = tpu.vector_load %arg6[%get3A_1632, %get3A_1633] {strides = array<i32>} : memref<104x512xf32, #tpu.memory_space<vmem>>, vector<1x16xf32>,
        %get3A_1635 = vector.shape_cast %get3A_1634 : vector<1x16xf32> to vector<16xf32>
        %mul3A_1636 = arith.mulf %get3A_1629, %get3A_1635 : vector<16xf32>
        %add3A_1637 = arith.addf %add3A_1623, %mul3A_1636 : vector<16xf32>
        %add3A_1638 = arith.constant 5 : i32
        %add3A_1639 = arith.addi %mul3A_27, %add3A_1638 : i32
        %get3A_1640 = arith.index_cast %add3A_1639 : i32 to index
        %get3A_1641 = arith.constant 96 : index
        %get3A_1642 = tpu.vector_load %arg6[%get3A_1640, %get3A_1641] {strides = array<i32>} : memref<104x512xf32, #tpu.memory_space<vmem>>, vector<1x16xf32>,
        %get3A_1643 = vector.shape_cast %get3A_1642 : vector<1x16xf32> to vector<16xf32>
        %add3A_1644 = arith.constant 6 : i32
        %add3A_1645 = arith.addi %mul3A_27, %add3A_1644 : i32
        %get3A_1646 = arith.index_cast %add3A_1645 : i32 to index
        %get3A_1647 = arith.constant 80 : index
        %get3A_1648 = tpu.vector_load %arg6[%get3A_1646, %get3A_1647] {strides = array<i32>} : memref<104x512xf32, #tpu.memory_space<vmem>>, vector<1x16xf32>,
        %get3A_1649 = vector.shape_cast %get3A_1648 : vector<1x16xf32> to vector<16xf32>
        %mul3A_1650 = arith.mulf %get3A_1643, %get3A_1649 : vector<16xf32>
        %add3A_1651 = arith.addf %add3A_1637, %mul3A_1650 : vector<16xf32>
        %add3A_1652 = arith.constant 5 : i32
        %add3A_1653 = arith.addi %mul3A_27, %add3A_1652 : i32
        %get3A_1654 = arith.index_cast %add3A_1653 : i32 to index
        %get3A_1655 = arith.constant 112 : index
        %get3A_1656 = tpu.vector_load %arg6[%get3A_1654, %get3A_1655] {strides = array<i32>} : memref<104x512xf32, #tpu.memory_space<vmem>>, vector<1x16xf32>,
        %get3A_1657 = vector.shape_cast %get3A_1656 : vector<1x16xf32> to vector<16xf32>
        %add3A_1658 = arith.constant 7 : i32
        %add3A_1659 = arith.addi %mul3A_27, %add3A_1658 : i32
        %get3A_1660 = arith.index_cast %add3A_1659 : i32 to index
        %get3A_1661 = arith.constant 80 : index
        %get3A_1662 = tpu.vector_load %arg6[%get3A_1660, %get3A_1661] {strides = array<i32>} : memref<104x512xf32, #tpu.memory_space<vmem>>, vector<1x16xf32>,
        %get3A_1663 = vector.shape_cast %get3A_1662 : vector<1x16xf32> to vector<16xf32>
        %mul3A_1664 = arith.mulf %get3A_1657, %get3A_1663 : vector<16xf32>
        %add3A_1665 = arith.addf %add3A_1651, %mul3A_1664 : vector<16xf32>
        %add3A_1666 = arith.constant 5 : i32
        %add3A_1667 = arith.addi %mul3A_27, %add3A_1666 : i32
        %get3A_1668 = arith.index_cast %add3A_1667 : i32 to index
        %get3A_1669 = arith.constant 128 : index
        %get3A_1670 = tpu.vector_load %arg6[%get3A_1668, %get3A_1669] {strides = array<i32>} : memref<104x512xf32, #tpu.memory_space<vmem>>, vector<1x16xf32>,
        %get3A_1671 = vector.shape_cast %get3A_1670 : vector<1x16xf32> to vector<16xf32>
        %add3A_1672 = arith.constant 8 : i32
        %add3A_1673 = arith.addi %mul3A_27, %add3A_1672 : i32
        %get3A_1674 = arith.index_cast %add3A_1673 : i32 to index
        %get3A_1675 = arith.constant 80 : index
        %get3A_1676 = tpu.vector_load %arg6[%get3A_1674, %get3A_1675] {strides = array<i32>} : memref<104x512xf32, #tpu.memory_space<vmem>>, vector<1x16xf32>,
        %get3A_1677 = vector.shape_cast %get3A_1676 : vector<1x16xf32> to vector<16xf32>
        %mul3A_1678 = arith.mulf %get3A_1671, %get3A_1677 : vector<16xf32>
        %add3A_1679 = arith.addf %add3A_1665, %mul3A_1678 : vector<16xf32>
        %add3A_1680 = arith.constant 5 : i32
        %add3A_1681 = arith.addi %mul3A_27, %add3A_1680 : i32
        %get3A_1682 = arith.index_cast %add3A_1681 : i32 to index
        %get3A_1683 = arith.constant 144 : index
        %get3A_1684 = tpu.vector_load %arg6[%get3A_1682, %get3A_1683] {strides = array<i32>} : memref<104x512xf32, #tpu.memory_space<vmem>>, vector<1x16xf32>,
        %get3A_1685 = vector.shape_cast %get3A_1684 : vector<1x16xf32> to vector<16xf32>
        %add3A_1686 = arith.constant 9 : i32
        %add3A_1687 = arith.addi %mul3A_27, %add3A_1686 : i32
        %get3A_1688 = arith.index_cast %add3A_1687 : i32 to index
        %get3A_1689 = arith.constant 80 : index
        %get3A_1690 = tpu.vector_load %arg6[%get3A_1688, %get3A_1689] {strides = array<i32>} : memref<104x512xf32, #tpu.memory_space<vmem>>, vector<1x16xf32>,
        %get3A_1691 = vector.shape_cast %get3A_1690 : vector<1x16xf32> to vector<16xf32>
        %mul3A_1692 = arith.mulf %get3A_1685, %get3A_1691 : vector<16xf32>
        %add3A_1693 = arith.addf %add3A_1679, %mul3A_1692 : vector<16xf32>
        %add3A_1694 = arith.constant 5 : i32
        %add3A_1695 = arith.addi %mul3A_27, %add3A_1694 : i32
        %get3A_1696 = arith.index_cast %add3A_1695 : i32 to index
        %get3A_1697 = arith.constant 160 : index
        %get3A_1698 = tpu.vector_load %arg6[%get3A_1696, %get3A_1697] {strides = array<i32>} : memref<104x512xf32, #tpu.memory_space<vmem>>, vector<1x16xf32>,
        %get3A_1699 = vector.shape_cast %get3A_1698 : vector<1x16xf32> to vector<16xf32>
        %add3A_1700 = arith.constant 10 : i32
        %add3A_1701 = arith.addi %mul3A_27, %add3A_1700 : i32
        %get3A_1702 = arith.index_cast %add3A_1701 : i32 to index
        %get3A_1703 = arith.constant 80 : index
        %get3A_1704 = tpu.vector_load %arg6[%get3A_1702, %get3A_1703] {strides = array<i32>} : memref<104x512xf32, #tpu.memory_space<vmem>>, vector<1x16xf32>,
        %get3A_1705 = vector.shape_cast %get3A_1704 : vector<1x16xf32> to vector<16xf32>
        %mul3A_1706 = arith.mulf %get3A_1699, %get3A_1705 : vector<16xf32>
        %add3A_1707 = arith.addf %add3A_1693, %mul3A_1706 : vector<16xf32>
        %add3A_1708 = arith.constant 5 : i32
        %add3A_1709 = arith.addi %mul3A_27, %add3A_1708 : i32
        %get3A_1710 = arith.index_cast %add3A_1709 : i32 to index
        %get3A_1711 = arith.constant 176 : index
        %get3A_1712 = tpu.vector_load %arg6[%get3A_1710, %get3A_1711] {strides = array<i32>} : memref<104x512xf32, #tpu.memory_space<vmem>>, vector<1x16xf32>,
        %get3A_1713 = vector.shape_cast %get3A_1712 : vector<1x16xf32> to vector<16xf32>
        %add3A_1714 = arith.constant 11 : i32
        %add3A_1715 = arith.addi %mul3A_27, %add3A_1714 : i32
        %get3A_1716 = arith.index_cast %add3A_1715 : i32 to index
        %get3A_1717 = arith.constant 80 : index
        %get3A_1718 = tpu.vector_load %arg6[%get3A_1716, %get3A_1717] {strides = array<i32>} : memref<104x512xf32, #tpu.memory_space<vmem>>, vector<1x16xf32>,
        %get3A_1719 = vector.shape_cast %get3A_1718 : vector<1x16xf32> to vector<16xf32>
        %mul3A_1720 = arith.mulf %get3A_1713, %get3A_1719 : vector<16xf32>
        %add3A_1721 = arith.addf %add3A_1707, %mul3A_1720 : vector<16xf32>
        %add3A_1722 = arith.constant 5 : i32
        %add3A_1723 = arith.addi %mul3A_27, %add3A_1722 : i32
        %get3A_1724 = arith.index_cast %add3A_1723 : i32 to index
        %get3A_1725 = arith.constant 192 : index
        %get3A_1726 = tpu.vector_load %arg6[%get3A_1724, %get3A_1725] {strides = array<i32>} : memref<104x512xf32, #tpu.memory_space<vmem>>, vector<1x16xf32>,
        %get3A_1727 = vector.shape_cast %get3A_1726 : vector<1x16xf32> to vector<16xf32>
        %add3A_1728 = arith.constant 12 : i32
        %add3A_1729 = arith.addi %mul3A_27, %add3A_1728 : i32
        %get3A_1730 = arith.index_cast %add3A_1729 : i32 to index
        %get3A_1731 = arith.constant 80 : index
        %get3A_1732 = tpu.vector_load %arg6[%get3A_1730, %get3A_1731] {strides = array<i32>} : memref<104x512xf32, #tpu.memory_space<vmem>>, vector<1x16xf32>,
        %get3A_1733 = vector.shape_cast %get3A_1732 : vector<1x16xf32> to vector<16xf32>
        %mul3A_1734 = arith.mulf %get3A_1727, %get3A_1733 : vector<16xf32>
        %add3A_1735 = arith.addf %add3A_1721, %mul3A_1734 : vector<16xf32>
        %add3A_1736 = arith.constant 5 : i32
        %add3A_1737 = arith.addi %mul3A_27, %add3A_1736 : i32
        %get3A_1738 = arith.index_cast %add3A_1737 : i32 to index
        %get3A_1739 = arith.constant 208 : index
        %get3A_1740 = tpu.vector_load %arg6[%get3A_1738, %get3A_1739] {strides = array<i32>} : memref<104x512xf32, #tpu.memory_space<vmem>>, vector<1x16xf32>,
        %get3A_1741 = vector.shape_cast %get3A_1740 : vector<1x16xf32> to vector<16xf32>
        %add3A_1742 = arith.constant 13 : i32
        %add3A_1743 = arith.addi %mul3A_27, %add3A_1742 : i32
        %get3A_1744 = arith.index_cast %add3A_1743 : i32 to index
        %get3A_1745 = arith.constant 80 : index
        %get3A_1746 = tpu.vector_load %arg6[%get3A_1744, %get3A_1745] {strides = array<i32>} : memref<104x512xf32, #tpu.memory_space<vmem>>, vector<1x16xf32>,
        %get3A_1747 = vector.shape_cast %get3A_1746 : vector<1x16xf32> to vector<16xf32>
        %mul3A_1748 = arith.mulf %get3A_1741, %get3A_1747 : vector<16xf32>
        %add3A_1749 = arith.addf %add3A_1735, %mul3A_1748 : vector<16xf32>
        %add3A_1750 = arith.constant 5 : i32
        %add3A_1751 = arith.addi %mul3A_27, %add3A_1750 : i32
        %get3A_1752 = arith.index_cast %add3A_1751 : i32 to index
        %get3A_1753 = arith.constant 224 : index
        %get3A_1754 = tpu.vector_load %arg6[%get3A_1752, %get3A_1753] {strides = array<i32>} : memref<104x512xf32, #tpu.memory_space<vmem>>, vector<1x16xf32>,
        %get3A_1755 = vector.shape_cast %get3A_1754 : vector<1x16xf32> to vector<16xf32>
        %add3A_1756 = arith.constant 14 : i32
        %add3A_1757 = arith.addi %mul3A_27, %add3A_1756 : i32
        %get3A_1758 = arith.index_cast %add3A_1757 : i32 to index
        %get3A_1759 = arith.constant 80 : index
        %get3A_1760 = tpu.vector_load %arg6[%get3A_1758, %get3A_1759] {strides = array<i32>} : memref<104x512xf32, #tpu.memory_space<vmem>>, vector<1x16xf32>,
        %get3A_1761 = vector.shape_cast %get3A_1760 : vector<1x16xf32> to vector<16xf32>
        %mul3A_1762 = arith.mulf %get3A_1755, %get3A_1761 : vector<16xf32>
        %add3A_1763 = arith.addf %add3A_1749, %mul3A_1762 : vector<16xf32>
        %add3A_1764 = arith.constant 5 : i32
        %add3A_1765 = arith.addi %mul3A_27, %add3A_1764 : i32
        %get3A_1766 = arith.index_cast %add3A_1765 : i32 to index
        %get3A_1767 = arith.constant 240 : index
        %get3A_1768 = tpu.vector_load %arg6[%get3A_1766, %get3A_1767] {strides = array<i32>} : memref<104x512xf32, #tpu.memory_space<vmem>>, vector<1x16xf32>,
        %get3A_1769 = vector.shape_cast %get3A_1768 : vector<1x16xf32> to vector<16xf32>
        %add3A_1770 = arith.constant 15 : i32
        %add3A_1771 = arith.addi %mul3A_27, %add3A_1770 : i32
        %get3A_1772 = arith.index_cast %add3A_1771 : i32 to index
        %get3A_1773 = arith.constant 80 : index
        %get3A_1774 = tpu.vector_load %arg6[%get3A_1772, %get3A_1773] {strides = array<i32>} : memref<104x512xf32, #tpu.memory_space<vmem>>, vector<1x16xf32>,
        %get3A_1775 = vector.shape_cast %get3A_1774 : vector<1x16xf32> to vector<16xf32>
        %mul3A_1776 = arith.mulf %get3A_1769, %get3A_1775 : vector<16xf32>
        %add3A_1777 = arith.addf %add3A_1763, %mul3A_1776 : vector<16xf32>
        %add3A_1778 = arith.constant 5 : i32
        %add3A_1779 = arith.addi %mul3A_27, %add3A_1778 : i32
        %get3A_1780 = arith.index_cast %add3A_1779 : i32 to index
        %get3A_1781 = arith.constant 256 : index
        %get3A_1782 = tpu.vector_load %arg6[%get3A_1780, %get3A_1781] {strides = array<i32>} : memref<104x512xf32, #tpu.memory_space<vmem>>, vector<1x16xf32>,
        %get3A_1783 = vector.shape_cast %get3A_1782 : vector<1x16xf32> to vector<16xf32>
        %add3A_1784 = arith.constant 16 : i32
        %add3A_1785 = arith.addi %mul3A_27, %add3A_1784 : i32
        %get3A_1786 = arith.index_cast %add3A_1785 : i32 to index
        %get3A_1787 = arith.constant 80 : index
        %get3A_1788 = tpu.vector_load %arg6[%get3A_1786, %get3A_1787] {strides = array<i32>} : memref<104x512xf32, #tpu.memory_space<vmem>>, vector<1x16xf32>,
        %get3A_1789 = vector.shape_cast %get3A_1788 : vector<1x16xf32> to vector<16xf32>
        %mul3A_1790 = arith.mulf %get3A_1783, %get3A_1789 : vector<16xf32>
        %add3A_1791 = arith.addf %add3A_1777, %mul3A_1790 : vector<16xf32>
        %add3A_1792 = arith.constant 5 : i32
        %add3A_1793 = arith.addi %mul3A_27, %add3A_1792 : i32
        %get3A_1794 = arith.index_cast %add3A_1793 : i32 to index
        %get3A_1795 = arith.constant 272 : index
        %get3A_1796 = tpu.vector_load %arg6[%get3A_1794, %get3A_1795] {strides = array<i32>} : memref<104x512xf32, #tpu.memory_space<vmem>>, vector<1x16xf32>,
        %get3A_1797 = vector.shape_cast %get3A_1796 : vector<1x16xf32> to vector<16xf32>
        %add3A_1798 = arith.constant 17 : i32
        %add3A_1799 = arith.addi %mul3A_27, %add3A_1798 : i32
        %get3A_1800 = arith.index_cast %add3A_1799 : i32 to index
        %get3A_1801 = arith.constant 80 : index
        %get3A_1802 = tpu.vector_load %arg6[%get3A_1800, %get3A_1801] {strides = array<i32>} : memref<104x512xf32, #tpu.memory_space<vmem>>, vector<1x16xf32>,
        %get3A_1803 = vector.shape_cast %get3A_1802 : vector<1x16xf32> to vector<16xf32>
        %mul3A_1804 = arith.mulf %get3A_1797, %get3A_1803 : vector<16xf32>
        %add3A_1805 = arith.addf %add3A_1791, %mul3A_1804 : vector<16xf32>
        %add3A_1806 = arith.constant 5 : i32
        %add3A_1807 = arith.addi %mul3A_27, %add3A_1806 : i32
        %get3A_1808 = arith.index_cast %add3A_1807 : i32 to index
        %get3A_1809 = arith.constant 288 : index
        %get3A_1810 = tpu.vector_load %arg6[%get3A_1808, %get3A_1809] {strides = array<i32>} : memref<104x512xf32, #tpu.memory_space<vmem>>, vector<1x16xf32>,
        %get3A_1811 = vector.shape_cast %get3A_1810 : vector<1x16xf32> to vector<16xf32>
        %add3A_1812 = arith.constant 18 : i32
        %add3A_1813 = arith.addi %mul3A_27, %add3A_1812 : i32
        %get3A_1814 = arith.index_cast %add3A_1813 : i32 to index
        %get3A_1815 = arith.constant 80 : index
        %get3A_1816 = tpu.vector_load %arg6[%get3A_1814, %get3A_1815] {strides = array<i32>} : memref<104x512xf32, #tpu.memory_space<vmem>>, vector<1x16xf32>,
        %get3A_1817 = vector.shape_cast %get3A_1816 : vector<1x16xf32> to vector<16xf32>
        %mul3A_1818 = arith.mulf %get3A_1811, %get3A_1817 : vector<16xf32>
        %add3A_1819 = arith.addf %add3A_1805, %mul3A_1818 : vector<16xf32>
        %add3A_1820 = arith.constant 5 : i32
        %add3A_1821 = arith.addi %mul3A_27, %add3A_1820 : i32
        %get3A_1822 = arith.index_cast %add3A_1821 : i32 to index
        %get3A_1823 = arith.constant 304 : index
        %get3A_1824 = tpu.vector_load %arg6[%get3A_1822, %get3A_1823] {strides = array<i32>} : memref<104x512xf32, #tpu.memory_space<vmem>>, vector<1x16xf32>,
        %get3A_1825 = vector.shape_cast %get3A_1824 : vector<1x16xf32> to vector<16xf32>
        %add3A_1826 = arith.constant 19 : i32
        %add3A_1827 = arith.addi %mul3A_27, %add3A_1826 : i32
        %get3A_1828 = arith.index_cast %add3A_1827 : i32 to index
        %get3A_1829 = arith.constant 80 : index
        %get3A_1830 = tpu.vector_load %arg6[%get3A_1828, %get3A_1829] {strides = array<i32>} : memref<104x512xf32, #tpu.memory_space<vmem>>, vector<1x16xf32>,
        %get3A_1831 = vector.shape_cast %get3A_1830 : vector<1x16xf32> to vector<16xf32>
        %mul3A_1832 = arith.mulf %get3A_1825, %get3A_1831 : vector<16xf32>
        %add3A_1833 = arith.addf %add3A_1819, %mul3A_1832 : vector<16xf32>
        %add3A_1834 = arith.constant 5 : i32
        %add3A_1835 = arith.addi %mul3A_27, %add3A_1834 : i32
        %get3A_1836 = arith.index_cast %add3A_1835 : i32 to index
        %get3A_1837 = arith.constant 320 : index
        %get3A_1838 = tpu.vector_load %arg6[%get3A_1836, %get3A_1837] {strides = array<i32>} : memref<104x512xf32, #tpu.memory_space<vmem>>, vector<1x16xf32>,
        %get3A_1839 = vector.shape_cast %get3A_1838 : vector<1x16xf32> to vector<16xf32>
        %add3A_1840 = arith.constant 20 : i32
        %add3A_1841 = arith.addi %mul3A_27, %add3A_1840 : i32
        %get3A_1842 = arith.index_cast %add3A_1841 : i32 to index
        %get3A_1843 = arith.constant 80 : index
        %get3A_1844 = tpu.vector_load %arg6[%get3A_1842, %get3A_1843] {strides = array<i32>} : memref<104x512xf32, #tpu.memory_space<vmem>>, vector<1x16xf32>,
        %get3A_1845 = vector.shape_cast %get3A_1844 : vector<1x16xf32> to vector<16xf32>
        %mul3A_1846 = arith.mulf %get3A_1839, %get3A_1845 : vector<16xf32>
        %add3A_1847 = arith.addf %add3A_1833, %mul3A_1846 : vector<16xf32>
        %add3A_1848 = arith.constant 5 : i32
        %add3A_1849 = arith.addi %mul3A_27, %add3A_1848 : i32
        %get3A_1850 = arith.index_cast %add3A_1849 : i32 to index
        %get3A_1851 = arith.constant 336 : index
        %get3A_1852 = tpu.vector_load %arg6[%get3A_1850, %get3A_1851] {strides = array<i32>} : memref<104x512xf32, #tpu.memory_space<vmem>>, vector<1x16xf32>,
        %get3A_1853 = vector.shape_cast %get3A_1852 : vector<1x16xf32> to vector<16xf32>
        %add3A_1854 = arith.constant 21 : i32
        %add3A_1855 = arith.addi %mul3A_27, %add3A_1854 : i32
        %get3A_1856 = arith.index_cast %add3A_1855 : i32 to index
        %get3A_1857 = arith.constant 80 : index
        %get3A_1858 = tpu.vector_load %arg6[%get3A_1856, %get3A_1857] {strides = array<i32>} : memref<104x512xf32, #tpu.memory_space<vmem>>, vector<1x16xf32>,
        %get3A_1859 = vector.shape_cast %get3A_1858 : vector<1x16xf32> to vector<16xf32>
        %mul3A_1860 = arith.mulf %get3A_1853, %get3A_1859 : vector<16xf32>
        %add3A_1861 = arith.addf %add3A_1847, %mul3A_1860 : vector<16xf32>
        %add3A_1862 = arith.constant 5 : i32
        %add3A_1863 = arith.addi %mul3A_27, %add3A_1862 : i32
        %get3A_1864 = arith.index_cast %add3A_1863 : i32 to index
        %get3A_1865 = arith.constant 352 : index
        %get3A_1866 = tpu.vector_load %arg6[%get3A_1864, %get3A_1865] {strides = array<i32>} : memref<104x512xf32, #tpu.memory_space<vmem>>, vector<1x16xf32>,
        %get3A_1867 = vector.shape_cast %get3A_1866 : vector<1x16xf32> to vector<16xf32>
        %add3A_1868 = arith.constant 22 : i32
        %add3A_1869 = arith.addi %mul3A_27, %add3A_1868 : i32
        %get3A_1870 = arith.index_cast %add3A_1869 : i32 to index
        %get3A_1871 = arith.constant 80 : index
        %get3A_1872 = tpu.vector_load %arg6[%get3A_1870, %get3A_1871] {strides = array<i32>} : memref<104x512xf32, #tpu.memory_space<vmem>>, vector<1x16xf32>,
        %get3A_1873 = vector.shape_cast %get3A_1872 : vector<1x16xf32> to vector<16xf32>
        %mul3A_1874 = arith.mulf %get3A_1867, %get3A_1873 : vector<16xf32>
        %add3A_1875 = arith.addf %add3A_1861, %mul3A_1874 : vector<16xf32>
        %add3A_1876 = arith.constant 5 : i32
        %add3A_1877 = arith.addi %mul3A_27, %add3A_1876 : i32
        %get3A_1878 = arith.index_cast %add3A_1877 : i32 to index
        %get3A_1879 = arith.constant 368 : index
        %get3A_1880 = tpu.vector_load %arg6[%get3A_1878, %get3A_1879] {strides = array<i32>} : memref<104x512xf32, #tpu.memory_space<vmem>>, vector<1x16xf32>,
        %get3A_1881 = vector.shape_cast %get3A_1880 : vector<1x16xf32> to vector<16xf32>
        %add3A_1882 = arith.constant 23 : i32
        %add3A_1883 = arith.addi %mul3A_27, %add3A_1882 : i32
        %get3A_1884 = arith.index_cast %add3A_1883 : i32 to index
        %get3A_1885 = arith.constant 80 : index
        %get3A_1886 = tpu.vector_load %arg6[%get3A_1884, %get3A_1885] {strides = array<i32>} : memref<104x512xf32, #tpu.memory_space<vmem>>, vector<1x16xf32>,
        %get3A_1887 = vector.shape_cast %get3A_1886 : vector<1x16xf32> to vector<16xf32>
        %mul3A_1888 = arith.mulf %get3A_1881, %get3A_1887 : vector<16xf32>
        %add3A_1889 = arith.addf %add3A_1875, %mul3A_1888 : vector<16xf32>
        %add3A_1890 = arith.constant 5 : i32
        %add3A_1891 = arith.addi %mul3A_27, %add3A_1890 : i32
        %get3A_1892 = arith.index_cast %add3A_1891 : i32 to index
        %get3A_1893 = arith.constant 384 : index
        %get3A_1894 = tpu.vector_load %arg6[%get3A_1892, %get3A_1893] {strides = array<i32>} : memref<104x512xf32, #tpu.memory_space<vmem>>, vector<1x16xf32>,
        %get3A_1895 = vector.shape_cast %get3A_1894 : vector<1x16xf32> to vector<16xf32>
        %add3A_1896 = arith.constant 24 : i32
        %add3A_1897 = arith.addi %mul3A_27, %add3A_1896 : i32
        %get3A_1898 = arith.index_cast %add3A_1897 : i32 to index
        %get3A_1899 = arith.constant 80 : index
        %get3A_1900 = tpu.vector_load %arg6[%get3A_1898, %get3A_1899] {strides = array<i32>} : memref<104x512xf32, #tpu.memory_space<vmem>>, vector<1x16xf32>,
        %get3A_1901 = vector.shape_cast %get3A_1900 : vector<1x16xf32> to vector<16xf32>
        %mul3A_1902 = arith.mulf %get3A_1895, %get3A_1901 : vector<16xf32>
        %add3A_1903 = arith.addf %add3A_1889, %mul3A_1902 : vector<16xf32>
        %add3A_1904 = arith.constant 5 : i32
        %add3A_1905 = arith.addi %mul3A_27, %add3A_1904 : i32
        %get3A_1906 = arith.index_cast %add3A_1905 : i32 to index
        %get3A_1907 = arith.constant 400 : index
        %get3A_1908 = tpu.vector_load %arg6[%get3A_1906, %get3A_1907] {strides = array<i32>} : memref<104x512xf32, #tpu.memory_space<vmem>>, vector<1x16xf32>,
        %get3A_1909 = vector.shape_cast %get3A_1908 : vector<1x16xf32> to vector<16xf32>
        %add3A_1910 = arith.constant 25 : i32
        %add3A_1911 = arith.addi %mul3A_27, %add3A_1910 : i32
        %get3A_1912 = arith.index_cast %add3A_1911 : i32 to index
        %get3A_1913 = arith.constant 80 : index
        %get3A_1914 = tpu.vector_load %arg6[%get3A_1912, %get3A_1913] {strides = array<i32>} : memref<104x512xf32, #tpu.memory_space<vmem>>, vector<1x16xf32>,
        %get3A_1915 = vector.shape_cast %get3A_1914 : vector<1x16xf32> to vector<16xf32>
        %mul3A_1916 = arith.mulf %get3A_1909, %get3A_1915 : vector<16xf32>
        %add3A_1917 = arith.addf %add3A_1903, %mul3A_1916 : vector<16xf32>
        %add3A_1918 = arith.constant 6 : i32
        %add3A_1919 = arith.addi %mul3A_27, %add3A_1918 : i32
        %get3A_1920 = arith.index_cast %add3A_1919 : i32 to index
        %get3A_1921 = arith.constant 112 : index
        %get3A_1922 = tpu.vector_load %arg6[%get3A_1920, %get3A_1921] {strides = array<i32>} : memref<104x512xf32, #tpu.memory_space<vmem>>, vector<1x16xf32>,
        %get3A_1923 = vector.shape_cast %get3A_1922 : vector<1x16xf32> to vector<16xf32>
        %add3A_1924 = arith.constant 7 : i32
        %add3A_1925 = arith.addi %mul3A_27, %add3A_1924 : i32
        %get3A_1926 = arith.index_cast %add3A_1925 : i32 to index
        %get3A_1927 = arith.constant 96 : index
        %get3A_1928 = tpu.vector_load %arg6[%get3A_1926, %get3A_1927] {strides = array<i32>} : memref<104x512xf32, #tpu.memory_space<vmem>>, vector<1x16xf32>,
        %get3A_1929 = vector.shape_cast %get3A_1928 : vector<1x16xf32> to vector<16xf32>
        %mul3A_1930 = arith.mulf %get3A_1923, %get3A_1929 : vector<16xf32>
        %add3A_1931 = arith.addf %add3A_1917, %mul3A_1930 : vector<16xf32>
        %add3A_1932 = arith.constant 6 : i32
        %add3A_1933 = arith.addi %mul3A_27, %add3A_1932 : i32
        %get3A_1934 = arith.index_cast %add3A_1933 : i32 to index
        %get3A_1935 = arith.constant 128 : index
        %get3A_1936 = tpu.vector_load %arg6[%get3A_1934, %get3A_1935] {strides = array<i32>} : memref<104x512xf32, #tpu.memory_space<vmem>>, vector<1x16xf32>,
        %get3A_1937 = vector.shape_cast %get3A_1936 : vector<1x16xf32> to vector<16xf32>
        %add3A_1938 = arith.constant 8 : i32
        %add3A_1939 = arith.addi %mul3A_27, %add3A_1938 : i32
        %get3A_1940 = arith.index_cast %add3A_1939 : i32 to index
        %get3A_1941 = arith.constant 96 : index
        %get3A_1942 = tpu.vector_load %arg6[%get3A_1940, %get3A_1941] {strides = array<i32>} : memref<104x512xf32, #tpu.memory_space<vmem>>, vector<1x16xf32>,
        %get3A_1943 = vector.shape_cast %get3A_1942 : vector<1x16xf32> to vector<16xf32>
        %mul3A_1944 = arith.mulf %get3A_1937, %get3A_1943 : vector<16xf32>
        %add3A_1945 = arith.addf %add3A_1931, %mul3A_1944 : vector<16xf32>
        %add3A_1946 = arith.constant 6 : i32
        %add3A_1947 = arith.addi %mul3A_27, %add3A_1946 : i32
        %get3A_1948 = arith.index_cast %add3A_1947 : i32 to index
        %get3A_1949 = arith.constant 144 : index
        %get3A_1950 = tpu.vector_load %arg6[%get3A_1948, %get3A_1949] {strides = array<i32>} : memref<104x512xf32, #tpu.memory_space<vmem>>, vector<1x16xf32>,
        %get3A_1951 = vector.shape_cast %get3A_1950 : vector<1x16xf32> to vector<16xf32>
        %add3A_1952 = arith.constant 9 : i32
        %add3A_1953 = arith.addi %mul3A_27, %add3A_1952 : i32
        %get3A_1954 = arith.index_cast %add3A_1953 : i32 to index
        %get3A_1955 = arith.constant 96 : index
        %get3A_1956 = tpu.vector_load %arg6[%get3A_1954, %get3A_1955] {strides = array<i32>} : memref<104x512xf32, #tpu.memory_space<vmem>>, vector<1x16xf32>,
        %get3A_1957 = vector.shape_cast %get3A_1956 : vector<1x16xf32> to vector<16xf32>
        %mul3A_1958 = arith.mulf %get3A_1951, %get3A_1957 : vector<16xf32>
        %add3A_1959 = arith.addf %add3A_1945, %mul3A_1958 : vector<16xf32>
        %add3A_1960 = arith.constant 6 : i32
        %add3A_1961 = arith.addi %mul3A_27, %add3A_1960 : i32
        %get3A_1962 = arith.index_cast %add3A_1961 : i32 to index
        %get3A_1963 = arith.constant 160 : index
        %get3A_1964 = tpu.vector_load %arg6[%get3A_1962, %get3A_1963] {strides = array<i32>} : memref<104x512xf32, #tpu.memory_space<vmem>>, vector<1x16xf32>,
        %get3A_1965 = vector.shape_cast %get3A_1964 : vector<1x16xf32> to vector<16xf32>
        %add3A_1966 = arith.constant 10 : i32
        %add3A_1967 = arith.addi %mul3A_27, %add3A_1966 : i32
        %get3A_1968 = arith.index_cast %add3A_1967 : i32 to index
        %get3A_1969 = arith.constant 96 : index
        %get3A_1970 = tpu.vector_load %arg6[%get3A_1968, %get3A_1969] {strides = array<i32>} : memref<104x512xf32, #tpu.memory_space<vmem>>, vector<1x16xf32>,
        %get3A_1971 = vector.shape_cast %get3A_1970 : vector<1x16xf32> to vector<16xf32>
        %mul3A_1972 = arith.mulf %get3A_1965, %get3A_1971 : vector<16xf32>
        %add3A_1973 = arith.addf %add3A_1959, %mul3A_1972 : vector<16xf32>
        %add3A_1974 = arith.constant 6 : i32
        %add3A_1975 = arith.addi %mul3A_27, %add3A_1974 : i32
        %get3A_1976 = arith.index_cast %add3A_1975 : i32 to index
        %get3A_1977 = arith.constant 176 : index
        %get3A_1978 = tpu.vector_load %arg6[%get3A_1976, %get3A_1977] {strides = array<i32>} : memref<104x512xf32, #tpu.memory_space<vmem>>, vector<1x16xf32>,
        %get3A_1979 = vector.shape_cast %get3A_1978 : vector<1x16xf32> to vector<16xf32>
        %add3A_1980 = arith.constant 11 : i32
        %add3A_1981 = arith.addi %mul3A_27, %add3A_1980 : i32
        %get3A_1982 = arith.index_cast %add3A_1981 : i32 to index
        %get3A_1983 = arith.constant 96 : index
        %get3A_1984 = tpu.vector_load %arg6[%get3A_1982, %get3A_1983] {strides = array<i32>} : memref<104x512xf32, #tpu.memory_space<vmem>>, vector<1x16xf32>,
        %get3A_1985 = vector.shape_cast %get3A_1984 : vector<1x16xf32> to vector<16xf32>
        %mul3A_1986 = arith.mulf %get3A_1979, %get3A_1985 : vector<16xf32>
        %add3A_1987 = arith.addf %add3A_1973, %mul3A_1986 : vector<16xf32>
        %add3A_1988 = arith.constant 6 : i32
        %add3A_1989 = arith.addi %mul3A_27, %add3A_1988 : i32
        %get3A_1990 = arith.index_cast %add3A_1989 : i32 to index
        %get3A_1991 = arith.constant 192 : index
        %get3A_1992 = tpu.vector_load %arg6[%get3A_1990, %get3A_1991] {strides = array<i32>} : memref<104x512xf32, #tpu.memory_space<vmem>>, vector<1x16xf32>,
        %get3A_1993 = vector.shape_cast %get3A_1992 : vector<1x16xf32> to vector<16xf32>
        %add3A_1994 = arith.constant 12 : i32
        %add3A_1995 = arith.addi %mul3A_27, %add3A_1994 : i32
        %get3A_1996 = arith.index_cast %add3A_1995 : i32 to index
        %get3A_1997 = arith.constant 96 : index
        %get3A_1998 = tpu.vector_load %arg6[%get3A_1996, %get3A_1997] {strides = array<i32>} : memref<104x512xf32, #tpu.memory_space<vmem>>, vector<1x16xf32>,
        %get3A_1999 = vector.shape_cast %get3A_1998 : vector<1x16xf32> to vector<16xf32>
        %mul3A_2000 = arith.mulf %get3A_1993, %get3A_1999 : vector<16xf32>
        %add3A_2001 = arith.addf %add3A_1987, %mul3A_2000 : vector<16xf32>
        %add3A_2002 = arith.constant 6 : i32
        %add3A_2003 = arith.addi %mul3A_27, %add3A_2002 : i32
        %get3A_2004 = arith.index_cast %add3A_2003 : i32 to index
        %get3A_2005 = arith.constant 208 : index
        %get3A_2006 = tpu.vector_load %arg6[%get3A_2004, %get3A_2005] {strides = array<i32>} : memref<104x512xf32, #tpu.memory_space<vmem>>, vector<1x16xf32>,
        %get3A_2007 = vector.shape_cast %get3A_2006 : vector<1x16xf32> to vector<16xf32>
        %add3A_2008 = arith.constant 13 : i32
        %add3A_2009 = arith.addi %mul3A_27, %add3A_2008 : i32
        %get3A_2010 = arith.index_cast %add3A_2009 : i32 to index
        %get3A_2011 = arith.constant 96 : index
        %get3A_2012 = tpu.vector_load %arg6[%get3A_2010, %get3A_2011] {strides = array<i32>} : memref<104x512xf32, #tpu.memory_space<vmem>>, vector<1x16xf32>,
        %get3A_2013 = vector.shape_cast %get3A_2012 : vector<1x16xf32> to vector<16xf32>
        %mul3A_2014 = arith.mulf %get3A_2007, %get3A_2013 : vector<16xf32>
        %add3A_2015 = arith.addf %add3A_2001, %mul3A_2014 : vector<16xf32>
        %add3A_2016 = arith.constant 6 : i32
        %add3A_2017 = arith.addi %mul3A_27, %add3A_2016 : i32
        %get3A_2018 = arith.index_cast %add3A_2017 : i32 to index
        %get3A_2019 = arith.constant 224 : index
        %get3A_2020 = tpu.vector_load %arg6[%get3A_2018, %get3A_2019] {strides = array<i32>} : memref<104x512xf32, #tpu.memory_space<vmem>>, vector<1x16xf32>,
        %get3A_2021 = vector.shape_cast %get3A_2020 : vector<1x16xf32> to vector<16xf32>
        %add3A_2022 = arith.constant 14 : i32
        %add3A_2023 = arith.addi %mul3A_27, %add3A_2022 : i32
        %get3A_2024 = arith.index_cast %add3A_2023 : i32 to index
        %get3A_2025 = arith.constant 96 : index
        %get3A_2026 = tpu.vector_load %arg6[%get3A_2024, %get3A_2025] {strides = array<i32>} : memref<104x512xf32, #tpu.memory_space<vmem>>, vector<1x16xf32>,
        %get3A_2027 = vector.shape_cast %get3A_2026 : vector<1x16xf32> to vector<16xf32>
        %mul3A_2028 = arith.mulf %get3A_2021, %get3A_2027 : vector<16xf32>
        %add3A_2029 = arith.addf %add3A_2015, %mul3A_2028 : vector<16xf32>
        %add3A_2030 = arith.constant 6 : i32
        %add3A_2031 = arith.addi %mul3A_27, %add3A_2030 : i32
        %get3A_2032 = arith.index_cast %add3A_2031 : i32 to index
        %get3A_2033 = arith.constant 240 : index
        %get3A_2034 = tpu.vector_load %arg6[%get3A_2032, %get3A_2033] {strides = array<i32>} : memref<104x512xf32, #tpu.memory_space<vmem>>, vector<1x16xf32>,
        %get3A_2035 = vector.shape_cast %get3A_2034 : vector<1x16xf32> to vector<16xf32>
        %add3A_2036 = arith.constant 15 : i32
        %add3A_2037 = arith.addi %mul3A_27, %add3A_2036 : i32
        %get3A_2038 = arith.index_cast %add3A_2037 : i32 to index
        %get3A_2039 = arith.constant 96 : index
        %get3A_2040 = tpu.vector_load %arg6[%get3A_2038, %get3A_2039] {strides = array<i32>} : memref<104x512xf32, #tpu.memory_space<vmem>>, vector<1x16xf32>,
        %get3A_2041 = vector.shape_cast %get3A_2040 : vector<1x16xf32> to vector<16xf32>
        %mul3A_2042 = arith.mulf %get3A_2035, %get3A_2041 : vector<16xf32>
        %add3A_2043 = arith.addf %add3A_2029, %mul3A_2042 : vector<16xf32>
        %add3A_2044 = arith.constant 6 : i32
        %add3A_2045 = arith.addi %mul3A_27, %add3A_2044 : i32
        %get3A_2046 = arith.index_cast %add3A_2045 : i32 to index
        %get3A_2047 = arith.constant 256 : index
        %get3A_2048 = tpu.vector_load %arg6[%get3A_2046, %get3A_2047] {strides = array<i32>} : memref<104x512xf32, #tpu.memory_space<vmem>>, vector<1x16xf32>,
        %get3A_2049 = vector.shape_cast %get3A_2048 : vector<1x16xf32> to vector<16xf32>
        %add3A_2050 = arith.constant 16 : i32
        %add3A_2051 = arith.addi %mul3A_27, %add3A_2050 : i32
        %get3A_2052 = arith.index_cast %add3A_2051 : i32 to index
        %get3A_2053 = arith.constant 96 : index
        %get3A_2054 = tpu.vector_load %arg6[%get3A_2052, %get3A_2053] {strides = array<i32>} : memref<104x512xf32, #tpu.memory_space<vmem>>, vector<1x16xf32>,
        %get3A_2055 = vector.shape_cast %get3A_2054 : vector<1x16xf32> to vector<16xf32>
        %mul3A_2056 = arith.mulf %get3A_2049, %get3A_2055 : vector<16xf32>
        %add3A_2057 = arith.addf %add3A_2043, %mul3A_2056 : vector<16xf32>
        %add3A_2058 = arith.constant 6 : i32
        %add3A_2059 = arith.addi %mul3A_27, %add3A_2058 : i32
        %get3A_2060 = arith.index_cast %add3A_2059 : i32 to index
        %get3A_2061 = arith.constant 272 : index
        %get3A_2062 = tpu.vector_load %arg6[%get3A_2060, %get3A_2061] {strides = array<i32>} : memref<104x512xf32, #tpu.memory_space<vmem>>, vector<1x16xf32>,
        %get3A_2063 = vector.shape_cast %get3A_2062 : vector<1x16xf32> to vector<16xf32>
        %add3A_2064 = arith.constant 17 : i32
        %add3A_2065 = arith.addi %mul3A_27, %add3A_2064 : i32
        %get3A_2066 = arith.index_cast %add3A_2065 : i32 to index
        %get3A_2067 = arith.constant 96 : index
        %get3A_2068 = tpu.vector_load %arg6[%get3A_2066, %get3A_2067] {strides = array<i32>} : memref<104x512xf32, #tpu.memory_space<vmem>>, vector<1x16xf32>,
        %get3A_2069 = vector.shape_cast %get3A_2068 : vector<1x16xf32> to vector<16xf32>
        %mul3A_2070 = arith.mulf %get3A_2063, %get3A_2069 : vector<16xf32>
        %add3A_2071 = arith.addf %add3A_2057, %mul3A_2070 : vector<16xf32>
        %add3A_2072 = arith.constant 6 : i32
        %add3A_2073 = arith.addi %mul3A_27, %add3A_2072 : i32
        %get3A_2074 = arith.index_cast %add3A_2073 : i32 to index
        %get3A_2075 = arith.constant 288 : index
        %get3A_2076 = tpu.vector_load %arg6[%get3A_2074, %get3A_2075] {strides = array<i32>} : memref<104x512xf32, #tpu.memory_space<vmem>>, vector<1x16xf32>,
        %get3A_2077 = vector.shape_cast %get3A_2076 : vector<1x16xf32> to vector<16xf32>
        %add3A_2078 = arith.constant 18 : i32
        %add3A_2079 = arith.addi %mul3A_27, %add3A_2078 : i32
        %get3A_2080 = arith.index_cast %add3A_2079 : i32 to index
        %get3A_2081 = arith.constant 96 : index
        %get3A_2082 = tpu.vector_load %arg6[%get3A_2080, %get3A_2081] {strides = array<i32>} : memref<104x512xf32, #tpu.memory_space<vmem>>, vector<1x16xf32>,
        %get3A_2083 = vector.shape_cast %get3A_2082 : vector<1x16xf32> to vector<16xf32>
        %mul3A_2084 = arith.mulf %get3A_2077, %get3A_2083 : vector<16xf32>
        %add3A_2085 = arith.addf %add3A_2071, %mul3A_2084 : vector<16xf32>
        %add3A_2086 = arith.constant 6 : i32
        %add3A_2087 = arith.addi %mul3A_27, %add3A_2086 : i32
        %get3A_2088 = arith.index_cast %add3A_2087 : i32 to index
        %get3A_2089 = arith.constant 304 : index
        %get3A_2090 = tpu.vector_load %arg6[%get3A_2088, %get3A_2089] {strides = array<i32>} : memref<104x512xf32, #tpu.memory_space<vmem>>, vector<1x16xf32>,
        %get3A_2091 = vector.shape_cast %get3A_2090 : vector<1x16xf32> to vector<16xf32>
        %add3A_2092 = arith.constant 19 : i32
        %add3A_2093 = arith.addi %mul3A_27, %add3A_2092 : i32
        %get3A_2094 = arith.index_cast %add3A_2093 : i32 to index
        %get3A_2095 = arith.constant 96 : index
        %get3A_2096 = tpu.vector_load %arg6[%get3A_2094, %get3A_2095] {strides = array<i32>} : memref<104x512xf32, #tpu.memory_space<vmem>>, vector<1x16xf32>,
        %get3A_2097 = vector.shape_cast %get3A_2096 : vector<1x16xf32> to vector<16xf32>
        %mul3A_2098 = arith.mulf %get3A_2091, %get3A_2097 : vector<16xf32>
        %add3A_2099 = arith.addf %add3A_2085, %mul3A_2098 : vector<16xf32>
        %add3A_2100 = arith.constant 6 : i32
        %add3A_2101 = arith.addi %mul3A_27, %add3A_2100 : i32
        %get3A_2102 = arith.index_cast %add3A_2101 : i32 to index
        %get3A_2103 = arith.constant 320 : index
        %get3A_2104 = tpu.vector_load %arg6[%get3A_2102, %get3A_2103] {strides = array<i32>} : memref<104x512xf32, #tpu.memory_space<vmem>>, vector<1x16xf32>,
        %get3A_2105 = vector.shape_cast %get3A_2104 : vector<1x16xf32> to vector<16xf32>
        %add3A_2106 = arith.constant 20 : i32
        %add3A_2107 = arith.addi %mul3A_27, %add3A_2106 : i32
        %get3A_2108 = arith.index_cast %add3A_2107 : i32 to index
        %get3A_2109 = arith.constant 96 : index
        %get3A_2110 = tpu.vector_load %arg6[%get3A_2108, %get3A_2109] {strides = array<i32>} : memref<104x512xf32, #tpu.memory_space<vmem>>, vector<1x16xf32>,
        %get3A_2111 = vector.shape_cast %get3A_2110 : vector<1x16xf32> to vector<16xf32>
        %mul3A_2112 = arith.mulf %get3A_2105, %get3A_2111 : vector<16xf32>
        %add3A_2113 = arith.addf %add3A_2099, %mul3A_2112 : vector<16xf32>
        %add3A_2114 = arith.constant 6 : i32
        %add3A_2115 = arith.addi %mul3A_27, %add3A_2114 : i32
        %get3A_2116 = arith.index_cast %add3A_2115 : i32 to index
        %get3A_2117 = arith.constant 336 : index
        %get3A_2118 = tpu.vector_load %arg6[%get3A_2116, %get3A_2117] {strides = array<i32>} : memref<104x512xf32, #tpu.memory_space<vmem>>, vector<1x16xf32>,
        %get3A_2119 = vector.shape_cast %get3A_2118 : vector<1x16xf32> to vector<16xf32>
        %add3A_2120 = arith.constant 21 : i32
        %add3A_2121 = arith.addi %mul3A_27, %add3A_2120 : i32
        %get3A_2122 = arith.index_cast %add3A_2121 : i32 to index
        %get3A_2123 = arith.constant 96 : index
        %get3A_2124 = tpu.vector_load %arg6[%get3A_2122, %get3A_2123] {strides = array<i32>} : memref<104x512xf32, #tpu.memory_space<vmem>>, vector<1x16xf32>,
        %get3A_2125 = vector.shape_cast %get3A_2124 : vector<1x16xf32> to vector<16xf32>
        %mul3A_2126 = arith.mulf %get3A_2119, %get3A_2125 : vector<16xf32>
        %add3A_2127 = arith.addf %add3A_2113, %mul3A_2126 : vector<16xf32>
        %add3A_2128 = arith.constant 6 : i32
        %add3A_2129 = arith.addi %mul3A_27, %add3A_2128 : i32
        %get3A_2130 = arith.index_cast %add3A_2129 : i32 to index
        %get3A_2131 = arith.constant 352 : index
        %get3A_2132 = tpu.vector_load %arg6[%get3A_2130, %get3A_2131] {strides = array<i32>} : memref<104x512xf32, #tpu.memory_space<vmem>>, vector<1x16xf32>,
        %get3A_2133 = vector.shape_cast %get3A_2132 : vector<1x16xf32> to vector<16xf32>
        %add3A_2134 = arith.constant 22 : i32
        %add3A_2135 = arith.addi %mul3A_27, %add3A_2134 : i32
        %get3A_2136 = arith.index_cast %add3A_2135 : i32 to index
        %get3A_2137 = arith.constant 96 : index
        %get3A_2138 = tpu.vector_load %arg6[%get3A_2136, %get3A_2137] {strides = array<i32>} : memref<104x512xf32, #tpu.memory_space<vmem>>, vector<1x16xf32>,
        %get3A_2139 = vector.shape_cast %get3A_2138 : vector<1x16xf32> to vector<16xf32>
        %mul3A_2140 = arith.mulf %get3A_2133, %get3A_2139 : vector<16xf32>
        %add3A_2141 = arith.addf %add3A_2127, %mul3A_2140 : vector<16xf32>
        %add3A_2142 = arith.constant 6 : i32
        %add3A_2143 = arith.addi %mul3A_27, %add3A_2142 : i32
        %get3A_2144 = arith.index_cast %add3A_2143 : i32 to index
        %get3A_2145 = arith.constant 368 : index
        %get3A_2146 = tpu.vector_load %arg6[%get3A_2144, %get3A_2145] {strides = array<i32>} : memref<104x512xf32, #tpu.memory_space<vmem>>, vector<1x16xf32>,
        %get3A_2147 = vector.shape_cast %get3A_2146 : vector<1x16xf32> to vector<16xf32>
        %add3A_2148 = arith.constant 23 : i32
        %add3A_2149 = arith.addi %mul3A_27, %add3A_2148 : i32
        %get3A_2150 = arith.index_cast %add3A_2149 : i32 to index
        %get3A_2151 = arith.constant 96 : index
        %get3A_2152 = tpu.vector_load %arg6[%get3A_2150, %get3A_2151] {strides = array<i32>} : memref<104x512xf32, #tpu.memory_space<vmem>>, vector<1x16xf32>,
        %get3A_2153 = vector.shape_cast %get3A_2152 : vector<1x16xf32> to vector<16xf32>
        %mul3A_2154 = arith.mulf %get3A_2147, %get3A_2153 : vector<16xf32>
        %add3A_2155 = arith.addf %add3A_2141, %mul3A_2154 : vector<16xf32>
        %add3A_2156 = arith.constant 6 : i32
        %add3A_2157 = arith.addi %mul3A_27, %add3A_2156 : i32
        %get3A_2158 = arith.index_cast %add3A_2157 : i32 to index
        %get3A_2159 = arith.constant 384 : index
        %get3A_2160 = tpu.vector_load %arg6[%get3A_2158, %get3A_2159] {strides = array<i32>} : memref<104x512xf32, #tpu.memory_space<vmem>>, vector<1x16xf32>,
        %get3A_2161 = vector.shape_cast %get3A_2160 : vector<1x16xf32> to vector<16xf32>
        %add3A_2162 = arith.constant 24 : i32
        %add3A_2163 = arith.addi %mul3A_27, %add3A_2162 : i32
        %get3A_2164 = arith.index_cast %add3A_2163 : i32 to index
        %get3A_2165 = arith.constant 96 : index
        %get3A_2166 = tpu.vector_load %arg6[%get3A_2164, %get3A_2165] {strides = array<i32>} : memref<104x512xf32, #tpu.memory_space<vmem>>, vector<1x16xf32>,
        %get3A_2167 = vector.shape_cast %get3A_2166 : vector<1x16xf32> to vector<16xf32>
        %mul3A_2168 = arith.mulf %get3A_2161, %get3A_2167 : vector<16xf32>
        %add3A_2169 = arith.addf %add3A_2155, %mul3A_2168 : vector<16xf32>
        %add3A_2170 = arith.constant 6 : i32
        %add3A_2171 = arith.addi %mul3A_27, %add3A_2170 : i32
        %get3A_2172 = arith.index_cast %add3A_2171 : i32 to index
        %get3A_2173 = arith.constant 400 : index
        %get3A_2174 = tpu.vector_load %arg6[%get3A_2172, %get3A_2173] {strides = array<i32>} : memref<104x512xf32, #tpu.memory_space<vmem>>, vector<1x16xf32>,
        %get3A_2175 = vector.shape_cast %get3A_2174 : vector<1x16xf32> to vector<16xf32>
        %add3A_2176 = arith.constant 25 : i32
        %add3A_2177 = arith.addi %mul3A_27, %add3A_2176 : i32
        %get3A_2178 = arith.index_cast %add3A_2177 : i32 to index
        %get3A_2179 = arith.constant 96 : index
        %get3A_2180 = tpu.vector_load %arg6[%get3A_2178, %get3A_2179] {strides = array<i32>} : memref<104x512xf32, #tpu.memory_space<vmem>>, vector<1x16xf32>,
        %get3A_2181 = vector.shape_cast %get3A_2180 : vector<1x16xf32> to vector<16xf32>
        %mul3A_2182 = arith.mulf %get3A_2175, %get3A_2181 : vector<16xf32>
        %add3A_2183 = arith.addf %add3A_2169, %mul3A_2182 : vector<16xf32>
        %add3A_2184 = arith.constant 7 : i32
        %add3A_2185 = arith.addi %mul3A_27, %add3A_2184 : i32
        %get3A_2186 = arith.index_cast %add3A_2185 : i32 to index
        %get3A_2187 = arith.constant 128 : index
        %get3A_2188 = tpu.vector_load %arg6[%get3A_2186, %get3A_2187] {strides = array<i32>} : memref<104x512xf32, #tpu.memory_space<vmem>>, vector<1x16xf32>,
        %get3A_2189 = vector.shape_cast %get3A_2188 : vector<1x16xf32> to vector<16xf32>
        %add3A_2190 = arith.constant 8 : i32
        %add3A_2191 = arith.addi %mul3A_27, %add3A_2190 : i32
        %get3A_2192 = arith.index_cast %add3A_2191 : i32 to index
        %get3A_2193 = arith.constant 112 : index
        %get3A_2194 = tpu.vector_load %arg6[%get3A_2192, %get3A_2193] {strides = array<i32>} : memref<104x512xf32, #tpu.memory_space<vmem>>, vector<1x16xf32>,
        %get3A_2195 = vector.shape_cast %get3A_2194 : vector<1x16xf32> to vector<16xf32>
        %mul3A_2196 = arith.mulf %get3A_2189, %get3A_2195 : vector<16xf32>
        %add3A_2197 = arith.addf %add3A_2183, %mul3A_2196 : vector<16xf32>
        %add3A_2198 = arith.constant 7 : i32
        %add3A_2199 = arith.addi %mul3A_27, %add3A_2198 : i32
        %get3A_2200 = arith.index_cast %add3A_2199 : i32 to index
        %get3A_2201 = arith.constant 144 : index
        %get3A_2202 = tpu.vector_load %arg6[%get3A_2200, %get3A_2201] {strides = array<i32>} : memref<104x512xf32, #tpu.memory_space<vmem>>, vector<1x16xf32>,
        %get3A_2203 = vector.shape_cast %get3A_2202 : vector<1x16xf32> to vector<16xf32>
        %add3A_2204 = arith.constant 9 : i32
        %add3A_2205 = arith.addi %mul3A_27, %add3A_2204 : i32
        %get3A_2206 = arith.index_cast %add3A_2205 : i32 to index
        %get3A_2207 = arith.constant 112 : index
        %get3A_2208 = tpu.vector_load %arg6[%get3A_2206, %get3A_2207] {strides = array<i32>} : memref<104x512xf32, #tpu.memory_space<vmem>>, vector<1x16xf32>,
        %get3A_2209 = vector.shape_cast %get3A_2208 : vector<1x16xf32> to vector<16xf32>
        %mul3A_2210 = arith.mulf %get3A_2203, %get3A_2209 : vector<16xf32>
        %add3A_2211 = arith.addf %add3A_2197, %mul3A_2210 : vector<16xf32>
        %add3A_2212 = arith.constant 7 : i32
        %add3A_2213 = arith.addi %mul3A_27, %add3A_2212 : i32
        %get3A_2214 = arith.index_cast %add3A_2213 : i32 to index
        %get3A_2215 = arith.constant 160 : index
        %get3A_2216 = tpu.vector_load %arg6[%get3A_2214, %get3A_2215] {strides = array<i32>} : memref<104x512xf32, #tpu.memory_space<vmem>>, vector<1x16xf32>,
        %get3A_2217 = vector.shape_cast %get3A_2216 : vector<1x16xf32> to vector<16xf32>
        %add3A_2218 = arith.constant 10 : i32
        %add3A_2219 = arith.addi %mul3A_27, %add3A_2218 : i32
        %get3A_2220 = arith.index_cast %add3A_2219 : i32 to index
        %get3A_2221 = arith.constant 112 : index
        %get3A_2222 = tpu.vector_load %arg6[%get3A_2220, %get3A_2221] {strides = array<i32>} : memref<104x512xf32, #tpu.memory_space<vmem>>, vector<1x16xf32>,
        %get3A_2223 = vector.shape_cast %get3A_2222 : vector<1x16xf32> to vector<16xf32>
        %mul3A_2224 = arith.mulf %get3A_2217, %get3A_2223 : vector<16xf32>
        %add3A_2225 = arith.addf %add3A_2211, %mul3A_2224 : vector<16xf32>
        %add3A_2226 = arith.constant 7 : i32
        %add3A_2227 = arith.addi %mul3A_27, %add3A_2226 : i32
        %get3A_2228 = arith.index_cast %add3A_2227 : i32 to index
        %get3A_2229 = arith.constant 176 : index
        %get3A_2230 = tpu.vector_load %arg6[%get3A_2228, %get3A_2229] {strides = array<i32>} : memref<104x512xf32, #tpu.memory_space<vmem>>, vector<1x16xf32>,
        %get3A_2231 = vector.shape_cast %get3A_2230 : vector<1x16xf32> to vector<16xf32>
        %add3A_2232 = arith.constant 11 : i32
        %add3A_2233 = arith.addi %mul3A_27, %add3A_2232 : i32
        %get3A_2234 = arith.index_cast %add3A_2233 : i32 to index
        %get3A_2235 = arith.constant 112 : index
        %get3A_2236 = tpu.vector_load %arg6[%get3A_2234, %get3A_2235] {strides = array<i32>} : memref<104x512xf32, #tpu.memory_space<vmem>>, vector<1x16xf32>,
        %get3A_2237 = vector.shape_cast %get3A_2236 : vector<1x16xf32> to vector<16xf32>
        %mul3A_2238 = arith.mulf %get3A_2231, %get3A_2237 : vector<16xf32>
        %add3A_2239 = arith.addf %add3A_2225, %mul3A_2238 : vector<16xf32>
        %add3A_2240 = arith.constant 7 : i32
        %add3A_2241 = arith.addi %mul3A_27, %add3A_2240 : i32
        %get3A_2242 = arith.index_cast %add3A_2241 : i32 to index
        %get3A_2243 = arith.constant 192 : index
        %get3A_2244 = tpu.vector_load %arg6[%get3A_2242, %get3A_2243] {strides = array<i32>} : memref<104x512xf32, #tpu.memory_space<vmem>>, vector<1x16xf32>,
        %get3A_2245 = vector.shape_cast %get3A_2244 : vector<1x16xf32> to vector<16xf32>
        %add3A_2246 = arith.constant 12 : i32
        %add3A_2247 = arith.addi %mul3A_27, %add3A_2246 : i32
        %get3A_2248 = arith.index_cast %add3A_2247 : i32 to index
        %get3A_2249 = arith.constant 112 : index
        %get3A_2250 = tpu.vector_load %arg6[%get3A_2248, %get3A_2249] {strides = array<i32>} : memref<104x512xf32, #tpu.memory_space<vmem>>, vector<1x16xf32>,
        %get3A_2251 = vector.shape_cast %get3A_2250 : vector<1x16xf32> to vector<16xf32>
        %mul3A_2252 = arith.mulf %get3A_2245, %get3A_2251 : vector<16xf32>
        %add3A_2253 = arith.addf %add3A_2239, %mul3A_2252 : vector<16xf32>
        %add3A_2254 = arith.constant 7 : i32
        %add3A_2255 = arith.addi %mul3A_27, %add3A_2254 : i32
        %get3A_2256 = arith.index_cast %add3A_2255 : i32 to index
        %get3A_2257 = arith.constant 208 : index
        %get3A_2258 = tpu.vector_load %arg6[%get3A_2256, %get3A_2257] {strides = array<i32>} : memref<104x512xf32, #tpu.memory_space<vmem>>, vector<1x16xf32>,
        %get3A_2259 = vector.shape_cast %get3A_2258 : vector<1x16xf32> to vector<16xf32>
        %add3A_2260 = arith.constant 13 : i32
        %add3A_2261 = arith.addi %mul3A_27, %add3A_2260 : i32
        %get3A_2262 = arith.index_cast %add3A_2261 : i32 to index
        %get3A_2263 = arith.constant 112 : index
        %get3A_2264 = tpu.vector_load %arg6[%get3A_2262, %get3A_2263] {strides = array<i32>} : memref<104x512xf32, #tpu.memory_space<vmem>>, vector<1x16xf32>,
        %get3A_2265 = vector.shape_cast %get3A_2264 : vector<1x16xf32> to vector<16xf32>
        %mul3A_2266 = arith.mulf %get3A_2259, %get3A_2265 : vector<16xf32>
        %add3A_2267 = arith.addf %add3A_2253, %mul3A_2266 : vector<16xf32>
        %add3A_2268 = arith.constant 7 : i32
        %add3A_2269 = arith.addi %mul3A_27, %add3A_2268 : i32
        %get3A_2270 = arith.index_cast %add3A_2269 : i32 to index
        %get3A_2271 = arith.constant 224 : index
        %get3A_2272 = tpu.vector_load %arg6[%get3A_2270, %get3A_2271] {strides = array<i32>} : memref<104x512xf32, #tpu.memory_space<vmem>>, vector<1x16xf32>,
        %get3A_2273 = vector.shape_cast %get3A_2272 : vector<1x16xf32> to vector<16xf32>
        %add3A_2274 = arith.constant 14 : i32
        %add3A_2275 = arith.addi %mul3A_27, %add3A_2274 : i32
        %get3A_2276 = arith.index_cast %add3A_2275 : i32 to index
        %get3A_2277 = arith.constant 112 : index
        %get3A_2278 = tpu.vector_load %arg6[%get3A_2276, %get3A_2277] {strides = array<i32>} : memref<104x512xf32, #tpu.memory_space<vmem>>, vector<1x16xf32>,
        %get3A_2279 = vector.shape_cast %get3A_2278 : vector<1x16xf32> to vector<16xf32>
        %mul3A_2280 = arith.mulf %get3A_2273, %get3A_2279 : vector<16xf32>
        %add3A_2281 = arith.addf %add3A_2267, %mul3A_2280 : vector<16xf32>
        %add3A_2282 = arith.constant 7 : i32
        %add3A_2283 = arith.addi %mul3A_27, %add3A_2282 : i32
        %get3A_2284 = arith.index_cast %add3A_2283 : i32 to index
        %get3A_2285 = arith.constant 240 : index
        %get3A_2286 = tpu.vector_load %arg6[%get3A_2284, %get3A_2285] {strides = array<i32>} : memref<104x512xf32, #tpu.memory_space<vmem>>, vector<1x16xf32>,
        %get3A_2287 = vector.shape_cast %get3A_2286 : vector<1x16xf32> to vector<16xf32>
        %add3A_2288 = arith.constant 15 : i32
        %add3A_2289 = arith.addi %mul3A_27, %add3A_2288 : i32
        %get3A_2290 = arith.index_cast %add3A_2289 : i32 to index
        %get3A_2291 = arith.constant 112 : index
        %get3A_2292 = tpu.vector_load %arg6[%get3A_2290, %get3A_2291] {strides = array<i32>} : memref<104x512xf32, #tpu.memory_space<vmem>>, vector<1x16xf32>,
        %get3A_2293 = vector.shape_cast %get3A_2292 : vector<1x16xf32> to vector<16xf32>
        %mul3A_2294 = arith.mulf %get3A_2287, %get3A_2293 : vector<16xf32>
        %add3A_2295 = arith.addf %add3A_2281, %mul3A_2294 : vector<16xf32>
        %add3A_2296 = arith.constant 7 : i32
        %add3A_2297 = arith.addi %mul3A_27, %add3A_2296 : i32
        %get3A_2298 = arith.index_cast %add3A_2297 : i32 to index
        %get3A_2299 = arith.constant 256 : index
        %get3A_2300 = tpu.vector_load %arg6[%get3A_2298, %get3A_2299] {strides = array<i32>} : memref<104x512xf32, #tpu.memory_space<vmem>>, vector<1x16xf32>,
        %get3A_2301 = vector.shape_cast %get3A_2300 : vector<1x16xf32> to vector<16xf32>
        %add3A_2302 = arith.constant 16 : i32
        %add3A_2303 = arith.addi %mul3A_27, %add3A_2302 : i32
        %get3A_2304 = arith.index_cast %add3A_2303 : i32 to index
        %get3A_2305 = arith.constant 112 : index
        %get3A_2306 = tpu.vector_load %arg6[%get3A_2304, %get3A_2305] {strides = array<i32>} : memref<104x512xf32, #tpu.memory_space<vmem>>, vector<1x16xf32>,
        %get3A_2307 = vector.shape_cast %get3A_2306 : vector<1x16xf32> to vector<16xf32>
        %mul3A_2308 = arith.mulf %get3A_2301, %get3A_2307 : vector<16xf32>
        %add3A_2309 = arith.addf %add3A_2295, %mul3A_2308 : vector<16xf32>
        %add3A_2310 = arith.constant 7 : i32
        %add3A_2311 = arith.addi %mul3A_27, %add3A_2310 : i32
        %get3A_2312 = arith.index_cast %add3A_2311 : i32 to index
        %get3A_2313 = arith.constant 272 : index
        %get3A_2314 = tpu.vector_load %arg6[%get3A_2312, %get3A_2313] {strides = array<i32>} : memref<104x512xf32, #tpu.memory_space<vmem>>, vector<1x16xf32>,
        %get3A_2315 = vector.shape_cast %get3A_2314 : vector<1x16xf32> to vector<16xf32>
        %add3A_2316 = arith.constant 17 : i32
        %add3A_2317 = arith.addi %mul3A_27, %add3A_2316 : i32
        %get3A_2318 = arith.index_cast %add3A_2317 : i32 to index
        %get3A_2319 = arith.constant 112 : index
        %get3A_2320 = tpu.vector_load %arg6[%get3A_2318, %get3A_2319] {strides = array<i32>} : memref<104x512xf32, #tpu.memory_space<vmem>>, vector<1x16xf32>,
        %get3A_2321 = vector.shape_cast %get3A_2320 : vector<1x16xf32> to vector<16xf32>
        %mul3A_2322 = arith.mulf %get3A_2315, %get3A_2321 : vector<16xf32>
        %add3A_2323 = arith.addf %add3A_2309, %mul3A_2322 : vector<16xf32>
        %add3A_2324 = arith.constant 7 : i32
        %add3A_2325 = arith.addi %mul3A_27, %add3A_2324 : i32
        %get3A_2326 = arith.index_cast %add3A_2325 : i32 to index
        %get3A_2327 = arith.constant 288 : index
        %get3A_2328 = tpu.vector_load %arg6[%get3A_2326, %get3A_2327] {strides = array<i32>} : memref<104x512xf32, #tpu.memory_space<vmem>>, vector<1x16xf32>,
        %get3A_2329 = vector.shape_cast %get3A_2328 : vector<1x16xf32> to vector<16xf32>
        %add3A_2330 = arith.constant 18 : i32
        %add3A_2331 = arith.addi %mul3A_27, %add3A_2330 : i32
        %get3A_2332 = arith.index_cast %add3A_2331 : i32 to index
        %get3A_2333 = arith.constant 112 : index
        %get3A_2334 = tpu.vector_load %arg6[%get3A_2332, %get3A_2333] {strides = array<i32>} : memref<104x512xf32, #tpu.memory_space<vmem>>, vector<1x16xf32>,
        %get3A_2335 = vector.shape_cast %get3A_2334 : vector<1x16xf32> to vector<16xf32>
        %mul3A_2336 = arith.mulf %get3A_2329, %get3A_2335 : vector<16xf32>
        %add3A_2337 = arith.addf %add3A_2323, %mul3A_2336 : vector<16xf32>
        %add3A_2338 = arith.constant 7 : i32
        %add3A_2339 = arith.addi %mul3A_27, %add3A_2338 : i32
        %get3A_2340 = arith.index_cast %add3A_2339 : i32 to index
        %get3A_2341 = arith.constant 304 : index
        %get3A_2342 = tpu.vector_load %arg6[%get3A_2340, %get3A_2341] {strides = array<i32>} : memref<104x512xf32, #tpu.memory_space<vmem>>, vector<1x16xf32>,
        %get3A_2343 = vector.shape_cast %get3A_2342 : vector<1x16xf32> to vector<16xf32>
        %add3A_2344 = arith.constant 19 : i32
        %add3A_2345 = arith.addi %mul3A_27, %add3A_2344 : i32
        %get3A_2346 = arith.index_cast %add3A_2345 : i32 to index
        %get3A_2347 = arith.constant 112 : index
        %get3A_2348 = tpu.vector_load %arg6[%get3A_2346, %get3A_2347] {strides = array<i32>} : memref<104x512xf32, #tpu.memory_space<vmem>>, vector<1x16xf32>,
        %get3A_2349 = vector.shape_cast %get3A_2348 : vector<1x16xf32> to vector<16xf32>
        %mul3A_2350 = arith.mulf %get3A_2343, %get3A_2349 : vector<16xf32>
        %add3A_2351 = arith.addf %add3A_2337, %mul3A_2350 : vector<16xf32>
        %add3A_2352 = arith.constant 7 : i32
        %add3A_2353 = arith.addi %mul3A_27, %add3A_2352 : i32
        %get3A_2354 = arith.index_cast %add3A_2353 : i32 to index
        %get3A_2355 = arith.constant 320 : index
        %get3A_2356 = tpu.vector_load %arg6[%get3A_2354, %get3A_2355] {strides = array<i32>} : memref<104x512xf32, #tpu.memory_space<vmem>>, vector<1x16xf32>,
        %get3A_2357 = vector.shape_cast %get3A_2356 : vector<1x16xf32> to vector<16xf32>
        %add3A_2358 = arith.constant 20 : i32
        %add3A_2359 = arith.addi %mul3A_27, %add3A_2358 : i32
        %get3A_2360 = arith.index_cast %add3A_2359 : i32 to index
        %get3A_2361 = arith.constant 112 : index
        %get3A_2362 = tpu.vector_load %arg6[%get3A_2360, %get3A_2361] {strides = array<i32>} : memref<104x512xf32, #tpu.memory_space<vmem>>, vector<1x16xf32>,
        %get3A_2363 = vector.shape_cast %get3A_2362 : vector<1x16xf32> to vector<16xf32>
        %mul3A_2364 = arith.mulf %get3A_2357, %get3A_2363 : vector<16xf32>
        %add3A_2365 = arith.addf %add3A_2351, %mul3A_2364 : vector<16xf32>
        %add3A_2366 = arith.constant 7 : i32
        %add3A_2367 = arith.addi %mul3A_27, %add3A_2366 : i32
        %get3A_2368 = arith.index_cast %add3A_2367 : i32 to index
        %get3A_2369 = arith.constant 336 : index
        %get3A_2370 = tpu.vector_load %arg6[%get3A_2368, %get3A_2369] {strides = array<i32>} : memref<104x512xf32, #tpu.memory_space<vmem>>, vector<1x16xf32>,
        %get3A_2371 = vector.shape_cast %get3A_2370 : vector<1x16xf32> to vector<16xf32>
        %add3A_2372 = arith.constant 21 : i32
        %add3A_2373 = arith.addi %mul3A_27, %add3A_2372 : i32
        %get3A_2374 = arith.index_cast %add3A_2373 : i32 to index
        %get3A_2375 = arith.constant 112 : index
        %get3A_2376 = tpu.vector_load %arg6[%get3A_2374, %get3A_2375] {strides = array<i32>} : memref<104x512xf32, #tpu.memory_space<vmem>>, vector<1x16xf32>,
        %get3A_2377 = vector.shape_cast %get3A_2376 : vector<1x16xf32> to vector<16xf32>
        %mul3A_2378 = arith.mulf %get3A_2371, %get3A_2377 : vector<16xf32>
        %add3A_2379 = arith.addf %add3A_2365, %mul3A_2378 : vector<16xf32>
        %add3A_2380 = arith.constant 7 : i32
        %add3A_2381 = arith.addi %mul3A_27, %add3A_2380 : i32
        %get3A_2382 = arith.index_cast %add3A_2381 : i32 to index
        %get3A_2383 = arith.constant 352 : index
        %get3A_2384 = tpu.vector_load %arg6[%get3A_2382, %get3A_2383] {strides = array<i32>} : memref<104x512xf32, #tpu.memory_space<vmem>>, vector<1x16xf32>,
        %get3A_2385 = vector.shape_cast %get3A_2384 : vector<1x16xf32> to vector<16xf32>
        %add3A_2386 = arith.constant 22 : i32
        %add3A_2387 = arith.addi %mul3A_27, %add3A_2386 : i32
        %get3A_2388 = arith.index_cast %add3A_2387 : i32 to index
        %get3A_2389 = arith.constant 112 : index
        %get3A_2390 = tpu.vector_load %arg6[%get3A_2388, %get3A_2389] {strides = array<i32>} : memref<104x512xf32, #tpu.memory_space<vmem>>, vector<1x16xf32>,
        %get3A_2391 = vector.shape_cast %get3A_2390 : vector<1x16xf32> to vector<16xf32>
        %mul3A_2392 = arith.mulf %get3A_2385, %get3A_2391 : vector<16xf32>
        %add3A_2393 = arith.addf %add3A_2379, %mul3A_2392 : vector<16xf32>
        %add3A_2394 = arith.constant 7 : i32
        %add3A_2395 = arith.addi %mul3A_27, %add3A_2394 : i32
        %get3A_2396 = arith.index_cast %add3A_2395 : i32 to index
        %get3A_2397 = arith.constant 368 : index
        %get3A_2398 = tpu.vector_load %arg6[%get3A_2396, %get3A_2397] {strides = array<i32>} : memref<104x512xf32, #tpu.memory_space<vmem>>, vector<1x16xf32>,
        %get3A_2399 = vector.shape_cast %get3A_2398 : vector<1x16xf32> to vector<16xf32>
        %add3A_2400 = arith.constant 23 : i32
        %add3A_2401 = arith.addi %mul3A_27, %add3A_2400 : i32
        %get3A_2402 = arith.index_cast %add3A_2401 : i32 to index
        %get3A_2403 = arith.constant 112 : index
        %get3A_2404 = tpu.vector_load %arg6[%get3A_2402, %get3A_2403] {strides = array<i32>} : memref<104x512xf32, #tpu.memory_space<vmem>>, vector<1x16xf32>,
        %get3A_2405 = vector.shape_cast %get3A_2404 : vector<1x16xf32> to vector<16xf32>
        %mul3A_2406 = arith.mulf %get3A_2399, %get3A_2405 : vector<16xf32>
        %add3A_2407 = arith.addf %add3A_2393, %mul3A_2406 : vector<16xf32>
        %add3A_2408 = arith.constant 7 : i32
        %add3A_2409 = arith.addi %mul3A_27, %add3A_2408 : i32
        %get3A_2410 = arith.index_cast %add3A_2409 : i32 to index
        %get3A_2411 = arith.constant 384 : index
        %get3A_2412 = tpu.vector_load %arg6[%get3A_2410, %get3A_2411] {strides = array<i32>} : memref<104x512xf32, #tpu.memory_space<vmem>>, vector<1x16xf32>,
        %get3A_2413 = vector.shape_cast %get3A_2412 : vector<1x16xf32> to vector<16xf32>
        %add3A_2414 = arith.constant 24 : i32
        %add3A_2415 = arith.addi %mul3A_27, %add3A_2414 : i32
        %get3A_2416 = arith.index_cast %add3A_2415 : i32 to index
        %get3A_2417 = arith.constant 112 : index
        %get3A_2418 = tpu.vector_load %arg6[%get3A_2416, %get3A_2417] {strides = array<i32>} : memref<104x512xf32, #tpu.memory_space<vmem>>, vector<1x16xf32>,
        %get3A_2419 = vector.shape_cast %get3A_2418 : vector<1x16xf32> to vector<16xf32>
        %mul3A_2420 = arith.mulf %get3A_2413, %get3A_2419 : vector<16xf32>
        %add3A_2421 = arith.addf %add3A_2407, %mul3A_2420 : vector<16xf32>
        %add3A_2422 = arith.constant 7 : i32
        %add3A_2423 = arith.addi %mul3A_27, %add3A_2422 : i32
        %get3A_2424 = arith.index_cast %add3A_2423 : i32 to index
        %get3A_2425 = arith.constant 400 : index
        %get3A_2426 = tpu.vector_load %arg6[%get3A_2424, %get3A_2425] {strides = array<i32>} : memref<104x512xf32, #tpu.memory_space<vmem>>, vector<1x16xf32>,
        %get3A_2427 = vector.shape_cast %get3A_2426 : vector<1x16xf32> to vector<16xf32>
        %add3A_2428 = arith.constant 25 : i32
        %add3A_2429 = arith.addi %mul3A_27, %add3A_2428 : i32
        %get3A_2430 = arith.index_cast %add3A_2429 : i32 to index
        %get3A_2431 = arith.constant 112 : index
        %get3A_2432 = tpu.vector_load %arg6[%get3A_2430, %get3A_2431] {strides = array<i32>} : memref<104x512xf32, #tpu.memory_space<vmem>>, vector<1x16xf32>,
        %get3A_2433 = vector.shape_cast %get3A_2432 : vector<1x16xf32> to vector<16xf32>
        %mul3A_2434 = arith.mulf %get3A_2427, %get3A_2433 : vector<16xf32>
        %add3A_2435 = arith.addf %add3A_2421, %mul3A_2434 : vector<16xf32>
        %add3A_2436 = arith.constant 8 : i32
        %add3A_2437 = arith.addi %mul3A_27, %add3A_2436 : i32
        %get3A_2438 = arith.index_cast %add3A_2437 : i32 to index
        %get3A_2439 = arith.constant 144 : index
        %get3A_2440 = tpu.vector_load %arg6[%get3A_2438, %get3A_2439] {strides = array<i32>} : memref<104x512xf32, #tpu.memory_space<vmem>>, vector<1x16xf32>,
        %get3A_2441 = vector.shape_cast %get3A_2440 : vector<1x16xf32> to vector<16xf32>
        %add3A_2442 = arith.constant 9 : i32
        %add3A_2443 = arith.addi %mul3A_27, %add3A_2442 : i32
        %get3A_2444 = arith.index_cast %add3A_2443 : i32 to index
        %get3A_2445 = arith.constant 128 : index
        %get3A_2446 = tpu.vector_load %arg6[%get3A_2444, %get3A_2445] {strides = array<i32>} : memref<104x512xf32, #tpu.memory_space<vmem>>, vector<1x16xf32>,
        %get3A_2447 = vector.shape_cast %get3A_2446 : vector<1x16xf32> to vector<16xf32>
        %mul3A_2448 = arith.mulf %get3A_2441, %get3A_2447 : vector<16xf32>
        %add3A_2449 = arith.addf %add3A_2435, %mul3A_2448 : vector<16xf32>
        %add3A_2450 = arith.constant 8 : i32
        %add3A_2451 = arith.addi %mul3A_27, %add3A_2450 : i32
        %get3A_2452 = arith.index_cast %add3A_2451 : i32 to index
        %get3A_2453 = arith.constant 160 : index
        %get3A_2454 = tpu.vector_load %arg6[%get3A_2452, %get3A_2453] {strides = array<i32>} : memref<104x512xf32, #tpu.memory_space<vmem>>, vector<1x16xf32>,
        %get3A_2455 = vector.shape_cast %get3A_2454 : vector<1x16xf32> to vector<16xf32>
        %add3A_2456 = arith.constant 10 : i32
        %add3A_2457 = arith.addi %mul3A_27, %add3A_2456 : i32
        %get3A_2458 = arith.index_cast %add3A_2457 : i32 to index
        %get3A_2459 = arith.constant 128 : index
        %get3A_2460 = tpu.vector_load %arg6[%get3A_2458, %get3A_2459] {strides = array<i32>} : memref<104x512xf32, #tpu.memory_space<vmem>>, vector<1x16xf32>,
        %get3A_2461 = vector.shape_cast %get3A_2460 : vector<1x16xf32> to vector<16xf32>
        %mul3A_2462 = arith.mulf %get3A_2455, %get3A_2461 : vector<16xf32>
        %add3A_2463 = arith.addf %add3A_2449, %mul3A_2462 : vector<16xf32>
        %add3A_2464 = arith.constant 8 : i32
        %add3A_2465 = arith.addi %mul3A_27, %add3A_2464 : i32
        %get3A_2466 = arith.index_cast %add3A_2465 : i32 to index
        %get3A_2467 = arith.constant 176 : index
        %get3A_2468 = tpu.vector_load %arg6[%get3A_2466, %get3A_2467] {strides = array<i32>} : memref<104x512xf32, #tpu.memory_space<vmem>>, vector<1x16xf32>,
        %get3A_2469 = vector.shape_cast %get3A_2468 : vector<1x16xf32> to vector<16xf32>
        %add3A_2470 = arith.constant 11 : i32
        %add3A_2471 = arith.addi %mul3A_27, %add3A_2470 : i32
        %get3A_2472 = arith.index_cast %add3A_2471 : i32 to index
        %get3A_2473 = arith.constant 128 : index
        %get3A_2474 = tpu.vector_load %arg6[%get3A_2472, %get3A_2473] {strides = array<i32>} : memref<104x512xf32, #tpu.memory_space<vmem>>, vector<1x16xf32>,
        %get3A_2475 = vector.shape_cast %get3A_2474 : vector<1x16xf32> to vector<16xf32>
        %mul3A_2476 = arith.mulf %get3A_2469, %get3A_2475 : vector<16xf32>
        %add3A_2477 = arith.addf %add3A_2463, %mul3A_2476 : vector<16xf32>
        %add3A_2478 = arith.constant 8 : i32
        %add3A_2479 = arith.addi %mul3A_27, %add3A_2478 : i32
        %get3A_2480 = arith.index_cast %add3A_2479 : i32 to index
        %get3A_2481 = arith.constant 192 : index
        %get3A_2482 = tpu.vector_load %arg6[%get3A_2480, %get3A_2481] {strides = array<i32>} : memref<104x512xf32, #tpu.memory_space<vmem>>, vector<1x16xf32>,
        %get3A_2483 = vector.shape_cast %get3A_2482 : vector<1x16xf32> to vector<16xf32>
        %add3A_2484 = arith.constant 12 : i32
        %add3A_2485 = arith.addi %mul3A_27, %add3A_2484 : i32
        %get3A_2486 = arith.index_cast %add3A_2485 : i32 to index
        %get3A_2487 = arith.constant 128 : index
        %get3A_2488 = tpu.vector_load %arg6[%get3A_2486, %get3A_2487] {strides = array<i32>} : memref<104x512xf32, #tpu.memory_space<vmem>>, vector<1x16xf32>,
        %get3A_2489 = vector.shape_cast %get3A_2488 : vector<1x16xf32> to vector<16xf32>
        %mul3A_2490 = arith.mulf %get3A_2483, %get3A_2489 : vector<16xf32>
        %add3A_2491 = arith.addf %add3A_2477, %mul3A_2490 : vector<16xf32>
        %add3A_2492 = arith.constant 8 : i32
        %add3A_2493 = arith.addi %mul3A_27, %add3A_2492 : i32
        %get3A_2494 = arith.index_cast %add3A_2493 : i32 to index
        %get3A_2495 = arith.constant 208 : index
        %get3A_2496 = tpu.vector_load %arg6[%get3A_2494, %get3A_2495] {strides = array<i32>} : memref<104x512xf32, #tpu.memory_space<vmem>>, vector<1x16xf32>,
        %get3A_2497 = vector.shape_cast %get3A_2496 : vector<1x16xf32> to vector<16xf32>
        %add3A_2498 = arith.constant 13 : i32
        %add3A_2499 = arith.addi %mul3A_27, %add3A_2498 : i32
        %get3A_2500 = arith.index_cast %add3A_2499 : i32 to index
        %get3A_2501 = arith.constant 128 : index
        %get3A_2502 = tpu.vector_load %arg6[%get3A_2500, %get3A_2501] {strides = array<i32>} : memref<104x512xf32, #tpu.memory_space<vmem>>, vector<1x16xf32>,
        %get3A_2503 = vector.shape_cast %get3A_2502 : vector<1x16xf32> to vector<16xf32>
        %mul3A_2504 = arith.mulf %get3A_2497, %get3A_2503 : vector<16xf32>
        %add3A_2505 = arith.addf %add3A_2491, %mul3A_2504 : vector<16xf32>
        %add3A_2506 = arith.constant 8 : i32
        %add3A_2507 = arith.addi %mul3A_27, %add3A_2506 : i32
        %get3A_2508 = arith.index_cast %add3A_2507 : i32 to index
        %get3A_2509 = arith.constant 224 : index
        %get3A_2510 = tpu.vector_load %arg6[%get3A_2508, %get3A_2509] {strides = array<i32>} : memref<104x512xf32, #tpu.memory_space<vmem>>, vector<1x16xf32>,
        %get3A_2511 = vector.shape_cast %get3A_2510 : vector<1x16xf32> to vector<16xf32>
        %add3A_2512 = arith.constant 14 : i32
        %add3A_2513 = arith.addi %mul3A_27, %add3A_2512 : i32
        %get3A_2514 = arith.index_cast %add3A_2513 : i32 to index
        %get3A_2515 = arith.constant 128 : index
        %get3A_2516 = tpu.vector_load %arg6[%get3A_2514, %get3A_2515] {strides = array<i32>} : memref<104x512xf32, #tpu.memory_space<vmem>>, vector<1x16xf32>,
        %get3A_2517 = vector.shape_cast %get3A_2516 : vector<1x16xf32> to vector<16xf32>
        %mul3A_2518 = arith.mulf %get3A_2511, %get3A_2517 : vector<16xf32>
        %add3A_2519 = arith.addf %add3A_2505, %mul3A_2518 : vector<16xf32>
        %add3A_2520 = arith.constant 8 : i32
        %add3A_2521 = arith.addi %mul3A_27, %add3A_2520 : i32
        %get3A_2522 = arith.index_cast %add3A_2521 : i32 to index
        %get3A_2523 = arith.constant 240 : index
        %get3A_2524 = tpu.vector_load %arg6[%get3A_2522, %get3A_2523] {strides = array<i32>} : memref<104x512xf32, #tpu.memory_space<vmem>>, vector<1x16xf32>,
        %get3A_2525 = vector.shape_cast %get3A_2524 : vector<1x16xf32> to vector<16xf32>
        %add3A_2526 = arith.constant 15 : i32
        %add3A_2527 = arith.addi %mul3A_27, %add3A_2526 : i32
        %get3A_2528 = arith.index_cast %add3A_2527 : i32 to index
        %get3A_2529 = arith.constant 128 : index
        %get3A_2530 = tpu.vector_load %arg6[%get3A_2528, %get3A_2529] {strides = array<i32>} : memref<104x512xf32, #tpu.memory_space<vmem>>, vector<1x16xf32>,
        %get3A_2531 = vector.shape_cast %get3A_2530 : vector<1x16xf32> to vector<16xf32>
        %mul3A_2532 = arith.mulf %get3A_2525, %get3A_2531 : vector<16xf32>
        %add3A_2533 = arith.addf %add3A_2519, %mul3A_2532 : vector<16xf32>
        %add3A_2534 = arith.constant 8 : i32
        %add3A_2535 = arith.addi %mul3A_27, %add3A_2534 : i32
        %get3A_2536 = arith.index_cast %add3A_2535 : i32 to index
        %get3A_2537 = arith.constant 256 : index
        %get3A_2538 = tpu.vector_load %arg6[%get3A_2536, %get3A_2537] {strides = array<i32>} : memref<104x512xf32, #tpu.memory_space<vmem>>, vector<1x16xf32>,
        %get3A_2539 = vector.shape_cast %get3A_2538 : vector<1x16xf32> to vector<16xf32>
        %add3A_2540 = arith.constant 16 : i32
        %add3A_2541 = arith.addi %mul3A_27, %add3A_2540 : i32
        %get3A_2542 = arith.index_cast %add3A_2541 : i32 to index
        %get3A_2543 = arith.constant 128 : index
        %get3A_2544 = tpu.vector_load %arg6[%get3A_2542, %get3A_2543] {strides = array<i32>} : memref<104x512xf32, #tpu.memory_space<vmem>>, vector<1x16xf32>,
        %get3A_2545 = vector.shape_cast %get3A_2544 : vector<1x16xf32> to vector<16xf32>
        %mul3A_2546 = arith.mulf %get3A_2539, %get3A_2545 : vector<16xf32>
        %add3A_2547 = arith.addf %add3A_2533, %mul3A_2546 : vector<16xf32>
        %add3A_2548 = arith.constant 8 : i32
        %add3A_2549 = arith.addi %mul3A_27, %add3A_2548 : i32
        %get3A_2550 = arith.index_cast %add3A_2549 : i32 to index
        %get3A_2551 = arith.constant 272 : index
        %get3A_2552 = tpu.vector_load %arg6[%get3A_2550, %get3A_2551] {strides = array<i32>} : memref<104x512xf32, #tpu.memory_space<vmem>>, vector<1x16xf32>,
        %get3A_2553 = vector.shape_cast %get3A_2552 : vector<1x16xf32> to vector<16xf32>
        %add3A_2554 = arith.constant 17 : i32
        %add3A_2555 = arith.addi %mul3A_27, %add3A_2554 : i32
        %get3A_2556 = arith.index_cast %add3A_2555 : i32 to index
        %get3A_2557 = arith.constant 128 : index
        %get3A_2558 = tpu.vector_load %arg6[%get3A_2556, %get3A_2557] {strides = array<i32>} : memref<104x512xf32, #tpu.memory_space<vmem>>, vector<1x16xf32>,
        %get3A_2559 = vector.shape_cast %get3A_2558 : vector<1x16xf32> to vector<16xf32>
        %mul3A_2560 = arith.mulf %get3A_2553, %get3A_2559 : vector<16xf32>
        %add3A_2561 = arith.addf %add3A_2547, %mul3A_2560 : vector<16xf32>
        %add3A_2562 = arith.constant 8 : i32
        %add3A_2563 = arith.addi %mul3A_27, %add3A_2562 : i32
        %get3A_2564 = arith.index_cast %add3A_2563 : i32 to index
        %get3A_2565 = arith.constant 288 : index
        %get3A_2566 = tpu.vector_load %arg6[%get3A_2564, %get3A_2565] {strides = array<i32>} : memref<104x512xf32, #tpu.memory_space<vmem>>, vector<1x16xf32>,
        %get3A_2567 = vector.shape_cast %get3A_2566 : vector<1x16xf32> to vector<16xf32>
        %add3A_2568 = arith.constant 18 : i32
        %add3A_2569 = arith.addi %mul3A_27, %add3A_2568 : i32
        %get3A_2570 = arith.index_cast %add3A_2569 : i32 to index
        %get3A_2571 = arith.constant 128 : index
        %get3A_2572 = tpu.vector_load %arg6[%get3A_2570, %get3A_2571] {strides = array<i32>} : memref<104x512xf32, #tpu.memory_space<vmem>>, vector<1x16xf32>,
        %get3A_2573 = vector.shape_cast %get3A_2572 : vector<1x16xf32> to vector<16xf32>
        %mul3A_2574 = arith.mulf %get3A_2567, %get3A_2573 : vector<16xf32>
        %add3A_2575 = arith.addf %add3A_2561, %mul3A_2574 : vector<16xf32>
        %add3A_2576 = arith.constant 8 : i32
        %add3A_2577 = arith.addi %mul3A_27, %add3A_2576 : i32
        %get3A_2578 = arith.index_cast %add3A_2577 : i32 to index
        %get3A_2579 = arith.constant 304 : index
        %get3A_2580 = tpu.vector_load %arg6[%get3A_2578, %get3A_2579] {strides = array<i32>} : memref<104x512xf32, #tpu.memory_space<vmem>>, vector<1x16xf32>,
        %get3A_2581 = vector.shape_cast %get3A_2580 : vector<1x16xf32> to vector<16xf32>
        %add3A_2582 = arith.constant 19 : i32
        %add3A_2583 = arith.addi %mul3A_27, %add3A_2582 : i32
        %get3A_2584 = arith.index_cast %add3A_2583 : i32 to index
        %get3A_2585 = arith.constant 128 : index
        %get3A_2586 = tpu.vector_load %arg6[%get3A_2584, %get3A_2585] {strides = array<i32>} : memref<104x512xf32, #tpu.memory_space<vmem>>, vector<1x16xf32>,
        %get3A_2587 = vector.shape_cast %get3A_2586 : vector<1x16xf32> to vector<16xf32>
        %mul3A_2588 = arith.mulf %get3A_2581, %get3A_2587 : vector<16xf32>
        %add3A_2589 = arith.addf %add3A_2575, %mul3A_2588 : vector<16xf32>
        %add3A_2590 = arith.constant 8 : i32
        %add3A_2591 = arith.addi %mul3A_27, %add3A_2590 : i32
        %get3A_2592 = arith.index_cast %add3A_2591 : i32 to index
        %get3A_2593 = arith.constant 320 : index
        %get3A_2594 = tpu.vector_load %arg6[%get3A_2592, %get3A_2593] {strides = array<i32>} : memref<104x512xf32, #tpu.memory_space<vmem>>, vector<1x16xf32>,
        %get3A_2595 = vector.shape_cast %get3A_2594 : vector<1x16xf32> to vector<16xf32>
        %add3A_2596 = arith.constant 20 : i32
        %add3A_2597 = arith.addi %mul3A_27, %add3A_2596 : i32
        %get3A_2598 = arith.index_cast %add3A_2597 : i32 to index
        %get3A_2599 = arith.constant 128 : index
        %get3A_2600 = tpu.vector_load %arg6[%get3A_2598, %get3A_2599] {strides = array<i32>} : memref<104x512xf32, #tpu.memory_space<vmem>>, vector<1x16xf32>,
        %get3A_2601 = vector.shape_cast %get3A_2600 : vector<1x16xf32> to vector<16xf32>
        %mul3A_2602 = arith.mulf %get3A_2595, %get3A_2601 : vector<16xf32>
        %add3A_2603 = arith.addf %add3A_2589, %mul3A_2602 : vector<16xf32>
        %add3A_2604 = arith.constant 8 : i32
        %add3A_2605 = arith.addi %mul3A_27, %add3A_2604 : i32
        %get3A_2606 = arith.index_cast %add3A_2605 : i32 to index
        %get3A_2607 = arith.constant 336 : index
        %get3A_2608 = tpu.vector_load %arg6[%get3A_2606, %get3A_2607] {strides = array<i32>} : memref<104x512xf32, #tpu.memory_space<vmem>>, vector<1x16xf32>,
        %get3A_2609 = vector.shape_cast %get3A_2608 : vector<1x16xf32> to vector<16xf32>
        %add3A_2610 = arith.constant 21 : i32
        %add3A_2611 = arith.addi %mul3A_27, %add3A_2610 : i32
        %get3A_2612 = arith.index_cast %add3A_2611 : i32 to index
        %get3A_2613 = arith.constant 128 : index
        %get3A_2614 = tpu.vector_load %arg6[%get3A_2612, %get3A_2613] {strides = array<i32>} : memref<104x512xf32, #tpu.memory_space<vmem>>, vector<1x16xf32>,
        %get3A_2615 = vector.shape_cast %get3A_2614 : vector<1x16xf32> to vector<16xf32>
        %mul3A_2616 = arith.mulf %get3A_2609, %get3A_2615 : vector<16xf32>
        %add3A_2617 = arith.addf %add3A_2603, %mul3A_2616 : vector<16xf32>
        %add3A_2618 = arith.constant 8 : i32
        %add3A_2619 = arith.addi %mul3A_27, %add3A_2618 : i32
        %get3A_2620 = arith.index_cast %add3A_2619 : i32 to index
        %get3A_2621 = arith.constant 352 : index
        %get3A_2622 = tpu.vector_load %arg6[%get3A_2620, %get3A_2621] {strides = array<i32>} : memref<104x512xf32, #tpu.memory_space<vmem>>, vector<1x16xf32>,
        %get3A_2623 = vector.shape_cast %get3A_2622 : vector<1x16xf32> to vector<16xf32>
        %add3A_2624 = arith.constant 22 : i32
        %add3A_2625 = arith.addi %mul3A_27, %add3A_2624 : i32
        %get3A_2626 = arith.index_cast %add3A_2625 : i32 to index
        %get3A_2627 = arith.constant 128 : index
        %get3A_2628 = tpu.vector_load %arg6[%get3A_2626, %get3A_2627] {strides = array<i32>} : memref<104x512xf32, #tpu.memory_space<vmem>>, vector<1x16xf32>,
        %get3A_2629 = vector.shape_cast %get3A_2628 : vector<1x16xf32> to vector<16xf32>
        %mul3A_2630 = arith.mulf %get3A_2623, %get3A_2629 : vector<16xf32>
        %add3A_2631 = arith.addf %add3A_2617, %mul3A_2630 : vector<16xf32>
        %add3A_2632 = arith.constant 8 : i32
        %add3A_2633 = arith.addi %mul3A_27, %add3A_2632 : i32
        %get3A_2634 = arith.index_cast %add3A_2633 : i32 to index
        %get3A_2635 = arith.constant 368 : index
        %get3A_2636 = tpu.vector_load %arg6[%get3A_2634, %get3A_2635] {strides = array<i32>} : memref<104x512xf32, #tpu.memory_space<vmem>>, vector<1x16xf32>,
        %get3A_2637 = vector.shape_cast %get3A_2636 : vector<1x16xf32> to vector<16xf32>
        %add3A_2638 = arith.constant 23 : i32
        %add3A_2639 = arith.addi %mul3A_27, %add3A_2638 : i32
        %get3A_2640 = arith.index_cast %add3A_2639 : i32 to index
        %get3A_2641 = arith.constant 128 : index
        %get3A_2642 = tpu.vector_load %arg6[%get3A_2640, %get3A_2641] {strides = array<i32>} : memref<104x512xf32, #tpu.memory_space<vmem>>, vector<1x16xf32>,
        %get3A_2643 = vector.shape_cast %get3A_2642 : vector<1x16xf32> to vector<16xf32>
        %mul3A_2644 = arith.mulf %get3A_2637, %get3A_2643 : vector<16xf32>
        %add3A_2645 = arith.addf %add3A_2631, %mul3A_2644 : vector<16xf32>
        %add3A_2646 = arith.constant 8 : i32
        %add3A_2647 = arith.addi %mul3A_27, %add3A_2646 : i32
        %get3A_2648 = arith.index_cast %add3A_2647 : i32 to index
        %get3A_2649 = arith.constant 384 : index
        %get3A_2650 = tpu.vector_load %arg6[%get3A_2648, %get3A_2649] {strides = array<i32>} : memref<104x512xf32, #tpu.memory_space<vmem>>, vector<1x16xf32>,
        %get3A_2651 = vector.shape_cast %get3A_2650 : vector<1x16xf32> to vector<16xf32>
        %add3A_2652 = arith.constant 24 : i32
        %add3A_2653 = arith.addi %mul3A_27, %add3A_2652 : i32
        %get3A_2654 = arith.index_cast %add3A_2653 : i32 to index
        %get3A_2655 = arith.constant 128 : index
        %get3A_2656 = tpu.vector_load %arg6[%get3A_2654, %get3A_2655] {strides = array<i32>} : memref<104x512xf32, #tpu.memory_space<vmem>>, vector<1x16xf32>,
        %get3A_2657 = vector.shape_cast %get3A_2656 : vector<1x16xf32> to vector<16xf32>
        %mul3A_2658 = arith.mulf %get3A_2651, %get3A_2657 : vector<16xf32>
        %add3A_2659 = arith.addf %add3A_2645, %mul3A_2658 : vector<16xf32>
        %add3A_2660 = arith.constant 8 : i32
        %add3A_2661 = arith.addi %mul3A_27, %add3A_2660 : i32
        %get3A_2662 = arith.index_cast %add3A_2661 : i32 to index
        %get3A_2663 = arith.constant 400 : index
        %get3A_2664 = tpu.vector_load %arg6[%get3A_2662, %get3A_2663] {strides = array<i32>} : memref<104x512xf32, #tpu.memory_space<vmem>>, vector<1x16xf32>,
        %get3A_2665 = vector.shape_cast %get3A_2664 : vector<1x16xf32> to vector<16xf32>
        %add3A_2666 = arith.constant 25 : i32
        %add3A_2667 = arith.addi %mul3A_27, %add3A_2666 : i32
        %get3A_2668 = arith.index_cast %add3A_2667 : i32 to index
        %get3A_2669 = arith.constant 128 : index
        %get3A_2670 = tpu.vector_load %arg6[%get3A_2668, %get3A_2669] {strides = array<i32>} : memref<104x512xf32, #tpu.memory_space<vmem>>, vector<1x16xf32>,
        %get3A_2671 = vector.shape_cast %get3A_2670 : vector<1x16xf32> to vector<16xf32>
        %mul3A_2672 = arith.mulf %get3A_2665, %get3A_2671 : vector<16xf32>
        %add3A_2673 = arith.addf %add3A_2659, %mul3A_2672 : vector<16xf32>
        %add3A_2674 = arith.constant 9 : i32
        %add3A_2675 = arith.addi %mul3A_27, %add3A_2674 : i32
        %get3A_2676 = arith.index_cast %add3A_2675 : i32 to index
        %get3A_2677 = arith.constant 160 : index
        %get3A_2678 = tpu.vector_load %arg6[%get3A_2676, %get3A_2677] {strides = array<i32>} : memref<104x512xf32, #tpu.memory_space<vmem>>, vector<1x16xf32>,
        %get3A_2679 = vector.shape_cast %get3A_2678 : vector<1x16xf32> to vector<16xf32>
        %add3A_2680 = arith.constant 10 : i32
        %add3A_2681 = arith.addi %mul3A_27, %add3A_2680 : i32
        %get3A_2682 = arith.index_cast %add3A_2681 : i32 to index
        %get3A_2683 = arith.constant 144 : index
        %get3A_2684 = tpu.vector_load %arg6[%get3A_2682, %get3A_2683] {strides = array<i32>} : memref<104x512xf32, #tpu.memory_space<vmem>>, vector<1x16xf32>,
        %get3A_2685 = vector.shape_cast %get3A_2684 : vector<1x16xf32> to vector<16xf32>
        %mul3A_2686 = arith.mulf %get3A_2679, %get3A_2685 : vector<16xf32>
        %add3A_2687 = arith.addf %add3A_2673, %mul3A_2686 : vector<16xf32>
        %add3A_2688 = arith.constant 9 : i32
        %add3A_2689 = arith.addi %mul3A_27, %add3A_2688 : i32
        %get3A_2690 = arith.index_cast %add3A_2689 : i32 to index
        %get3A_2691 = arith.constant 176 : index
        %get3A_2692 = tpu.vector_load %arg6[%get3A_2690, %get3A_2691] {strides = array<i32>} : memref<104x512xf32, #tpu.memory_space<vmem>>, vector<1x16xf32>,
        %get3A_2693 = vector.shape_cast %get3A_2692 : vector<1x16xf32> to vector<16xf32>
        %add3A_2694 = arith.constant 11 : i32
        %add3A_2695 = arith.addi %mul3A_27, %add3A_2694 : i32
        %get3A_2696 = arith.index_cast %add3A_2695 : i32 to index
        %get3A_2697 = arith.constant 144 : index
        %get3A_2698 = tpu.vector_load %arg6[%get3A_2696, %get3A_2697] {strides = array<i32>} : memref<104x512xf32, #tpu.memory_space<vmem>>, vector<1x16xf32>,
        %get3A_2699 = vector.shape_cast %get3A_2698 : vector<1x16xf32> to vector<16xf32>
        %mul3A_2700 = arith.mulf %get3A_2693, %get3A_2699 : vector<16xf32>
        %add3A_2701 = arith.addf %add3A_2687, %mul3A_2700 : vector<16xf32>
        %add3A_2702 = arith.constant 9 : i32
        %add3A_2703 = arith.addi %mul3A_27, %add3A_2702 : i32
        %get3A_2704 = arith.index_cast %add3A_2703 : i32 to index
        %get3A_2705 = arith.constant 192 : index
        %get3A_2706 = tpu.vector_load %arg6[%get3A_2704, %get3A_2705] {strides = array<i32>} : memref<104x512xf32, #tpu.memory_space<vmem>>, vector<1x16xf32>,
        %get3A_2707 = vector.shape_cast %get3A_2706 : vector<1x16xf32> to vector<16xf32>
        %add3A_2708 = arith.constant 12 : i32
        %add3A_2709 = arith.addi %mul3A_27, %add3A_2708 : i32
        %get3A_2710 = arith.index_cast %add3A_2709 : i32 to index
        %get3A_2711 = arith.constant 144 : index
        %get3A_2712 = tpu.vector_load %arg6[%get3A_2710, %get3A_2711] {strides = array<i32>} : memref<104x512xf32, #tpu.memory_space<vmem>>, vector<1x16xf32>,
        %get3A_2713 = vector.shape_cast %get3A_2712 : vector<1x16xf32> to vector<16xf32>
        %mul3A_2714 = arith.mulf %get3A_2707, %get3A_2713 : vector<16xf32>
        %add3A_2715 = arith.addf %add3A_2701, %mul3A_2714 : vector<16xf32>
        %add3A_2716 = arith.constant 9 : i32
        %add3A_2717 = arith.addi %mul3A_27, %add3A_2716 : i32
        %get3A_2718 = arith.index_cast %add3A_2717 : i32 to index
        %get3A_2719 = arith.constant 208 : index
        %get3A_2720 = tpu.vector_load %arg6[%get3A_2718, %get3A_2719] {strides = array<i32>} : memref<104x512xf32, #tpu.memory_space<vmem>>, vector<1x16xf32>,
        %get3A_2721 = vector.shape_cast %get3A_2720 : vector<1x16xf32> to vector<16xf32>
        %add3A_2722 = arith.constant 13 : i32
        %add3A_2723 = arith.addi %mul3A_27, %add3A_2722 : i32
        %get3A_2724 = arith.index_cast %add3A_2723 : i32 to index
        %get3A_2725 = arith.constant 144 : index
        %get3A_2726 = tpu.vector_load %arg6[%get3A_2724, %get3A_2725] {strides = array<i32>} : memref<104x512xf32, #tpu.memory_space<vmem>>, vector<1x16xf32>,
        %get3A_2727 = vector.shape_cast %get3A_2726 : vector<1x16xf32> to vector<16xf32>
        %mul3A_2728 = arith.mulf %get3A_2721, %get3A_2727 : vector<16xf32>
        %add3A_2729 = arith.addf %add3A_2715, %mul3A_2728 : vector<16xf32>
        %add3A_2730 = arith.constant 9 : i32
        %add3A_2731 = arith.addi %mul3A_27, %add3A_2730 : i32
        %get3A_2732 = arith.index_cast %add3A_2731 : i32 to index
        %get3A_2733 = arith.constant 224 : index
        %get3A_2734 = tpu.vector_load %arg6[%get3A_2732, %get3A_2733] {strides = array<i32>} : memref<104x512xf32, #tpu.memory_space<vmem>>, vector<1x16xf32>,
        %get3A_2735 = vector.shape_cast %get3A_2734 : vector<1x16xf32> to vector<16xf32>
        %add3A_2736 = arith.constant 14 : i32
        %add3A_2737 = arith.addi %mul3A_27, %add3A_2736 : i32
        %get3A_2738 = arith.index_cast %add3A_2737 : i32 to index
        %get3A_2739 = arith.constant 144 : index
        %get3A_2740 = tpu.vector_load %arg6[%get3A_2738, %get3A_2739] {strides = array<i32>} : memref<104x512xf32, #tpu.memory_space<vmem>>, vector<1x16xf32>,
        %get3A_2741 = vector.shape_cast %get3A_2740 : vector<1x16xf32> to vector<16xf32>
        %mul3A_2742 = arith.mulf %get3A_2735, %get3A_2741 : vector<16xf32>
        %add3A_2743 = arith.addf %add3A_2729, %mul3A_2742 : vector<16xf32>
        %add3A_2744 = arith.constant 9 : i32
        %add3A_2745 = arith.addi %mul3A_27, %add3A_2744 : i32
        %get3A_2746 = arith.index_cast %add3A_2745 : i32 to index
        %get3A_2747 = arith.constant 240 : index
        %get3A_2748 = tpu.vector_load %arg6[%get3A_2746, %get3A_2747] {strides = array<i32>} : memref<104x512xf32, #tpu.memory_space<vmem>>, vector<1x16xf32>,
        %get3A_2749 = vector.shape_cast %get3A_2748 : vector<1x16xf32> to vector<16xf32>
        %add3A_2750 = arith.constant 15 : i32
        %add3A_2751 = arith.addi %mul3A_27, %add3A_2750 : i32
        %get3A_2752 = arith.index_cast %add3A_2751 : i32 to index
        %get3A_2753 = arith.constant 144 : index
        %get3A_2754 = tpu.vector_load %arg6[%get3A_2752, %get3A_2753] {strides = array<i32>} : memref<104x512xf32, #tpu.memory_space<vmem>>, vector<1x16xf32>,
        %get3A_2755 = vector.shape_cast %get3A_2754 : vector<1x16xf32> to vector<16xf32>
        %mul3A_2756 = arith.mulf %get3A_2749, %get3A_2755 : vector<16xf32>
        %add3A_2757 = arith.addf %add3A_2743, %mul3A_2756 : vector<16xf32>
        %add3A_2758 = arith.constant 9 : i32
        %add3A_2759 = arith.addi %mul3A_27, %add3A_2758 : i32
        %get3A_2760 = arith.index_cast %add3A_2759 : i32 to index
        %get3A_2761 = arith.constant 256 : index
        %get3A_2762 = tpu.vector_load %arg6[%get3A_2760, %get3A_2761] {strides = array<i32>} : memref<104x512xf32, #tpu.memory_space<vmem>>, vector<1x16xf32>,
        %get3A_2763 = vector.shape_cast %get3A_2762 : vector<1x16xf32> to vector<16xf32>
        %add3A_2764 = arith.constant 16 : i32
        %add3A_2765 = arith.addi %mul3A_27, %add3A_2764 : i32
        %get3A_2766 = arith.index_cast %add3A_2765 : i32 to index
        %get3A_2767 = arith.constant 144 : index
        %get3A_2768 = tpu.vector_load %arg6[%get3A_2766, %get3A_2767] {strides = array<i32>} : memref<104x512xf32, #tpu.memory_space<vmem>>, vector<1x16xf32>,
        %get3A_2769 = vector.shape_cast %get3A_2768 : vector<1x16xf32> to vector<16xf32>
        %mul3A_2770 = arith.mulf %get3A_2763, %get3A_2769 : vector<16xf32>
        %add3A_2771 = arith.addf %add3A_2757, %mul3A_2770 : vector<16xf32>
        %add3A_2772 = arith.constant 9 : i32
        %add3A_2773 = arith.addi %mul3A_27, %add3A_2772 : i32
        %get3A_2774 = arith.index_cast %add3A_2773 : i32 to index
        %get3A_2775 = arith.constant 272 : index
        %get3A_2776 = tpu.vector_load %arg6[%get3A_2774, %get3A_2775] {strides = array<i32>} : memref<104x512xf32, #tpu.memory_space<vmem>>, vector<1x16xf32>,
        %get3A_2777 = vector.shape_cast %get3A_2776 : vector<1x16xf32> to vector<16xf32>
        %add3A_2778 = arith.constant 17 : i32
        %add3A_2779 = arith.addi %mul3A_27, %add3A_2778 : i32
        %get3A_2780 = arith.index_cast %add3A_2779 : i32 to index
        %get3A_2781 = arith.constant 144 : index
        %get3A_2782 = tpu.vector_load %arg6[%get3A_2780, %get3A_2781] {strides = array<i32>} : memref<104x512xf32, #tpu.memory_space<vmem>>, vector<1x16xf32>,
        %get3A_2783 = vector.shape_cast %get3A_2782 : vector<1x16xf32> to vector<16xf32>
        %mul3A_2784 = arith.mulf %get3A_2777, %get3A_2783 : vector<16xf32>
        %add3A_2785 = arith.addf %add3A_2771, %mul3A_2784 : vector<16xf32>
        %add3A_2786 = arith.constant 9 : i32
        %add3A_2787 = arith.addi %mul3A_27, %add3A_2786 : i32
        %get3A_2788 = arith.index_cast %add3A_2787 : i32 to index
        %get3A_2789 = arith.constant 288 : index
        %get3A_2790 = tpu.vector_load %arg6[%get3A_2788, %get3A_2789] {strides = array<i32>} : memref<104x512xf32, #tpu.memory_space<vmem>>, vector<1x16xf32>,
        %get3A_2791 = vector.shape_cast %get3A_2790 : vector<1x16xf32> to vector<16xf32>
        %add3A_2792 = arith.constant 18 : i32
        %add3A_2793 = arith.addi %mul3A_27, %add3A_2792 : i32
        %get3A_2794 = arith.index_cast %add3A_2793 : i32 to index
        %get3A_2795 = arith.constant 144 : index
        %get3A_2796 = tpu.vector_load %arg6[%get3A_2794, %get3A_2795] {strides = array<i32>} : memref<104x512xf32, #tpu.memory_space<vmem>>, vector<1x16xf32>,
        %get3A_2797 = vector.shape_cast %get3A_2796 : vector<1x16xf32> to vector<16xf32>
        %mul3A_2798 = arith.mulf %get3A_2791, %get3A_2797 : vector<16xf32>
        %add3A_2799 = arith.addf %add3A_2785, %mul3A_2798 : vector<16xf32>
        %add3A_2800 = arith.constant 9 : i32
        %add3A_2801 = arith.addi %mul3A_27, %add3A_2800 : i32
        %get3A_2802 = arith.index_cast %add3A_2801 : i32 to index
        %get3A_2803 = arith.constant 304 : index
        %get3A_2804 = tpu.vector_load %arg6[%get3A_2802, %get3A_2803] {strides = array<i32>} : memref<104x512xf32, #tpu.memory_space<vmem>>, vector<1x16xf32>,
        %get3A_2805 = vector.shape_cast %get3A_2804 : vector<1x16xf32> to vector<16xf32>
        %add3A_2806 = arith.constant 19 : i32
        %add3A_2807 = arith.addi %mul3A_27, %add3A_2806 : i32
        %get3A_2808 = arith.index_cast %add3A_2807 : i32 to index
        %get3A_2809 = arith.constant 144 : index
        %get3A_2810 = tpu.vector_load %arg6[%get3A_2808, %get3A_2809] {strides = array<i32>} : memref<104x512xf32, #tpu.memory_space<vmem>>, vector<1x16xf32>,
        %get3A_2811 = vector.shape_cast %get3A_2810 : vector<1x16xf32> to vector<16xf32>
        %mul3A_2812 = arith.mulf %get3A_2805, %get3A_2811 : vector<16xf32>
        %add3A_2813 = arith.addf %add3A_2799, %mul3A_2812 : vector<16xf32>
        %add3A_2814 = arith.constant 9 : i32
        %add3A_2815 = arith.addi %mul3A_27, %add3A_2814 : i32
        %get3A_2816 = arith.index_cast %add3A_2815 : i32 to index
        %get3A_2817 = arith.constant 320 : index
        %get3A_2818 = tpu.vector_load %arg6[%get3A_2816, %get3A_2817] {strides = array<i32>} : memref<104x512xf32, #tpu.memory_space<vmem>>, vector<1x16xf32>,
        %get3A_2819 = vector.shape_cast %get3A_2818 : vector<1x16xf32> to vector<16xf32>
        %add3A_2820 = arith.constant 20 : i32
        %add3A_2821 = arith.addi %mul3A_27, %add3A_2820 : i32
        %get3A_2822 = arith.index_cast %add3A_2821 : i32 to index
        %get3A_2823 = arith.constant 144 : index
        %get3A_2824 = tpu.vector_load %arg6[%get3A_2822, %get3A_2823] {strides = array<i32>} : memref<104x512xf32, #tpu.memory_space<vmem>>, vector<1x16xf32>,
        %get3A_2825 = vector.shape_cast %get3A_2824 : vector<1x16xf32> to vector<16xf32>
        %mul3A_2826 = arith.mulf %get3A_2819, %get3A_2825 : vector<16xf32>
        %add3A_2827 = arith.addf %add3A_2813, %mul3A_2826 : vector<16xf32>
        %add3A_2828 = arith.constant 9 : i32
        %add3A_2829 = arith.addi %mul3A_27, %add3A_2828 : i32
        %get3A_2830 = arith.index_cast %add3A_2829 : i32 to index
        %get3A_2831 = arith.constant 336 : index
        %get3A_2832 = tpu.vector_load %arg6[%get3A_2830, %get3A_2831] {strides = array<i32>} : memref<104x512xf32, #tpu.memory_space<vmem>>, vector<1x16xf32>,
        %get3A_2833 = vector.shape_cast %get3A_2832 : vector<1x16xf32> to vector<16xf32>
        %add3A_2834 = arith.constant 21 : i32
        %add3A_2835 = arith.addi %mul3A_27, %add3A_2834 : i32
        %get3A_2836 = arith.index_cast %add3A_2835 : i32 to index
        %get3A_2837 = arith.constant 144 : index
        %get3A_2838 = tpu.vector_load %arg6[%get3A_2836, %get3A_2837] {strides = array<i32>} : memref<104x512xf32, #tpu.memory_space<vmem>>, vector<1x16xf32>,
        %get3A_2839 = vector.shape_cast %get3A_2838 : vector<1x16xf32> to vector<16xf32>
        %mul3A_2840 = arith.mulf %get3A_2833, %get3A_2839 : vector<16xf32>
        %add3A_2841 = arith.addf %add3A_2827, %mul3A_2840 : vector<16xf32>
        %add3A_2842 = arith.constant 9 : i32
        %add3A_2843 = arith.addi %mul3A_27, %add3A_2842 : i32
        %get3A_2844 = arith.index_cast %add3A_2843 : i32 to index
        %get3A_2845 = arith.constant 352 : index
        %get3A_2846 = tpu.vector_load %arg6[%get3A_2844, %get3A_2845] {strides = array<i32>} : memref<104x512xf32, #tpu.memory_space<vmem>>, vector<1x16xf32>,
        %get3A_2847 = vector.shape_cast %get3A_2846 : vector<1x16xf32> to vector<16xf32>
        %add3A_2848 = arith.constant 22 : i32
        %add3A_2849 = arith.addi %mul3A_27, %add3A_2848 : i32
        %get3A_2850 = arith.index_cast %add3A_2849 : i32 to index
        %get3A_2851 = arith.constant 144 : index
        %get3A_2852 = tpu.vector_load %arg6[%get3A_2850, %get3A_2851] {strides = array<i32>} : memref<104x512xf32, #tpu.memory_space<vmem>>, vector<1x16xf32>,
        %get3A_2853 = vector.shape_cast %get3A_2852 : vector<1x16xf32> to vector<16xf32>
        %mul3A_2854 = arith.mulf %get3A_2847, %get3A_2853 : vector<16xf32>
        %add3A_2855 = arith.addf %add3A_2841, %mul3A_2854 : vector<16xf32>
        %add3A_2856 = arith.constant 9 : i32
        %add3A_2857 = arith.addi %mul3A_27, %add3A_2856 : i32
        %get3A_2858 = arith.index_cast %add3A_2857 : i32 to index
        %get3A_2859 = arith.constant 368 : index
        %get3A_2860 = tpu.vector_load %arg6[%get3A_2858, %get3A_2859] {strides = array<i32>} : memref<104x512xf32, #tpu.memory_space<vmem>>, vector<1x16xf32>,
        %get3A_2861 = vector.shape_cast %get3A_2860 : vector<1x16xf32> to vector<16xf32>
        %add3A_2862 = arith.constant 23 : i32
        %add3A_2863 = arith.addi %mul3A_27, %add3A_2862 : i32
        %get3A_2864 = arith.index_cast %add3A_2863 : i32 to index
        %get3A_2865 = arith.constant 144 : index
        %get3A_2866 = tpu.vector_load %arg6[%get3A_2864, %get3A_2865] {strides = array<i32>} : memref<104x512xf32, #tpu.memory_space<vmem>>, vector<1x16xf32>,
        %get3A_2867 = vector.shape_cast %get3A_2866 : vector<1x16xf32> to vector<16xf32>
        %mul3A_2868 = arith.mulf %get3A_2861, %get3A_2867 : vector<16xf32>
        %add3A_2869 = arith.addf %add3A_2855, %mul3A_2868 : vector<16xf32>
        %add3A_2870 = arith.constant 9 : i32
        %add3A_2871 = arith.addi %mul3A_27, %add3A_2870 : i32
        %get3A_2872 = arith.index_cast %add3A_2871 : i32 to index
        %get3A_2873 = arith.constant 384 : index
        %get3A_2874 = tpu.vector_load %arg6[%get3A_2872, %get3A_2873] {strides = array<i32>} : memref<104x512xf32, #tpu.memory_space<vmem>>, vector<1x16xf32>,
        %get3A_2875 = vector.shape_cast %get3A_2874 : vector<1x16xf32> to vector<16xf32>
        %add3A_2876 = arith.constant 24 : i32
        %add3A_2877 = arith.addi %mul3A_27, %add3A_2876 : i32
        %get3A_2878 = arith.index_cast %add3A_2877 : i32 to index
        %get3A_2879 = arith.constant 144 : index
        %get3A_2880 = tpu.vector_load %arg6[%get3A_2878, %get3A_2879] {strides = array<i32>} : memref<104x512xf32, #tpu.memory_space<vmem>>, vector<1x16xf32>,
        %get3A_2881 = vector.shape_cast %get3A_2880 : vector<1x16xf32> to vector<16xf32>
        %mul3A_2882 = arith.mulf %get3A_2875, %get3A_2881 : vector<16xf32>
        %add3A_2883 = arith.addf %add3A_2869, %mul3A_2882 : vector<16xf32>
        %add3A_2884 = arith.constant 9 : i32
        %add3A_2885 = arith.addi %mul3A_27, %add3A_2884 : i32
        %get3A_2886 = arith.index_cast %add3A_2885 : i32 to index
        %get3A_2887 = arith.constant 400 : index
        %get3A_2888 = tpu.vector_load %arg6[%get3A_2886, %get3A_2887] {strides = array<i32>} : memref<104x512xf32, #tpu.memory_space<vmem>>, vector<1x16xf32>,
        %get3A_2889 = vector.shape_cast %get3A_2888 : vector<1x16xf32> to vector<16xf32>
        %add3A_2890 = arith.constant 25 : i32
        %add3A_2891 = arith.addi %mul3A_27, %add3A_2890 : i32
        %get3A_2892 = arith.index_cast %add3A_2891 : i32 to index
        %get3A_2893 = arith.constant 144 : index
        %get3A_2894 = tpu.vector_load %arg6[%get3A_2892, %get3A_2893] {strides = array<i32>} : memref<104x512xf32, #tpu.memory_space<vmem>>, vector<1x16xf32>,
        %get3A_2895 = vector.shape_cast %get3A_2894 : vector<1x16xf32> to vector<16xf32>
        %mul3A_2896 = arith.mulf %get3A_2889, %get3A_2895 : vector<16xf32>
        %add3A_2897 = arith.addf %add3A_2883, %mul3A_2896 : vector<16xf32>
        %add3A_2898 = arith.constant 10 : i32
        %add3A_2899 = arith.addi %mul3A_27, %add3A_2898 : i32
        %get3A_2900 = arith.index_cast %add3A_2899 : i32 to index
        %get3A_2901 = arith.constant 176 : index
        %get3A_2902 = tpu.vector_load %arg6[%get3A_2900, %get3A_2901] {strides = array<i32>} : memref<104x512xf32, #tpu.memory_space<vmem>>, vector<1x16xf32>,
        %get3A_2903 = vector.shape_cast %get3A_2902 : vector<1x16xf32> to vector<16xf32>
        %add3A_2904 = arith.constant 11 : i32
        %add3A_2905 = arith.addi %mul3A_27, %add3A_2904 : i32
        %get3A_2906 = arith.index_cast %add3A_2905 : i32 to index
        %get3A_2907 = arith.constant 160 : index
        %get3A_2908 = tpu.vector_load %arg6[%get3A_2906, %get3A_2907] {strides = array<i32>} : memref<104x512xf32, #tpu.memory_space<vmem>>, vector<1x16xf32>,
        %get3A_2909 = vector.shape_cast %get3A_2908 : vector<1x16xf32> to vector<16xf32>
        %mul3A_2910 = arith.mulf %get3A_2903, %get3A_2909 : vector<16xf32>
        %add3A_2911 = arith.addf %add3A_2897, %mul3A_2910 : vector<16xf32>
        %add3A_2912 = arith.constant 10 : i32
        %add3A_2913 = arith.addi %mul3A_27, %add3A_2912 : i32
        %get3A_2914 = arith.index_cast %add3A_2913 : i32 to index
        %get3A_2915 = arith.constant 192 : index
        %get3A_2916 = tpu.vector_load %arg6[%get3A_2914, %get3A_2915] {strides = array<i32>} : memref<104x512xf32, #tpu.memory_space<vmem>>, vector<1x16xf32>,
        %get3A_2917 = vector.shape_cast %get3A_2916 : vector<1x16xf32> to vector<16xf32>
        %add3A_2918 = arith.constant 12 : i32
        %add3A_2919 = arith.addi %mul3A_27, %add3A_2918 : i32
        %get3A_2920 = arith.index_cast %add3A_2919 : i32 to index
        %get3A_2921 = arith.constant 160 : index
        %get3A_2922 = tpu.vector_load %arg6[%get3A_2920, %get3A_2921] {strides = array<i32>} : memref<104x512xf32, #tpu.memory_space<vmem>>, vector<1x16xf32>,
        %get3A_2923 = vector.shape_cast %get3A_2922 : vector<1x16xf32> to vector<16xf32>
        %mul3A_2924 = arith.mulf %get3A_2917, %get3A_2923 : vector<16xf32>
        %add3A_2925 = arith.addf %add3A_2911, %mul3A_2924 : vector<16xf32>
        %add3A_2926 = arith.constant 10 : i32
        %add3A_2927 = arith.addi %mul3A_27, %add3A_2926 : i32
        %get3A_2928 = arith.index_cast %add3A_2927 : i32 to index
        %get3A_2929 = arith.constant 208 : index
        %get3A_2930 = tpu.vector_load %arg6[%get3A_2928, %get3A_2929] {strides = array<i32>} : memref<104x512xf32, #tpu.memory_space<vmem>>, vector<1x16xf32>,
        %get3A_2931 = vector.shape_cast %get3A_2930 : vector<1x16xf32> to vector<16xf32>
        %add3A_2932 = arith.constant 13 : i32
        %add3A_2933 = arith.addi %mul3A_27, %add3A_2932 : i32
        %get3A_2934 = arith.index_cast %add3A_2933 : i32 to index
        %get3A_2935 = arith.constant 160 : index
        %get3A_2936 = tpu.vector_load %arg6[%get3A_2934, %get3A_2935] {strides = array<i32>} : memref<104x512xf32, #tpu.memory_space<vmem>>, vector<1x16xf32>,
        %get3A_2937 = vector.shape_cast %get3A_2936 : vector<1x16xf32> to vector<16xf32>
        %mul3A_2938 = arith.mulf %get3A_2931, %get3A_2937 : vector<16xf32>
        %add3A_2939 = arith.addf %add3A_2925, %mul3A_2938 : vector<16xf32>
        %add3A_2940 = arith.constant 10 : i32
        %add3A_2941 = arith.addi %mul3A_27, %add3A_2940 : i32
        %get3A_2942 = arith.index_cast %add3A_2941 : i32 to index
        %get3A_2943 = arith.constant 224 : index
        %get3A_2944 = tpu.vector_load %arg6[%get3A_2942, %get3A_2943] {strides = array<i32>} : memref<104x512xf32, #tpu.memory_space<vmem>>, vector<1x16xf32>,
        %get3A_2945 = vector.shape_cast %get3A_2944 : vector<1x16xf32> to vector<16xf32>
        %add3A_2946 = arith.constant 14 : i32
        %add3A_2947 = arith.addi %mul3A_27, %add3A_2946 : i32
        %get3A_2948 = arith.index_cast %add3A_2947 : i32 to index
        %get3A_2949 = arith.constant 160 : index
        %get3A_2950 = tpu.vector_load %arg6[%get3A_2948, %get3A_2949] {strides = array<i32>} : memref<104x512xf32, #tpu.memory_space<vmem>>, vector<1x16xf32>,
        %get3A_2951 = vector.shape_cast %get3A_2950 : vector<1x16xf32> to vector<16xf32>
        %mul3A_2952 = arith.mulf %get3A_2945, %get3A_2951 : vector<16xf32>
        %add3A_2953 = arith.addf %add3A_2939, %mul3A_2952 : vector<16xf32>
        %add3A_2954 = arith.constant 10 : i32
        %add3A_2955 = arith.addi %mul3A_27, %add3A_2954 : i32
        %get3A_2956 = arith.index_cast %add3A_2955 : i32 to index
        %get3A_2957 = arith.constant 240 : index
        %get3A_2958 = tpu.vector_load %arg6[%get3A_2956, %get3A_2957] {strides = array<i32>} : memref<104x512xf32, #tpu.memory_space<vmem>>, vector<1x16xf32>,
        %get3A_2959 = vector.shape_cast %get3A_2958 : vector<1x16xf32> to vector<16xf32>
        %add3A_2960 = arith.constant 15 : i32
        %add3A_2961 = arith.addi %mul3A_27, %add3A_2960 : i32
        %get3A_2962 = arith.index_cast %add3A_2961 : i32 to index
        %get3A_2963 = arith.constant 160 : index
        %get3A_2964 = tpu.vector_load %arg6[%get3A_2962, %get3A_2963] {strides = array<i32>} : memref<104x512xf32, #tpu.memory_space<vmem>>, vector<1x16xf32>,
        %get3A_2965 = vector.shape_cast %get3A_2964 : vector<1x16xf32> to vector<16xf32>
        %mul3A_2966 = arith.mulf %get3A_2959, %get3A_2965 : vector<16xf32>
        %add3A_2967 = arith.addf %add3A_2953, %mul3A_2966 : vector<16xf32>
        %add3A_2968 = arith.constant 10 : i32
        %add3A_2969 = arith.addi %mul3A_27, %add3A_2968 : i32
        %get3A_2970 = arith.index_cast %add3A_2969 : i32 to index
        %get3A_2971 = arith.constant 256 : index
        %get3A_2972 = tpu.vector_load %arg6[%get3A_2970, %get3A_2971] {strides = array<i32>} : memref<104x512xf32, #tpu.memory_space<vmem>>, vector<1x16xf32>,
        %get3A_2973 = vector.shape_cast %get3A_2972 : vector<1x16xf32> to vector<16xf32>
        %add3A_2974 = arith.constant 16 : i32
        %add3A_2975 = arith.addi %mul3A_27, %add3A_2974 : i32
        %get3A_2976 = arith.index_cast %add3A_2975 : i32 to index
        %get3A_2977 = arith.constant 160 : index
        %get3A_2978 = tpu.vector_load %arg6[%get3A_2976, %get3A_2977] {strides = array<i32>} : memref<104x512xf32, #tpu.memory_space<vmem>>, vector<1x16xf32>,
        %get3A_2979 = vector.shape_cast %get3A_2978 : vector<1x16xf32> to vector<16xf32>
        %mul3A_2980 = arith.mulf %get3A_2973, %get3A_2979 : vector<16xf32>
        %add3A_2981 = arith.addf %add3A_2967, %mul3A_2980 : vector<16xf32>
        %add3A_2982 = arith.constant 10 : i32
        %add3A_2983 = arith.addi %mul3A_27, %add3A_2982 : i32
        %get3A_2984 = arith.index_cast %add3A_2983 : i32 to index
        %get3A_2985 = arith.constant 272 : index
        %get3A_2986 = tpu.vector_load %arg6[%get3A_2984, %get3A_2985] {strides = array<i32>} : memref<104x512xf32, #tpu.memory_space<vmem>>, vector<1x16xf32>,
        %get3A_2987 = vector.shape_cast %get3A_2986 : vector<1x16xf32> to vector<16xf32>
        %add3A_2988 = arith.constant 17 : i32
        %add3A_2989 = arith.addi %mul3A_27, %add3A_2988 : i32
        %get3A_2990 = arith.index_cast %add3A_2989 : i32 to index
        %get3A_2991 = arith.constant 160 : index
        %get3A_2992 = tpu.vector_load %arg6[%get3A_2990, %get3A_2991] {strides = array<i32>} : memref<104x512xf32, #tpu.memory_space<vmem>>, vector<1x16xf32>,
        %get3A_2993 = vector.shape_cast %get3A_2992 : vector<1x16xf32> to vector<16xf32>
        %mul3A_2994 = arith.mulf %get3A_2987, %get3A_2993 : vector<16xf32>
        %add3A_2995 = arith.addf %add3A_2981, %mul3A_2994 : vector<16xf32>
        %add3A_2996 = arith.constant 10 : i32
        %add3A_2997 = arith.addi %mul3A_27, %add3A_2996 : i32
        %get3A_2998 = arith.index_cast %add3A_2997 : i32 to index
        %get3A_2999 = arith.constant 288 : index
        %get3A_3000 = tpu.vector_load %arg6[%get3A_2998, %get3A_2999] {strides = array<i32>} : memref<104x512xf32, #tpu.memory_space<vmem>>, vector<1x16xf32>,
        %get3A_3001 = vector.shape_cast %get3A_3000 : vector<1x16xf32> to vector<16xf32>
        %add3A_3002 = arith.constant 18 : i32
        %add3A_3003 = arith.addi %mul3A_27, %add3A_3002 : i32
        %get3A_3004 = arith.index_cast %add3A_3003 : i32 to index
        %get3A_3005 = arith.constant 160 : index
        %get3A_3006 = tpu.vector_load %arg6[%get3A_3004, %get3A_3005] {strides = array<i32>} : memref<104x512xf32, #tpu.memory_space<vmem>>, vector<1x16xf32>,
        %get3A_3007 = vector.shape_cast %get3A_3006 : vector<1x16xf32> to vector<16xf32>
        %mul3A_3008 = arith.mulf %get3A_3001, %get3A_3007 : vector<16xf32>
        %add3A_3009 = arith.addf %add3A_2995, %mul3A_3008 : vector<16xf32>
        %add3A_3010 = arith.constant 10 : i32
        %add3A_3011 = arith.addi %mul3A_27, %add3A_3010 : i32
        %get3A_3012 = arith.index_cast %add3A_3011 : i32 to index
        %get3A_3013 = arith.constant 304 : index
        %get3A_3014 = tpu.vector_load %arg6[%get3A_3012, %get3A_3013] {strides = array<i32>} : memref<104x512xf32, #tpu.memory_space<vmem>>, vector<1x16xf32>,
        %get3A_3015 = vector.shape_cast %get3A_3014 : vector<1x16xf32> to vector<16xf32>
        %add3A_3016 = arith.constant 19 : i32
        %add3A_3017 = arith.addi %mul3A_27, %add3A_3016 : i32
        %get3A_3018 = arith.index_cast %add3A_3017 : i32 to index
        %get3A_3019 = arith.constant 160 : index
        %get3A_3020 = tpu.vector_load %arg6[%get3A_3018, %get3A_3019] {strides = array<i32>} : memref<104x512xf32, #tpu.memory_space<vmem>>, vector<1x16xf32>,
        %get3A_3021 = vector.shape_cast %get3A_3020 : vector<1x16xf32> to vector<16xf32>
        %mul3A_3022 = arith.mulf %get3A_3015, %get3A_3021 : vector<16xf32>
        %add3A_3023 = arith.addf %add3A_3009, %mul3A_3022 : vector<16xf32>
        %add3A_3024 = arith.constant 10 : i32
        %add3A_3025 = arith.addi %mul3A_27, %add3A_3024 : i32
        %get3A_3026 = arith.index_cast %add3A_3025 : i32 to index
        %get3A_3027 = arith.constant 320 : index
        %get3A_3028 = tpu.vector_load %arg6[%get3A_3026, %get3A_3027] {strides = array<i32>} : memref<104x512xf32, #tpu.memory_space<vmem>>, vector<1x16xf32>,
        %get3A_3029 = vector.shape_cast %get3A_3028 : vector<1x16xf32> to vector<16xf32>
        %add3A_3030 = arith.constant 20 : i32
        %add3A_3031 = arith.addi %mul3A_27, %add3A_3030 : i32
        %get3A_3032 = arith.index_cast %add3A_3031 : i32 to index
        %get3A_3033 = arith.constant 160 : index
        %get3A_3034 = tpu.vector_load %arg6[%get3A_3032, %get3A_3033] {strides = array<i32>} : memref<104x512xf32, #tpu.memory_space<vmem>>, vector<1x16xf32>,
        %get3A_3035 = vector.shape_cast %get3A_3034 : vector<1x16xf32> to vector<16xf32>
        %mul3A_3036 = arith.mulf %get3A_3029, %get3A_3035 : vector<16xf32>
        %add3A_3037 = arith.addf %add3A_3023, %mul3A_3036 : vector<16xf32>
        %add3A_3038 = arith.constant 10 : i32
        %add3A_3039 = arith.addi %mul3A_27, %add3A_3038 : i32
        %get3A_3040 = arith.index_cast %add3A_3039 : i32 to index
        %get3A_3041 = arith.constant 336 : index
        %get3A_3042 = tpu.vector_load %arg6[%get3A_3040, %get3A_3041] {strides = array<i32>} : memref<104x512xf32, #tpu.memory_space<vmem>>, vector<1x16xf32>,
        %get3A_3043 = vector.shape_cast %get3A_3042 : vector<1x16xf32> to vector<16xf32>
        %add3A_3044 = arith.constant 21 : i32
        %add3A_3045 = arith.addi %mul3A_27, %add3A_3044 : i32
        %get3A_3046 = arith.index_cast %add3A_3045 : i32 to index
        %get3A_3047 = arith.constant 160 : index
        %get3A_3048 = tpu.vector_load %arg6[%get3A_3046, %get3A_3047] {strides = array<i32>} : memref<104x512xf32, #tpu.memory_space<vmem>>, vector<1x16xf32>,
        %get3A_3049 = vector.shape_cast %get3A_3048 : vector<1x16xf32> to vector<16xf32>
        %mul3A_3050 = arith.mulf %get3A_3043, %get3A_3049 : vector<16xf32>
        %add3A_3051 = arith.addf %add3A_3037, %mul3A_3050 : vector<16xf32>
        %add3A_3052 = arith.constant 10 : i32
        %add3A_3053 = arith.addi %mul3A_27, %add3A_3052 : i32
        %get3A_3054 = arith.index_cast %add3A_3053 : i32 to index
        %get3A_3055 = arith.constant 352 : index
        %get3A_3056 = tpu.vector_load %arg6[%get3A_3054, %get3A_3055] {strides = array<i32>} : memref<104x512xf32, #tpu.memory_space<vmem>>, vector<1x16xf32>,
        %get3A_3057 = vector.shape_cast %get3A_3056 : vector<1x16xf32> to vector<16xf32>
        %add3A_3058 = arith.constant 22 : i32
        %add3A_3059 = arith.addi %mul3A_27, %add3A_3058 : i32
        %get3A_3060 = arith.index_cast %add3A_3059 : i32 to index
        %get3A_3061 = arith.constant 160 : index
        %get3A_3062 = tpu.vector_load %arg6[%get3A_3060, %get3A_3061] {strides = array<i32>} : memref<104x512xf32, #tpu.memory_space<vmem>>, vector<1x16xf32>,
        %get3A_3063 = vector.shape_cast %get3A_3062 : vector<1x16xf32> to vector<16xf32>
        %mul3A_3064 = arith.mulf %get3A_3057, %get3A_3063 : vector<16xf32>
        %add3A_3065 = arith.addf %add3A_3051, %mul3A_3064 : vector<16xf32>
        %add3A_3066 = arith.constant 10 : i32
        %add3A_3067 = arith.addi %mul3A_27, %add3A_3066 : i32
        %get3A_3068 = arith.index_cast %add3A_3067 : i32 to index
        %get3A_3069 = arith.constant 368 : index
        %get3A_3070 = tpu.vector_load %arg6[%get3A_3068, %get3A_3069] {strides = array<i32>} : memref<104x512xf32, #tpu.memory_space<vmem>>, vector<1x16xf32>,
        %get3A_3071 = vector.shape_cast %get3A_3070 : vector<1x16xf32> to vector<16xf32>
        %add3A_3072 = arith.constant 23 : i32
        %add3A_3073 = arith.addi %mul3A_27, %add3A_3072 : i32
        %get3A_3074 = arith.index_cast %add3A_3073 : i32 to index
        %get3A_3075 = arith.constant 160 : index
        %get3A_3076 = tpu.vector_load %arg6[%get3A_3074, %get3A_3075] {strides = array<i32>} : memref<104x512xf32, #tpu.memory_space<vmem>>, vector<1x16xf32>,
        %get3A_3077 = vector.shape_cast %get3A_3076 : vector<1x16xf32> to vector<16xf32>
        %mul3A_3078 = arith.mulf %get3A_3071, %get3A_3077 : vector<16xf32>
        %add3A_3079 = arith.addf %add3A_3065, %mul3A_3078 : vector<16xf32>
        %add3A_3080 = arith.constant 10 : i32
        %add3A_3081 = arith.addi %mul3A_27, %add3A_3080 : i32
        %get3A_3082 = arith.index_cast %add3A_3081 : i32 to index
        %get3A_3083 = arith.constant 384 : index
        %get3A_3084 = tpu.vector_load %arg6[%get3A_3082, %get3A_3083] {strides = array<i32>} : memref<104x512xf32, #tpu.memory_space<vmem>>, vector<1x16xf32>,
        %get3A_3085 = vector.shape_cast %get3A_3084 : vector<1x16xf32> to vector<16xf32>
        %add3A_3086 = arith.constant 24 : i32
        %add3A_3087 = arith.addi %mul3A_27, %add3A_3086 : i32
        %get3A_3088 = arith.index_cast %add3A_3087 : i32 to index
        %get3A_3089 = arith.constant 160 : index
        %get3A_3090 = tpu.vector_load %arg6[%get3A_3088, %get3A_3089] {strides = array<i32>} : memref<104x512xf32, #tpu.memory_space<vmem>>, vector<1x16xf32>,
        %get3A_3091 = vector.shape_cast %get3A_3090 : vector<1x16xf32> to vector<16xf32>
        %mul3A_3092 = arith.mulf %get3A_3085, %get3A_3091 : vector<16xf32>
        %add3A_3093 = arith.addf %add3A_3079, %mul3A_3092 : vector<16xf32>
        %add3A_3094 = arith.constant 10 : i32
        %add3A_3095 = arith.addi %mul3A_27, %add3A_3094 : i32
        %get3A_3096 = arith.index_cast %add3A_3095 : i32 to index
        %get3A_3097 = arith.constant 400 : index
        %get3A_3098 = tpu.vector_load %arg6[%get3A_3096, %get3A_3097] {strides = array<i32>} : memref<104x512xf32, #tpu.memory_space<vmem>>, vector<1x16xf32>,
        %get3A_3099 = vector.shape_cast %get3A_3098 : vector<1x16xf32> to vector<16xf32>
        %add3A_3100 = arith.constant 25 : i32
        %add3A_3101 = arith.addi %mul3A_27, %add3A_3100 : i32
        %get3A_3102 = arith.index_cast %add3A_3101 : i32 to index
        %get3A_3103 = arith.constant 160 : index
        %get3A_3104 = tpu.vector_load %arg6[%get3A_3102, %get3A_3103] {strides = array<i32>} : memref<104x512xf32, #tpu.memory_space<vmem>>, vector<1x16xf32>,
        %get3A_3105 = vector.shape_cast %get3A_3104 : vector<1x16xf32> to vector<16xf32>
        %mul3A_3106 = arith.mulf %get3A_3099, %get3A_3105 : vector<16xf32>
        %add3A_3107 = arith.addf %add3A_3093, %mul3A_3106 : vector<16xf32>
        %add3A_3108 = arith.constant 11 : i32
        %add3A_3109 = arith.addi %mul3A_27, %add3A_3108 : i32
        %get3A_3110 = arith.index_cast %add3A_3109 : i32 to index
        %get3A_3111 = arith.constant 192 : index
        %get3A_3112 = tpu.vector_load %arg6[%get3A_3110, %get3A_3111] {strides = array<i32>} : memref<104x512xf32, #tpu.memory_space<vmem>>, vector<1x16xf32>,
        %get3A_3113 = vector.shape_cast %get3A_3112 : vector<1x16xf32> to vector<16xf32>
        %add3A_3114 = arith.constant 12 : i32
        %add3A_3115 = arith.addi %mul3A_27, %add3A_3114 : i32
        %get3A_3116 = arith.index_cast %add3A_3115 : i32 to index
        %get3A_3117 = arith.constant 176 : index
        %get3A_3118 = tpu.vector_load %arg6[%get3A_3116, %get3A_3117] {strides = array<i32>} : memref<104x512xf32, #tpu.memory_space<vmem>>, vector<1x16xf32>,
        %get3A_3119 = vector.shape_cast %get3A_3118 : vector<1x16xf32> to vector<16xf32>
        %mul3A_3120 = arith.mulf %get3A_3113, %get3A_3119 : vector<16xf32>
        %add3A_3121 = arith.addf %add3A_3107, %mul3A_3120 : vector<16xf32>
        %add3A_3122 = arith.constant 11 : i32
        %add3A_3123 = arith.addi %mul3A_27, %add3A_3122 : i32
        %get3A_3124 = arith.index_cast %add3A_3123 : i32 to index
        %get3A_3125 = arith.constant 208 : index
        %get3A_3126 = tpu.vector_load %arg6[%get3A_3124, %get3A_3125] {strides = array<i32>} : memref<104x512xf32, #tpu.memory_space<vmem>>, vector<1x16xf32>,
        %get3A_3127 = vector.shape_cast %get3A_3126 : vector<1x16xf32> to vector<16xf32>
        %add3A_3128 = arith.constant 13 : i32
        %add3A_3129 = arith.addi %mul3A_27, %add3A_3128 : i32
        %get3A_3130 = arith.index_cast %add3A_3129 : i32 to index
        %get3A_3131 = arith.constant 176 : index
        %get3A_3132 = tpu.vector_load %arg6[%get3A_3130, %get3A_3131] {strides = array<i32>} : memref<104x512xf32, #tpu.memory_space<vmem>>, vector<1x16xf32>,
        %get3A_3133 = vector.shape_cast %get3A_3132 : vector<1x16xf32> to vector<16xf32>
        %mul3A_3134 = arith.mulf %get3A_3127, %get3A_3133 : vector<16xf32>
        %add3A_3135 = arith.addf %add3A_3121, %mul3A_3134 : vector<16xf32>
        %add3A_3136 = arith.constant 11 : i32
        %add3A_3137 = arith.addi %mul3A_27, %add3A_3136 : i32
        %get3A_3138 = arith.index_cast %add3A_3137 : i32 to index
        %get3A_3139 = arith.constant 224 : index
        %get3A_3140 = tpu.vector_load %arg6[%get3A_3138, %get3A_3139] {strides = array<i32>} : memref<104x512xf32, #tpu.memory_space<vmem>>, vector<1x16xf32>,
        %get3A_3141 = vector.shape_cast %get3A_3140 : vector<1x16xf32> to vector<16xf32>
        %add3A_3142 = arith.constant 14 : i32
        %add3A_3143 = arith.addi %mul3A_27, %add3A_3142 : i32
        %get3A_3144 = arith.index_cast %add3A_3143 : i32 to index
        %get3A_3145 = arith.constant 176 : index
        %get3A_3146 = tpu.vector_load %arg6[%get3A_3144, %get3A_3145] {strides = array<i32>} : memref<104x512xf32, #tpu.memory_space<vmem>>, vector<1x16xf32>,
        %get3A_3147 = vector.shape_cast %get3A_3146 : vector<1x16xf32> to vector<16xf32>
        %mul3A_3148 = arith.mulf %get3A_3141, %get3A_3147 : vector<16xf32>
        %add3A_3149 = arith.addf %add3A_3135, %mul3A_3148 : vector<16xf32>
        %add3A_3150 = arith.constant 11 : i32
        %add3A_3151 = arith.addi %mul3A_27, %add3A_3150 : i32
        %get3A_3152 = arith.index_cast %add3A_3151 : i32 to index
        %get3A_3153 = arith.constant 240 : index
        %get3A_3154 = tpu.vector_load %arg6[%get3A_3152, %get3A_3153] {strides = array<i32>} : memref<104x512xf32, #tpu.memory_space<vmem>>, vector<1x16xf32>,
        %get3A_3155 = vector.shape_cast %get3A_3154 : vector<1x16xf32> to vector<16xf32>
        %add3A_3156 = arith.constant 15 : i32
        %add3A_3157 = arith.addi %mul3A_27, %add3A_3156 : i32
        %get3A_3158 = arith.index_cast %add3A_3157 : i32 to index
        %get3A_3159 = arith.constant 176 : index
        %get3A_3160 = tpu.vector_load %arg6[%get3A_3158, %get3A_3159] {strides = array<i32>} : memref<104x512xf32, #tpu.memory_space<vmem>>, vector<1x16xf32>,
        %get3A_3161 = vector.shape_cast %get3A_3160 : vector<1x16xf32> to vector<16xf32>
        %mul3A_3162 = arith.mulf %get3A_3155, %get3A_3161 : vector<16xf32>
        %add3A_3163 = arith.addf %add3A_3149, %mul3A_3162 : vector<16xf32>
        %add3A_3164 = arith.constant 11 : i32
        %add3A_3165 = arith.addi %mul3A_27, %add3A_3164 : i32
        %get3A_3166 = arith.index_cast %add3A_3165 : i32 to index
        %get3A_3167 = arith.constant 256 : index
        %get3A_3168 = tpu.vector_load %arg6[%get3A_3166, %get3A_3167] {strides = array<i32>} : memref<104x512xf32, #tpu.memory_space<vmem>>, vector<1x16xf32>,
        %get3A_3169 = vector.shape_cast %get3A_3168 : vector<1x16xf32> to vector<16xf32>
        %add3A_3170 = arith.constant 16 : i32
        %add3A_3171 = arith.addi %mul3A_27, %add3A_3170 : i32
        %get3A_3172 = arith.index_cast %add3A_3171 : i32 to index
        %get3A_3173 = arith.constant 176 : index
        %get3A_3174 = tpu.vector_load %arg6[%get3A_3172, %get3A_3173] {strides = array<i32>} : memref<104x512xf32, #tpu.memory_space<vmem>>, vector<1x16xf32>,
        %get3A_3175 = vector.shape_cast %get3A_3174 : vector<1x16xf32> to vector<16xf32>
        %mul3A_3176 = arith.mulf %get3A_3169, %get3A_3175 : vector<16xf32>
        %add3A_3177 = arith.addf %add3A_3163, %mul3A_3176 : vector<16xf32>
        %add3A_3178 = arith.constant 11 : i32
        %add3A_3179 = arith.addi %mul3A_27, %add3A_3178 : i32
        %get3A_3180 = arith.index_cast %add3A_3179 : i32 to index
        %get3A_3181 = arith.constant 272 : index
        %get3A_3182 = tpu.vector_load %arg6[%get3A_3180, %get3A_3181] {strides = array<i32>} : memref<104x512xf32, #tpu.memory_space<vmem>>, vector<1x16xf32>,
        %get3A_3183 = vector.shape_cast %get3A_3182 : vector<1x16xf32> to vector<16xf32>
        %add3A_3184 = arith.constant 17 : i32
        %add3A_3185 = arith.addi %mul3A_27, %add3A_3184 : i32
        %get3A_3186 = arith.index_cast %add3A_3185 : i32 to index
        %get3A_3187 = arith.constant 176 : index
        %get3A_3188 = tpu.vector_load %arg6[%get3A_3186, %get3A_3187] {strides = array<i32>} : memref<104x512xf32, #tpu.memory_space<vmem>>, vector<1x16xf32>,
        %get3A_3189 = vector.shape_cast %get3A_3188 : vector<1x16xf32> to vector<16xf32>
        %mul3A_3190 = arith.mulf %get3A_3183, %get3A_3189 : vector<16xf32>
        %add3A_3191 = arith.addf %add3A_3177, %mul3A_3190 : vector<16xf32>
        %add3A_3192 = arith.constant 11 : i32
        %add3A_3193 = arith.addi %mul3A_27, %add3A_3192 : i32
        %get3A_3194 = arith.index_cast %add3A_3193 : i32 to index
        %get3A_3195 = arith.constant 288 : index
        %get3A_3196 = tpu.vector_load %arg6[%get3A_3194, %get3A_3195] {strides = array<i32>} : memref<104x512xf32, #tpu.memory_space<vmem>>, vector<1x16xf32>,
        %get3A_3197 = vector.shape_cast %get3A_3196 : vector<1x16xf32> to vector<16xf32>
        %add3A_3198 = arith.constant 18 : i32
        %add3A_3199 = arith.addi %mul3A_27, %add3A_3198 : i32
        %get3A_3200 = arith.index_cast %add3A_3199 : i32 to index
        %get3A_3201 = arith.constant 176 : index
        %get3A_3202 = tpu.vector_load %arg6[%get3A_3200, %get3A_3201] {strides = array<i32>} : memref<104x512xf32, #tpu.memory_space<vmem>>, vector<1x16xf32>,
        %get3A_3203 = vector.shape_cast %get3A_3202 : vector<1x16xf32> to vector<16xf32>
        %mul3A_3204 = arith.mulf %get3A_3197, %get3A_3203 : vector<16xf32>
        %add3A_3205 = arith.addf %add3A_3191, %mul3A_3204 : vector<16xf32>
        %add3A_3206 = arith.constant 11 : i32
        %add3A_3207 = arith.addi %mul3A_27, %add3A_3206 : i32
        %get3A_3208 = arith.index_cast %add3A_3207 : i32 to index
        %get3A_3209 = arith.constant 304 : index
        %get3A_3210 = tpu.vector_load %arg6[%get3A_3208, %get3A_3209] {strides = array<i32>} : memref<104x512xf32, #tpu.memory_space<vmem>>, vector<1x16xf32>,
        %get3A_3211 = vector.shape_cast %get3A_3210 : vector<1x16xf32> to vector<16xf32>
        %add3A_3212 = arith.constant 19 : i32
        %add3A_3213 = arith.addi %mul3A_27, %add3A_3212 : i32
        %get3A_3214 = arith.index_cast %add3A_3213 : i32 to index
        %get3A_3215 = arith.constant 176 : index
        %get3A_3216 = tpu.vector_load %arg6[%get3A_3214, %get3A_3215] {strides = array<i32>} : memref<104x512xf32, #tpu.memory_space<vmem>>, vector<1x16xf32>,
        %get3A_3217 = vector.shape_cast %get3A_3216 : vector<1x16xf32> to vector<16xf32>
        %mul3A_3218 = arith.mulf %get3A_3211, %get3A_3217 : vector<16xf32>
        %add3A_3219 = arith.addf %add3A_3205, %mul3A_3218 : vector<16xf32>
        %add3A_3220 = arith.constant 11 : i32
        %add3A_3221 = arith.addi %mul3A_27, %add3A_3220 : i32
        %get3A_3222 = arith.index_cast %add3A_3221 : i32 to index
        %get3A_3223 = arith.constant 320 : index
        %get3A_3224 = tpu.vector_load %arg6[%get3A_3222, %get3A_3223] {strides = array<i32>} : memref<104x512xf32, #tpu.memory_space<vmem>>, vector<1x16xf32>,
        %get3A_3225 = vector.shape_cast %get3A_3224 : vector<1x16xf32> to vector<16xf32>
        %add3A_3226 = arith.constant 20 : i32
        %add3A_3227 = arith.addi %mul3A_27, %add3A_3226 : i32
        %get3A_3228 = arith.index_cast %add3A_3227 : i32 to index
        %get3A_3229 = arith.constant 176 : index
        %get3A_3230 = tpu.vector_load %arg6[%get3A_3228, %get3A_3229] {strides = array<i32>} : memref<104x512xf32, #tpu.memory_space<vmem>>, vector<1x16xf32>,
        %get3A_3231 = vector.shape_cast %get3A_3230 : vector<1x16xf32> to vector<16xf32>
        %mul3A_3232 = arith.mulf %get3A_3225, %get3A_3231 : vector<16xf32>
        %add3A_3233 = arith.addf %add3A_3219, %mul3A_3232 : vector<16xf32>
        %add3A_3234 = arith.constant 11 : i32
        %add3A_3235 = arith.addi %mul3A_27, %add3A_3234 : i32
        %get3A_3236 = arith.index_cast %add3A_3235 : i32 to index
        %get3A_3237 = arith.constant 336 : index
        %get3A_3238 = tpu.vector_load %arg6[%get3A_3236, %get3A_3237] {strides = array<i32>} : memref<104x512xf32, #tpu.memory_space<vmem>>, vector<1x16xf32>,
        %get3A_3239 = vector.shape_cast %get3A_3238 : vector<1x16xf32> to vector<16xf32>
        %add3A_3240 = arith.constant 21 : i32
        %add3A_3241 = arith.addi %mul3A_27, %add3A_3240 : i32
        %get3A_3242 = arith.index_cast %add3A_3241 : i32 to index
        %get3A_3243 = arith.constant 176 : index
        %get3A_3244 = tpu.vector_load %arg6[%get3A_3242, %get3A_3243] {strides = array<i32>} : memref<104x512xf32, #tpu.memory_space<vmem>>, vector<1x16xf32>,
        %get3A_3245 = vector.shape_cast %get3A_3244 : vector<1x16xf32> to vector<16xf32>
        %mul3A_3246 = arith.mulf %get3A_3239, %get3A_3245 : vector<16xf32>
        %add3A_3247 = arith.addf %add3A_3233, %mul3A_3246 : vector<16xf32>
        %add3A_3248 = arith.constant 11 : i32
        %add3A_3249 = arith.addi %mul3A_27, %add3A_3248 : i32
        %get3A_3250 = arith.index_cast %add3A_3249 : i32 to index
        %get3A_3251 = arith.constant 352 : index
        %get3A_3252 = tpu.vector_load %arg6[%get3A_3250, %get3A_3251] {strides = array<i32>} : memref<104x512xf32, #tpu.memory_space<vmem>>, vector<1x16xf32>,
        %get3A_3253 = vector.shape_cast %get3A_3252 : vector<1x16xf32> to vector<16xf32>
        %add3A_3254 = arith.constant 22 : i32
        %add3A_3255 = arith.addi %mul3A_27, %add3A_3254 : i32
        %get3A_3256 = arith.index_cast %add3A_3255 : i32 to index
        %get3A_3257 = arith.constant 176 : index
        %get3A_3258 = tpu.vector_load %arg6[%get3A_3256, %get3A_3257] {strides = array<i32>} : memref<104x512xf32, #tpu.memory_space<vmem>>, vector<1x16xf32>,
        %get3A_3259 = vector.shape_cast %get3A_3258 : vector<1x16xf32> to vector<16xf32>
        %mul3A_3260 = arith.mulf %get3A_3253, %get3A_3259 : vector<16xf32>
        %add3A_3261 = arith.addf %add3A_3247, %mul3A_3260 : vector<16xf32>
        %add3A_3262 = arith.constant 11 : i32
        %add3A_3263 = arith.addi %mul3A_27, %add3A_3262 : i32
        %get3A_3264 = arith.index_cast %add3A_3263 : i32 to index
        %get3A_3265 = arith.constant 368 : index
        %get3A_3266 = tpu.vector_load %arg6[%get3A_3264, %get3A_3265] {strides = array<i32>} : memref<104x512xf32, #tpu.memory_space<vmem>>, vector<1x16xf32>,
        %get3A_3267 = vector.shape_cast %get3A_3266 : vector<1x16xf32> to vector<16xf32>
        %add3A_3268 = arith.constant 23 : i32
        %add3A_3269 = arith.addi %mul3A_27, %add3A_3268 : i32
        %get3A_3270 = arith.index_cast %add3A_3269 : i32 to index
        %get3A_3271 = arith.constant 176 : index
        %get3A_3272 = tpu.vector_load %arg6[%get3A_3270, %get3A_3271] {strides = array<i32>} : memref<104x512xf32, #tpu.memory_space<vmem>>, vector<1x16xf32>,
        %get3A_3273 = vector.shape_cast %get3A_3272 : vector<1x16xf32> to vector<16xf32>
        %mul3A_3274 = arith.mulf %get3A_3267, %get3A_3273 : vector<16xf32>
        %add3A_3275 = arith.addf %add3A_3261, %mul3A_3274 : vector<16xf32>
        %add3A_3276 = arith.constant 11 : i32
        %add3A_3277 = arith.addi %mul3A_27, %add3A_3276 : i32
        %get3A_3278 = arith.index_cast %add3A_3277 : i32 to index
        %get3A_3279 = arith.constant 384 : index
        %get3A_3280 = tpu.vector_load %arg6[%get3A_3278, %get3A_3279] {strides = array<i32>} : memref<104x512xf32, #tpu.memory_space<vmem>>, vector<1x16xf32>,
        %get3A_3281 = vector.shape_cast %get3A_3280 : vector<1x16xf32> to vector<16xf32>
        %add3A_3282 = arith.constant 24 : i32
        %add3A_3283 = arith.addi %mul3A_27, %add3A_3282 : i32
        %get3A_3284 = arith.index_cast %add3A_3283 : i32 to index
        %get3A_3285 = arith.constant 176 : index
        %get3A_3286 = tpu.vector_load %arg6[%get3A_3284, %get3A_3285] {strides = array<i32>} : memref<104x512xf32, #tpu.memory_space<vmem>>, vector<1x16xf32>,
        %get3A_3287 = vector.shape_cast %get3A_3286 : vector<1x16xf32> to vector<16xf32>
        %mul3A_3288 = arith.mulf %get3A_3281, %get3A_3287 : vector<16xf32>
        %add3A_3289 = arith.addf %add3A_3275, %mul3A_3288 : vector<16xf32>
        %add3A_3290 = arith.constant 11 : i32
        %add3A_3291 = arith.addi %mul3A_27, %add3A_3290 : i32
        %get3A_3292 = arith.index_cast %add3A_3291 : i32 to index
        %get3A_3293 = arith.constant 400 : index
        %get3A_3294 = tpu.vector_load %arg6[%get3A_3292, %get3A_3293] {strides = array<i32>} : memref<104x512xf32, #tpu.memory_space<vmem>>, vector<1x16xf32>,
        %get3A_3295 = vector.shape_cast %get3A_3294 : vector<1x16xf32> to vector<16xf32>
        %add3A_3296 = arith.constant 25 : i32
        %add3A_3297 = arith.addi %mul3A_27, %add3A_3296 : i32
        %get3A_3298 = arith.index_cast %add3A_3297 : i32 to index
        %get3A_3299 = arith.constant 176 : index
        %get3A_3300 = tpu.vector_load %arg6[%get3A_3298, %get3A_3299] {strides = array<i32>} : memref<104x512xf32, #tpu.memory_space<vmem>>, vector<1x16xf32>,
        %get3A_3301 = vector.shape_cast %get3A_3300 : vector<1x16xf32> to vector<16xf32>
        %mul3A_3302 = arith.mulf %get3A_3295, %get3A_3301 : vector<16xf32>
        %add3A_3303 = arith.addf %add3A_3289, %mul3A_3302 : vector<16xf32>
        %add3A_3304 = arith.constant 12 : i32
        %add3A_3305 = arith.addi %mul3A_27, %add3A_3304 : i32
        %get3A_3306 = arith.index_cast %add3A_3305 : i32 to index
        %get3A_3307 = arith.constant 208 : index
        %get3A_3308 = tpu.vector_load %arg6[%get3A_3306, %get3A_3307] {strides = array<i32>} : memref<104x512xf32, #tpu.memory_space<vmem>>, vector<1x16xf32>,
        %get3A_3309 = vector.shape_cast %get3A_3308 : vector<1x16xf32> to vector<16xf32>
        %add3A_3310 = arith.constant 13 : i32
        %add3A_3311 = arith.addi %mul3A_27, %add3A_3310 : i32
        %get3A_3312 = arith.index_cast %add3A_3311 : i32 to index
        %get3A_3313 = arith.constant 192 : index
        %get3A_3314 = tpu.vector_load %arg6[%get3A_3312, %get3A_3313] {strides = array<i32>} : memref<104x512xf32, #tpu.memory_space<vmem>>, vector<1x16xf32>,
        %get3A_3315 = vector.shape_cast %get3A_3314 : vector<1x16xf32> to vector<16xf32>
        %mul3A_3316 = arith.mulf %get3A_3309, %get3A_3315 : vector<16xf32>
        %add3A_3317 = arith.addf %add3A_3303, %mul3A_3316 : vector<16xf32>
        %add3A_3318 = arith.constant 12 : i32
        %add3A_3319 = arith.addi %mul3A_27, %add3A_3318 : i32
        %get3A_3320 = arith.index_cast %add3A_3319 : i32 to index
        %get3A_3321 = arith.constant 224 : index
        %get3A_3322 = tpu.vector_load %arg6[%get3A_3320, %get3A_3321] {strides = array<i32>} : memref<104x512xf32, #tpu.memory_space<vmem>>, vector<1x16xf32>,
        %get3A_3323 = vector.shape_cast %get3A_3322 : vector<1x16xf32> to vector<16xf32>
        %add3A_3324 = arith.constant 14 : i32
        %add3A_3325 = arith.addi %mul3A_27, %add3A_3324 : i32
        %get3A_3326 = arith.index_cast %add3A_3325 : i32 to index
        %get3A_3327 = arith.constant 192 : index
        %get3A_3328 = tpu.vector_load %arg6[%get3A_3326, %get3A_3327] {strides = array<i32>} : memref<104x512xf32, #tpu.memory_space<vmem>>, vector<1x16xf32>,
        %get3A_3329 = vector.shape_cast %get3A_3328 : vector<1x16xf32> to vector<16xf32>
        %mul3A_3330 = arith.mulf %get3A_3323, %get3A_3329 : vector<16xf32>
        %add3A_3331 = arith.addf %add3A_3317, %mul3A_3330 : vector<16xf32>
        %add3A_3332 = arith.constant 12 : i32
        %add3A_3333 = arith.addi %mul3A_27, %add3A_3332 : i32
        %get3A_3334 = arith.index_cast %add3A_3333 : i32 to index
        %get3A_3335 = arith.constant 240 : index
        %get3A_3336 = tpu.vector_load %arg6[%get3A_3334, %get3A_3335] {strides = array<i32>} : memref<104x512xf32, #tpu.memory_space<vmem>>, vector<1x16xf32>,
        %get3A_3337 = vector.shape_cast %get3A_3336 : vector<1x16xf32> to vector<16xf32>
        %add3A_3338 = arith.constant 15 : i32
        %add3A_3339 = arith.addi %mul3A_27, %add3A_3338 : i32
        %get3A_3340 = arith.index_cast %add3A_3339 : i32 to index
        %get3A_3341 = arith.constant 192 : index
        %get3A_3342 = tpu.vector_load %arg6[%get3A_3340, %get3A_3341] {strides = array<i32>} : memref<104x512xf32, #tpu.memory_space<vmem>>, vector<1x16xf32>,
        %get3A_3343 = vector.shape_cast %get3A_3342 : vector<1x16xf32> to vector<16xf32>
        %mul3A_3344 = arith.mulf %get3A_3337, %get3A_3343 : vector<16xf32>
        %add3A_3345 = arith.addf %add3A_3331, %mul3A_3344 : vector<16xf32>
        %add3A_3346 = arith.constant 12 : i32
        %add3A_3347 = arith.addi %mul3A_27, %add3A_3346 : i32
        %get3A_3348 = arith.index_cast %add3A_3347 : i32 to index
        %get3A_3349 = arith.constant 256 : index
        %get3A_3350 = tpu.vector_load %arg6[%get3A_3348, %get3A_3349] {strides = array<i32>} : memref<104x512xf32, #tpu.memory_space<vmem>>, vector<1x16xf32>,
        %get3A_3351 = vector.shape_cast %get3A_3350 : vector<1x16xf32> to vector<16xf32>
        %add3A_3352 = arith.constant 16 : i32
        %add3A_3353 = arith.addi %mul3A_27, %add3A_3352 : i32
        %get3A_3354 = arith.index_cast %add3A_3353 : i32 to index
        %get3A_3355 = arith.constant 192 : index
        %get3A_3356 = tpu.vector_load %arg6[%get3A_3354, %get3A_3355] {strides = array<i32>} : memref<104x512xf32, #tpu.memory_space<vmem>>, vector<1x16xf32>,
        %get3A_3357 = vector.shape_cast %get3A_3356 : vector<1x16xf32> to vector<16xf32>
        %mul3A_3358 = arith.mulf %get3A_3351, %get3A_3357 : vector<16xf32>
        %add3A_3359 = arith.addf %add3A_3345, %mul3A_3358 : vector<16xf32>
        %add3A_3360 = arith.constant 12 : i32
        %add3A_3361 = arith.addi %mul3A_27, %add3A_3360 : i32
        %get3A_3362 = arith.index_cast %add3A_3361 : i32 to index
        %get3A_3363 = arith.constant 272 : index
        %get3A_3364 = tpu.vector_load %arg6[%get3A_3362, %get3A_3363] {strides = array<i32>} : memref<104x512xf32, #tpu.memory_space<vmem>>, vector<1x16xf32>,
        %get3A_3365 = vector.shape_cast %get3A_3364 : vector<1x16xf32> to vector<16xf32>
        %add3A_3366 = arith.constant 17 : i32
        %add3A_3367 = arith.addi %mul3A_27, %add3A_3366 : i32
        %get3A_3368 = arith.index_cast %add3A_3367 : i32 to index
        %get3A_3369 = arith.constant 192 : index
        %get3A_3370 = tpu.vector_load %arg6[%get3A_3368, %get3A_3369] {strides = array<i32>} : memref<104x512xf32, #tpu.memory_space<vmem>>, vector<1x16xf32>,
        %get3A_3371 = vector.shape_cast %get3A_3370 : vector<1x16xf32> to vector<16xf32>
        %mul3A_3372 = arith.mulf %get3A_3365, %get3A_3371 : vector<16xf32>
        %add3A_3373 = arith.addf %add3A_3359, %mul3A_3372 : vector<16xf32>
        %add3A_3374 = arith.constant 12 : i32
        %add3A_3375 = arith.addi %mul3A_27, %add3A_3374 : i32
        %get3A_3376 = arith.index_cast %add3A_3375 : i32 to index
        %get3A_3377 = arith.constant 288 : index
        %get3A_3378 = tpu.vector_load %arg6[%get3A_3376, %get3A_3377] {strides = array<i32>} : memref<104x512xf32, #tpu.memory_space<vmem>>, vector<1x16xf32>,
        %get3A_3379 = vector.shape_cast %get3A_3378 : vector<1x16xf32> to vector<16xf32>
        %add3A_3380 = arith.constant 18 : i32
        %add3A_3381 = arith.addi %mul3A_27, %add3A_3380 : i32
        %get3A_3382 = arith.index_cast %add3A_3381 : i32 to index
        %get3A_3383 = arith.constant 192 : index
        %get3A_3384 = tpu.vector_load %arg6[%get3A_3382, %get3A_3383] {strides = array<i32>} : memref<104x512xf32, #tpu.memory_space<vmem>>, vector<1x16xf32>,
        %get3A_3385 = vector.shape_cast %get3A_3384 : vector<1x16xf32> to vector<16xf32>
        %mul3A_3386 = arith.mulf %get3A_3379, %get3A_3385 : vector<16xf32>
        %add3A_3387 = arith.addf %add3A_3373, %mul3A_3386 : vector<16xf32>
        %add3A_3388 = arith.constant 12 : i32
        %add3A_3389 = arith.addi %mul3A_27, %add3A_3388 : i32
        %get3A_3390 = arith.index_cast %add3A_3389 : i32 to index
        %get3A_3391 = arith.constant 304 : index
        %get3A_3392 = tpu.vector_load %arg6[%get3A_3390, %get3A_3391] {strides = array<i32>} : memref<104x512xf32, #tpu.memory_space<vmem>>, vector<1x16xf32>,
        %get3A_3393 = vector.shape_cast %get3A_3392 : vector<1x16xf32> to vector<16xf32>
        %add3A_3394 = arith.constant 19 : i32
        %add3A_3395 = arith.addi %mul3A_27, %add3A_3394 : i32
        %get3A_3396 = arith.index_cast %add3A_3395 : i32 to index
        %get3A_3397 = arith.constant 192 : index
        %get3A_3398 = tpu.vector_load %arg6[%get3A_3396, %get3A_3397] {strides = array<i32>} : memref<104x512xf32, #tpu.memory_space<vmem>>, vector<1x16xf32>,
        %get3A_3399 = vector.shape_cast %get3A_3398 : vector<1x16xf32> to vector<16xf32>
        %mul3A_3400 = arith.mulf %get3A_3393, %get3A_3399 : vector<16xf32>
        %add3A_3401 = arith.addf %add3A_3387, %mul3A_3400 : vector<16xf32>
        %add3A_3402 = arith.constant 12 : i32
        %add3A_3403 = arith.addi %mul3A_27, %add3A_3402 : i32
        %get3A_3404 = arith.index_cast %add3A_3403 : i32 to index
        %get3A_3405 = arith.constant 320 : index
        %get3A_3406 = tpu.vector_load %arg6[%get3A_3404, %get3A_3405] {strides = array<i32>} : memref<104x512xf32, #tpu.memory_space<vmem>>, vector<1x16xf32>,
        %get3A_3407 = vector.shape_cast %get3A_3406 : vector<1x16xf32> to vector<16xf32>
        %add3A_3408 = arith.constant 20 : i32
        %add3A_3409 = arith.addi %mul3A_27, %add3A_3408 : i32
        %get3A_3410 = arith.index_cast %add3A_3409 : i32 to index
        %get3A_3411 = arith.constant 192 : index
        %get3A_3412 = tpu.vector_load %arg6[%get3A_3410, %get3A_3411] {strides = array<i32>} : memref<104x512xf32, #tpu.memory_space<vmem>>, vector<1x16xf32>,
        %get3A_3413 = vector.shape_cast %get3A_3412 : vector<1x16xf32> to vector<16xf32>
        %mul3A_3414 = arith.mulf %get3A_3407, %get3A_3413 : vector<16xf32>
        %add3A_3415 = arith.addf %add3A_3401, %mul3A_3414 : vector<16xf32>
        %add3A_3416 = arith.constant 12 : i32
        %add3A_3417 = arith.addi %mul3A_27, %add3A_3416 : i32
        %get3A_3418 = arith.index_cast %add3A_3417 : i32 to index
        %get3A_3419 = arith.constant 336 : index
        %get3A_3420 = tpu.vector_load %arg6[%get3A_3418, %get3A_3419] {strides = array<i32>} : memref<104x512xf32, #tpu.memory_space<vmem>>, vector<1x16xf32>,
        %get3A_3421 = vector.shape_cast %get3A_3420 : vector<1x16xf32> to vector<16xf32>
        %add3A_3422 = arith.constant 21 : i32
        %add3A_3423 = arith.addi %mul3A_27, %add3A_3422 : i32
        %get3A_3424 = arith.index_cast %add3A_3423 : i32 to index
        %get3A_3425 = arith.constant 192 : index
        %get3A_3426 = tpu.vector_load %arg6[%get3A_3424, %get3A_3425] {strides = array<i32>} : memref<104x512xf32, #tpu.memory_space<vmem>>, vector<1x16xf32>,
        %get3A_3427 = vector.shape_cast %get3A_3426 : vector<1x16xf32> to vector<16xf32>
        %mul3A_3428 = arith.mulf %get3A_3421, %get3A_3427 : vector<16xf32>
        %add3A_3429 = arith.addf %add3A_3415, %mul3A_3428 : vector<16xf32>
        %add3A_3430 = arith.constant 12 : i32
        %add3A_3431 = arith.addi %mul3A_27, %add3A_3430 : i32
        %get3A_3432 = arith.index_cast %add3A_3431 : i32 to index
        %get3A_3433 = arith.constant 352 : index
        %get3A_3434 = tpu.vector_load %arg6[%get3A_3432, %get3A_3433] {strides = array<i32>} : memref<104x512xf32, #tpu.memory_space<vmem>>, vector<1x16xf32>,
        %get3A_3435 = vector.shape_cast %get3A_3434 : vector<1x16xf32> to vector<16xf32>
        %add3A_3436 = arith.constant 22 : i32
        %add3A_3437 = arith.addi %mul3A_27, %add3A_3436 : i32
        %get3A_3438 = arith.index_cast %add3A_3437 : i32 to index
        %get3A_3439 = arith.constant 192 : index
        %get3A_3440 = tpu.vector_load %arg6[%get3A_3438, %get3A_3439] {strides = array<i32>} : memref<104x512xf32, #tpu.memory_space<vmem>>, vector<1x16xf32>,
        %get3A_3441 = vector.shape_cast %get3A_3440 : vector<1x16xf32> to vector<16xf32>
        %mul3A_3442 = arith.mulf %get3A_3435, %get3A_3441 : vector<16xf32>
        %add3A_3443 = arith.addf %add3A_3429, %mul3A_3442 : vector<16xf32>
        %add3A_3444 = arith.constant 12 : i32
        %add3A_3445 = arith.addi %mul3A_27, %add3A_3444 : i32
        %get3A_3446 = arith.index_cast %add3A_3445 : i32 to index
        %get3A_3447 = arith.constant 368 : index
        %get3A_3448 = tpu.vector_load %arg6[%get3A_3446, %get3A_3447] {strides = array<i32>} : memref<104x512xf32, #tpu.memory_space<vmem>>, vector<1x16xf32>,
        %get3A_3449 = vector.shape_cast %get3A_3448 : vector<1x16xf32> to vector<16xf32>
        %add3A_3450 = arith.constant 23 : i32
        %add3A_3451 = arith.addi %mul3A_27, %add3A_3450 : i32
        %get3A_3452 = arith.index_cast %add3A_3451 : i32 to index
        %get3A_3453 = arith.constant 192 : index
        %get3A_3454 = tpu.vector_load %arg6[%get3A_3452, %get3A_3453] {strides = array<i32>} : memref<104x512xf32, #tpu.memory_space<vmem>>, vector<1x16xf32>,
        %get3A_3455 = vector.shape_cast %get3A_3454 : vector<1x16xf32> to vector<16xf32>
        %mul3A_3456 = arith.mulf %get3A_3449, %get3A_3455 : vector<16xf32>
        %add3A_3457 = arith.addf %add3A_3443, %mul3A_3456 : vector<16xf32>
        %add3A_3458 = arith.constant 12 : i32
        %add3A_3459 = arith.addi %mul3A_27, %add3A_3458 : i32
        %get3A_3460 = arith.index_cast %add3A_3459 : i32 to index
        %get3A_3461 = arith.constant 384 : index
        %get3A_3462 = tpu.vector_load %arg6[%get3A_3460, %get3A_3461] {strides = array<i32>} : memref<104x512xf32, #tpu.memory_space<vmem>>, vector<1x16xf32>,
        %get3A_3463 = vector.shape_cast %get3A_3462 : vector<1x16xf32> to vector<16xf32>
        %add3A_3464 = arith.constant 24 : i32
        %add3A_3465 = arith.addi %mul3A_27, %add3A_3464 : i32
        %get3A_3466 = arith.index_cast %add3A_3465 : i32 to index
        %get3A_3467 = arith.constant 192 : index
        %get3A_3468 = tpu.vector_load %arg6[%get3A_3466, %get3A_3467] {strides = array<i32>} : memref<104x512xf32, #tpu.memory_space<vmem>>, vector<1x16xf32>,
        %get3A_3469 = vector.shape_cast %get3A_3468 : vector<1x16xf32> to vector<16xf32>
        %mul3A_3470 = arith.mulf %get3A_3463, %get3A_3469 : vector<16xf32>
        %add3A_3471 = arith.addf %add3A_3457, %mul3A_3470 : vector<16xf32>
        %add3A_3472 = arith.constant 12 : i32
        %add3A_3473 = arith.addi %mul3A_27, %add3A_3472 : i32
        %get3A_3474 = arith.index_cast %add3A_3473 : i32 to index
        %get3A_3475 = arith.constant 400 : index
        %get3A_3476 = tpu.vector_load %arg6[%get3A_3474, %get3A_3475] {strides = array<i32>} : memref<104x512xf32, #tpu.memory_space<vmem>>, vector<1x16xf32>,
        %get3A_3477 = vector.shape_cast %get3A_3476 : vector<1x16xf32> to vector<16xf32>
        %add3A_3478 = arith.constant 25 : i32
        %add3A_3479 = arith.addi %mul3A_27, %add3A_3478 : i32
        %get3A_3480 = arith.index_cast %add3A_3479 : i32 to index
        %get3A_3481 = arith.constant 192 : index
        %get3A_3482 = tpu.vector_load %arg6[%get3A_3480, %get3A_3481] {strides = array<i32>} : memref<104x512xf32, #tpu.memory_space<vmem>>, vector<1x16xf32>,
        %get3A_3483 = vector.shape_cast %get3A_3482 : vector<1x16xf32> to vector<16xf32>
        %mul3A_3484 = arith.mulf %get3A_3477, %get3A_3483 : vector<16xf32>
        %add3A_3485 = arith.addf %add3A_3471, %mul3A_3484 : vector<16xf32>
        %add3A_3486 = arith.constant 13 : i32
        %add3A_3487 = arith.addi %mul3A_27, %add3A_3486 : i32
        %get3A_3488 = arith.index_cast %add3A_3487 : i32 to index
        %get3A_3489 = arith.constant 224 : index
        %get3A_3490 = tpu.vector_load %arg6[%get3A_3488, %get3A_3489] {strides = array<i32>} : memref<104x512xf32, #tpu.memory_space<vmem>>, vector<1x16xf32>,
        %get3A_3491 = vector.shape_cast %get3A_3490 : vector<1x16xf32> to vector<16xf32>
        %add3A_3492 = arith.constant 14 : i32
        %add3A_3493 = arith.addi %mul3A_27, %add3A_3492 : i32
        %get3A_3494 = arith.index_cast %add3A_3493 : i32 to index
        %get3A_3495 = arith.constant 208 : index
        %get3A_3496 = tpu.vector_load %arg6[%get3A_3494, %get3A_3495] {strides = array<i32>} : memref<104x512xf32, #tpu.memory_space<vmem>>, vector<1x16xf32>,
        %get3A_3497 = vector.shape_cast %get3A_3496 : vector<1x16xf32> to vector<16xf32>
        %mul3A_3498 = arith.mulf %get3A_3491, %get3A_3497 : vector<16xf32>
        %add3A_3499 = arith.addf %add3A_3485, %mul3A_3498 : vector<16xf32>
        %add3A_3500 = arith.constant 13 : i32
        %add3A_3501 = arith.addi %mul3A_27, %add3A_3500 : i32
        %get3A_3502 = arith.index_cast %add3A_3501 : i32 to index
        %get3A_3503 = arith.constant 240 : index
        %get3A_3504 = tpu.vector_load %arg6[%get3A_3502, %get3A_3503] {strides = array<i32>} : memref<104x512xf32, #tpu.memory_space<vmem>>, vector<1x16xf32>,
        %get3A_3505 = vector.shape_cast %get3A_3504 : vector<1x16xf32> to vector<16xf32>
        %add3A_3506 = arith.constant 15 : i32
        %add3A_3507 = arith.addi %mul3A_27, %add3A_3506 : i32
        %get3A_3508 = arith.index_cast %add3A_3507 : i32 to index
        %get3A_3509 = arith.constant 208 : index
        %get3A_3510 = tpu.vector_load %arg6[%get3A_3508, %get3A_3509] {strides = array<i32>} : memref<104x512xf32, #tpu.memory_space<vmem>>, vector<1x16xf32>,
        %get3A_3511 = vector.shape_cast %get3A_3510 : vector<1x16xf32> to vector<16xf32>
        %mul3A_3512 = arith.mulf %get3A_3505, %get3A_3511 : vector<16xf32>
        %add3A_3513 = arith.addf %add3A_3499, %mul3A_3512 : vector<16xf32>
        %add3A_3514 = arith.constant 13 : i32
        %add3A_3515 = arith.addi %mul3A_27, %add3A_3514 : i32
        %get3A_3516 = arith.index_cast %add3A_3515 : i32 to index
        %get3A_3517 = arith.constant 256 : index
        %get3A_3518 = tpu.vector_load %arg6[%get3A_3516, %get3A_3517] {strides = array<i32>} : memref<104x512xf32, #tpu.memory_space<vmem>>, vector<1x16xf32>,
        %get3A_3519 = vector.shape_cast %get3A_3518 : vector<1x16xf32> to vector<16xf32>
        %add3A_3520 = arith.constant 16 : i32
        %add3A_3521 = arith.addi %mul3A_27, %add3A_3520 : i32
        %get3A_3522 = arith.index_cast %add3A_3521 : i32 to index
        %get3A_3523 = arith.constant 208 : index
        %get3A_3524 = tpu.vector_load %arg6[%get3A_3522, %get3A_3523] {strides = array<i32>} : memref<104x512xf32, #tpu.memory_space<vmem>>, vector<1x16xf32>,
        %get3A_3525 = vector.shape_cast %get3A_3524 : vector<1x16xf32> to vector<16xf32>
        %mul3A_3526 = arith.mulf %get3A_3519, %get3A_3525 : vector<16xf32>
        %add3A_3527 = arith.addf %add3A_3513, %mul3A_3526 : vector<16xf32>
        %add3A_3528 = arith.constant 13 : i32
        %add3A_3529 = arith.addi %mul3A_27, %add3A_3528 : i32
        %get3A_3530 = arith.index_cast %add3A_3529 : i32 to index
        %get3A_3531 = arith.constant 272 : index
        %get3A_3532 = tpu.vector_load %arg6[%get3A_3530, %get3A_3531] {strides = array<i32>} : memref<104x512xf32, #tpu.memory_space<vmem>>, vector<1x16xf32>,
        %get3A_3533 = vector.shape_cast %get3A_3532 : vector<1x16xf32> to vector<16xf32>
        %add3A_3534 = arith.constant 17 : i32
        %add3A_3535 = arith.addi %mul3A_27, %add3A_3534 : i32
        %get3A_3536 = arith.index_cast %add3A_3535 : i32 to index
        %get3A_3537 = arith.constant 208 : index
        %get3A_3538 = tpu.vector_load %arg6[%get3A_3536, %get3A_3537] {strides = array<i32>} : memref<104x512xf32, #tpu.memory_space<vmem>>, vector<1x16xf32>,
        %get3A_3539 = vector.shape_cast %get3A_3538 : vector<1x16xf32> to vector<16xf32>
        %mul3A_3540 = arith.mulf %get3A_3533, %get3A_3539 : vector<16xf32>
        %add3A_3541 = arith.addf %add3A_3527, %mul3A_3540 : vector<16xf32>
        %add3A_3542 = arith.constant 13 : i32
        %add3A_3543 = arith.addi %mul3A_27, %add3A_3542 : i32
        %get3A_3544 = arith.index_cast %add3A_3543 : i32 to index
        %get3A_3545 = arith.constant 288 : index
        %get3A_3546 = tpu.vector_load %arg6[%get3A_3544, %get3A_3545] {strides = array<i32>} : memref<104x512xf32, #tpu.memory_space<vmem>>, vector<1x16xf32>,
        %get3A_3547 = vector.shape_cast %get3A_3546 : vector<1x16xf32> to vector<16xf32>
        %add3A_3548 = arith.constant 18 : i32
        %add3A_3549 = arith.addi %mul3A_27, %add3A_3548 : i32
        %get3A_3550 = arith.index_cast %add3A_3549 : i32 to index
        %get3A_3551 = arith.constant 208 : index
        %get3A_3552 = tpu.vector_load %arg6[%get3A_3550, %get3A_3551] {strides = array<i32>} : memref<104x512xf32, #tpu.memory_space<vmem>>, vector<1x16xf32>,
        %get3A_3553 = vector.shape_cast %get3A_3552 : vector<1x16xf32> to vector<16xf32>
        %mul3A_3554 = arith.mulf %get3A_3547, %get3A_3553 : vector<16xf32>
        %add3A_3555 = arith.addf %add3A_3541, %mul3A_3554 : vector<16xf32>
        %add3A_3556 = arith.constant 13 : i32
        %add3A_3557 = arith.addi %mul3A_27, %add3A_3556 : i32
        %get3A_3558 = arith.index_cast %add3A_3557 : i32 to index
        %get3A_3559 = arith.constant 304 : index
        %get3A_3560 = tpu.vector_load %arg6[%get3A_3558, %get3A_3559] {strides = array<i32>} : memref<104x512xf32, #tpu.memory_space<vmem>>, vector<1x16xf32>,
        %get3A_3561 = vector.shape_cast %get3A_3560 : vector<1x16xf32> to vector<16xf32>
        %add3A_3562 = arith.constant 19 : i32
        %add3A_3563 = arith.addi %mul3A_27, %add3A_3562 : i32
        %get3A_3564 = arith.index_cast %add3A_3563 : i32 to index
        %get3A_3565 = arith.constant 208 : index
        %get3A_3566 = tpu.vector_load %arg6[%get3A_3564, %get3A_3565] {strides = array<i32>} : memref<104x512xf32, #tpu.memory_space<vmem>>, vector<1x16xf32>,
        %get3A_3567 = vector.shape_cast %get3A_3566 : vector<1x16xf32> to vector<16xf32>
        %mul3A_3568 = arith.mulf %get3A_3561, %get3A_3567 : vector<16xf32>
        %add3A_3569 = arith.addf %add3A_3555, %mul3A_3568 : vector<16xf32>
        %add3A_3570 = arith.constant 13 : i32
        %add3A_3571 = arith.addi %mul3A_27, %add3A_3570 : i32
        %get3A_3572 = arith.index_cast %add3A_3571 : i32 to index
        %get3A_3573 = arith.constant 320 : index
        %get3A_3574 = tpu.vector_load %arg6[%get3A_3572, %get3A_3573] {strides = array<i32>} : memref<104x512xf32, #tpu.memory_space<vmem>>, vector<1x16xf32>,
        %get3A_3575 = vector.shape_cast %get3A_3574 : vector<1x16xf32> to vector<16xf32>
        %add3A_3576 = arith.constant 20 : i32
        %add3A_3577 = arith.addi %mul3A_27, %add3A_3576 : i32
        %get3A_3578 = arith.index_cast %add3A_3577 : i32 to index
        %get3A_3579 = arith.constant 208 : index
        %get3A_3580 = tpu.vector_load %arg6[%get3A_3578, %get3A_3579] {strides = array<i32>} : memref<104x512xf32, #tpu.memory_space<vmem>>, vector<1x16xf32>,
        %get3A_3581 = vector.shape_cast %get3A_3580 : vector<1x16xf32> to vector<16xf32>
        %mul3A_3582 = arith.mulf %get3A_3575, %get3A_3581 : vector<16xf32>
        %add3A_3583 = arith.addf %add3A_3569, %mul3A_3582 : vector<16xf32>
        %add3A_3584 = arith.constant 13 : i32
        %add3A_3585 = arith.addi %mul3A_27, %add3A_3584 : i32
        %get3A_3586 = arith.index_cast %add3A_3585 : i32 to index
        %get3A_3587 = arith.constant 336 : index
        %get3A_3588 = tpu.vector_load %arg6[%get3A_3586, %get3A_3587] {strides = array<i32>} : memref<104x512xf32, #tpu.memory_space<vmem>>, vector<1x16xf32>,
        %get3A_3589 = vector.shape_cast %get3A_3588 : vector<1x16xf32> to vector<16xf32>
        %add3A_3590 = arith.constant 21 : i32
        %add3A_3591 = arith.addi %mul3A_27, %add3A_3590 : i32
        %get3A_3592 = arith.index_cast %add3A_3591 : i32 to index
        %get3A_3593 = arith.constant 208 : index
        %get3A_3594 = tpu.vector_load %arg6[%get3A_3592, %get3A_3593] {strides = array<i32>} : memref<104x512xf32, #tpu.memory_space<vmem>>, vector<1x16xf32>,
        %get3A_3595 = vector.shape_cast %get3A_3594 : vector<1x16xf32> to vector<16xf32>
        %mul3A_3596 = arith.mulf %get3A_3589, %get3A_3595 : vector<16xf32>
        %add3A_3597 = arith.addf %add3A_3583, %mul3A_3596 : vector<16xf32>
        %add3A_3598 = arith.constant 13 : i32
        %add3A_3599 = arith.addi %mul3A_27, %add3A_3598 : i32
        %get3A_3600 = arith.index_cast %add3A_3599 : i32 to index
        %get3A_3601 = arith.constant 352 : index
        %get3A_3602 = tpu.vector_load %arg6[%get3A_3600, %get3A_3601] {strides = array<i32>} : memref<104x512xf32, #tpu.memory_space<vmem>>, vector<1x16xf32>,
        %get3A_3603 = vector.shape_cast %get3A_3602 : vector<1x16xf32> to vector<16xf32>
        %add3A_3604 = arith.constant 22 : i32
        %add3A_3605 = arith.addi %mul3A_27, %add3A_3604 : i32
        %get3A_3606 = arith.index_cast %add3A_3605 : i32 to index
        %get3A_3607 = arith.constant 208 : index
        %get3A_3608 = tpu.vector_load %arg6[%get3A_3606, %get3A_3607] {strides = array<i32>} : memref<104x512xf32, #tpu.memory_space<vmem>>, vector<1x16xf32>,
        %get3A_3609 = vector.shape_cast %get3A_3608 : vector<1x16xf32> to vector<16xf32>
        %mul3A_3610 = arith.mulf %get3A_3603, %get3A_3609 : vector<16xf32>
        %add3A_3611 = arith.addf %add3A_3597, %mul3A_3610 : vector<16xf32>
        %add3A_3612 = arith.constant 13 : i32
        %add3A_3613 = arith.addi %mul3A_27, %add3A_3612 : i32
        %get3A_3614 = arith.index_cast %add3A_3613 : i32 to index
        %get3A_3615 = arith.constant 368 : index
        %get3A_3616 = tpu.vector_load %arg6[%get3A_3614, %get3A_3615] {strides = array<i32>} : memref<104x512xf32, #tpu.memory_space<vmem>>, vector<1x16xf32>,
        %get3A_3617 = vector.shape_cast %get3A_3616 : vector<1x16xf32> to vector<16xf32>
        %add3A_3618 = arith.constant 23 : i32
        %add3A_3619 = arith.addi %mul3A_27, %add3A_3618 : i32
        %get3A_3620 = arith.index_cast %add3A_3619 : i32 to index
        %get3A_3621 = arith.constant 208 : index
        %get3A_3622 = tpu.vector_load %arg6[%get3A_3620, %get3A_3621] {strides = array<i32>} : memref<104x512xf32, #tpu.memory_space<vmem>>, vector<1x16xf32>,
        %get3A_3623 = vector.shape_cast %get3A_3622 : vector<1x16xf32> to vector<16xf32>
        %mul3A_3624 = arith.mulf %get3A_3617, %get3A_3623 : vector<16xf32>
        %add3A_3625 = arith.addf %add3A_3611, %mul3A_3624 : vector<16xf32>
        %add3A_3626 = arith.constant 13 : i32
        %add3A_3627 = arith.addi %mul3A_27, %add3A_3626 : i32
        %get3A_3628 = arith.index_cast %add3A_3627 : i32 to index
        %get3A_3629 = arith.constant 384 : index
        %get3A_3630 = tpu.vector_load %arg6[%get3A_3628, %get3A_3629] {strides = array<i32>} : memref<104x512xf32, #tpu.memory_space<vmem>>, vector<1x16xf32>,
        %get3A_3631 = vector.shape_cast %get3A_3630 : vector<1x16xf32> to vector<16xf32>
        %add3A_3632 = arith.constant 24 : i32
        %add3A_3633 = arith.addi %mul3A_27, %add3A_3632 : i32
        %get3A_3634 = arith.index_cast %add3A_3633 : i32 to index
        %get3A_3635 = arith.constant 208 : index
        %get3A_3636 = tpu.vector_load %arg6[%get3A_3634, %get3A_3635] {strides = array<i32>} : memref<104x512xf32, #tpu.memory_space<vmem>>, vector<1x16xf32>,
        %get3A_3637 = vector.shape_cast %get3A_3636 : vector<1x16xf32> to vector<16xf32>
        %mul3A_3638 = arith.mulf %get3A_3631, %get3A_3637 : vector<16xf32>
        %add3A_3639 = arith.addf %add3A_3625, %mul3A_3638 : vector<16xf32>
        %add3A_3640 = arith.constant 13 : i32
        %add3A_3641 = arith.addi %mul3A_27, %add3A_3640 : i32
        %get3A_3642 = arith.index_cast %add3A_3641 : i32 to index
        %get3A_3643 = arith.constant 400 : index
        %get3A_3644 = tpu.vector_load %arg6[%get3A_3642, %get3A_3643] {strides = array<i32>} : memref<104x512xf32, #tpu.memory_space<vmem>>, vector<1x16xf32>,
        %get3A_3645 = vector.shape_cast %get3A_3644 : vector<1x16xf32> to vector<16xf32>
        %add3A_3646 = arith.constant 25 : i32
        %add3A_3647 = arith.addi %mul3A_27, %add3A_3646 : i32
        %get3A_3648 = arith.index_cast %add3A_3647 : i32 to index
        %get3A_3649 = arith.constant 208 : index
        %get3A_3650 = tpu.vector_load %arg6[%get3A_3648, %get3A_3649] {strides = array<i32>} : memref<104x512xf32, #tpu.memory_space<vmem>>, vector<1x16xf32>,
        %get3A_3651 = vector.shape_cast %get3A_3650 : vector<1x16xf32> to vector<16xf32>
        %mul3A_3652 = arith.mulf %get3A_3645, %get3A_3651 : vector<16xf32>
        %add3A_3653 = arith.addf %add3A_3639, %mul3A_3652 : vector<16xf32>
        %add3A_3654 = arith.constant 14 : i32
        %add3A_3655 = arith.addi %mul3A_27, %add3A_3654 : i32
        %get3A_3656 = arith.index_cast %add3A_3655 : i32 to index
        %get3A_3657 = arith.constant 240 : index
        %get3A_3658 = tpu.vector_load %arg6[%get3A_3656, %get3A_3657] {strides = array<i32>} : memref<104x512xf32, #tpu.memory_space<vmem>>, vector<1x16xf32>,
        %get3A_3659 = vector.shape_cast %get3A_3658 : vector<1x16xf32> to vector<16xf32>
        %add3A_3660 = arith.constant 15 : i32
        %add3A_3661 = arith.addi %mul3A_27, %add3A_3660 : i32
        %get3A_3662 = arith.index_cast %add3A_3661 : i32 to index
        %get3A_3663 = arith.constant 224 : index
        %get3A_3664 = tpu.vector_load %arg6[%get3A_3662, %get3A_3663] {strides = array<i32>} : memref<104x512xf32, #tpu.memory_space<vmem>>, vector<1x16xf32>,
        %get3A_3665 = vector.shape_cast %get3A_3664 : vector<1x16xf32> to vector<16xf32>
        %mul3A_3666 = arith.mulf %get3A_3659, %get3A_3665 : vector<16xf32>
        %add3A_3667 = arith.addf %add3A_3653, %mul3A_3666 : vector<16xf32>
        %add3A_3668 = arith.constant 14 : i32
        %add3A_3669 = arith.addi %mul3A_27, %add3A_3668 : i32
        %get3A_3670 = arith.index_cast %add3A_3669 : i32 to index
        %get3A_3671 = arith.constant 256 : index
        %get3A_3672 = tpu.vector_load %arg6[%get3A_3670, %get3A_3671] {strides = array<i32>} : memref<104x512xf32, #tpu.memory_space<vmem>>, vector<1x16xf32>,
        %get3A_3673 = vector.shape_cast %get3A_3672 : vector<1x16xf32> to vector<16xf32>
        %add3A_3674 = arith.constant 16 : i32
        %add3A_3675 = arith.addi %mul3A_27, %add3A_3674 : i32
        %get3A_3676 = arith.index_cast %add3A_3675 : i32 to index
        %get3A_3677 = arith.constant 224 : index
        %get3A_3678 = tpu.vector_load %arg6[%get3A_3676, %get3A_3677] {strides = array<i32>} : memref<104x512xf32, #tpu.memory_space<vmem>>, vector<1x16xf32>,
        %get3A_3679 = vector.shape_cast %get3A_3678 : vector<1x16xf32> to vector<16xf32>
        %mul3A_3680 = arith.mulf %get3A_3673, %get3A_3679 : vector<16xf32>
        %add3A_3681 = arith.addf %add3A_3667, %mul3A_3680 : vector<16xf32>
        %add3A_3682 = arith.constant 14 : i32
        %add3A_3683 = arith.addi %mul3A_27, %add3A_3682 : i32
        %get3A_3684 = arith.index_cast %add3A_3683 : i32 to index
        %get3A_3685 = arith.constant 272 : index
        %get3A_3686 = tpu.vector_load %arg6[%get3A_3684, %get3A_3685] {strides = array<i32>} : memref<104x512xf32, #tpu.memory_space<vmem>>, vector<1x16xf32>,
        %get3A_3687 = vector.shape_cast %get3A_3686 : vector<1x16xf32> to vector<16xf32>
        %add3A_3688 = arith.constant 17 : i32
        %add3A_3689 = arith.addi %mul3A_27, %add3A_3688 : i32
        %get3A_3690 = arith.index_cast %add3A_3689 : i32 to index
        %get3A_3691 = arith.constant 224 : index
        %get3A_3692 = tpu.vector_load %arg6[%get3A_3690, %get3A_3691] {strides = array<i32>} : memref<104x512xf32, #tpu.memory_space<vmem>>, vector<1x16xf32>,
        %get3A_3693 = vector.shape_cast %get3A_3692 : vector<1x16xf32> to vector<16xf32>
        %mul3A_3694 = arith.mulf %get3A_3687, %get3A_3693 : vector<16xf32>
        %add3A_3695 = arith.addf %add3A_3681, %mul3A_3694 : vector<16xf32>
        %add3A_3696 = arith.constant 14 : i32
        %add3A_3697 = arith.addi %mul3A_27, %add3A_3696 : i32
        %get3A_3698 = arith.index_cast %add3A_3697 : i32 to index
        %get3A_3699 = arith.constant 288 : index
        %get3A_3700 = tpu.vector_load %arg6[%get3A_3698, %get3A_3699] {strides = array<i32>} : memref<104x512xf32, #tpu.memory_space<vmem>>, vector<1x16xf32>,
        %get3A_3701 = vector.shape_cast %get3A_3700 : vector<1x16xf32> to vector<16xf32>
        %add3A_3702 = arith.constant 18 : i32
        %add3A_3703 = arith.addi %mul3A_27, %add3A_3702 : i32
        %get3A_3704 = arith.index_cast %add3A_3703 : i32 to index
        %get3A_3705 = arith.constant 224 : index
        %get3A_3706 = tpu.vector_load %arg6[%get3A_3704, %get3A_3705] {strides = array<i32>} : memref<104x512xf32, #tpu.memory_space<vmem>>, vector<1x16xf32>,
        %get3A_3707 = vector.shape_cast %get3A_3706 : vector<1x16xf32> to vector<16xf32>
        %mul3A_3708 = arith.mulf %get3A_3701, %get3A_3707 : vector<16xf32>
        %add3A_3709 = arith.addf %add3A_3695, %mul3A_3708 : vector<16xf32>
        %add3A_3710 = arith.constant 14 : i32
        %add3A_3711 = arith.addi %mul3A_27, %add3A_3710 : i32
        %get3A_3712 = arith.index_cast %add3A_3711 : i32 to index
        %get3A_3713 = arith.constant 304 : index
        %get3A_3714 = tpu.vector_load %arg6[%get3A_3712, %get3A_3713] {strides = array<i32>} : memref<104x512xf32, #tpu.memory_space<vmem>>, vector<1x16xf32>,
        %get3A_3715 = vector.shape_cast %get3A_3714 : vector<1x16xf32> to vector<16xf32>
        %add3A_3716 = arith.constant 19 : i32
        %add3A_3717 = arith.addi %mul3A_27, %add3A_3716 : i32
        %get3A_3718 = arith.index_cast %add3A_3717 : i32 to index
        %get3A_3719 = arith.constant 224 : index
        %get3A_3720 = tpu.vector_load %arg6[%get3A_3718, %get3A_3719] {strides = array<i32>} : memref<104x512xf32, #tpu.memory_space<vmem>>, vector<1x16xf32>,
        %get3A_3721 = vector.shape_cast %get3A_3720 : vector<1x16xf32> to vector<16xf32>
        %mul3A_3722 = arith.mulf %get3A_3715, %get3A_3721 : vector<16xf32>
        %add3A_3723 = arith.addf %add3A_3709, %mul3A_3722 : vector<16xf32>
        %add3A_3724 = arith.constant 14 : i32
        %add3A_3725 = arith.addi %mul3A_27, %add3A_3724 : i32
        %get3A_3726 = arith.index_cast %add3A_3725 : i32 to index
        %get3A_3727 = arith.constant 320 : index
        %get3A_3728 = tpu.vector_load %arg6[%get3A_3726, %get3A_3727] {strides = array<i32>} : memref<104x512xf32, #tpu.memory_space<vmem>>, vector<1x16xf32>,
        %get3A_3729 = vector.shape_cast %get3A_3728 : vector<1x16xf32> to vector<16xf32>
        %add3A_3730 = arith.constant 20 : i32
        %add3A_3731 = arith.addi %mul3A_27, %add3A_3730 : i32
        %get3A_3732 = arith.index_cast %add3A_3731 : i32 to index
        %get3A_3733 = arith.constant 224 : index
        %get3A_3734 = tpu.vector_load %arg6[%get3A_3732, %get3A_3733] {strides = array<i32>} : memref<104x512xf32, #tpu.memory_space<vmem>>, vector<1x16xf32>,
        %get3A_3735 = vector.shape_cast %get3A_3734 : vector<1x16xf32> to vector<16xf32>
        %mul3A_3736 = arith.mulf %get3A_3729, %get3A_3735 : vector<16xf32>
        %add3A_3737 = arith.addf %add3A_3723, %mul3A_3736 : vector<16xf32>
        %add3A_3738 = arith.constant 14 : i32
        %add3A_3739 = arith.addi %mul3A_27, %add3A_3738 : i32
        %get3A_3740 = arith.index_cast %add3A_3739 : i32 to index
        %get3A_3741 = arith.constant 336 : index
        %get3A_3742 = tpu.vector_load %arg6[%get3A_3740, %get3A_3741] {strides = array<i32>} : memref<104x512xf32, #tpu.memory_space<vmem>>, vector<1x16xf32>,
        %get3A_3743 = vector.shape_cast %get3A_3742 : vector<1x16xf32> to vector<16xf32>
        %add3A_3744 = arith.constant 21 : i32
        %add3A_3745 = arith.addi %mul3A_27, %add3A_3744 : i32
        %get3A_3746 = arith.index_cast %add3A_3745 : i32 to index
        %get3A_3747 = arith.constant 224 : index
        %get3A_3748 = tpu.vector_load %arg6[%get3A_3746, %get3A_3747] {strides = array<i32>} : memref<104x512xf32, #tpu.memory_space<vmem>>, vector<1x16xf32>,
        %get3A_3749 = vector.shape_cast %get3A_3748 : vector<1x16xf32> to vector<16xf32>
        %mul3A_3750 = arith.mulf %get3A_3743, %get3A_3749 : vector<16xf32>
        %add3A_3751 = arith.addf %add3A_3737, %mul3A_3750 : vector<16xf32>
        %add3A_3752 = arith.constant 14 : i32
        %add3A_3753 = arith.addi %mul3A_27, %add3A_3752 : i32
        %get3A_3754 = arith.index_cast %add3A_3753 : i32 to index
        %get3A_3755 = arith.constant 352 : index
        %get3A_3756 = tpu.vector_load %arg6[%get3A_3754, %get3A_3755] {strides = array<i32>} : memref<104x512xf32, #tpu.memory_space<vmem>>, vector<1x16xf32>,
        %get3A_3757 = vector.shape_cast %get3A_3756 : vector<1x16xf32> to vector<16xf32>
        %add3A_3758 = arith.constant 22 : i32
        %add3A_3759 = arith.addi %mul3A_27, %add3A_3758 : i32
        %get3A_3760 = arith.index_cast %add3A_3759 : i32 to index
        %get3A_3761 = arith.constant 224 : index
        %get3A_3762 = tpu.vector_load %arg6[%get3A_3760, %get3A_3761] {strides = array<i32>} : memref<104x512xf32, #tpu.memory_space<vmem>>, vector<1x16xf32>,
        %get3A_3763 = vector.shape_cast %get3A_3762 : vector<1x16xf32> to vector<16xf32>
        %mul3A_3764 = arith.mulf %get3A_3757, %get3A_3763 : vector<16xf32>
        %add3A_3765 = arith.addf %add3A_3751, %mul3A_3764 : vector<16xf32>
        %add3A_3766 = arith.constant 14 : i32
        %add3A_3767 = arith.addi %mul3A_27, %add3A_3766 : i32
        %get3A_3768 = arith.index_cast %add3A_3767 : i32 to index
        %get3A_3769 = arith.constant 368 : index
        %get3A_3770 = tpu.vector_load %arg6[%get3A_3768, %get3A_3769] {strides = array<i32>} : memref<104x512xf32, #tpu.memory_space<vmem>>, vector<1x16xf32>,
        %get3A_3771 = vector.shape_cast %get3A_3770 : vector<1x16xf32> to vector<16xf32>
        %add3A_3772 = arith.constant 23 : i32
        %add3A_3773 = arith.addi %mul3A_27, %add3A_3772 : i32
        %get3A_3774 = arith.index_cast %add3A_3773 : i32 to index
        %get3A_3775 = arith.constant 224 : index
        %get3A_3776 = tpu.vector_load %arg6[%get3A_3774, %get3A_3775] {strides = array<i32>} : memref<104x512xf32, #tpu.memory_space<vmem>>, vector<1x16xf32>,
        %get3A_3777 = vector.shape_cast %get3A_3776 : vector<1x16xf32> to vector<16xf32>
        %mul3A_3778 = arith.mulf %get3A_3771, %get3A_3777 : vector<16xf32>
        %add3A_3779 = arith.addf %add3A_3765, %mul3A_3778 : vector<16xf32>
        %add3A_3780 = arith.constant 14 : i32
        %add3A_3781 = arith.addi %mul3A_27, %add3A_3780 : i32
        %get3A_3782 = arith.index_cast %add3A_3781 : i32 to index
        %get3A_3783 = arith.constant 384 : index
        %get3A_3784 = tpu.vector_load %arg6[%get3A_3782, %get3A_3783] {strides = array<i32>} : memref<104x512xf32, #tpu.memory_space<vmem>>, vector<1x16xf32>,
        %get3A_3785 = vector.shape_cast %get3A_3784 : vector<1x16xf32> to vector<16xf32>
        %add3A_3786 = arith.constant 24 : i32
        %add3A_3787 = arith.addi %mul3A_27, %add3A_3786 : i32
        %get3A_3788 = arith.index_cast %add3A_3787 : i32 to index
        %get3A_3789 = arith.constant 224 : index
        %get3A_3790 = tpu.vector_load %arg6[%get3A_3788, %get3A_3789] {strides = array<i32>} : memref<104x512xf32, #tpu.memory_space<vmem>>, vector<1x16xf32>,
        %get3A_3791 = vector.shape_cast %get3A_3790 : vector<1x16xf32> to vector<16xf32>
        %mul3A_3792 = arith.mulf %get3A_3785, %get3A_3791 : vector<16xf32>
        %add3A_3793 = arith.addf %add3A_3779, %mul3A_3792 : vector<16xf32>
        %add3A_3794 = arith.constant 14 : i32
        %add3A_3795 = arith.addi %mul3A_27, %add3A_3794 : i32
        %get3A_3796 = arith.index_cast %add3A_3795 : i32 to index
        %get3A_3797 = arith.constant 400 : index
        %get3A_3798 = tpu.vector_load %arg6[%get3A_3796, %get3A_3797] {strides = array<i32>} : memref<104x512xf32, #tpu.memory_space<vmem>>, vector<1x16xf32>,
        %get3A_3799 = vector.shape_cast %get3A_3798 : vector<1x16xf32> to vector<16xf32>
        %add3A_3800 = arith.constant 25 : i32
        %add3A_3801 = arith.addi %mul3A_27, %add3A_3800 : i32
        %get3A_3802 = arith.index_cast %add3A_3801 : i32 to index
        %get3A_3803 = arith.constant 224 : index
        %get3A_3804 = tpu.vector_load %arg6[%get3A_3802, %get3A_3803] {strides = array<i32>} : memref<104x512xf32, #tpu.memory_space<vmem>>, vector<1x16xf32>,
        %get3A_3805 = vector.shape_cast %get3A_3804 : vector<1x16xf32> to vector<16xf32>
        %mul3A_3806 = arith.mulf %get3A_3799, %get3A_3805 : vector<16xf32>
        %add3A_3807 = arith.addf %add3A_3793, %mul3A_3806 : vector<16xf32>
        %add3A_3808 = arith.constant 15 : i32
        %add3A_3809 = arith.addi %mul3A_27, %add3A_3808 : i32
        %get3A_3810 = arith.index_cast %add3A_3809 : i32 to index
        %get3A_3811 = arith.constant 256 : index
        %get3A_3812 = tpu.vector_load %arg6[%get3A_3810, %get3A_3811] {strides = array<i32>} : memref<104x512xf32, #tpu.memory_space<vmem>>, vector<1x16xf32>,
        %get3A_3813 = vector.shape_cast %get3A_3812 : vector<1x16xf32> to vector<16xf32>
        %add3A_3814 = arith.constant 16 : i32
        %add3A_3815 = arith.addi %mul3A_27, %add3A_3814 : i32
        %get3A_3816 = arith.index_cast %add3A_3815 : i32 to index
        %get3A_3817 = arith.constant 240 : index
        %get3A_3818 = tpu.vector_load %arg6[%get3A_3816, %get3A_3817] {strides = array<i32>} : memref<104x512xf32, #tpu.memory_space<vmem>>, vector<1x16xf32>,
        %get3A_3819 = vector.shape_cast %get3A_3818 : vector<1x16xf32> to vector<16xf32>
        %mul3A_3820 = arith.mulf %get3A_3813, %get3A_3819 : vector<16xf32>
        %add3A_3821 = arith.addf %add3A_3807, %mul3A_3820 : vector<16xf32>
        %add3A_3822 = arith.constant 15 : i32
        %add3A_3823 = arith.addi %mul3A_27, %add3A_3822 : i32
        %get3A_3824 = arith.index_cast %add3A_3823 : i32 to index
        %get3A_3825 = arith.constant 272 : index
        %get3A_3826 = tpu.vector_load %arg6[%get3A_3824, %get3A_3825] {strides = array<i32>} : memref<104x512xf32, #tpu.memory_space<vmem>>, vector<1x16xf32>,
        %get3A_3827 = vector.shape_cast %get3A_3826 : vector<1x16xf32> to vector<16xf32>
        %add3A_3828 = arith.constant 17 : i32
        %add3A_3829 = arith.addi %mul3A_27, %add3A_3828 : i32
        %get3A_3830 = arith.index_cast %add3A_3829 : i32 to index
        %get3A_3831 = arith.constant 240 : index
        %get3A_3832 = tpu.vector_load %arg6[%get3A_3830, %get3A_3831] {strides = array<i32>} : memref<104x512xf32, #tpu.memory_space<vmem>>, vector<1x16xf32>,
        %get3A_3833 = vector.shape_cast %get3A_3832 : vector<1x16xf32> to vector<16xf32>
        %mul3A_3834 = arith.mulf %get3A_3827, %get3A_3833 : vector<16xf32>
        %add3A_3835 = arith.addf %add3A_3821, %mul3A_3834 : vector<16xf32>
        %add3A_3836 = arith.constant 15 : i32
        %add3A_3837 = arith.addi %mul3A_27, %add3A_3836 : i32
        %get3A_3838 = arith.index_cast %add3A_3837 : i32 to index
        %get3A_3839 = arith.constant 288 : index
        %get3A_3840 = tpu.vector_load %arg6[%get3A_3838, %get3A_3839] {strides = array<i32>} : memref<104x512xf32, #tpu.memory_space<vmem>>, vector<1x16xf32>,
        %get3A_3841 = vector.shape_cast %get3A_3840 : vector<1x16xf32> to vector<16xf32>
        %add3A_3842 = arith.constant 18 : i32
        %add3A_3843 = arith.addi %mul3A_27, %add3A_3842 : i32
        %get3A_3844 = arith.index_cast %add3A_3843 : i32 to index
        %get3A_3845 = arith.constant 240 : index
        %get3A_3846 = tpu.vector_load %arg6[%get3A_3844, %get3A_3845] {strides = array<i32>} : memref<104x512xf32, #tpu.memory_space<vmem>>, vector<1x16xf32>,
        %get3A_3847 = vector.shape_cast %get3A_3846 : vector<1x16xf32> to vector<16xf32>
        %mul3A_3848 = arith.mulf %get3A_3841, %get3A_3847 : vector<16xf32>
        %add3A_3849 = arith.addf %add3A_3835, %mul3A_3848 : vector<16xf32>
        %add3A_3850 = arith.constant 15 : i32
        %add3A_3851 = arith.addi %mul3A_27, %add3A_3850 : i32
        %get3A_3852 = arith.index_cast %add3A_3851 : i32 to index
        %get3A_3853 = arith.constant 304 : index
        %get3A_3854 = tpu.vector_load %arg6[%get3A_3852, %get3A_3853] {strides = array<i32>} : memref<104x512xf32, #tpu.memory_space<vmem>>, vector<1x16xf32>,
        %get3A_3855 = vector.shape_cast %get3A_3854 : vector<1x16xf32> to vector<16xf32>
        %add3A_3856 = arith.constant 19 : i32
        %add3A_3857 = arith.addi %mul3A_27, %add3A_3856 : i32
        %get3A_3858 = arith.index_cast %add3A_3857 : i32 to index
        %get3A_3859 = arith.constant 240 : index
        %get3A_3860 = tpu.vector_load %arg6[%get3A_3858, %get3A_3859] {strides = array<i32>} : memref<104x512xf32, #tpu.memory_space<vmem>>, vector<1x16xf32>,
        %get3A_3861 = vector.shape_cast %get3A_3860 : vector<1x16xf32> to vector<16xf32>
        %mul3A_3862 = arith.mulf %get3A_3855, %get3A_3861 : vector<16xf32>
        %add3A_3863 = arith.addf %add3A_3849, %mul3A_3862 : vector<16xf32>
        %add3A_3864 = arith.constant 15 : i32
        %add3A_3865 = arith.addi %mul3A_27, %add3A_3864 : i32
        %get3A_3866 = arith.index_cast %add3A_3865 : i32 to index
        %get3A_3867 = arith.constant 320 : index
        %get3A_3868 = tpu.vector_load %arg6[%get3A_3866, %get3A_3867] {strides = array<i32>} : memref<104x512xf32, #tpu.memory_space<vmem>>, vector<1x16xf32>,
        %get3A_3869 = vector.shape_cast %get3A_3868 : vector<1x16xf32> to vector<16xf32>
        %add3A_3870 = arith.constant 20 : i32
        %add3A_3871 = arith.addi %mul3A_27, %add3A_3870 : i32
        %get3A_3872 = arith.index_cast %add3A_3871 : i32 to index
        %get3A_3873 = arith.constant 240 : index
        %get3A_3874 = tpu.vector_load %arg6[%get3A_3872, %get3A_3873] {strides = array<i32>} : memref<104x512xf32, #tpu.memory_space<vmem>>, vector<1x16xf32>,
        %get3A_3875 = vector.shape_cast %get3A_3874 : vector<1x16xf32> to vector<16xf32>
        %mul3A_3876 = arith.mulf %get3A_3869, %get3A_3875 : vector<16xf32>
        %add3A_3877 = arith.addf %add3A_3863, %mul3A_3876 : vector<16xf32>
        %add3A_3878 = arith.constant 15 : i32
        %add3A_3879 = arith.addi %mul3A_27, %add3A_3878 : i32
        %get3A_3880 = arith.index_cast %add3A_3879 : i32 to index
        %get3A_3881 = arith.constant 336 : index
        %get3A_3882 = tpu.vector_load %arg6[%get3A_3880, %get3A_3881] {strides = array<i32>} : memref<104x512xf32, #tpu.memory_space<vmem>>, vector<1x16xf32>,
        %get3A_3883 = vector.shape_cast %get3A_3882 : vector<1x16xf32> to vector<16xf32>
        %add3A_3884 = arith.constant 21 : i32
        %add3A_3885 = arith.addi %mul3A_27, %add3A_3884 : i32
        %get3A_3886 = arith.index_cast %add3A_3885 : i32 to index
        %get3A_3887 = arith.constant 240 : index
        %get3A_3888 = tpu.vector_load %arg6[%get3A_3886, %get3A_3887] {strides = array<i32>} : memref<104x512xf32, #tpu.memory_space<vmem>>, vector<1x16xf32>,
        %get3A_3889 = vector.shape_cast %get3A_3888 : vector<1x16xf32> to vector<16xf32>
        %mul3A_3890 = arith.mulf %get3A_3883, %get3A_3889 : vector<16xf32>
        %add3A_3891 = arith.addf %add3A_3877, %mul3A_3890 : vector<16xf32>
        %add3A_3892 = arith.constant 15 : i32
        %add3A_3893 = arith.addi %mul3A_27, %add3A_3892 : i32
        %get3A_3894 = arith.index_cast %add3A_3893 : i32 to index
        %get3A_3895 = arith.constant 352 : index
        %get3A_3896 = tpu.vector_load %arg6[%get3A_3894, %get3A_3895] {strides = array<i32>} : memref<104x512xf32, #tpu.memory_space<vmem>>, vector<1x16xf32>,
        %get3A_3897 = vector.shape_cast %get3A_3896 : vector<1x16xf32> to vector<16xf32>
        %add3A_3898 = arith.constant 22 : i32
        %add3A_3899 = arith.addi %mul3A_27, %add3A_3898 : i32
        %get3A_3900 = arith.index_cast %add3A_3899 : i32 to index
        %get3A_3901 = arith.constant 240 : index
        %get3A_3902 = tpu.vector_load %arg6[%get3A_3900, %get3A_3901] {strides = array<i32>} : memref<104x512xf32, #tpu.memory_space<vmem>>, vector<1x16xf32>,
        %get3A_3903 = vector.shape_cast %get3A_3902 : vector<1x16xf32> to vector<16xf32>
        %mul3A_3904 = arith.mulf %get3A_3897, %get3A_3903 : vector<16xf32>
        %add3A_3905 = arith.addf %add3A_3891, %mul3A_3904 : vector<16xf32>
        %add3A_3906 = arith.constant 15 : i32
        %add3A_3907 = arith.addi %mul3A_27, %add3A_3906 : i32
        %get3A_3908 = arith.index_cast %add3A_3907 : i32 to index
        %get3A_3909 = arith.constant 368 : index
        %get3A_3910 = tpu.vector_load %arg6[%get3A_3908, %get3A_3909] {strides = array<i32>} : memref<104x512xf32, #tpu.memory_space<vmem>>, vector<1x16xf32>,
        %get3A_3911 = vector.shape_cast %get3A_3910 : vector<1x16xf32> to vector<16xf32>
        %add3A_3912 = arith.constant 23 : i32
        %add3A_3913 = arith.addi %mul3A_27, %add3A_3912 : i32
        %get3A_3914 = arith.index_cast %add3A_3913 : i32 to index
        %get3A_3915 = arith.constant 240 : index
        %get3A_3916 = tpu.vector_load %arg6[%get3A_3914, %get3A_3915] {strides = array<i32>} : memref<104x512xf32, #tpu.memory_space<vmem>>, vector<1x16xf32>,
        %get3A_3917 = vector.shape_cast %get3A_3916 : vector<1x16xf32> to vector<16xf32>
        %mul3A_3918 = arith.mulf %get3A_3911, %get3A_3917 : vector<16xf32>
        %add3A_3919 = arith.addf %add3A_3905, %mul3A_3918 : vector<16xf32>
        %add3A_3920 = arith.constant 15 : i32
        %add3A_3921 = arith.addi %mul3A_27, %add3A_3920 : i32
        %get3A_3922 = arith.index_cast %add3A_3921 : i32 to index
        %get3A_3923 = arith.constant 384 : index
        %get3A_3924 = tpu.vector_load %arg6[%get3A_3922, %get3A_3923] {strides = array<i32>} : memref<104x512xf32, #tpu.memory_space<vmem>>, vector<1x16xf32>,
        %get3A_3925 = vector.shape_cast %get3A_3924 : vector<1x16xf32> to vector<16xf32>
        %add3A_3926 = arith.constant 24 : i32
        %add3A_3927 = arith.addi %mul3A_27, %add3A_3926 : i32
        %get3A_3928 = arith.index_cast %add3A_3927 : i32 to index
        %get3A_3929 = arith.constant 240 : index
        %get3A_3930 = tpu.vector_load %arg6[%get3A_3928, %get3A_3929] {strides = array<i32>} : memref<104x512xf32, #tpu.memory_space<vmem>>, vector<1x16xf32>,
        %get3A_3931 = vector.shape_cast %get3A_3930 : vector<1x16xf32> to vector<16xf32>
        %mul3A_3932 = arith.mulf %get3A_3925, %get3A_3931 : vector<16xf32>
        %add3A_3933 = arith.addf %add3A_3919, %mul3A_3932 : vector<16xf32>
        %add3A_3934 = arith.constant 15 : i32
        %add3A_3935 = arith.addi %mul3A_27, %add3A_3934 : i32
        %get3A_3936 = arith.index_cast %add3A_3935 : i32 to index
        %get3A_3937 = arith.constant 400 : index
        %get3A_3938 = tpu.vector_load %arg6[%get3A_3936, %get3A_3937] {strides = array<i32>} : memref<104x512xf32, #tpu.memory_space<vmem>>, vector<1x16xf32>,
        %get3A_3939 = vector.shape_cast %get3A_3938 : vector<1x16xf32> to vector<16xf32>
        %add3A_3940 = arith.constant 25 : i32
        %add3A_3941 = arith.addi %mul3A_27, %add3A_3940 : i32
        %get3A_3942 = arith.index_cast %add3A_3941 : i32 to index
        %get3A_3943 = arith.constant 240 : index
        %get3A_3944 = tpu.vector_load %arg6[%get3A_3942, %get3A_3943] {strides = array<i32>} : memref<104x512xf32, #tpu.memory_space<vmem>>, vector<1x16xf32>,
        %get3A_3945 = vector.shape_cast %get3A_3944 : vector<1x16xf32> to vector<16xf32>
        %mul3A_3946 = arith.mulf %get3A_3939, %get3A_3945 : vector<16xf32>
        %add3A_3947 = arith.addf %add3A_3933, %mul3A_3946 : vector<16xf32>
        %add3A_3948 = arith.constant 16 : i32
        %add3A_3949 = arith.addi %mul3A_27, %add3A_3948 : i32
        %get3A_3950 = arith.index_cast %add3A_3949 : i32 to index
        %get3A_3951 = arith.constant 272 : index
        %get3A_3952 = tpu.vector_load %arg6[%get3A_3950, %get3A_3951] {strides = array<i32>} : memref<104x512xf32, #tpu.memory_space<vmem>>, vector<1x16xf32>,
        %get3A_3953 = vector.shape_cast %get3A_3952 : vector<1x16xf32> to vector<16xf32>
        %add3A_3954 = arith.constant 17 : i32
        %add3A_3955 = arith.addi %mul3A_27, %add3A_3954 : i32
        %get3A_3956 = arith.index_cast %add3A_3955 : i32 to index
        %get3A_3957 = arith.constant 256 : index
        %get3A_3958 = tpu.vector_load %arg6[%get3A_3956, %get3A_3957] {strides = array<i32>} : memref<104x512xf32, #tpu.memory_space<vmem>>, vector<1x16xf32>,
        %get3A_3959 = vector.shape_cast %get3A_3958 : vector<1x16xf32> to vector<16xf32>
        %mul3A_3960 = arith.mulf %get3A_3953, %get3A_3959 : vector<16xf32>
        %add3A_3961 = arith.addf %add3A_3947, %mul3A_3960 : vector<16xf32>
        %add3A_3962 = arith.constant 16 : i32
        %add3A_3963 = arith.addi %mul3A_27, %add3A_3962 : i32
        %get3A_3964 = arith.index_cast %add3A_3963 : i32 to index
        %get3A_3965 = arith.constant 288 : index
        %get3A_3966 = tpu.vector_load %arg6[%get3A_3964, %get3A_3965] {strides = array<i32>} : memref<104x512xf32, #tpu.memory_space<vmem>>, vector<1x16xf32>,
        %get3A_3967 = vector.shape_cast %get3A_3966 : vector<1x16xf32> to vector<16xf32>
        %add3A_3968 = arith.constant 18 : i32
        %add3A_3969 = arith.addi %mul3A_27, %add3A_3968 : i32
        %get3A_3970 = arith.index_cast %add3A_3969 : i32 to index
        %get3A_3971 = arith.constant 256 : index
        %get3A_3972 = tpu.vector_load %arg6[%get3A_3970, %get3A_3971] {strides = array<i32>} : memref<104x512xf32, #tpu.memory_space<vmem>>, vector<1x16xf32>,
        %get3A_3973 = vector.shape_cast %get3A_3972 : vector<1x16xf32> to vector<16xf32>
        %mul3A_3974 = arith.mulf %get3A_3967, %get3A_3973 : vector<16xf32>
        %add3A_3975 = arith.addf %add3A_3961, %mul3A_3974 : vector<16xf32>
        %add3A_3976 = arith.constant 16 : i32
        %add3A_3977 = arith.addi %mul3A_27, %add3A_3976 : i32
        %get3A_3978 = arith.index_cast %add3A_3977 : i32 to index
        %get3A_3979 = arith.constant 304 : index
        %get3A_3980 = tpu.vector_load %arg6[%get3A_3978, %get3A_3979] {strides = array<i32>} : memref<104x512xf32, #tpu.memory_space<vmem>>, vector<1x16xf32>,
        %get3A_3981 = vector.shape_cast %get3A_3980 : vector<1x16xf32> to vector<16xf32>
        %add3A_3982 = arith.constant 19 : i32
        %add3A_3983 = arith.addi %mul3A_27, %add3A_3982 : i32
        %get3A_3984 = arith.index_cast %add3A_3983 : i32 to index
        %get3A_3985 = arith.constant 256 : index
        %get3A_3986 = tpu.vector_load %arg6[%get3A_3984, %get3A_3985] {strides = array<i32>} : memref<104x512xf32, #tpu.memory_space<vmem>>, vector<1x16xf32>,
        %get3A_3987 = vector.shape_cast %get3A_3986 : vector<1x16xf32> to vector<16xf32>
        %mul3A_3988 = arith.mulf %get3A_3981, %get3A_3987 : vector<16xf32>
        %add3A_3989 = arith.addf %add3A_3975, %mul3A_3988 : vector<16xf32>
        %add3A_3990 = arith.constant 16 : i32
        %add3A_3991 = arith.addi %mul3A_27, %add3A_3990 : i32
        %get3A_3992 = arith.index_cast %add3A_3991 : i32 to index
        %get3A_3993 = arith.constant 320 : index
        %get3A_3994 = tpu.vector_load %arg6[%get3A_3992, %get3A_3993] {strides = array<i32>} : memref<104x512xf32, #tpu.memory_space<vmem>>, vector<1x16xf32>,
        %get3A_3995 = vector.shape_cast %get3A_3994 : vector<1x16xf32> to vector<16xf32>
        %add3A_3996 = arith.constant 20 : i32
        %add3A_3997 = arith.addi %mul3A_27, %add3A_3996 : i32
        %get3A_3998 = arith.index_cast %add3A_3997 : i32 to index
        %get3A_3999 = arith.constant 256 : index
        %get3A_4000 = tpu.vector_load %arg6[%get3A_3998, %get3A_3999] {strides = array<i32>} : memref<104x512xf32, #tpu.memory_space<vmem>>, vector<1x16xf32>,
        %get3A_4001 = vector.shape_cast %get3A_4000 : vector<1x16xf32> to vector<16xf32>
        %mul3A_4002 = arith.mulf %get3A_3995, %get3A_4001 : vector<16xf32>
        %add3A_4003 = arith.addf %add3A_3989, %mul3A_4002 : vector<16xf32>
        %add3A_4004 = arith.constant 16 : i32
        %add3A_4005 = arith.addi %mul3A_27, %add3A_4004 : i32
        %get3A_4006 = arith.index_cast %add3A_4005 : i32 to index
        %get3A_4007 = arith.constant 336 : index
        %get3A_4008 = tpu.vector_load %arg6[%get3A_4006, %get3A_4007] {strides = array<i32>} : memref<104x512xf32, #tpu.memory_space<vmem>>, vector<1x16xf32>,
        %get3A_4009 = vector.shape_cast %get3A_4008 : vector<1x16xf32> to vector<16xf32>
        %add3A_4010 = arith.constant 21 : i32
        %add3A_4011 = arith.addi %mul3A_27, %add3A_4010 : i32
        %get3A_4012 = arith.index_cast %add3A_4011 : i32 to index
        %get3A_4013 = arith.constant 256 : index
        %get3A_4014 = tpu.vector_load %arg6[%get3A_4012, %get3A_4013] {strides = array<i32>} : memref<104x512xf32, #tpu.memory_space<vmem>>, vector<1x16xf32>,
        %get3A_4015 = vector.shape_cast %get3A_4014 : vector<1x16xf32> to vector<16xf32>
        %mul3A_4016 = arith.mulf %get3A_4009, %get3A_4015 : vector<16xf32>
        %add3A_4017 = arith.addf %add3A_4003, %mul3A_4016 : vector<16xf32>
        %add3A_4018 = arith.constant 16 : i32
        %add3A_4019 = arith.addi %mul3A_27, %add3A_4018 : i32
        %get3A_4020 = arith.index_cast %add3A_4019 : i32 to index
        %get3A_4021 = arith.constant 352 : index
        %get3A_4022 = tpu.vector_load %arg6[%get3A_4020, %get3A_4021] {strides = array<i32>} : memref<104x512xf32, #tpu.memory_space<vmem>>, vector<1x16xf32>,
        %get3A_4023 = vector.shape_cast %get3A_4022 : vector<1x16xf32> to vector<16xf32>
        %add3A_4024 = arith.constant 22 : i32
        %add3A_4025 = arith.addi %mul3A_27, %add3A_4024 : i32
        %get3A_4026 = arith.index_cast %add3A_4025 : i32 to index
        %get3A_4027 = arith.constant 256 : index
        %get3A_4028 = tpu.vector_load %arg6[%get3A_4026, %get3A_4027] {strides = array<i32>} : memref<104x512xf32, #tpu.memory_space<vmem>>, vector<1x16xf32>,
        %get3A_4029 = vector.shape_cast %get3A_4028 : vector<1x16xf32> to vector<16xf32>
        %mul3A_4030 = arith.mulf %get3A_4023, %get3A_4029 : vector<16xf32>
        %add3A_4031 = arith.addf %add3A_4017, %mul3A_4030 : vector<16xf32>
        %add3A_4032 = arith.constant 16 : i32
        %add3A_4033 = arith.addi %mul3A_27, %add3A_4032 : i32
        %get3A_4034 = arith.index_cast %add3A_4033 : i32 to index
        %get3A_4035 = arith.constant 368 : index
        %get3A_4036 = tpu.vector_load %arg6[%get3A_4034, %get3A_4035] {strides = array<i32>} : memref<104x512xf32, #tpu.memory_space<vmem>>, vector<1x16xf32>,
        %get3A_4037 = vector.shape_cast %get3A_4036 : vector<1x16xf32> to vector<16xf32>
        %add3A_4038 = arith.constant 23 : i32
        %add3A_4039 = arith.addi %mul3A_27, %add3A_4038 : i32
        %get3A_4040 = arith.index_cast %add3A_4039 : i32 to index
        %get3A_4041 = arith.constant 256 : index
        %get3A_4042 = tpu.vector_load %arg6[%get3A_4040, %get3A_4041] {strides = array<i32>} : memref<104x512xf32, #tpu.memory_space<vmem>>, vector<1x16xf32>,
        %get3A_4043 = vector.shape_cast %get3A_4042 : vector<1x16xf32> to vector<16xf32>
        %mul3A_4044 = arith.mulf %get3A_4037, %get3A_4043 : vector<16xf32>
        %add3A_4045 = arith.addf %add3A_4031, %mul3A_4044 : vector<16xf32>
        %add3A_4046 = arith.constant 16 : i32
        %add3A_4047 = arith.addi %mul3A_27, %add3A_4046 : i32
        %get3A_4048 = arith.index_cast %add3A_4047 : i32 to index
        %get3A_4049 = arith.constant 384 : index
        %get3A_4050 = tpu.vector_load %arg6[%get3A_4048, %get3A_4049] {strides = array<i32>} : memref<104x512xf32, #tpu.memory_space<vmem>>, vector<1x16xf32>,
        %get3A_4051 = vector.shape_cast %get3A_4050 : vector<1x16xf32> to vector<16xf32>
        %add3A_4052 = arith.constant 24 : i32
        %add3A_4053 = arith.addi %mul3A_27, %add3A_4052 : i32
        %get3A_4054 = arith.index_cast %add3A_4053 : i32 to index
        %get3A_4055 = arith.constant 256 : index
        %get3A_4056 = tpu.vector_load %arg6[%get3A_4054, %get3A_4055] {strides = array<i32>} : memref<104x512xf32, #tpu.memory_space<vmem>>, vector<1x16xf32>,
        %get3A_4057 = vector.shape_cast %get3A_4056 : vector<1x16xf32> to vector<16xf32>
        %mul3A_4058 = arith.mulf %get3A_4051, %get3A_4057 : vector<16xf32>
        %add3A_4059 = arith.addf %add3A_4045, %mul3A_4058 : vector<16xf32>
        %add3A_4060 = arith.constant 16 : i32
        %add3A_4061 = arith.addi %mul3A_27, %add3A_4060 : i32
        %get3A_4062 = arith.index_cast %add3A_4061 : i32 to index
        %get3A_4063 = arith.constant 400 : index
        %get3A_4064 = tpu.vector_load %arg6[%get3A_4062, %get3A_4063] {strides = array<i32>} : memref<104x512xf32, #tpu.memory_space<vmem>>, vector<1x16xf32>,
        %get3A_4065 = vector.shape_cast %get3A_4064 : vector<1x16xf32> to vector<16xf32>
        %add3A_4066 = arith.constant 25 : i32
        %add3A_4067 = arith.addi %mul3A_27, %add3A_4066 : i32
        %get3A_4068 = arith.index_cast %add3A_4067 : i32 to index
        %get3A_4069 = arith.constant 256 : index
        %get3A_4070 = tpu.vector_load %arg6[%get3A_4068, %get3A_4069] {strides = array<i32>} : memref<104x512xf32, #tpu.memory_space<vmem>>, vector<1x16xf32>,
        %get3A_4071 = vector.shape_cast %get3A_4070 : vector<1x16xf32> to vector<16xf32>
        %mul3A_4072 = arith.mulf %get3A_4065, %get3A_4071 : vector<16xf32>
        %add3A_4073 = arith.addf %add3A_4059, %mul3A_4072 : vector<16xf32>
        %add3A_4074 = arith.constant 17 : i32
        %add3A_4075 = arith.addi %mul3A_27, %add3A_4074 : i32
        %get3A_4076 = arith.index_cast %add3A_4075 : i32 to index
        %get3A_4077 = arith.constant 288 : index
        %get3A_4078 = tpu.vector_load %arg6[%get3A_4076, %get3A_4077] {strides = array<i32>} : memref<104x512xf32, #tpu.memory_space<vmem>>, vector<1x16xf32>,
        %get3A_4079 = vector.shape_cast %get3A_4078 : vector<1x16xf32> to vector<16xf32>
        %add3A_4080 = arith.constant 18 : i32
        %add3A_4081 = arith.addi %mul3A_27, %add3A_4080 : i32
        %get3A_4082 = arith.index_cast %add3A_4081 : i32 to index
        %get3A_4083 = arith.constant 272 : index
        %get3A_4084 = tpu.vector_load %arg6[%get3A_4082, %get3A_4083] {strides = array<i32>} : memref<104x512xf32, #tpu.memory_space<vmem>>, vector<1x16xf32>,
        %get3A_4085 = vector.shape_cast %get3A_4084 : vector<1x16xf32> to vector<16xf32>
        %mul3A_4086 = arith.mulf %get3A_4079, %get3A_4085 : vector<16xf32>
        %add3A_4087 = arith.addf %add3A_4073, %mul3A_4086 : vector<16xf32>
        %add3A_4088 = arith.constant 17 : i32
        %add3A_4089 = arith.addi %mul3A_27, %add3A_4088 : i32
        %get3A_4090 = arith.index_cast %add3A_4089 : i32 to index
        %get3A_4091 = arith.constant 304 : index
        %get3A_4092 = tpu.vector_load %arg6[%get3A_4090, %get3A_4091] {strides = array<i32>} : memref<104x512xf32, #tpu.memory_space<vmem>>, vector<1x16xf32>,
        %get3A_4093 = vector.shape_cast %get3A_4092 : vector<1x16xf32> to vector<16xf32>
        %add3A_4094 = arith.constant 19 : i32
        %add3A_4095 = arith.addi %mul3A_27, %add3A_4094 : i32
        %get3A_4096 = arith.index_cast %add3A_4095 : i32 to index
        %get3A_4097 = arith.constant 272 : index
        %get3A_4098 = tpu.vector_load %arg6[%get3A_4096, %get3A_4097] {strides = array<i32>} : memref<104x512xf32, #tpu.memory_space<vmem>>, vector<1x16xf32>,
        %get3A_4099 = vector.shape_cast %get3A_4098 : vector<1x16xf32> to vector<16xf32>
        %mul3A_4100 = arith.mulf %get3A_4093, %get3A_4099 : vector<16xf32>
        %add3A_4101 = arith.addf %add3A_4087, %mul3A_4100 : vector<16xf32>
        %add3A_4102 = arith.constant 17 : i32
        %add3A_4103 = arith.addi %mul3A_27, %add3A_4102 : i32
        %get3A_4104 = arith.index_cast %add3A_4103 : i32 to index
        %get3A_4105 = arith.constant 320 : index
        %get3A_4106 = tpu.vector_load %arg6[%get3A_4104, %get3A_4105] {strides = array<i32>} : memref<104x512xf32, #tpu.memory_space<vmem>>, vector<1x16xf32>,
        %get3A_4107 = vector.shape_cast %get3A_4106 : vector<1x16xf32> to vector<16xf32>
        %add3A_4108 = arith.constant 20 : i32
        %add3A_4109 = arith.addi %mul3A_27, %add3A_4108 : i32
        %get3A_4110 = arith.index_cast %add3A_4109 : i32 to index
        %get3A_4111 = arith.constant 272 : index
        %get3A_4112 = tpu.vector_load %arg6[%get3A_4110, %get3A_4111] {strides = array<i32>} : memref<104x512xf32, #tpu.memory_space<vmem>>, vector<1x16xf32>,
        %get3A_4113 = vector.shape_cast %get3A_4112 : vector<1x16xf32> to vector<16xf32>
        %mul3A_4114 = arith.mulf %get3A_4107, %get3A_4113 : vector<16xf32>
        %add3A_4115 = arith.addf %add3A_4101, %mul3A_4114 : vector<16xf32>
        %add3A_4116 = arith.constant 17 : i32
        %add3A_4117 = arith.addi %mul3A_27, %add3A_4116 : i32
        %get3A_4118 = arith.index_cast %add3A_4117 : i32 to index
        %get3A_4119 = arith.constant 336 : index
        %get3A_4120 = tpu.vector_load %arg6[%get3A_4118, %get3A_4119] {strides = array<i32>} : memref<104x512xf32, #tpu.memory_space<vmem>>, vector<1x16xf32>,
        %get3A_4121 = vector.shape_cast %get3A_4120 : vector<1x16xf32> to vector<16xf32>
        %add3A_4122 = arith.constant 21 : i32
        %add3A_4123 = arith.addi %mul3A_27, %add3A_4122 : i32
        %get3A_4124 = arith.index_cast %add3A_4123 : i32 to index
        %get3A_4125 = arith.constant 272 : index
        %get3A_4126 = tpu.vector_load %arg6[%get3A_4124, %get3A_4125] {strides = array<i32>} : memref<104x512xf32, #tpu.memory_space<vmem>>, vector<1x16xf32>,
        %get3A_4127 = vector.shape_cast %get3A_4126 : vector<1x16xf32> to vector<16xf32>
        %mul3A_4128 = arith.mulf %get3A_4121, %get3A_4127 : vector<16xf32>
        %add3A_4129 = arith.addf %add3A_4115, %mul3A_4128 : vector<16xf32>
        %add3A_4130 = arith.constant 17 : i32
        %add3A_4131 = arith.addi %mul3A_27, %add3A_4130 : i32
        %get3A_4132 = arith.index_cast %add3A_4131 : i32 to index
        %get3A_4133 = arith.constant 352 : index
        %get3A_4134 = tpu.vector_load %arg6[%get3A_4132, %get3A_4133] {strides = array<i32>} : memref<104x512xf32, #tpu.memory_space<vmem>>, vector<1x16xf32>,
        %get3A_4135 = vector.shape_cast %get3A_4134 : vector<1x16xf32> to vector<16xf32>
        %add3A_4136 = arith.constant 22 : i32
        %add3A_4137 = arith.addi %mul3A_27, %add3A_4136 : i32
        %get3A_4138 = arith.index_cast %add3A_4137 : i32 to index
        %get3A_4139 = arith.constant 272 : index
        %get3A_4140 = tpu.vector_load %arg6[%get3A_4138, %get3A_4139] {strides = array<i32>} : memref<104x512xf32, #tpu.memory_space<vmem>>, vector<1x16xf32>,
        %get3A_4141 = vector.shape_cast %get3A_4140 : vector<1x16xf32> to vector<16xf32>
        %mul3A_4142 = arith.mulf %get3A_4135, %get3A_4141 : vector<16xf32>
        %add3A_4143 = arith.addf %add3A_4129, %mul3A_4142 : vector<16xf32>
        %add3A_4144 = arith.constant 17 : i32
        %add3A_4145 = arith.addi %mul3A_27, %add3A_4144 : i32
        %get3A_4146 = arith.index_cast %add3A_4145 : i32 to index
        %get3A_4147 = arith.constant 368 : index
        %get3A_4148 = tpu.vector_load %arg6[%get3A_4146, %get3A_4147] {strides = array<i32>} : memref<104x512xf32, #tpu.memory_space<vmem>>, vector<1x16xf32>,
        %get3A_4149 = vector.shape_cast %get3A_4148 : vector<1x16xf32> to vector<16xf32>
        %add3A_4150 = arith.constant 23 : i32
        %add3A_4151 = arith.addi %mul3A_27, %add3A_4150 : i32
        %get3A_4152 = arith.index_cast %add3A_4151 : i32 to index
        %get3A_4153 = arith.constant 272 : index
        %get3A_4154 = tpu.vector_load %arg6[%get3A_4152, %get3A_4153] {strides = array<i32>} : memref<104x512xf32, #tpu.memory_space<vmem>>, vector<1x16xf32>,
        %get3A_4155 = vector.shape_cast %get3A_4154 : vector<1x16xf32> to vector<16xf32>
        %mul3A_4156 = arith.mulf %get3A_4149, %get3A_4155 : vector<16xf32>
        %add3A_4157 = arith.addf %add3A_4143, %mul3A_4156 : vector<16xf32>
        %add3A_4158 = arith.constant 17 : i32
        %add3A_4159 = arith.addi %mul3A_27, %add3A_4158 : i32
        %get3A_4160 = arith.index_cast %add3A_4159 : i32 to index
        %get3A_4161 = arith.constant 384 : index
        %get3A_4162 = tpu.vector_load %arg6[%get3A_4160, %get3A_4161] {strides = array<i32>} : memref<104x512xf32, #tpu.memory_space<vmem>>, vector<1x16xf32>,
        %get3A_4163 = vector.shape_cast %get3A_4162 : vector<1x16xf32> to vector<16xf32>
        %add3A_4164 = arith.constant 24 : i32
        %add3A_4165 = arith.addi %mul3A_27, %add3A_4164 : i32
        %get3A_4166 = arith.index_cast %add3A_4165 : i32 to index
        %get3A_4167 = arith.constant 272 : index
        %get3A_4168 = tpu.vector_load %arg6[%get3A_4166, %get3A_4167] {strides = array<i32>} : memref<104x512xf32, #tpu.memory_space<vmem>>, vector<1x16xf32>,
        %get3A_4169 = vector.shape_cast %get3A_4168 : vector<1x16xf32> to vector<16xf32>
        %mul3A_4170 = arith.mulf %get3A_4163, %get3A_4169 : vector<16xf32>
        %add3A_4171 = arith.addf %add3A_4157, %mul3A_4170 : vector<16xf32>
        %add3A_4172 = arith.constant 17 : i32
        %add3A_4173 = arith.addi %mul3A_27, %add3A_4172 : i32
        %get3A_4174 = arith.index_cast %add3A_4173 : i32 to index
        %get3A_4175 = arith.constant 400 : index
        %get3A_4176 = tpu.vector_load %arg6[%get3A_4174, %get3A_4175] {strides = array<i32>} : memref<104x512xf32, #tpu.memory_space<vmem>>, vector<1x16xf32>,
        %get3A_4177 = vector.shape_cast %get3A_4176 : vector<1x16xf32> to vector<16xf32>
        %add3A_4178 = arith.constant 25 : i32
        %add3A_4179 = arith.addi %mul3A_27, %add3A_4178 : i32
        %get3A_4180 = arith.index_cast %add3A_4179 : i32 to index
        %get3A_4181 = arith.constant 272 : index
        %get3A_4182 = tpu.vector_load %arg6[%get3A_4180, %get3A_4181] {strides = array<i32>} : memref<104x512xf32, #tpu.memory_space<vmem>>, vector<1x16xf32>,
        %get3A_4183 = vector.shape_cast %get3A_4182 : vector<1x16xf32> to vector<16xf32>
        %mul3A_4184 = arith.mulf %get3A_4177, %get3A_4183 : vector<16xf32>
        %add3A_4185 = arith.addf %add3A_4171, %mul3A_4184 : vector<16xf32>
        %add3A_4186 = arith.constant 18 : i32
        %add3A_4187 = arith.addi %mul3A_27, %add3A_4186 : i32
        %get3A_4188 = arith.index_cast %add3A_4187 : i32 to index
        %get3A_4189 = arith.constant 304 : index
        %get3A_4190 = tpu.vector_load %arg6[%get3A_4188, %get3A_4189] {strides = array<i32>} : memref<104x512xf32, #tpu.memory_space<vmem>>, vector<1x16xf32>,
        %get3A_4191 = vector.shape_cast %get3A_4190 : vector<1x16xf32> to vector<16xf32>
        %add3A_4192 = arith.constant 19 : i32
        %add3A_4193 = arith.addi %mul3A_27, %add3A_4192 : i32
        %get3A_4194 = arith.index_cast %add3A_4193 : i32 to index
        %get3A_4195 = arith.constant 288 : index
        %get3A_4196 = tpu.vector_load %arg6[%get3A_4194, %get3A_4195] {strides = array<i32>} : memref<104x512xf32, #tpu.memory_space<vmem>>, vector<1x16xf32>,
        %get3A_4197 = vector.shape_cast %get3A_4196 : vector<1x16xf32> to vector<16xf32>
        %mul3A_4198 = arith.mulf %get3A_4191, %get3A_4197 : vector<16xf32>
        %add3A_4199 = arith.addf %add3A_4185, %mul3A_4198 : vector<16xf32>
        %add3A_4200 = arith.constant 18 : i32
        %add3A_4201 = arith.addi %mul3A_27, %add3A_4200 : i32
        %get3A_4202 = arith.index_cast %add3A_4201 : i32 to index
        %get3A_4203 = arith.constant 320 : index
        %get3A_4204 = tpu.vector_load %arg6[%get3A_4202, %get3A_4203] {strides = array<i32>} : memref<104x512xf32, #tpu.memory_space<vmem>>, vector<1x16xf32>,
        %get3A_4205 = vector.shape_cast %get3A_4204 : vector<1x16xf32> to vector<16xf32>
        %add3A_4206 = arith.constant 20 : i32
        %add3A_4207 = arith.addi %mul3A_27, %add3A_4206 : i32
        %get3A_4208 = arith.index_cast %add3A_4207 : i32 to index
        %get3A_4209 = arith.constant 288 : index
        %get3A_4210 = tpu.vector_load %arg6[%get3A_4208, %get3A_4209] {strides = array<i32>} : memref<104x512xf32, #tpu.memory_space<vmem>>, vector<1x16xf32>,
        %get3A_4211 = vector.shape_cast %get3A_4210 : vector<1x16xf32> to vector<16xf32>
        %mul3A_4212 = arith.mulf %get3A_4205, %get3A_4211 : vector<16xf32>
        %add3A_4213 = arith.addf %add3A_4199, %mul3A_4212 : vector<16xf32>
        %add3A_4214 = arith.constant 18 : i32
        %add3A_4215 = arith.addi %mul3A_27, %add3A_4214 : i32
        %get3A_4216 = arith.index_cast %add3A_4215 : i32 to index
        %get3A_4217 = arith.constant 336 : index
        %get3A_4218 = tpu.vector_load %arg6[%get3A_4216, %get3A_4217] {strides = array<i32>} : memref<104x512xf32, #tpu.memory_space<vmem>>, vector<1x16xf32>,
        %get3A_4219 = vector.shape_cast %get3A_4218 : vector<1x16xf32> to vector<16xf32>
        %add3A_4220 = arith.constant 21 : i32
        %add3A_4221 = arith.addi %mul3A_27, %add3A_4220 : i32
        %get3A_4222 = arith.index_cast %add3A_4221 : i32 to index
        %get3A_4223 = arith.constant 288 : index
        %get3A_4224 = tpu.vector_load %arg6[%get3A_4222, %get3A_4223] {strides = array<i32>} : memref<104x512xf32, #tpu.memory_space<vmem>>, vector<1x16xf32>,
        %get3A_4225 = vector.shape_cast %get3A_4224 : vector<1x16xf32> to vector<16xf32>
        %mul3A_4226 = arith.mulf %get3A_4219, %get3A_4225 : vector<16xf32>
        %add3A_4227 = arith.addf %add3A_4213, %mul3A_4226 : vector<16xf32>
        %add3A_4228 = arith.constant 18 : i32
        %add3A_4229 = arith.addi %mul3A_27, %add3A_4228 : i32
        %get3A_4230 = arith.index_cast %add3A_4229 : i32 to index
        %get3A_4231 = arith.constant 352 : index
        %get3A_4232 = tpu.vector_load %arg6[%get3A_4230, %get3A_4231] {strides = array<i32>} : memref<104x512xf32, #tpu.memory_space<vmem>>, vector<1x16xf32>,
        %get3A_4233 = vector.shape_cast %get3A_4232 : vector<1x16xf32> to vector<16xf32>
        %add3A_4234 = arith.constant 22 : i32
        %add3A_4235 = arith.addi %mul3A_27, %add3A_4234 : i32
        %get3A_4236 = arith.index_cast %add3A_4235 : i32 to index
        %get3A_4237 = arith.constant 288 : index
        %get3A_4238 = tpu.vector_load %arg6[%get3A_4236, %get3A_4237] {strides = array<i32>} : memref<104x512xf32, #tpu.memory_space<vmem>>, vector<1x16xf32>,
        %get3A_4239 = vector.shape_cast %get3A_4238 : vector<1x16xf32> to vector<16xf32>
        %mul3A_4240 = arith.mulf %get3A_4233, %get3A_4239 : vector<16xf32>
        %add3A_4241 = arith.addf %add3A_4227, %mul3A_4240 : vector<16xf32>
        %add3A_4242 = arith.constant 18 : i32
        %add3A_4243 = arith.addi %mul3A_27, %add3A_4242 : i32
        %get3A_4244 = arith.index_cast %add3A_4243 : i32 to index
        %get3A_4245 = arith.constant 368 : index
        %get3A_4246 = tpu.vector_load %arg6[%get3A_4244, %get3A_4245] {strides = array<i32>} : memref<104x512xf32, #tpu.memory_space<vmem>>, vector<1x16xf32>,
        %get3A_4247 = vector.shape_cast %get3A_4246 : vector<1x16xf32> to vector<16xf32>
        %add3A_4248 = arith.constant 23 : i32
        %add3A_4249 = arith.addi %mul3A_27, %add3A_4248 : i32
        %get3A_4250 = arith.index_cast %add3A_4249 : i32 to index
        %get3A_4251 = arith.constant 288 : index
        %get3A_4252 = tpu.vector_load %arg6[%get3A_4250, %get3A_4251] {strides = array<i32>} : memref<104x512xf32, #tpu.memory_space<vmem>>, vector<1x16xf32>,
        %get3A_4253 = vector.shape_cast %get3A_4252 : vector<1x16xf32> to vector<16xf32>
        %mul3A_4254 = arith.mulf %get3A_4247, %get3A_4253 : vector<16xf32>
        %add3A_4255 = arith.addf %add3A_4241, %mul3A_4254 : vector<16xf32>
        %add3A_4256 = arith.constant 18 : i32
        %add3A_4257 = arith.addi %mul3A_27, %add3A_4256 : i32
        %get3A_4258 = arith.index_cast %add3A_4257 : i32 to index
        %get3A_4259 = arith.constant 384 : index
        %get3A_4260 = tpu.vector_load %arg6[%get3A_4258, %get3A_4259] {strides = array<i32>} : memref<104x512xf32, #tpu.memory_space<vmem>>, vector<1x16xf32>,
        %get3A_4261 = vector.shape_cast %get3A_4260 : vector<1x16xf32> to vector<16xf32>
        %add3A_4262 = arith.constant 24 : i32
        %add3A_4263 = arith.addi %mul3A_27, %add3A_4262 : i32
        %get3A_4264 = arith.index_cast %add3A_4263 : i32 to index
        %get3A_4265 = arith.constant 288 : index
        %get3A_4266 = tpu.vector_load %arg6[%get3A_4264, %get3A_4265] {strides = array<i32>} : memref<104x512xf32, #tpu.memory_space<vmem>>, vector<1x16xf32>,
        %get3A_4267 = vector.shape_cast %get3A_4266 : vector<1x16xf32> to vector<16xf32>
        %mul3A_4268 = arith.mulf %get3A_4261, %get3A_4267 : vector<16xf32>
        %add3A_4269 = arith.addf %add3A_4255, %mul3A_4268 : vector<16xf32>
        %add3A_4270 = arith.constant 18 : i32
        %add3A_4271 = arith.addi %mul3A_27, %add3A_4270 : i32
        %get3A_4272 = arith.index_cast %add3A_4271 : i32 to index
        %get3A_4273 = arith.constant 400 : index
        %get3A_4274 = tpu.vector_load %arg6[%get3A_4272, %get3A_4273] {strides = array<i32>} : memref<104x512xf32, #tpu.memory_space<vmem>>, vector<1x16xf32>,
        %get3A_4275 = vector.shape_cast %get3A_4274 : vector<1x16xf32> to vector<16xf32>
        %add3A_4276 = arith.constant 25 : i32
        %add3A_4277 = arith.addi %mul3A_27, %add3A_4276 : i32
        %get3A_4278 = arith.index_cast %add3A_4277 : i32 to index
        %get3A_4279 = arith.constant 288 : index
        %get3A_4280 = tpu.vector_load %arg6[%get3A_4278, %get3A_4279] {strides = array<i32>} : memref<104x512xf32, #tpu.memory_space<vmem>>, vector<1x16xf32>,
        %get3A_4281 = vector.shape_cast %get3A_4280 : vector<1x16xf32> to vector<16xf32>
        %mul3A_4282 = arith.mulf %get3A_4275, %get3A_4281 : vector<16xf32>
        %add3A_4283 = arith.addf %add3A_4269, %mul3A_4282 : vector<16xf32>
        %add3A_4284 = arith.constant 19 : i32
        %add3A_4285 = arith.addi %mul3A_27, %add3A_4284 : i32
        %get3A_4286 = arith.index_cast %add3A_4285 : i32 to index
        %get3A_4287 = arith.constant 320 : index
        %get3A_4288 = tpu.vector_load %arg6[%get3A_4286, %get3A_4287] {strides = array<i32>} : memref<104x512xf32, #tpu.memory_space<vmem>>, vector<1x16xf32>,
        %get3A_4289 = vector.shape_cast %get3A_4288 : vector<1x16xf32> to vector<16xf32>
        %add3A_4290 = arith.constant 20 : i32
        %add3A_4291 = arith.addi %mul3A_27, %add3A_4290 : i32
        %get3A_4292 = arith.index_cast %add3A_4291 : i32 to index
        %get3A_4293 = arith.constant 304 : index
        %get3A_4294 = tpu.vector_load %arg6[%get3A_4292, %get3A_4293] {strides = array<i32>} : memref<104x512xf32, #tpu.memory_space<vmem>>, vector<1x16xf32>,
        %get3A_4295 = vector.shape_cast %get3A_4294 : vector<1x16xf32> to vector<16xf32>
        %mul3A_4296 = arith.mulf %get3A_4289, %get3A_4295 : vector<16xf32>
        %add3A_4297 = arith.addf %add3A_4283, %mul3A_4296 : vector<16xf32>
        %add3A_4298 = arith.constant 19 : i32
        %add3A_4299 = arith.addi %mul3A_27, %add3A_4298 : i32
        %get3A_4300 = arith.index_cast %add3A_4299 : i32 to index
        %get3A_4301 = arith.constant 336 : index
        %get3A_4302 = tpu.vector_load %arg6[%get3A_4300, %get3A_4301] {strides = array<i32>} : memref<104x512xf32, #tpu.memory_space<vmem>>, vector<1x16xf32>,
        %get3A_4303 = vector.shape_cast %get3A_4302 : vector<1x16xf32> to vector<16xf32>
        %add3A_4304 = arith.constant 21 : i32
        %add3A_4305 = arith.addi %mul3A_27, %add3A_4304 : i32
        %get3A_4306 = arith.index_cast %add3A_4305 : i32 to index
        %get3A_4307 = arith.constant 304 : index
        %get3A_4308 = tpu.vector_load %arg6[%get3A_4306, %get3A_4307] {strides = array<i32>} : memref<104x512xf32, #tpu.memory_space<vmem>>, vector<1x16xf32>,
        %get3A_4309 = vector.shape_cast %get3A_4308 : vector<1x16xf32> to vector<16xf32>
        %mul3A_4310 = arith.mulf %get3A_4303, %get3A_4309 : vector<16xf32>
        %add3A_4311 = arith.addf %add3A_4297, %mul3A_4310 : vector<16xf32>
        %add3A_4312 = arith.constant 19 : i32
        %add3A_4313 = arith.addi %mul3A_27, %add3A_4312 : i32
        %get3A_4314 = arith.index_cast %add3A_4313 : i32 to index
        %get3A_4315 = arith.constant 352 : index
        %get3A_4316 = tpu.vector_load %arg6[%get3A_4314, %get3A_4315] {strides = array<i32>} : memref<104x512xf32, #tpu.memory_space<vmem>>, vector<1x16xf32>,
        %get3A_4317 = vector.shape_cast %get3A_4316 : vector<1x16xf32> to vector<16xf32>
        %add3A_4318 = arith.constant 22 : i32
        %add3A_4319 = arith.addi %mul3A_27, %add3A_4318 : i32
        %get3A_4320 = arith.index_cast %add3A_4319 : i32 to index
        %get3A_4321 = arith.constant 304 : index
        %get3A_4322 = tpu.vector_load %arg6[%get3A_4320, %get3A_4321] {strides = array<i32>} : memref<104x512xf32, #tpu.memory_space<vmem>>, vector<1x16xf32>,
        %get3A_4323 = vector.shape_cast %get3A_4322 : vector<1x16xf32> to vector<16xf32>
        %mul3A_4324 = arith.mulf %get3A_4317, %get3A_4323 : vector<16xf32>
        %add3A_4325 = arith.addf %add3A_4311, %mul3A_4324 : vector<16xf32>
        %add3A_4326 = arith.constant 19 : i32
        %add3A_4327 = arith.addi %mul3A_27, %add3A_4326 : i32
        %get3A_4328 = arith.index_cast %add3A_4327 : i32 to index
        %get3A_4329 = arith.constant 368 : index
        %get3A_4330 = tpu.vector_load %arg6[%get3A_4328, %get3A_4329] {strides = array<i32>} : memref<104x512xf32, #tpu.memory_space<vmem>>, vector<1x16xf32>,
        %get3A_4331 = vector.shape_cast %get3A_4330 : vector<1x16xf32> to vector<16xf32>
        %add3A_4332 = arith.constant 23 : i32
        %add3A_4333 = arith.addi %mul3A_27, %add3A_4332 : i32
        %get3A_4334 = arith.index_cast %add3A_4333 : i32 to index
        %get3A_4335 = arith.constant 304 : index
        %get3A_4336 = tpu.vector_load %arg6[%get3A_4334, %get3A_4335] {strides = array<i32>} : memref<104x512xf32, #tpu.memory_space<vmem>>, vector<1x16xf32>,
        %get3A_4337 = vector.shape_cast %get3A_4336 : vector<1x16xf32> to vector<16xf32>
        %mul3A_4338 = arith.mulf %get3A_4331, %get3A_4337 : vector<16xf32>
        %add3A_4339 = arith.addf %add3A_4325, %mul3A_4338 : vector<16xf32>
        %add3A_4340 = arith.constant 19 : i32
        %add3A_4341 = arith.addi %mul3A_27, %add3A_4340 : i32
        %get3A_4342 = arith.index_cast %add3A_4341 : i32 to index
        %get3A_4343 = arith.constant 384 : index
        %get3A_4344 = tpu.vector_load %arg6[%get3A_4342, %get3A_4343] {strides = array<i32>} : memref<104x512xf32, #tpu.memory_space<vmem>>, vector<1x16xf32>,
        %get3A_4345 = vector.shape_cast %get3A_4344 : vector<1x16xf32> to vector<16xf32>
        %add3A_4346 = arith.constant 24 : i32
        %add3A_4347 = arith.addi %mul3A_27, %add3A_4346 : i32
        %get3A_4348 = arith.index_cast %add3A_4347 : i32 to index
        %get3A_4349 = arith.constant 304 : index
        %get3A_4350 = tpu.vector_load %arg6[%get3A_4348, %get3A_4349] {strides = array<i32>} : memref<104x512xf32, #tpu.memory_space<vmem>>, vector<1x16xf32>,
        %get3A_4351 = vector.shape_cast %get3A_4350 : vector<1x16xf32> to vector<16xf32>
        %mul3A_4352 = arith.mulf %get3A_4345, %get3A_4351 : vector<16xf32>
        %add3A_4353 = arith.addf %add3A_4339, %mul3A_4352 : vector<16xf32>
        %add3A_4354 = arith.constant 19 : i32
        %add3A_4355 = arith.addi %mul3A_27, %add3A_4354 : i32
        %get3A_4356 = arith.index_cast %add3A_4355 : i32 to index
        %get3A_4357 = arith.constant 400 : index
        %get3A_4358 = tpu.vector_load %arg6[%get3A_4356, %get3A_4357] {strides = array<i32>} : memref<104x512xf32, #tpu.memory_space<vmem>>, vector<1x16xf32>,
        %get3A_4359 = vector.shape_cast %get3A_4358 : vector<1x16xf32> to vector<16xf32>
        %add3A_4360 = arith.constant 25 : i32
        %add3A_4361 = arith.addi %mul3A_27, %add3A_4360 : i32
        %get3A_4362 = arith.index_cast %add3A_4361 : i32 to index
        %get3A_4363 = arith.constant 304 : index
        %get3A_4364 = tpu.vector_load %arg6[%get3A_4362, %get3A_4363] {strides = array<i32>} : memref<104x512xf32, #tpu.memory_space<vmem>>, vector<1x16xf32>,
        %get3A_4365 = vector.shape_cast %get3A_4364 : vector<1x16xf32> to vector<16xf32>
        %mul3A_4366 = arith.mulf %get3A_4359, %get3A_4365 : vector<16xf32>
        %add3A_4367 = arith.addf %add3A_4353, %mul3A_4366 : vector<16xf32>
        %add3A_4368 = arith.constant 20 : i32
        %add3A_4369 = arith.addi %mul3A_27, %add3A_4368 : i32
        %get3A_4370 = arith.index_cast %add3A_4369 : i32 to index
        %get3A_4371 = arith.constant 336 : index
        %get3A_4372 = tpu.vector_load %arg6[%get3A_4370, %get3A_4371] {strides = array<i32>} : memref<104x512xf32, #tpu.memory_space<vmem>>, vector<1x16xf32>,
        %get3A_4373 = vector.shape_cast %get3A_4372 : vector<1x16xf32> to vector<16xf32>
        %add3A_4374 = arith.constant 21 : i32
        %add3A_4375 = arith.addi %mul3A_27, %add3A_4374 : i32
        %get3A_4376 = arith.index_cast %add3A_4375 : i32 to index
        %get3A_4377 = arith.constant 320 : index
        %get3A_4378 = tpu.vector_load %arg6[%get3A_4376, %get3A_4377] {strides = array<i32>} : memref<104x512xf32, #tpu.memory_space<vmem>>, vector<1x16xf32>,
        %get3A_4379 = vector.shape_cast %get3A_4378 : vector<1x16xf32> to vector<16xf32>
        %mul3A_4380 = arith.mulf %get3A_4373, %get3A_4379 : vector<16xf32>
        %add3A_4381 = arith.addf %add3A_4367, %mul3A_4380 : vector<16xf32>
        %add3A_4382 = arith.constant 20 : i32
        %add3A_4383 = arith.addi %mul3A_27, %add3A_4382 : i32
        %get3A_4384 = arith.index_cast %add3A_4383 : i32 to index
        %get3A_4385 = arith.constant 352 : index
        %get3A_4386 = tpu.vector_load %arg6[%get3A_4384, %get3A_4385] {strides = array<i32>} : memref<104x512xf32, #tpu.memory_space<vmem>>, vector<1x16xf32>,
        %get3A_4387 = vector.shape_cast %get3A_4386 : vector<1x16xf32> to vector<16xf32>
        %add3A_4388 = arith.constant 22 : i32
        %add3A_4389 = arith.addi %mul3A_27, %add3A_4388 : i32
        %get3A_4390 = arith.index_cast %add3A_4389 : i32 to index
        %get3A_4391 = arith.constant 320 : index
        %get3A_4392 = tpu.vector_load %arg6[%get3A_4390, %get3A_4391] {strides = array<i32>} : memref<104x512xf32, #tpu.memory_space<vmem>>, vector<1x16xf32>,
        %get3A_4393 = vector.shape_cast %get3A_4392 : vector<1x16xf32> to vector<16xf32>
        %mul3A_4394 = arith.mulf %get3A_4387, %get3A_4393 : vector<16xf32>
        %add3A_4395 = arith.addf %add3A_4381, %mul3A_4394 : vector<16xf32>
        %add3A_4396 = arith.constant 20 : i32
        %add3A_4397 = arith.addi %mul3A_27, %add3A_4396 : i32
        %get3A_4398 = arith.index_cast %add3A_4397 : i32 to index
        %get3A_4399 = arith.constant 368 : index
        %get3A_4400 = tpu.vector_load %arg6[%get3A_4398, %get3A_4399] {strides = array<i32>} : memref<104x512xf32, #tpu.memory_space<vmem>>, vector<1x16xf32>,
        %get3A_4401 = vector.shape_cast %get3A_4400 : vector<1x16xf32> to vector<16xf32>
        %add3A_4402 = arith.constant 23 : i32
        %add3A_4403 = arith.addi %mul3A_27, %add3A_4402 : i32
        %get3A_4404 = arith.index_cast %add3A_4403 : i32 to index
        %get3A_4405 = arith.constant 320 : index
        %get3A_4406 = tpu.vector_load %arg6[%get3A_4404, %get3A_4405] {strides = array<i32>} : memref<104x512xf32, #tpu.memory_space<vmem>>, vector<1x16xf32>,
        %get3A_4407 = vector.shape_cast %get3A_4406 : vector<1x16xf32> to vector<16xf32>
        %mul3A_4408 = arith.mulf %get3A_4401, %get3A_4407 : vector<16xf32>
        %add3A_4409 = arith.addf %add3A_4395, %mul3A_4408 : vector<16xf32>
        %add3A_4410 = arith.constant 20 : i32
        %add3A_4411 = arith.addi %mul3A_27, %add3A_4410 : i32
        %get3A_4412 = arith.index_cast %add3A_4411 : i32 to index
        %get3A_4413 = arith.constant 384 : index
        %get3A_4414 = tpu.vector_load %arg6[%get3A_4412, %get3A_4413] {strides = array<i32>} : memref<104x512xf32, #tpu.memory_space<vmem>>, vector<1x16xf32>,
        %get3A_4415 = vector.shape_cast %get3A_4414 : vector<1x16xf32> to vector<16xf32>
        %add3A_4416 = arith.constant 24 : i32
        %add3A_4417 = arith.addi %mul3A_27, %add3A_4416 : i32
        %get3A_4418 = arith.index_cast %add3A_4417 : i32 to index
        %get3A_4419 = arith.constant 320 : index
        %get3A_4420 = tpu.vector_load %arg6[%get3A_4418, %get3A_4419] {strides = array<i32>} : memref<104x512xf32, #tpu.memory_space<vmem>>, vector<1x16xf32>,
        %get3A_4421 = vector.shape_cast %get3A_4420 : vector<1x16xf32> to vector<16xf32>
        %mul3A_4422 = arith.mulf %get3A_4415, %get3A_4421 : vector<16xf32>
        %add3A_4423 = arith.addf %add3A_4409, %mul3A_4422 : vector<16xf32>
        %add3A_4424 = arith.constant 20 : i32
        %add3A_4425 = arith.addi %mul3A_27, %add3A_4424 : i32
        %get3A_4426 = arith.index_cast %add3A_4425 : i32 to index
        %get3A_4427 = arith.constant 400 : index
        %get3A_4428 = tpu.vector_load %arg6[%get3A_4426, %get3A_4427] {strides = array<i32>} : memref<104x512xf32, #tpu.memory_space<vmem>>, vector<1x16xf32>,
        %get3A_4429 = vector.shape_cast %get3A_4428 : vector<1x16xf32> to vector<16xf32>
        %add3A_4430 = arith.constant 25 : i32
        %add3A_4431 = arith.addi %mul3A_27, %add3A_4430 : i32
        %get3A_4432 = arith.index_cast %add3A_4431 : i32 to index
        %get3A_4433 = arith.constant 320 : index
        %get3A_4434 = tpu.vector_load %arg6[%get3A_4432, %get3A_4433] {strides = array<i32>} : memref<104x512xf32, #tpu.memory_space<vmem>>, vector<1x16xf32>,
        %get3A_4435 = vector.shape_cast %get3A_4434 : vector<1x16xf32> to vector<16xf32>
        %mul3A_4436 = arith.mulf %get3A_4429, %get3A_4435 : vector<16xf32>
        %add3A_4437 = arith.addf %add3A_4423, %mul3A_4436 : vector<16xf32>
        %add3A_4438 = arith.constant 21 : i32
        %add3A_4439 = arith.addi %mul3A_27, %add3A_4438 : i32
        %get3A_4440 = arith.index_cast %add3A_4439 : i32 to index
        %get3A_4441 = arith.constant 352 : index
        %get3A_4442 = tpu.vector_load %arg6[%get3A_4440, %get3A_4441] {strides = array<i32>} : memref<104x512xf32, #tpu.memory_space<vmem>>, vector<1x16xf32>,
        %get3A_4443 = vector.shape_cast %get3A_4442 : vector<1x16xf32> to vector<16xf32>
        %add3A_4444 = arith.constant 22 : i32
        %add3A_4445 = arith.addi %mul3A_27, %add3A_4444 : i32
        %get3A_4446 = arith.index_cast %add3A_4445 : i32 to index
        %get3A_4447 = arith.constant 336 : index
        %get3A_4448 = tpu.vector_load %arg6[%get3A_4446, %get3A_4447] {strides = array<i32>} : memref<104x512xf32, #tpu.memory_space<vmem>>, vector<1x16xf32>,
        %get3A_4449 = vector.shape_cast %get3A_4448 : vector<1x16xf32> to vector<16xf32>
        %mul3A_4450 = arith.mulf %get3A_4443, %get3A_4449 : vector<16xf32>
        %add3A_4451 = arith.addf %add3A_4437, %mul3A_4450 : vector<16xf32>
        %add3A_4452 = arith.constant 21 : i32
        %add3A_4453 = arith.addi %mul3A_27, %add3A_4452 : i32
        %get3A_4454 = arith.index_cast %add3A_4453 : i32 to index
        %get3A_4455 = arith.constant 368 : index
        %get3A_4456 = tpu.vector_load %arg6[%get3A_4454, %get3A_4455] {strides = array<i32>} : memref<104x512xf32, #tpu.memory_space<vmem>>, vector<1x16xf32>,
        %get3A_4457 = vector.shape_cast %get3A_4456 : vector<1x16xf32> to vector<16xf32>
        %add3A_4458 = arith.constant 23 : i32
        %add3A_4459 = arith.addi %mul3A_27, %add3A_4458 : i32
        %get3A_4460 = arith.index_cast %add3A_4459 : i32 to index
        %get3A_4461 = arith.constant 336 : index
        %get3A_4462 = tpu.vector_load %arg6[%get3A_4460, %get3A_4461] {strides = array<i32>} : memref<104x512xf32, #tpu.memory_space<vmem>>, vector<1x16xf32>,
        %get3A_4463 = vector.shape_cast %get3A_4462 : vector<1x16xf32> to vector<16xf32>
        %mul3A_4464 = arith.mulf %get3A_4457, %get3A_4463 : vector<16xf32>
        %add3A_4465 = arith.addf %add3A_4451, %mul3A_4464 : vector<16xf32>
        %add3A_4466 = arith.constant 21 : i32
        %add3A_4467 = arith.addi %mul3A_27, %add3A_4466 : i32
        %get3A_4468 = arith.index_cast %add3A_4467 : i32 to index
        %get3A_4469 = arith.constant 384 : index
        %get3A_4470 = tpu.vector_load %arg6[%get3A_4468, %get3A_4469] {strides = array<i32>} : memref<104x512xf32, #tpu.memory_space<vmem>>, vector<1x16xf32>,
        %get3A_4471 = vector.shape_cast %get3A_4470 : vector<1x16xf32> to vector<16xf32>
        %add3A_4472 = arith.constant 24 : i32
        %add3A_4473 = arith.addi %mul3A_27, %add3A_4472 : i32
        %get3A_4474 = arith.index_cast %add3A_4473 : i32 to index
        %get3A_4475 = arith.constant 336 : index
        %get3A_4476 = tpu.vector_load %arg6[%get3A_4474, %get3A_4475] {strides = array<i32>} : memref<104x512xf32, #tpu.memory_space<vmem>>, vector<1x16xf32>,
        %get3A_4477 = vector.shape_cast %get3A_4476 : vector<1x16xf32> to vector<16xf32>
        %mul3A_4478 = arith.mulf %get3A_4471, %get3A_4477 : vector<16xf32>
        %add3A_4479 = arith.addf %add3A_4465, %mul3A_4478 : vector<16xf32>
        %add3A_4480 = arith.constant 21 : i32
        %add3A_4481 = arith.addi %mul3A_27, %add3A_4480 : i32
        %get3A_4482 = arith.index_cast %add3A_4481 : i32 to index
        %get3A_4483 = arith.constant 400 : index
        %get3A_4484 = tpu.vector_load %arg6[%get3A_4482, %get3A_4483] {strides = array<i32>} : memref<104x512xf32, #tpu.memory_space<vmem>>, vector<1x16xf32>,
        %get3A_4485 = vector.shape_cast %get3A_4484 : vector<1x16xf32> to vector<16xf32>
        %add3A_4486 = arith.constant 25 : i32
        %add3A_4487 = arith.addi %mul3A_27, %add3A_4486 : i32
        %get3A_4488 = arith.index_cast %add3A_4487 : i32 to index
        %get3A_4489 = arith.constant 336 : index
        %get3A_4490 = tpu.vector_load %arg6[%get3A_4488, %get3A_4489] {strides = array<i32>} : memref<104x512xf32, #tpu.memory_space<vmem>>, vector<1x16xf32>,
        %get3A_4491 = vector.shape_cast %get3A_4490 : vector<1x16xf32> to vector<16xf32>
        %mul3A_4492 = arith.mulf %get3A_4485, %get3A_4491 : vector<16xf32>
        %add3A_4493 = arith.addf %add3A_4479, %mul3A_4492 : vector<16xf32>
        %add3A_4494 = arith.constant 22 : i32
        %add3A_4495 = arith.addi %mul3A_27, %add3A_4494 : i32
        %get3A_4496 = arith.index_cast %add3A_4495 : i32 to index
        %get3A_4497 = arith.constant 368 : index
        %get3A_4498 = tpu.vector_load %arg6[%get3A_4496, %get3A_4497] {strides = array<i32>} : memref<104x512xf32, #tpu.memory_space<vmem>>, vector<1x16xf32>,
        %get3A_4499 = vector.shape_cast %get3A_4498 : vector<1x16xf32> to vector<16xf32>
        %add3A_4500 = arith.constant 23 : i32
        %add3A_4501 = arith.addi %mul3A_27, %add3A_4500 : i32
        %get3A_4502 = arith.index_cast %add3A_4501 : i32 to index
        %get3A_4503 = arith.constant 352 : index
        %get3A_4504 = tpu.vector_load %arg6[%get3A_4502, %get3A_4503] {strides = array<i32>} : memref<104x512xf32, #tpu.memory_space<vmem>>, vector<1x16xf32>,
        %get3A_4505 = vector.shape_cast %get3A_4504 : vector<1x16xf32> to vector<16xf32>
        %mul3A_4506 = arith.mulf %get3A_4499, %get3A_4505 : vector<16xf32>
        %add3A_4507 = arith.addf %add3A_4493, %mul3A_4506 : vector<16xf32>
        %add3A_4508 = arith.constant 22 : i32
        %add3A_4509 = arith.addi %mul3A_27, %add3A_4508 : i32
        %get3A_4510 = arith.index_cast %add3A_4509 : i32 to index
        %get3A_4511 = arith.constant 384 : index
        %get3A_4512 = tpu.vector_load %arg6[%get3A_4510, %get3A_4511] {strides = array<i32>} : memref<104x512xf32, #tpu.memory_space<vmem>>, vector<1x16xf32>,
        %get3A_4513 = vector.shape_cast %get3A_4512 : vector<1x16xf32> to vector<16xf32>
        %add3A_4514 = arith.constant 24 : i32
        %add3A_4515 = arith.addi %mul3A_27, %add3A_4514 : i32
        %get3A_4516 = arith.index_cast %add3A_4515 : i32 to index
        %get3A_4517 = arith.constant 352 : index
        %get3A_4518 = tpu.vector_load %arg6[%get3A_4516, %get3A_4517] {strides = array<i32>} : memref<104x512xf32, #tpu.memory_space<vmem>>, vector<1x16xf32>,
        %get3A_4519 = vector.shape_cast %get3A_4518 : vector<1x16xf32> to vector<16xf32>
        %mul3A_4520 = arith.mulf %get3A_4513, %get3A_4519 : vector<16xf32>
        %add3A_4521 = arith.addf %add3A_4507, %mul3A_4520 : vector<16xf32>
        %add3A_4522 = arith.constant 22 : i32
        %add3A_4523 = arith.addi %mul3A_27, %add3A_4522 : i32
        %get3A_4524 = arith.index_cast %add3A_4523 : i32 to index
        %get3A_4525 = arith.constant 400 : index
        %get3A_4526 = tpu.vector_load %arg6[%get3A_4524, %get3A_4525] {strides = array<i32>} : memref<104x512xf32, #tpu.memory_space<vmem>>, vector<1x16xf32>,
        %get3A_4527 = vector.shape_cast %get3A_4526 : vector<1x16xf32> to vector<16xf32>
        %add3A_4528 = arith.constant 25 : i32
        %add3A_4529 = arith.addi %mul3A_27, %add3A_4528 : i32
        %get3A_4530 = arith.index_cast %add3A_4529 : i32 to index
        %get3A_4531 = arith.constant 352 : index
        %get3A_4532 = tpu.vector_load %arg6[%get3A_4530, %get3A_4531] {strides = array<i32>} : memref<104x512xf32, #tpu.memory_space<vmem>>, vector<1x16xf32>,
        %get3A_4533 = vector.shape_cast %get3A_4532 : vector<1x16xf32> to vector<16xf32>
        %mul3A_4534 = arith.mulf %get3A_4527, %get3A_4533 : vector<16xf32>
        %add3A_4535 = arith.addf %add3A_4521, %mul3A_4534 : vector<16xf32>
        %add3A_4536 = arith.constant 23 : i32
        %add3A_4537 = arith.addi %mul3A_27, %add3A_4536 : i32
        %get3A_4538 = arith.index_cast %add3A_4537 : i32 to index
        %get3A_4539 = arith.constant 384 : index
        %get3A_4540 = tpu.vector_load %arg6[%get3A_4538, %get3A_4539] {strides = array<i32>} : memref<104x512xf32, #tpu.memory_space<vmem>>, vector<1x16xf32>,
        %get3A_4541 = vector.shape_cast %get3A_4540 : vector<1x16xf32> to vector<16xf32>
        %add3A_4542 = arith.constant 24 : i32
        %add3A_4543 = arith.addi %mul3A_27, %add3A_4542 : i32
        %get3A_4544 = arith.index_cast %add3A_4543 : i32 to index
        %get3A_4545 = arith.constant 368 : index
        %get3A_4546 = tpu.vector_load %arg6[%get3A_4544, %get3A_4545] {strides = array<i32>} : memref<104x512xf32, #tpu.memory_space<vmem>>, vector<1x16xf32>,
        %get3A_4547 = vector.shape_cast %get3A_4546 : vector<1x16xf32> to vector<16xf32>
        %mul3A_4548 = arith.mulf %get3A_4541, %get3A_4547 : vector<16xf32>
        %add3A_4549 = arith.addf %add3A_4535, %mul3A_4548 : vector<16xf32>
        %add3A_4550 = arith.constant 23 : i32
        %add3A_4551 = arith.addi %mul3A_27, %add3A_4550 : i32
        %get3A_4552 = arith.index_cast %add3A_4551 : i32 to index
        %get3A_4553 = arith.constant 400 : index
        %get3A_4554 = tpu.vector_load %arg6[%get3A_4552, %get3A_4553] {strides = array<i32>} : memref<104x512xf32, #tpu.memory_space<vmem>>, vector<1x16xf32>,
        %get3A_4555 = vector.shape_cast %get3A_4554 : vector<1x16xf32> to vector<16xf32>
        %add3A_4556 = arith.constant 25 : i32
        %add3A_4557 = arith.addi %mul3A_27, %add3A_4556 : i32
        %get3A_4558 = arith.index_cast %add3A_4557 : i32 to index
        %get3A_4559 = arith.constant 368 : index
        %get3A_4560 = tpu.vector_load %arg6[%get3A_4558, %get3A_4559] {strides = array<i32>} : memref<104x512xf32, #tpu.memory_space<vmem>>, vector<1x16xf32>,
        %get3A_4561 = vector.shape_cast %get3A_4560 : vector<1x16xf32> to vector<16xf32>
        %mul3A_4562 = arith.mulf %get3A_4555, %get3A_4561 : vector<16xf32>
        %add3A_4563 = arith.addf %add3A_4549, %mul3A_4562 : vector<16xf32>
        %add3A_4564 = arith.constant 24 : i32
        %add3A_4565 = arith.addi %mul3A_27, %add3A_4564 : i32
        %get3A_4566 = arith.index_cast %add3A_4565 : i32 to index
        %get3A_4567 = arith.constant 400 : index
        %get3A_4568 = tpu.vector_load %arg6[%get3A_4566, %get3A_4567] {strides = array<i32>} : memref<104x512xf32, #tpu.memory_space<vmem>>, vector<1x16xf32>,
        %get3A_4569 = vector.shape_cast %get3A_4568 : vector<1x16xf32> to vector<16xf32>
        %add3A_4570 = arith.constant 25 : i32
        %add3A_4571 = arith.addi %mul3A_27, %add3A_4570 : i32
        %get3A_4572 = arith.index_cast %add3A_4571 : i32 to index
        %get3A_4573 = arith.constant 384 : index
        %get3A_4574 = tpu.vector_load %arg6[%get3A_4572, %get3A_4573] {strides = array<i32>} : memref<104x512xf32, #tpu.memory_space<vmem>>, vector<1x16xf32>,
        %get3A_4575 = vector.shape_cast %get3A_4574 : vector<1x16xf32> to vector<16xf32>
        %mul3A_4576 = arith.mulf %get3A_4569, %get3A_4575 : vector<16xf32>
        %add3A_4577 = arith.addf %add3A_4563, %mul3A_4576 : vector<16xf32>
        %add3A_4578 = arith.constant 0 : i32
        %add3A_4579 = arith.addi %mul3A_27, %add3A_4578 : i32
        %get3A_4580 = arith.index_cast %add3A_4579 : i32 to index
        %get3A_4581 = arith.constant 416 : index
        %get3A_4582 = tpu.vector_load %arg6[%get3A_4580, %get3A_4581] {strides = array<i32>} : memref<104x512xf32, #tpu.memory_space<vmem>>, vector<1x16xf32>,
        %get3A_4583 = vector.shape_cast %get3A_4582 : vector<1x16xf32> to vector<16xf32>
        %add3A_4584 = arith.addf %add3A_4577, %get3A_4583 : vector<16xf32>
        %add3A_4585 = arith.constant 1 : i32
        %add3A_4586 = arith.addi %mul3A_27, %add3A_4585 : i32
        %get3A_4587 = arith.index_cast %add3A_4586 : i32 to index
        %get3A_4588 = arith.constant 416 : index
        %get3A_4589 = tpu.vector_load %arg6[%get3A_4587, %get3A_4588] {strides = array<i32>} : memref<104x512xf32, #tpu.memory_space<vmem>>, vector<1x16xf32>,
        %get3A_4590 = vector.shape_cast %get3A_4589 : vector<1x16xf32> to vector<16xf32>
        %add3A_4591 = arith.addf %add3A_4584, %get3A_4590 : vector<16xf32>
        %add3A_4592 = arith.constant 2 : i32
        %add3A_4593 = arith.addi %mul3A_27, %add3A_4592 : i32
        %get3A_4594 = arith.index_cast %add3A_4593 : i32 to index
        %get3A_4595 = arith.constant 416 : index
        %get3A_4596 = tpu.vector_load %arg6[%get3A_4594, %get3A_4595] {strides = array<i32>} : memref<104x512xf32, #tpu.memory_space<vmem>>, vector<1x16xf32>,
        %get3A_4597 = vector.shape_cast %get3A_4596 : vector<1x16xf32> to vector<16xf32>
        %add3A_4598 = arith.addf %add3A_4591, %get3A_4597 : vector<16xf32>
        %add3A_4599 = arith.constant 3 : i32
        %add3A_4600 = arith.addi %mul3A_27, %add3A_4599 : i32
        %get3A_4601 = arith.index_cast %add3A_4600 : i32 to index
        %get3A_4602 = arith.constant 416 : index
        %get3A_4603 = tpu.vector_load %arg6[%get3A_4601, %get3A_4602] {strides = array<i32>} : memref<104x512xf32, #tpu.memory_space<vmem>>, vector<1x16xf32>,
        %get3A_4604 = vector.shape_cast %get3A_4603 : vector<1x16xf32> to vector<16xf32>
        %add3A_4605 = arith.addf %add3A_4598, %get3A_4604 : vector<16xf32>
        %add3A_4606 = arith.constant 4 : i32
        %add3A_4607 = arith.addi %mul3A_27, %add3A_4606 : i32
        %get3A_4608 = arith.index_cast %add3A_4607 : i32 to index
        %get3A_4609 = arith.constant 416 : index
        %get3A_4610 = tpu.vector_load %arg6[%get3A_4608, %get3A_4609] {strides = array<i32>} : memref<104x512xf32, #tpu.memory_space<vmem>>, vector<1x16xf32>,
        %get3A_4611 = vector.shape_cast %get3A_4610 : vector<1x16xf32> to vector<16xf32>
        %add3A_4612 = arith.addf %add3A_4605, %get3A_4611 : vector<16xf32>
        %add3A_4613 = arith.constant 5 : i32
        %add3A_4614 = arith.addi %mul3A_27, %add3A_4613 : i32
        %get3A_4615 = arith.index_cast %add3A_4614 : i32 to index
        %get3A_4616 = arith.constant 416 : index
        %get3A_4617 = tpu.vector_load %arg6[%get3A_4615, %get3A_4616] {strides = array<i32>} : memref<104x512xf32, #tpu.memory_space<vmem>>, vector<1x16xf32>,
        %get3A_4618 = vector.shape_cast %get3A_4617 : vector<1x16xf32> to vector<16xf32>
        %add3A_4619 = arith.addf %add3A_4612, %get3A_4618 : vector<16xf32>
        %add3A_4620 = arith.constant 6 : i32
        %add3A_4621 = arith.addi %mul3A_27, %add3A_4620 : i32
        %get3A_4622 = arith.index_cast %add3A_4621 : i32 to index
        %get3A_4623 = arith.constant 416 : index
        %get3A_4624 = tpu.vector_load %arg6[%get3A_4622, %get3A_4623] {strides = array<i32>} : memref<104x512xf32, #tpu.memory_space<vmem>>, vector<1x16xf32>,
        %get3A_4625 = vector.shape_cast %get3A_4624 : vector<1x16xf32> to vector<16xf32>
        %add3A_4626 = arith.addf %add3A_4619, %get3A_4625 : vector<16xf32>
        %add3A_4627 = arith.constant 7 : i32
        %add3A_4628 = arith.addi %mul3A_27, %add3A_4627 : i32
        %get3A_4629 = arith.index_cast %add3A_4628 : i32 to index
        %get3A_4630 = arith.constant 416 : index
        %get3A_4631 = tpu.vector_load %arg6[%get3A_4629, %get3A_4630] {strides = array<i32>} : memref<104x512xf32, #tpu.memory_space<vmem>>, vector<1x16xf32>,
        %get3A_4632 = vector.shape_cast %get3A_4631 : vector<1x16xf32> to vector<16xf32>
        %add3A_4633 = arith.addf %add3A_4626, %get3A_4632 : vector<16xf32>
        %add3A_4634 = arith.constant 8 : i32
        %add3A_4635 = arith.addi %mul3A_27, %add3A_4634 : i32
        %get3A_4636 = arith.index_cast %add3A_4635 : i32 to index
        %get3A_4637 = arith.constant 416 : index
        %get3A_4638 = tpu.vector_load %arg6[%get3A_4636, %get3A_4637] {strides = array<i32>} : memref<104x512xf32, #tpu.memory_space<vmem>>, vector<1x16xf32>,
        %get3A_4639 = vector.shape_cast %get3A_4638 : vector<1x16xf32> to vector<16xf32>
        %add3A_4640 = arith.addf %add3A_4633, %get3A_4639 : vector<16xf32>
        %add3A_4641 = arith.constant 9 : i32
        %add3A_4642 = arith.addi %mul3A_27, %add3A_4641 : i32
        %get3A_4643 = arith.index_cast %add3A_4642 : i32 to index
        %get3A_4644 = arith.constant 416 : index
        %get3A_4645 = tpu.vector_load %arg6[%get3A_4643, %get3A_4644] {strides = array<i32>} : memref<104x512xf32, #tpu.memory_space<vmem>>, vector<1x16xf32>,
        %get3A_4646 = vector.shape_cast %get3A_4645 : vector<1x16xf32> to vector<16xf32>
        %add3A_4647 = arith.addf %add3A_4640, %get3A_4646 : vector<16xf32>
        %add3A_4648 = arith.constant 10 : i32
        %add3A_4649 = arith.addi %mul3A_27, %add3A_4648 : i32
        %get3A_4650 = arith.index_cast %add3A_4649 : i32 to index
        %get3A_4651 = arith.constant 416 : index
        %get3A_4652 = tpu.vector_load %arg6[%get3A_4650, %get3A_4651] {strides = array<i32>} : memref<104x512xf32, #tpu.memory_space<vmem>>, vector<1x16xf32>,
        %get3A_4653 = vector.shape_cast %get3A_4652 : vector<1x16xf32> to vector<16xf32>
        %add3A_4654 = arith.addf %add3A_4647, %get3A_4653 : vector<16xf32>
        %add3A_4655 = arith.constant 11 : i32
        %add3A_4656 = arith.addi %mul3A_27, %add3A_4655 : i32
        %get3A_4657 = arith.index_cast %add3A_4656 : i32 to index
        %get3A_4658 = arith.constant 416 : index
        %get3A_4659 = tpu.vector_load %arg6[%get3A_4657, %get3A_4658] {strides = array<i32>} : memref<104x512xf32, #tpu.memory_space<vmem>>, vector<1x16xf32>,
        %get3A_4660 = vector.shape_cast %get3A_4659 : vector<1x16xf32> to vector<16xf32>
        %add3A_4661 = arith.addf %add3A_4654, %get3A_4660 : vector<16xf32>
        %add3A_4662 = arith.constant 12 : i32
        %add3A_4663 = arith.addi %mul3A_27, %add3A_4662 : i32
        %get3A_4664 = arith.index_cast %add3A_4663 : i32 to index
        %get3A_4665 = arith.constant 416 : index
        %get3A_4666 = tpu.vector_load %arg6[%get3A_4664, %get3A_4665] {strides = array<i32>} : memref<104x512xf32, #tpu.memory_space<vmem>>, vector<1x16xf32>,
        %get3A_4667 = vector.shape_cast %get3A_4666 : vector<1x16xf32> to vector<16xf32>
        %add3A_4668 = arith.addf %add3A_4661, %get3A_4667 : vector<16xf32>
        %add3A_4669 = arith.constant 13 : i32
        %add3A_4670 = arith.addi %mul3A_27, %add3A_4669 : i32
        %get3A_4671 = arith.index_cast %add3A_4670 : i32 to index
        %get3A_4672 = arith.constant 416 : index
        %get3A_4673 = tpu.vector_load %arg6[%get3A_4671, %get3A_4672] {strides = array<i32>} : memref<104x512xf32, #tpu.memory_space<vmem>>, vector<1x16xf32>,
        %get3A_4674 = vector.shape_cast %get3A_4673 : vector<1x16xf32> to vector<16xf32>
        %add3A_4675 = arith.addf %add3A_4668, %get3A_4674 : vector<16xf32>
        %add3A_4676 = arith.constant 14 : i32
        %add3A_4677 = arith.addi %mul3A_27, %add3A_4676 : i32
        %get3A_4678 = arith.index_cast %add3A_4677 : i32 to index
        %get3A_4679 = arith.constant 416 : index
        %get3A_4680 = tpu.vector_load %arg6[%get3A_4678, %get3A_4679] {strides = array<i32>} : memref<104x512xf32, #tpu.memory_space<vmem>>, vector<1x16xf32>,
        %get3A_4681 = vector.shape_cast %get3A_4680 : vector<1x16xf32> to vector<16xf32>
        %add3A_4682 = arith.addf %add3A_4675, %get3A_4681 : vector<16xf32>
        %add3A_4683 = arith.constant 15 : i32
        %add3A_4684 = arith.addi %mul3A_27, %add3A_4683 : i32
        %get3A_4685 = arith.index_cast %add3A_4684 : i32 to index
        %get3A_4686 = arith.constant 416 : index
        %get3A_4687 = tpu.vector_load %arg6[%get3A_4685, %get3A_4686] {strides = array<i32>} : memref<104x512xf32, #tpu.memory_space<vmem>>, vector<1x16xf32>,
        %get3A_4688 = vector.shape_cast %get3A_4687 : vector<1x16xf32> to vector<16xf32>
        %add3A_4689 = arith.addf %add3A_4682, %get3A_4688 : vector<16xf32>
        %add3A_4690 = arith.constant 16 : i32
        %add3A_4691 = arith.addi %mul3A_27, %add3A_4690 : i32
        %get3A_4692 = arith.index_cast %add3A_4691 : i32 to index
        %get3A_4693 = arith.constant 416 : index
        %get3A_4694 = tpu.vector_load %arg6[%get3A_4692, %get3A_4693] {strides = array<i32>} : memref<104x512xf32, #tpu.memory_space<vmem>>, vector<1x16xf32>,
        %get3A_4695 = vector.shape_cast %get3A_4694 : vector<1x16xf32> to vector<16xf32>
        %add3A_4696 = arith.addf %add3A_4689, %get3A_4695 : vector<16xf32>
        %add3A_4697 = arith.constant 17 : i32
        %add3A_4698 = arith.addi %mul3A_27, %add3A_4697 : i32
        %get3A_4699 = arith.index_cast %add3A_4698 : i32 to index
        %get3A_4700 = arith.constant 416 : index
        %get3A_4701 = tpu.vector_load %arg6[%get3A_4699, %get3A_4700] {strides = array<i32>} : memref<104x512xf32, #tpu.memory_space<vmem>>, vector<1x16xf32>,
        %get3A_4702 = vector.shape_cast %get3A_4701 : vector<1x16xf32> to vector<16xf32>
        %add3A_4703 = arith.addf %add3A_4696, %get3A_4702 : vector<16xf32>
        %add3A_4704 = arith.constant 18 : i32
        %add3A_4705 = arith.addi %mul3A_27, %add3A_4704 : i32
        %get3A_4706 = arith.index_cast %add3A_4705 : i32 to index
        %get3A_4707 = arith.constant 416 : index
        %get3A_4708 = tpu.vector_load %arg6[%get3A_4706, %get3A_4707] {strides = array<i32>} : memref<104x512xf32, #tpu.memory_space<vmem>>, vector<1x16xf32>,
        %get3A_4709 = vector.shape_cast %get3A_4708 : vector<1x16xf32> to vector<16xf32>
        %add3A_4710 = arith.addf %add3A_4703, %get3A_4709 : vector<16xf32>
        %add3A_4711 = arith.constant 19 : i32
        %add3A_4712 = arith.addi %mul3A_27, %add3A_4711 : i32
        %get3A_4713 = arith.index_cast %add3A_4712 : i32 to index
        %get3A_4714 = arith.constant 416 : index
        %get3A_4715 = tpu.vector_load %arg6[%get3A_4713, %get3A_4714] {strides = array<i32>} : memref<104x512xf32, #tpu.memory_space<vmem>>, vector<1x16xf32>,
        %get3A_4716 = vector.shape_cast %get3A_4715 : vector<1x16xf32> to vector<16xf32>
        %add3A_4717 = arith.addf %add3A_4710, %get3A_4716 : vector<16xf32>
        %add3A_4718 = arith.constant 20 : i32
        %add3A_4719 = arith.addi %mul3A_27, %add3A_4718 : i32
        %get3A_4720 = arith.index_cast %add3A_4719 : i32 to index
        %get3A_4721 = arith.constant 416 : index
        %get3A_4722 = tpu.vector_load %arg6[%get3A_4720, %get3A_4721] {strides = array<i32>} : memref<104x512xf32, #tpu.memory_space<vmem>>, vector<1x16xf32>,
        %get3A_4723 = vector.shape_cast %get3A_4722 : vector<1x16xf32> to vector<16xf32>
        %add3A_4724 = arith.addf %add3A_4717, %get3A_4723 : vector<16xf32>
        %add3A_4725 = arith.constant 21 : i32
        %add3A_4726 = arith.addi %mul3A_27, %add3A_4725 : i32
        %get3A_4727 = arith.index_cast %add3A_4726 : i32 to index
        %get3A_4728 = arith.constant 416 : index
        %get3A_4729 = tpu.vector_load %arg6[%get3A_4727, %get3A_4728] {strides = array<i32>} : memref<104x512xf32, #tpu.memory_space<vmem>>, vector<1x16xf32>,
        %get3A_4730 = vector.shape_cast %get3A_4729 : vector<1x16xf32> to vector<16xf32>
        %add3A_4731 = arith.addf %add3A_4724, %get3A_4730 : vector<16xf32>
        %add3A_4732 = arith.constant 22 : i32
        %add3A_4733 = arith.addi %mul3A_27, %add3A_4732 : i32
        %get3A_4734 = arith.index_cast %add3A_4733 : i32 to index
        %get3A_4735 = arith.constant 416 : index
        %get3A_4736 = tpu.vector_load %arg6[%get3A_4734, %get3A_4735] {strides = array<i32>} : memref<104x512xf32, #tpu.memory_space<vmem>>, vector<1x16xf32>,
        %get3A_4737 = vector.shape_cast %get3A_4736 : vector<1x16xf32> to vector<16xf32>
        %add3A_4738 = arith.addf %add3A_4731, %get3A_4737 : vector<16xf32>
        %add3A_4739 = arith.constant 23 : i32
        %add3A_4740 = arith.addi %mul3A_27, %add3A_4739 : i32
        %get3A_4741 = arith.index_cast %add3A_4740 : i32 to index
        %get3A_4742 = arith.constant 416 : index
        %get3A_4743 = tpu.vector_load %arg6[%get3A_4741, %get3A_4742] {strides = array<i32>} : memref<104x512xf32, #tpu.memory_space<vmem>>, vector<1x16xf32>,
        %get3A_4744 = vector.shape_cast %get3A_4743 : vector<1x16xf32> to vector<16xf32>
        %add3A_4745 = arith.addf %add3A_4738, %get3A_4744 : vector<16xf32>
        %add3A_4746 = arith.constant 24 : i32
        %add3A_4747 = arith.addi %mul3A_27, %add3A_4746 : i32
        %get3A_4748 = arith.index_cast %add3A_4747 : i32 to index
        %get3A_4749 = arith.constant 416 : index
        %get3A_4750 = tpu.vector_load %arg6[%get3A_4748, %get3A_4749] {strides = array<i32>} : memref<104x512xf32, #tpu.memory_space<vmem>>, vector<1x16xf32>,
        %get3A_4751 = vector.shape_cast %get3A_4750 : vector<1x16xf32> to vector<16xf32>
        %add3A_4752 = arith.addf %add3A_4745, %get3A_4751 : vector<16xf32>
        %add3A_4753 = arith.constant 25 : i32
        %add3A_4754 = arith.addi %mul3A_27, %add3A_4753 : i32
        %get3A_4755 = arith.index_cast %add3A_4754 : i32 to index
        %get3A_4756 = arith.constant 416 : index
        %get3A_4757 = tpu.vector_load %arg6[%get3A_4755, %get3A_4756] {strides = array<i32>} : memref<104x512xf32, #tpu.memory_space<vmem>>, vector<1x16xf32>,
        %get3A_4758 = vector.shape_cast %get3A_4757 : vector<1x16xf32> to vector<16xf32>
        %add3A_4759 = arith.addf %add3A_4752, %get3A_4758 : vector<16xf32>
        %mul3A_4760 = arith.constant 4 : i32
        %mul3A_4761 = arith.muli %scan3A_10, %mul3A_4760 : i32
        %add3A_4762 = arith.addi %mul3A_4761, %scan3A_25 : i32
        %swap3A = arith.index_cast %add3A_4762 : i32 to index
        %swap3A_4763 = arith.constant 0 : index
        %swap3A_4764 = tpu.vector_load %arg7[%swap3A, %swap3A_4763] {strides = array<i32>} : memref<128x16xf32, #tpu.memory_space<vmem>>, vector<1x16xf32>,
        %swap3A_4765 = vector.shape_cast %swap3A_4764 : vector<1x16xf32> to vector<16xf32>
        %swap3A_4766 = vector.shape_cast %add3A_4759 : vector<16xf32> to vector<1x16xf32>
        tpu.vector_store %arg7[%swap3A, %swap3A_4763], %swap3A_4766 {strides = array<i32>} : memref<128x16xf32, #tpu.memory_space<vmem>>, vector<1x16xf32>,
      }
      %scan3A_24 = arith.constant 4 : i32
    }
    %scan3A_7 = arith.constant 32 : i32
    %mul3A_8 = arith.constant 128 : i32
    %mul3A_9 = arith.muli %add3A, %mul3A_8 : i32
    "tpu.region"() ({
      %run_scoped3A = tpu.sem_alloc : memref<!tpu.dma_semaphore, #tpu.memory_space<semaphore_mem>>
      %dma_start3A = arith.constant 0 : i32
      %dma_start3A_10 = tpu.memref_slice %arg4[%mul3A_9, %dma_start3A] : memref<4096x16xf32, #tpu.memory_space<hbm>> -> memref<128x16xf32, #tpu.memory_space<hbm>>
      %dma_start3A_11 = arith.constant 0 : i32
      %dma_start3A_12 = tpu.memref_slice %arg4[%mul3A_9, %dma_start3A_11] : memref<4096x16xf32, #tpu.memory_space<hbm>> -> memref<128x16xf32, #tpu.memory_space<hbm>>
      tpu.enqueue_dma source(%arg7 : memref<128x16xf32, #tpu.memory_space<vmem>>) target(%dma_start3A_12 : memref<128x16xf32, #tpu.memory_space<hbm>>) target_semaphore(%run_scoped3A : memref<!tpu.dma_semaphore, #tpu.memory_space<semaphore_mem>>)
      %dma_wait3A = arith.constant 0 : i32
      %dma_wait3A_13 = tpu.memref_slice %arg4[%mul3A_9, %dma_wait3A] : memref<4096x16xf32, #tpu.memory_space<hbm>> -> memref<128x16xf32, #tpu.memory_space<hbm>>
      %dma_wait3A_14 = arith.constant 0 : i32
      %dma_wait3A_15 = tpu.memref_slice %arg4[%mul3A_9, %dma_wait3A_14] : memref<4096x16xf32, #tpu.memory_space<hbm>> -> memref<128x16xf32, #tpu.memory_space<hbm>>
      tpu.wait_dma2 semaphore(%run_scoped3A : memref<!tpu.dma_semaphore, #tpu.memory_space<semaphore_mem>>) src(%arg7 : memref<128x16xf32, #tpu.memory_space<vmem>>) dst(%dma_wait3A_15 : memref<128x16xf32, #tpu.memory_space<hbm>>)
      tpu.yield
    }) : () -> ()
    return
  }
}

module attributes {stable_mosaic.version = 14 : i64} {
  func.func @_final_body(%arg0: memref<4096x13xf32, #tpu.memory_space<vmem>>, %arg1: memref<1x13xf32, #tpu.memory_space<vmem>>, %arg2: memref<1x1xf32, #tpu.memory_space<vmem>>, %arg3: memref<4096x16xf32, #tpu.memory_space<vmem>>, %arg4: memref<4096x1xf32, #tpu.memory_space<vmem>>) attributes {dimension_semantics = [], scalar_prefetch = 0 : i64, scratch_operands = 0 : i64, tpu.core_type = #tpu.core_type<tc>} {
    %get3A = arith.constant 0 : index
    %get3A_0 = arith.constant 0 : index
    %get3A_1 = vector.load %arg0[%get3A, %get3A_0] : memref<4096x13xf32, #tpu.memory_space<vmem>>, vector<4096x13xf32>
    %get3A_2 = arith.constant 0 : index
    %get3A_3 = arith.constant 0 : index
    %get3A_4 = vector.load %arg1[%get3A_2, %get3A_3] : memref<1x13xf32, #tpu.memory_space<vmem>>, vector<1x13xf32>
    %mul3A = vector.broadcast %get3A_4 : vector<1x13xf32> to vector<4096x13xf32>
    %mul3A_5 = arith.mulf %get3A_1, %mul3A : vector<4096x13xf32>
    %reduce_sum3A = arith.constant dense<0.000000e+00> : vector<4096xf32>
    %reduce_sum3A_6 = vector.multi_reduction <add>, %mul3A_5, %reduce_sum3A [1] : vector<4096x13xf32> to vector<4096xf32>
    %broadcast_in_dim3A = vector.shape_cast %reduce_sum3A_6 : vector<4096xf32> to vector<4096x1xf32>
    %get3A_7 = arith.constant 0 : index
    %get3A_8 = arith.constant 0 : index
    %get3A_9 = vector.load %arg3[%get3A_7, %get3A_8] : memref<4096x16xf32, #tpu.memory_space<vmem>>, vector<4096x16xf32>
    %reduce_sum3A_10 = arith.constant dense<0.000000e+00> : vector<4096xf32>
    %reduce_sum3A_11 = vector.multi_reduction <add>, %get3A_9, %reduce_sum3A_10 [1] : vector<4096x16xf32> to vector<4096xf32>
    %broadcast_in_dim3A_12 = vector.shape_cast %reduce_sum3A_11 : vector<4096xf32> to vector<4096x1xf32>
    %add3A = arith.addf %broadcast_in_dim3A, %broadcast_in_dim3A_12 : vector<4096x1xf32>
    %get3A_13 = arith.constant 0 : index
    %get3A_14 = arith.constant 0 : index
    %get3A_15 = vector.load %arg2[%get3A_13, %get3A_14] : memref<1x1xf32, #tpu.memory_space<vmem>>, vector<1x1xf32>
    %get3A_16 = vector.extract %get3A_15[0, 0] : f32 from vector<1x1xf32>
    %add3A_17 = vector.broadcast %get3A_16 : f32 to vector<4096x1xf32>
    %add3A_18 = arith.addf %add3A, %add3A_17 : vector<4096x1xf32>
    %logistic3A = arith.negf %add3A_18 : vector<4096x1xf32>
    %logistic3A_19 = math.exp %logistic3A : vector<4096x1xf32>
    %logistic3A_20 = arith.constant 1.000000e+00 : f32
    %logistic3A_21 = vector.broadcast %logistic3A_20 : f32 to vector<4096x1xf32>
    %logistic3A_22 = arith.addf %logistic3A_21, %logistic3A_19 : vector<4096x1xf32>
    %logistic3A_23 = arith.divf %logistic3A_21, %logistic3A_22 : vector<4096x1xf32>
    %swap3A = arith.constant 0 : index
    %swap3A_24 = arith.constant 0 : index
    %swap3A_25 = vector.load %arg4[%swap3A, %swap3A_24] : memref<4096x1xf32, #tpu.memory_space<vmem>>, vector<4096x1xf32>
    tpu.vector_store %arg4[%swap3A, %swap3A_24], %logistic3A_23 {strides = array<i32>} : memref<4096x1xf32, #tpu.memory_space<vmem>>, vector<4096x1xf32>,
    return
  }
}

</mosaic_0001>

<sc_bundles>
// kernel: kernel.4.cloned.1.call-start
scs
__scs_entry_jumppad:
0x0: {  	(pc) =	sbr.rel $0x88, $3  }
0x1: {  	(tag) =	ssettag $0x0;
	lr =	simm.s32 $0x1  }
0x2: {  	[smem:$0x3F9B] =	sst lr;
	_ =	strace $0xD0000000  }
0x3: {  	_ = 	snop  }
0x4: {  	_ = 	snop  }
0x5: {  	_ = 	snop  }
0x6: {  	_ = 	snop  }
0x7: {  	_ = 	snop  }
__scs_overlays_trampoline_lowered:
0x8: {  	[smem:$0x3FAA] =	sst s0  }
0x9: {  	[smem:$0x3FAB] =	sst s1  }
0xa: {  	[smem:$0x3FAC] =	sst s2  }
0xb: {  	[smem:$0x3FAD] =	sst s3  }
0xc: {  	[smem:$0x3FAE] =	sst s4  }
0xd: {  	[smem:$0x3FAF] =	sst s5  }
0xe: {  	[smem:$0x3FB0] =	sst s6  }
0xf: {  	[smem:$0x3FB1] =	sst s7  }
0x10: {  	[smem:$0x3FB2] =	sst s8  }
0x11: {  	[smem:$0x3FB3] =	sst s9;
	s0 =	simm.s32 @!p0 $0x0  }
0x12: {  	s1 =	sld [smem:$0x3F99];
	s0 =	simm.s32 @p0 $0x1  }
0x13: {  	[smem:$0x3FB4] =	sst s0;
	s0 =	simm.s32 @!p1 $0x0  }
0x14: {  	s2 =	sld [smem:$0x3F98];
	s0 =	simm.s32 @p1 $0x1  }
0x15: {  	[smem:$0x3FB5] =	sst s0;
	s0 =	simm.s32 @!p2 $0x0  }
0x16: {  	s3 =	sld [smem:$0x3FDB];
	s0 =	simm.s32 @p2 $0x1  }
0x17: {  	s4 =	simm.s32 $0x1BF5;
	[smem:$0x3FB7] =	sst s0  }
0x18: {  	s0 =	sld [smem:$0x3F9A];
	_ =	swait.ge [sflag:s4], $0x0  }
0x19: {  	s7 =	sld [smem:$0x3F9B]  }
0x1a: {  	s8 =	sadd.s32 $0xFFFFE003, lr  }
0x1b: {  	s9 =	sadd.s32 $0xFFFFFEF7, lr;
	s5 =	simm.s32 $0xFFFFFFFF;
	p2 =	slt.u32 s8, $0xFFFFF086  }
0x1c: {  	p1 =	slt.u32 s9, $0xF7A;
	s5 =	simm.s32 @!p2 $0x0  }
0x1d: {  	s5 =	simm.s32 @p1 $0x1;
	p0 =	seq.s32 s7, s2  }
0x1e: {  	s7 =	smul.u32 @!p0 $0xF7A, s2;
	p2 =	seq.s32 @!p0 s5, $0x0  }
0x1f: {  	s9 =	smul.u32 $0xF7A, s1;
	s8 =	simm.s32 @!p0 $0x1BF5;
	p2 =	por !p2, p0  }
0x20: {  	[sflag:s8] =	ssyncset.s32 @!p0 $0xFFFFF086;
	s6 =	sadd.s32 @!p0 s3, s7;
	s7 =	simm.s32 @!p0 $0x108  }
0x21: {  	s3 =	sadd.s32 s3, s9;
	s6 =	sadd.s32 @!p0 $0x88, s6;
	s7 =	simm.s32 @p2 $0x1082  }
0x22: {  	[simem:s7], [sflag:s8] =	dma.local @!p0 [hbm:s6], $0xF7A  }
0x23: {  	s9 =	sor.u32 $0xD0000000, s2;
	s6 =	simm.s32 $0x108;
	_ =	swait.ge @!p0 [sflag:s8], $0x0  }
0x24: {  	s3 =	sadd.s32 $0x88, s3;
	s6 =	simm.s32 @!p1 $0x1082;
	[sflag:s4] =	ssyncset.s32 $0xFFFFF086  }
0x25: {  	[simem:s6], [sflag:s4] =	dma.local [hbm:s3], $0xF7A  }
0x26: {  	[smem:$0x3F9B] =	sst s1;
	(tag) =	ssettag s2;
	_ =	strace s9  }
0x27: {  	s1 =	sld [smem:$0x3FAB]  }
0x28: {  	s2 =	sld [smem:$0x3FAC]  }
0x29: {  	s4 =	sld [smem:$0x3FAE]  }
0x2a: {  	p0 =	seq.s32 s5, $0x0;
	s5 =	sld [smem:$0x3FAF]  }
0x2b: {  	s6 =	sld [smem:$0x3FB0]  }
0x2c: {  	s7 =	sld [smem:$0x3FB1]  }
0x2d: {  	s3 =	simm.s32 $0x108;
	s8 =	sld [smem:$0x3FB2]  }
0x2e: {  	s3 =	simm.s32 @!p0 $0x1082;
	s9 =	sld [smem:$0x3FB3]  }
0x2f: {  	lr =	sadd.s32 s0, s3;
	s0 =	sld [smem:$0x3FAA]  }
0x30: {  	s3 =	sld [smem:$0x3FAD]  }
0x31: {  	[smem:$0x3FB6] =	sst s10  }
0x32: {  	s10 =	sld [smem:$0x3FB4];
	_ =	sdelay $0x3  }
0x33: {  	p0 =	seq.s32 s10, $0x1;
	s10 =	sld [smem:$0x3FB6];
	_ =	sdelay $0x3  }
0x34: {  	[smem:$0x3FB6] =	sst s10  }
0x35: {  	s10 =	sld [smem:$0x3FB5];
	_ =	sdelay $0x3  }
0x36: {  	p1 =	seq.s32 s10, $0x1;
	s10 =	sld [smem:$0x3FB6];
	_ =	sdelay $0x3  }
0x37: {  	[smem:$0x3FB6] =	sst s10  }
0x38: {  	s10 =	sld [smem:$0x3FB7]  }
0x39: {  	_ = 	snop;
	(pc) =	sbr.ind lr, $3  }
0x3a: {  	_ = 	snop  }
0x3b: {  	_ = 	snop  }
0x3c: {  	p2 =	seq.s32 s10, $0x1;
	s10 =	sld [smem:$0x3FB6]  }
0x3d: {  	_ =	shalt  }
0x3e: {  	_ =	shalt  }
0x3f: {  	_ =	shalt  }
0x40: {  	_ =	shalt  }
0x41: {  	_ =	shalt  }
0x42: {  	_ =	shalt  }
0x43: {  	_ =	shalt  }
0x44: {  	_ =	shalt  }
0x45: {  	_ =	shalt  }
0x46: {  	_ =	shalt  }
0x47: {  	_ =	shalt  }
0x48: {  	_ =	shalt  }
0x49: {  	_ =	shalt  }
0x4a: {  	_ =	shalt  }
0x4b: {  	_ =	shalt  }
0x4c: {  	_ =	shalt  }
0x4d: {  	_ =	shalt  }
0x4e: {  	_ =	shalt  }
0x4f: {  	_ =	shalt  }
0x50: {  	_ =	shalt  }
0x51: {  	_ =	shalt  }
0x52: {  	_ =	shalt  }
0x53: {  	_ =	shalt  }
0x54: {  	_ =	shalt  }
0x55: {  	_ =	shalt  }
0x56: {  	_ =	shalt  }
0x57: {  	_ =	shalt  }
0x58: {  	_ =	shalt  }
0x59: {  	_ =	shalt  }
0x5a: {  	_ =	shalt  }
0x5b: {  	_ =	shalt  }
0x5c: {  	_ =	shalt  }
0x5d: {  	_ =	shalt  }
0x5e: {  	_ =	shalt  }
0x5f: {  	_ =	shalt  }
0x60: {  	_ =	shalt  }
0x61: {  	_ =	shalt  }
0x62: {  	_ =	shalt  }
0x63: {  	_ =	shalt  }
0x64: {  	_ =	shalt  }
0x65: {  	_ =	shalt  }
0x66: {  	_ =	shalt  }
0x67: {  	_ =	shalt  }
0x68: {  	_ =	shalt  }
0x69: {  	_ =	shalt  }
0x6a: {  	_ =	shalt  }
0x6b: {  	_ =	shalt  }
0x6c: {  	_ =	shalt  }
0x6d: {  	_ =	shalt  }
0x6e: {  	_ =	shalt  }
0x6f: {  	_ =	shalt  }
0x70: {  	_ =	shalt  }
0x71: {  	_ =	shalt  }
0x72: {  	_ =	shalt  }
0x73: {  	_ =	shalt  }
0x74: {  	_ =	shalt  }
0x75: {  	_ =	shalt  }
0x76: {  	_ =	shalt  }
0x77: {  	_ =	shalt  }
0x78: {  	_ =	shalt  }
0x79: {  	_ =	shalt  }
0x7a: {  	_ =	shalt  }
0x7b: {  	_ =	shalt  }
0x7c: {  	_ =	shalt  }
0x7d: {  	_ =	shalt  }
0x7e: {  	_ =	shalt  }
0x7f: {  	_ =	shalt  }
0x80: {  	_ =	shalt  }
0x81: {  	_ =	shalt  }
0x82: {  	_ =	shalt  }
0x83: {  	_ =	shalt  }
0x84: {  	_ =	shalt  }
0x85: {  	_ =	shalt  }
0x86: {  	_ =	shalt  }
0x87: {  	_ =	shalt  }
.Lfunc_end0:
.L_simem_size_0:
called_computation.1_lowered:
.L_overlay_start_0:
0x88: {  	s2 =	sld [smem:$0x3FD9]  }
0x89: {  	s3 =	sld [smem:$0x3FFE];
	_ =	sdelay $0x1  }
0x8a: {  	s1 =	srdreg.scid  }
0x8b: {  	s0 =	sand.u32 $0x1, s1  }
0x8c: {  	s16 =	sshll.u32 s0, $0xA;
	s2 =	sadd.s32 s3, s2  }
0x8d: {  	s2 =	sadd.s32 s2, s16  }
0x8e: {  	[smem:$0x3FC2] =	sst s2  }
0x8f: {  	_ = 	snop  }
0x90: {  	(tm) =	ssettm $0x1  }
0x91: {  	s17 =	sld [smem:$0x3FFB];
	_ =	sdelay $0x3  }
0x92: {  	_ =	strace s17  }
0x93: {  	s2 =	sld [smem:$0x3FFC];
	_ =	sdelay $0x3  }
0x94: {  	_ =	strace s2  }
0x95: {  	s2 =	sld [smem:$0x3FFD];
	_ =	sdelay $0x3  }
0x96: {  	_ =	strace s2  }
0x97: {  	_ =	strace $0x8FFFFFFF  }
0x98: {  	s18 =	sld [smem:$0x3FDB];
	_ =	sdelay $0x1  }
0x99: {  	s19 =	simm.s32 $_scs_section_size  }
0x9a: {  	s4 =	simm.s32 $_size__tile_overlayer_lowered;
	s5 =	simm.s32 $_tile_overlayer_lowered  }
0x9b: {  	s22 =	simm.s32 $0x1BFF;
	s21 =	sshll.u32 s5, $0x1;
	s2 =	sadd.s32 s19, s18  }
0x9c: {  	s6 =	simm.s32 $0x0;
	s20 =	sshll.u32 s4, $0x1;
	s4 =	sadd.s32 s21, s2  }
0x9d: {  	[timem:s6], [sflag:s22] =	dma.local [hbm:s4], s20  }
0x9e: {  	_ =	swait.ge [sflag:s22], s20  }
0x9f: {  	s3 =	ssub.s32 $0x0, s20;
	[sflag:s22] =	ssyncset.done $0x0  }
0xa0: {  	[sflag:s22] =	ssyncadd.s32 s3;
	_ =	sdelay $0x1  }
0xa1: {  	s23 =	simm.s32 $0x1B8B  }
0xa2: {  	_ =	swait.ge [sflag:s23], $0x1  }
0xa3: {  	[sflag:s23] =	ssyncset.done $0x0  }
0xa4: {  	s25 =	simm.s32 $0x1B8E;
	s24 =	sld [smem:$0x3FFE];
	[sflag:s23] =	ssyncadd.s32 $0xFFFFFFFF  }
0xa5: {  	s26 =	simm.s32 $execute0_lowered;
	[smem:$0x3FD2] =	sst s25  }
0xa6: {  	s4 =	sshll.u32 s26, $0x1;
	_ =	strace $0x80000049;
	[dreg:$0x1] =	wrdreg $0xFFFFFFFF  }
0xa7: {  	s28 =	simm.s32 $_size_execute0_lowered;
	s2 =	sadd.s32 s2, s4;
	[dreg:$0x0] =	wrdreg $0x0  }
0xa8: {  	s4 =	sshll.u32 s28, $0x1;
	[dreg:$0x2] =	wrdreg s2  }
0xa9: {  	[dreg:$0x3] =	wrdreg s4  }
0xaa: {  	[dreg:$0x4] =	wrdreg $0xC0  }
0xab: {  	_ =	task [dreg:s6], $0x5FFFF  }
0xac: {  	[dreg:$0x1] =	wrdreg $0xFFFFFFFF  }
0xad: {  	[dreg:$0x0] =	wrdreg $0x60  }
0xae: {  	[dreg:$0x2] =	wrdreg s24  }
0xaf: {  	[dreg:$0x3] =	wrdreg $0x9  }
0xb0: {  	_ =	task.clear_ibuf [dreg:s6], $0x4FFFF;
	_ =	strace $0x90000049  }
0xb1: {  	s29 =	simm.s32 $0x9;
	_ =	strace $0x8000004B  }
0xb2: {  	_ =	swait.ge [sflag:s29], $0x1  }
0xb3: {  	[sflag:s29] =	ssyncadd.s32 $0xFFFFFFFF  }
0xb4: {  	_ =	strace $0x9000004B  }
0xb5: {  	_ =	sfence  }
0xb6: {  	s30 =	sld [smem:$0x0];
	_ =	sdelay $0x2  }
0xb7: {  	s31 =	sshll.u32 s1, $0xD;
	s1 =	sshrl.u32 s1, $0x2  }
0xb8: {  	s3 =	sand.u32 $0x4000, s31;
	s1 =	sadd.s32 s1, s30  }
0xb9: {  	s0 =	sor.u32 s3, s0;
	s1 =	sshll.u32 s1, $0x11  }
0xba: {  	s0 =	sor.u32 s1, s0  }
0xbb: {  	s0 =	sadd.s32 $0x8F2B, s0  }
0xbc: {  	[sflag:s0] =	ssyncadd.remote.s32 $0x1  }
0xbd: {  	_ =	sfence.sel $0xFFFF  }
0xbe: {  	[dreg:$0x0] =	wrdreg $0xFFFFFFFF;
	(pc) =	sbr.abs _section_cstart, $3  }
0xbf: {  	[dreg:$0x1] =	wrdreg $0xFFFFFFFF  }
0xc0: {  	_ =	task.clear_ibuf [dreg:s6], $0x2FFFF;
	_ =	strace $0x9FFFFFFF  }
0xc1: {  	(tm) =	ssettm $0x7FFFFFFF  }
tec
execute0_lowered:
.L_overlay_start_1:
0x0: {  	(tag) =	ssettag $0x1  }
0x1: {  	s0 =	srdreg.scid  }
0x2: {  	s2 =	stileid.u32;
	s1 =	rddreg [dreg:$0x0]  }
0x3: {  	s5 =	simm.s32 $0x0;
	s0 =	sand.u32 $0x1, s0;
	s2 =	sshll.u32 s2, $0x1  }
0x4: {  	[smem:$0x7FF] =	sst s5;
	s4 =	sadd.s32 $0x7F3A00, s1;
	s2 =	sor.u32 s0, s2  }
0x5: {  	_ =	strace $0x8000004A;
	s0 =	ssub.s32 $0x2, s0;
	s3 =	smul.u32 $0x1A0, s2  }
0x6: {  	[dreg:$0x2] =	wrdreg s4;
	s2 =	sshll.u32 s2, $0xB;
	s30 =	sshrl.u32 s0, $0x1  }
0x7: {  	s2 =	sadd.s32 s2, s1;
	s3 =	sadd.s32 s3, s1;
	s1 =	sadd.s32 $0x7F3B00, s1  }
0x8: {  	s0 =	ssub.s32 s0, s30;
	s31 =	sadd.s32 $0x1200, s2;
	[dreg:$0x4] =	wrdreg s1  }
0x9: {  	v2 =	vlaneseq.u32;
	s0 =	smax.u32 s0, $0x1;
	[dreg:$0x5] =	wrdreg s31  }
0xa: {  	vm0 =	vmmov $0xffff;
	v1 =	vshrl.u32 v2, $0x3;
	s3 =	sadd.s32 $0x7F0600, s3;
	[dreg:$0x6] =	wrdreg s0  }
0xb: {  	v0 =	vand.u32 $0x7, v2;
	v2 =	vor.u32 $0x8, v2;
	v1 =	vmul.u32 $0x8, v1;
	s2 =	simm.s32 $0x0;
	s1 =	simm.s32 $0x2;
	[dreg:$0x3] =	wrdreg s3  }
.LBB2_1:
0xc: {  	[dreg:$0x7] =	wrdreg s2  }
0xd: {  	s0 =	rddreg [dreg:$0x3]  }
0xe: {  	[tilespmem:s5], [sflag:$0x2] =	stream.linear.gather [hbm4b:s0+s5], $0xD00, $0x38;
	[tilespmem:$0x11D00] =	vst v63  }
0xf: {  	_ =	swait.ge [sflag:s1], $0xD00  }
0x10: {  	[sflag:s1] =	ssyncset.done $0x0  }
0x11: {  	s4 =	simm.s32 $0x0;
	[sflag:s1] =	ssyncadd.s32 $0xFFFFF300  }
.LBB2_2:
0x12: {  	s0 =	smul.u32 $0x1A0, s4;
	_ =	sdelay $0x1  }
0x13: {  	s0 =	sshra.s32 s0, $0x2  }
0x14: {  	v3 =	vld [tilespmem:s0+$0x0];
	_ =	sdelay $0x4  }
0x15: {  	v4 =	vshll.u32 v3, $0x2  }
0x16: {  	v3 =	vand.u32 $0x7, v3;
	v4 =	vand.u32 $0xFFFFFFE0, v4  }
0x17: {  	v3 =	vor.u32 v3, v4  }
0x18: {  	v4 =	vperm.xlane v3, v0;
	_ =	sdelay $0x1  }
0x19: {  	v4 =	vadd.s32 v1, v4;
	_ =	sdelay $0x1  }
0x1a: {  	v3 =	vperm.xlane v3, v2;
	_ =	sdelay $0x1  }
0x1b: {  	s5 =	simm.s32 $0x0;
	s1 =	rddreg [dreg:$0x2];
	s2 =	simm.s32 $0xD00;
	v3 =	vadd.s32 v1, v3  }
0x1c: {  	[tilespmem:s2], [sflag:$0x1] =	stream.indirect_vreg.gather [hbm4b:s1+s5], $0x80, v4, vm0, $0xb8;
	[tilespmem:$0x11D00] =	vst v63  }
0x1d: {  	s30 =	rddreg [dreg:$0x4];
	s3 =	simm.s32 $0x1500  }
0x1e: {  	[tilespmem:s3], [sflag:$0x1] =	stream.indirect_vreg.gather [hbm4b:s30+s5], $0x80, v4, vm0, $0xb8;
	[tilespmem:$0x11D00] =	vst v63  }
0x1f: {  	s31 =	simm.s32 $0x1D00  }
0x20: {  	[tilespmem:s31], [sflag:$0x1] =	stream.indirect_vreg.gather [hbm4b:s1+s5], $0x80, v3, vm0, $0xb8;
	[tilespmem:$0x11D00] =	vst v63  }
0x21: {  	s6 =	simm.s32 $0x2500  }
0x22: {  	[tilespmem:s6], [sflag:$0x1] =	stream.indirect_vreg.gather [hbm4b:s30+s5], $0x80, v3, vm0, $0xb8;
	[tilespmem:$0x11D00] =	vst v63  }
0x23: {  	v3 =	vld [tilespmem:s0+$0x10];
	_ =	sdelay $0x4  }
0x24: {  	v4 =	vshll.u32 v3, $0x2  }
0x25: {  	v3 =	vand.u32 $0x7, v3;
	v4 =	vand.u32 $0xFFFFFFE0, v4  }
0x26: {  	v3 =	vor.u32 v3, v4  }
0x27: {  	v4 =	vperm.xlane v3, v0;
	_ =	sdelay $0x1  }
0x28: {  	v4 =	vadd.s32 v1, v4;
	_ =	sdelay $0x1  }
0x29: {  	v3 =	vperm.xlane v3, v2;
	_ =	sdelay $0x1  }
0x2a: {  	s7 =	simm.s32 $0x2D00;
	v3 =	vadd.s32 v1, v3  }
0x2b: {  	[tilespmem:s7], [sflag:$0x1] =	stream.indirect_vreg.gather [hbm4b:s1+s5], $0x80, v4, vm0, $0xb8;
	[tilespmem:$0x11D00] =	vst v63  }
0x2c: {  	s8 =	simm.s32 $0x3500  }
0x2d: {  	[tilespmem:s8], [sflag:$0x1] =	stream.indirect_vreg.gather [hbm4b:s30+s5], $0x80, v4, vm0, $0xb8;
	[tilespmem:$0x11D00] =	vst v63  }
0x2e: {  	s9 =	simm.s32 $0x3D00  }
0x2f: {  	[tilespmem:s9], [sflag:$0x1] =	stream.indirect_vreg.gather [hbm4b:s1+s5], $0x80, v3, vm0, $0xb8;
	[tilespmem:$0x11D00] =	vst v63  }
0x30: {  	s10 =	simm.s32 $0x4500  }
0x31: {  	[tilespmem:s10], [sflag:$0x1] =	stream.indirect_vreg.gather [hbm4b:s30+s5], $0x80, v3, vm0, $0xb8;
	[tilespmem:$0x11D00] =	vst v63  }
0x32: {  	v3 =	vld [tilespmem:s0+$0x20];
	_ =	sdelay $0x4  }
0x33: {  	v4 =	vshll.u32 v3, $0x2  }
0x34: {  	v3 =	vand.u32 $0x7, v3;
	v4 =	vand.u32 $0xFFFFFFE0, v4  }
0x35: {  	v3 =	vor.u32 v3, v4  }
0x36: {  	v4 =	vperm.xlane v3, v0;
	_ =	sdelay $0x1  }
0x37: {  	v4 =	vadd.s32 v1, v4;
	_ =	sdelay $0x1  }
0x38: {  	v3 =	vperm.xlane v3, v2;
	_ =	sdelay $0x1  }
0x39: {  	s11 =	simm.s32 $0x4D00;
	v3 =	vadd.s32 v1, v3  }
0x3a: {  	[tilespmem:s11], [sflag:$0x1] =	stream.indirect_vreg.gather [hbm4b:s1+s5], $0x80, v4, vm0, $0xb8;
	[tilespmem:$0x11D00] =	vst v63  }
0x3b: {  	s12 =	simm.s32 $0x5500  }
0x3c: {  	[tilespmem:s12], [sflag:$0x1] =	stream.indirect_vreg.gather [hbm4b:s30+s5], $0x80, v4, vm0, $0xb8;
	[tilespmem:$0x11D00] =	vst v63  }
0x3d: {  	s13 =	simm.s32 $0x5D00  }
0x3e: {  	[tilespmem:s13], [sflag:$0x1] =	stream.indirect_vreg.gather [hbm4b:s1+s5], $0x80, v3, vm0, $0xb8;
	[tilespmem:$0x11D00] =	vst v63  }
0x3f: {  	s14 =	simm.s32 $0x6500  }
0x40: {  	[tilespmem:s14], [sflag:$0x1] =	stream.indirect_vreg.gather [hbm4b:s30+s5], $0x80, v3, vm0, $0xb8;
	[tilespmem:$0x11D00] =	vst v63  }
0x41: {  	v3 =	vld [tilespmem:s0+$0x30];
	_ =	sdelay $0x4  }
0x42: {  	v4 =	vshll.u32 v3, $0x2  }
0x43: {  	v3 =	vand.u32 $0x7, v3;
	v4 =	vand.u32 $0xFFFFFFE0, v4  }
0x44: {  	v3 =	vor.u32 v3, v4  }
0x45: {  	v4 =	vperm.xlane v3, v0;
	_ =	sdelay $0x1  }
0x46: {  	v4 =	vadd.s32 v1, v4;
	_ =	sdelay $0x1  }
0x47: {  	v3 =	vperm.xlane v3, v2;
	_ =	sdelay $0x1  }
0x48: {  	s15 =	simm.s32 $0x6D00;
	v3 =	vadd.s32 v1, v3  }
0x49: {  	[tilespmem:s15], [sflag:$0x1] =	stream.indirect_vreg.gather [hbm4b:s1+s5], $0x80, v4, vm0, $0xb8;
	[tilespmem:$0x11D00] =	vst v63  }
0x4a: {  	s16 =	simm.s32 $0x7500  }
0x4b: {  	[tilespmem:s16], [sflag:$0x1] =	stream.indirect_vreg.gather [hbm4b:s30+s5], $0x80, v4, vm0, $0xb8;
	[tilespmem:$0x11D00] =	vst v63  }
0x4c: {  	s17 =	simm.s32 $0x7D00  }
0x4d: {  	[tilespmem:s17], [sflag:$0x1] =	stream.indirect_vreg.gather [hbm4b:s1+s5], $0x80, v3, vm0, $0xb8;
	[tilespmem:$0x11D00] =	vst v63  }
0x4e: {  	s18 =	simm.s32 $0x8500  }
0x4f: {  	[tilespmem:s18], [sflag:$0x1] =	stream.indirect_vreg.gather [hbm4b:s30+s5], $0x80, v3, vm0, $0xb8;
	[tilespmem:$0x11D00] =	vst v63  }
0x50: {  	v3 =	vld [tilespmem:s0+$0x40];
	_ =	sdelay $0x4  }
0x51: {  	v4 =	vshll.u32 v3, $0x2  }
0x52: {  	v3 =	vand.u32 $0x7, v3;
	v4 =	vand.u32 $0xFFFFFFE0, v4  }
0x53: {  	v3 =	vor.u32 v3, v4  }
0x54: {  	v4 =	vperm.xlane v3, v0;
	_ =	sdelay $0x1  }
0x55: {  	v4 =	vadd.s32 v1, v4;
	_ =	sdelay $0x1  }
0x56: {  	v3 =	vperm.xlane v3, v2;
	_ =	sdelay $0x1  }
0x57: {  	s19 =	simm.s32 $0x8D00;
	v3 =	vadd.s32 v1, v3  }
0x58: {  	[tilespmem:s19], [sflag:$0x1] =	stream.indirect_vreg.gather [hbm4b:s1+s5], $0x80, v4, vm0, $0xb8;
	[tilespmem:$0x11D00] =	vst v63  }
0x59: {  	s20 =	simm.s32 $0x9500  }
0x5a: {  	[tilespmem:s20], [sflag:$0x1] =	stream.indirect_vreg.gather [hbm4b:s30+s5], $0x80, v4, vm0, $0xb8;
	[tilespmem:$0x11D00] =	vst v63  }
0x5b: {  	s21 =	simm.s32 $0x9D00  }
0x5c: {  	[tilespmem:s21], [sflag:$0x1] =	stream.indirect_vreg.gather [hbm4b:s1+s5], $0x80, v3, vm0, $0xb8;
	[tilespmem:$0x11D00] =	vst v63  }
0x5d: {  	s22 =	simm.s32 $0xA500  }
0x5e: {  	[tilespmem:s22], [sflag:$0x1] =	stream.indirect_vreg.gather [hbm4b:s30+s5], $0x80, v3, vm0, $0xb8;
	[tilespmem:$0x11D00] =	vst v63  }
0x5f: {  	v3 =	vld [tilespmem:s0+$0x50];
	_ =	sdelay $0x4  }
0x60: {  	v4 =	vshll.u32 v3, $0x2  }
0x61: {  	v3 =	vand.u32 $0x7, v3;
	v4 =	vand.u32 $0xFFFFFFE0, v4  }
0x62: {  	v3 =	vor.u32 v3, v4  }
0x63: {  	v4 =	vperm.xlane v3, v0;
	_ =	sdelay $0x1  }
0x64: {  	v4 =	vadd.s32 v1, v4;
	_ =	sdelay $0x1  }
0x65: {  	v3 =	vperm.xlane v3, v2;
	_ =	sdelay $0x1  }
0x66: {  	s23 =	simm.s32 $0xAD00;
	v3 =	vadd.s32 v1, v3  }
0x67: {  	[tilespmem:s23], [sflag:$0x1] =	stream.indirect_vreg.gather [hbm4b:s1+s5], $0x80, v4, vm0, $0xb8;
	[tilespmem:$0x11D00] =	vst v63  }
0x68: {  	s24 =	simm.s32 $0xB500  }
0x69: {  	[tilespmem:s24], [sflag:$0x1] =	stream.indirect_vreg.gather [hbm4b:s30+s5], $0x80, v4, vm0, $0xb8;
	[tilespmem:$0x11D00] =	vst v63  }
0x6a: {  	s25 =	simm.s32 $0xBD00  }
0x6b: {  	[tilespmem:s25], [sflag:$0x1] =	stream.indirect_vreg.gather [hbm4b:s1+s5], $0x80, v3, vm0, $0xb8;
	[tilespmem:$0x11D00] =	vst v63  }
0x6c: {  	s26 =	simm.s32 $0xC500  }
0x6d: {  	[tilespmem:s26], [sflag:$0x1] =	stream.indirect_vreg.gather [hbm4b:s30+s5], $0x80, v3, vm0, $0xb8;
	[tilespmem:$0x11D00] =	vst v63  }
0x6e: {  	v3 =	vld.msk [tilespmem:s0+$0x60], $0xff;
	_ =	sdelay $0x4  }
0x6f: {  	v4 =	vshll.u32 v3, $0x2  }
0x70: {  	v3 =	vand.u32 $0x7, v3;
	v4 =	vand.u32 $0xFFFFFFE0, v4  }
0x71: {  	v3 =	vor.u32 v3, v4  }
0x72: {  	v3 =	vperm.xlane v3, v0;
	_ =	sdelay $0x1  }
0x73: {  	v3 =	vadd.s32 v1, v3;
	_ =	sdelay $0x3  }
0x74: {  	s28 =	simm.s32 $0xCD00  }
0x75: {  	[tilespmem:s28], [sflag:$0x1] =	stream.indirect_vreg.gather [hbm4b:s1+s5], $0x80, v3, vm0, $0xb8;
	[tilespmem:$0x11D00] =	vst v63  }
0x76: {  	s29 =	simm.s32 $0xD500  }
0x77: {  	[tilespmem:s29], [sflag:$0x1] =	stream.indirect_vreg.gather [hbm4b:s30+s5], $0x80, v3, vm0, $0xb8;
	[tilespmem:$0x11D00] =	vst v63  }
0x78: {  	[dreg:$0x8] =	wrdreg s4;
	s31 =	simm.s32 $0x1;
	s30 =	sshll.u32 s4, $0x9  }
0x79: {  	_ =	swait.ge [sflag:s31], $0xD000;
	s0 =	sand.u32 $0x3FFFFE00, s30  }
0x7a: {  	[sflag:s31] =	ssyncset.done $0x0;
	s0 =	sadd.s32 $0xDD00, s0  }
0x7b: {  	v3 =	vmov s0;
	[sflag:s31] =	ssyncadd.s32 $0xFFFF3000  }
.LBB2_3:
0x7c: {  	s23 =	smul.u32 $0x3400, s5  }
0x7d: {  	s21 =	smul.u32 $0x1A, s5  }
0x7e: {  	[dreg:$0x9] =	wrdreg s5;
	s24 =	sshll.u32 s5, $0x8  }
0x7f: {  	s2 =	sor.u32 $0x80, s24;
	s0 =	sand.u32 $0xF000, s23;
	s3 =	sadd.s32 $0x2, s21  }
0x80: {  	s6 =	sadd.s32 $0x3, s21;
	s12 =	sadd.s32 $0x5, s21;
	s1 =	sor.u32 $0xD00, s0  }
0x81: {  	s4 =	sshll.u32 s3, $0x9;
	s5 =	sshll.u32 s3, $0x7;
	s20 =	sadd.s32 s24, s1  }
0x82: {  	s7 =	sshll.u32 s6, $0x9;
	s26 =	sadd.s32 s2, s1;
	[dreg:$0x19] =	wrdreg s4;
	v4 =	vld [tilespmem:s20+$0x10]  }
0x83: {  	s4 =	sand.u32 $0x1F000, s4;
	s5 =	sand.u32 $0x300, s5;
	s1 =	sshll.u32 s6, $0x7;
	v5 =	vld [tilespmem:s26+$0x0]  }
0x84: {  	s6 =	sadd.s32 $0x4, s21;
	v6 =	vld [tilespmem:s20+$0x20];
	s30 =	sor.u32 s5, s4;
	s4 =	sand.u32 $0x1F000, s7  }
0x85: {  	s1 =	sand.u32 $0x380, s1;
	s8 =	sshll.u32 s6, $0x9;
	s9 =	sshll.u32 s6, $0x7;
	v7 =	vld [tilespmem:s30+$0xD00]  }
0x86: {  	v8 =	vld [tilespmem:s20+$0x30];
	s10 =	sor.u32 s1, s4;
	s11 =	sand.u32 $0x1F000, s8;
	s4 =	sand.u32 $0x300, s9  }
0x87: {  	s18 =	sadd.s32 $0x7, s21;
	s22 =	sadd.s32 $0x9, s21;
	v9 =	vld [tilespmem:s10+$0xD00];
	s31 =	sor.u32 s4, s11  }
0x88: {  	s29 =	sadd.s32 $0xA, s21;
	s13 =	sshll.u32 s12, $0x9;
	s1 =	sshll.u32 s12, $0x7;
	v10 =	vld [tilespmem:s31+$0xD00];
	v4 =	vmul.f32 v5, v4  }
0x89: {  	s6 =	sand.u32 $0x1F000, s13;
	s7 =	sadd.s32 $0x6, s21;
	s1 =	sand.u32 $0x380, s1;
	v5 =	vld [tilespmem:s20+$0x40]  }
0x8a: {  	v24 =	vld [tilespmem:s20+$0x50];
	s14 =	sshll.u32 s7, $0x9;
	s15 =	sshll.u32 s7, $0x7;
	s11 =	sor.u32 s1, s6;
	v6 =	vmul.f32 v7, v6;
	v4 =	vadd.f32 $0.0e+00, v4  }
0x8b: {  	s19 =	sshll.u32 s18, $0x9;
	s16 =	sand.u32 $0x1F000, s14;
	s17 =	sand.u32 $0x300, s15;
	v11 =	vld [tilespmem:s11+$0xD00]  }
0x8c: {  	s3 =	sshll.u32 s29, $0x9;
	v26 =	vld [tilespmem:s20+$0x60];
	s28 =	sor.u32 s17, s16;
	s1 =	sshll.u32 s18, $0x7;
	v25 =	vmul.f32 v9, v8;
	v4 =	vadd.f32 v6, v4  }
0x8d: {  	[dreg:$0x14] =	wrdreg s3;
	s6 =	sand.u32 $0x1F000, s19;
	v27 =	vld [tilespmem:s28+$0xD00];
	s1 =	sand.u32 $0x380, s1  }
0x8e: {  	s25 =	sshll.u32 s22, $0x9;
	v28 =	vld [tilespmem:s20+$0x70];
	[dreg:$0x18] =	wrdreg s8;
	s12 =	sor.u32 s1, s6;
	v5 =	vmul.f32 v10, v5;
	v4 =	vadd.f32 v25, v4  }
0x8f: {  	s9 =	sadd.s32 s24, s0;
	s0 =	sand.u32 $0x1F000, s25;
	s8 =	sadd.s32 $0xB, s21;
	v29 =	vld [tilespmem:s12+$0xD00]  }
0x90: {  	v30 =	vld [tilespmem:s20+$0x400];
	[dreg:$0x16] =	wrdreg s14;
	s14 =	sshll.u32 s8, $0x9;
	s1 =	sshll.u32 s22, $0x7;
	v4 =	vadd.f32 v5, v4;
	v5 =	vmul.f32 v11, v24  }
0x91: {  	v31 =	vld [tilespmem:s9+$0x1D00];
	s15 =	sadd.s32 $0xC, s21;
	[dreg:$0x17] =	wrdreg s17;
	s1 =	sand.u32 $0x380, s1  }
0x92: {  	v32 =	vld [tilespmem:s20+$0x410];
	s16 =	sshll.u32 s15, $0x9;
	s6 =	sshll.u32 s29, $0x7;
	s13 =	sor.u32 s1, s0;
	v4 =	vadd.f32 v5, v4;
	v5 =	vmul.f32 v27, v26  }
0x93: {  	s17 =	sshll.u32 s15, $0x7;
	s7 =	sand.u32 $0x300, s6;
	s1 =	sand.u32 $0x1F000, s3;
	v33 =	vld [tilespmem:s13+$0xD00]  }
0x94: {  	v34 =	vld [tilespmem:s20+$0x420];
	[dreg:$0x15] =	wrdreg s7;
	s0 =	sshll.u32 s8, $0x7;
	s7 =	sor.u32 s7, s1;
	v4 =	vadd.f32 v5, v4;
	v5 =	vmul.f32 v29, v28  }
0x95: {  	[dreg:$0x12] =	wrdreg s16;
	s1 =	sand.u32 $0x1F000, s14;
	s0 =	sand.u32 $0x380, s0;
	v35 =	vld [tilespmem:s7+$0xD00]  }
0x96: {  	v36 =	vld [tilespmem:s20+$0x430];
	s18 =	sand.u32 $0x300, s17;
	s19 =	sand.u32 $0x1F000, s16;
	s14 =	sor.u32 s0, s1;
	v4 =	vadd.f32 v5, v4;
	v5 =	vmul.f32 v31, v30  }
0x97: {  	s16 =	sadd.s32 $0xE, s21;
	s17 =	sadd.s32 $0xF, s21;
	s22 =	sadd.s32 $0xD, s21;
	v37 =	vld [tilespmem:s14+$0xD00]  }
0x98: {  	v38 =	vld [tilespmem:s20+$0x440];
	s25 =	sshll.u32 s22, $0x9;
	s3 =	sor.u32 s18, s19;
	s1 =	sshll.u32 s22, $0x7;
	v4 =	vadd.f32 v5, v4;
	v5 =	vmul.f32 v33, v32  }
0x99: {  	[dreg:$0x13] =	wrdreg s18;
	s6 =	sand.u32 $0x1F000, s25;
	v39 =	vld [tilespmem:s3+$0xD00];
	s1 =	sand.u32 $0x380, s1  }
0x9a: {  	v40 =	vld [tilespmem:s20+$0x450];
	s29 =	sshll.u32 s16, $0x9;
	s15 =	sor.u32 s1, s6;
	s6 =	sshll.u32 s16, $0x7;
	v4 =	vadd.f32 v5, v4;
	v5 =	vmul.f32 v35, v34  }
0x9b: {  	[dreg:$0x10] =	wrdreg s29;
	s16 =	sand.u32 $0x1F000, s29;
	v41 =	vld [tilespmem:s15+$0xD00];
	s8 =	sand.u32 $0x300, s6  }
0x9c: {  	v42 =	vld [tilespmem:s20+$0x460];
	s18 =	sshll.u32 s17, $0x9;
	s6 =	sor.u32 s8, s16;
	s16 =	sshll.u32 s17, $0x7;
	v4 =	vadd.f32 v5, v4;
	v5 =	vmul.f32 v37, v36  }
0x9d: {  	s19 =	sadd.s32 $0x11, s21;
	s1 =	sand.u32 $0x1F000, s18;
	v43 =	vld [tilespmem:s6+$0xD00];
	s16 =	sand.u32 $0x380, s16  }
0x9e: {  	v44 =	vld [tilespmem:s20+$0x470];
	s0 =	sadd.s32 $0x13, s21;
	s18 =	sadd.s32 $0x12, s21;
	s16 =	sor.u32 s16, s1;
	v4 =	vadd.f32 v5, v4;
	v5 =	vmul.f32 v39, v38  }
0x9f: {  	s22 =	sshll.u32 s18, $0x9;
	s25 =	sshll.u32 s18, $0x7;
	s18 =	sshll.u32 s0, $0x7;
	v45 =	vld [tilespmem:s16+$0xD00]  }
0xa0: {  	v46 =	vld [tilespmem:s20+$0x800];
	[dreg:$0x11] =	wrdreg s8;
	s17 =	sshll.u32 s19, $0x9;
	s1 =	sshll.u32 s19, $0x7;
	v4 =	vadd.f32 v5, v4;
	v5 =	vmul.f32 v41, v40  }
0xa1: {  	v47 =	vld [tilespmem:s9+$0x2D00];
	[dreg:$0xe] =	wrdreg s22;
	s17 =	sand.u32 $0x1F000, s17;
	s1 =	sand.u32 $0x380, s1  }
0xa2: {  	v48 =	vld [tilespmem:s20+$0x810];
	s8 =	sand.u32 $0x300, s25;
	s29 =	sand.u32 $0x1F000, s22;
	s17 =	sor.u32 s1, s17;
	v4 =	vadd.f32 v5, v4;
	v5 =	vmul.f32 v43, v42  }
0xa3: {  	s18 =	sand.u32 $0x380, s18;
	s25 =	sadd.s32 $0x14, s21;
	[dreg:$0xf] =	wrdreg s8;
	v49 =	vld [tilespmem:s17+$0xD00]  }
0xa4: {  	v50 =	vld [tilespmem:s20+$0x820];
	s22 =	sshll.u32 s25, $0x7;
	s19 =	sshll.u32 s0, $0x9;
	s1 =	sor.u32 s8, s29;
	v4 =	vadd.f32 v5, v4;
	v5 =	vmul.f32 v45, v44  }
0xa5: {  	s0 =	sadd.s32 $0x15, s21;
	s19 =	sand.u32 $0x1F000, s19;
	s8 =	sshll.u32 s25, $0x9;
	v51 =	vld [tilespmem:s1+$0xD00]  }
0xa6: {  	v52 =	vld [tilespmem:s20+$0x830];
	s18 =	sor.u32 s18, s19;
	s25 =	sand.u32 $0x300, s22;
	[dreg:$0xc] =	wrdreg s8;
	v4 =	vadd.f32 v5, v4;
	v5 =	vmul.f32 v47, v46  }
0xa7: {  	s22 =	sshll.u32 s0, $0x9;
	v53 =	vld [tilespmem:s18+$0xD00];
	[dreg:$0xd] =	wrdreg s25;
	s29 =	sand.u32 $0x1F000, s8  }
0xa8: {  	v54 =	vld [tilespmem:s20+$0x840];
	s19 =	sand.u32 $0x1F000, s22;
	s29 =	sor.u32 s25, s29;
	s25 =	sshll.u32 s0, $0x7;
	v4 =	vadd.f32 v5, v4;
	v5 =	vmul.f32 v49, v48  }
0xa9: {  	s22 =	sadd.s32 $0x16, s21;
	s8 =	sadd.s32 $0x17, s21;
	v55 =	vld [tilespmem:s29+$0xD00];
	s25 =	sand.u32 $0x380, s25  }
0xaa: {  	v56 =	vld [tilespmem:s20+$0x850];
	s0 =	sshll.u32 s22, $0x9;
	s22 =	sshll.u32 s22, $0x7;
	s19 =	sor.u32 s25, s19;
	v4 =	vadd.f32 v5, v4;
	v5 =	vmul.f32 v51, v50  }
0xab: {  	[dreg:$0xa] =	wrdreg s0;
	s22 =	sand.u32 $0x300, s22;
	s25 =	sand.u32 $0x1F000, s0;
	v57 =	vld [tilespmem:s19+$0xD00]  }
0xac: {  	v58 =	vld [tilespmem:s20+$0x860];
	s0 =	sshll.u32 s8, $0x9;
	s8 =	sshll.u32 s8, $0x7;
	s25 =	sor.u32 s22, s25;
	v4 =	vadd.f32 v5, v4;
	v5 =	vmul.f32 v53, v52  }
0xad: {  	[dreg:$0xb] =	wrdreg s22;
	s22 =	sand.u32 $0x1F000, s0;
	s8 =	sand.u32 $0x380, s8;
	v59 =	vld [tilespmem:s25+$0xD00]  }
0xae: {  	v12 =	vld [tilespmem:s20+$0x870];
	s20 =	sor.u32 s8, s22;
	v4 =	vadd.f32 v5, v4;
	v5 =	vmul.f32 v55, v54  }
0xaf: {  	s24 =	sor.u32 s24, s23;
	s8 =	sadd.s32 $0x19, s21;
	v60 =	vld [tilespmem:s20+$0xD00]  }
0xb0: {  	v62 =	vld [tilespmem:s9+$0x3D00];
	s0 =	sor.u32 $0xC00, s24;
	s22 =	sshll.u32 s8, $0x9;
	s8 =	sshll.u32 s8, $0x7;
	v4 =	vadd.f32 v5, v4;
	v5 =	vmul.f32 v57, v56  }
0xb1: {  	v61 =	vld [tilespmem:s0+$0xD00];
	s0 =	sor.u32 $0xC10, s24;
	s21 =	sand.u32 $0x1F000, s22;
	s8 =	sand.u32 $0x380, s8  }
0xb2: {  	v63 =	vld [tilespmem:s0+$0xD00];
	s21 =	sor.u32 s8, s21;
	v4 =	vadd.f32 v5, v4;
	v5 =	vmul.f32 v59, v58  }
0xb3: {  	v13 =	vld [tilespmem:s21+$0xD00]  }
0xb4: {  	v14 =	vld [tilespmem:s26+$0x20];
	v4 =	vadd.f32 v5, v4;
	v5 =	vmul.f32 v60, v12  }
0xb5: {  	v15 =	vld [tilespmem:s30+$0xD10]  }
0xb6: {  	v16 =	vld [tilespmem:s26+$0x30];
	v4 =	vadd.f32 v5, v4;
	v5 =	vmul.f32 v62, v61  }
0xb7: {  	v17 =	vld [tilespmem:s10+$0xD10]  }
0xb8: {  	v18 =	vld [tilespmem:s26+$0x40];
	v4 =	vadd.f32 v5, v4;
	v5 =	vmul.f32 v13, v63  }
0xb9: {  	v19 =	vld [tilespmem:s31+$0xD10]  }
0xba: {  	v20 =	vld [tilespmem:s26+$0x50];
	v4 =	vadd.f32 v5, v4;
	v5 =	vmul.f32 v15, v14  }
0xbb: {  	v21 =	vld [tilespmem:s11+$0xD10]  }
0xbc: {  	v22 =	vld [tilespmem:s26+$0x60];
	v4 =	vadd.f32 v5, v4;
	v5 =	vmul.f32 v17, v16  }
0xbd: {  	v23 =	vld [tilespmem:s28+$0xD10]  }
0xbe: {  	v25 =	vld [tilespmem:s12+$0xD10];
	v4 =	vadd.f32 v5, v4;
	v5 =	vmul.f32 v19, v18  }
0xbf: {  	v24 =	vld [tilespmem:s26+$0x70]  }
0xc0: {  	v26 =	vld [tilespmem:s26+$0x400];
	v4 =	vadd.f32 v5, v4;
	v5 =	vmul.f32 v21, v20  }
0xc1: {  	v27 =	vld [tilespmem:s9+$0x1D10]  }
0xc2: {  	v28 =	vld [tilespmem:s26+$0x410];
	v4 =	vadd.f32 v5, v4;
	v5 =	vmul.f32 v23, v22  }
0xc3: {  	v29 =	vld [tilespmem:s13+$0xD10]  }
0xc4: {  	v30 =	vld [tilespmem:s26+$0x420];
	v4 =	vadd.f32 v5, v4;
	v5 =	vmul.f32 v25, v24  }
0xc5: {  	v31 =	vld [tilespmem:s7+$0xD10]  }
0xc6: {  	v32 =	vld [tilespmem:s26+$0x430];
	v4 =	vadd.f32 v5, v4;
	v5 =	vmul.f32 v27, v26  }
0xc7: {  	v33 =	vld [tilespmem:s14+$0xD10]  }
0xc8: {  	v34 =	vld [tilespmem:s26+$0x440];
	v4 =	vadd.f32 v5, v4;
	v5 =	vmul.f32 v29, v28  }
0xc9: {  	v35 =	vld [tilespmem:s3+$0xD10]  }
0xca: {  	v36 =	vld [tilespmem:s26+$0x450];
	v4 =	vadd.f32 v5, v4;
	v5 =	vmul.f32 v31, v30  }
0xcb: {  	v37 =	vld [tilespmem:s15+$0xD10]  }
0xcc: {  	v38 =	vld [tilespmem:s26+$0x460];
	v4 =	vadd.f32 v5, v4;
	v5 =	vmul.f32 v33, v32  }
0xcd: {  	v39 =	vld [tilespmem:s6+$0xD10]  }
0xce: {  	v40 =	vld [tilespmem:s26+$0x470];
	v4 =	vadd.f32 v5, v4;
	v5 =	vmul.f32 v35, v34  }
0xcf: {  	v41 =	vld [tilespmem:s16+$0xD10]  }
0xd0: {  	v42 =	vld [tilespmem:s26+$0x800];
	v4 =	vadd.f32 v5, v4;
	v5 =	vmul.f32 v37, v36  }
0xd1: {  	v43 =	vld [tilespmem:s9+$0x2D10]  }
0xd2: {  	v44 =	vld [tilespmem:s26+$0x810];
	v4 =	vadd.f32 v5, v4;
	v5 =	vmul.f32 v39, v38  }
0xd3: {  	v45 =	vld [tilespmem:s17+$0xD10]  }
0xd4: {  	v46 =	vld [tilespmem:s26+$0x820];
	v4 =	vadd.f32 v5, v4;
	v5 =	vmul.f32 v41, v40  }
0xd5: {  	v47 =	vld [tilespmem:s1+$0xD10]  }
0xd6: {  	v48 =	vld [tilespmem:s26+$0x830];
	v4 =	vadd.f32 v5, v4;
	v5 =	vmul.f32 v43, v42  }
0xd7: {  	v49 =	vld [tilespmem:s18+$0xD10]  }
0xd8: {  	v50 =	vld [tilespmem:s26+$0x840];
	v4 =	vadd.f32 v5, v4;
	v5 =	vmul.f32 v45, v44  }
0xd9: {  	v51 =	vld [tilespmem:s29+$0xD10]  }
0xda: {  	v52 =	vld [tilespmem:s26+$0x850];
	v4 =	vadd.f32 v5, v4;
	v5 =	vmul.f32 v47, v46  }
0xdb: {  	v53 =	vld [tilespmem:s19+$0xD10]  }
0xdc: {  	v54 =	vld [tilespmem:s26+$0x860];
	v4 =	vadd.f32 v5, v4;
	v5 =	vmul.f32 v49, v48  }
0xdd: {  	v55 =	vld [tilespmem:s25+$0xD10]  }
0xde: {  	s23 =	sor.u32 s23, s2;
	v56 =	vld [tilespmem:s26+$0x870];
	v4 =	vadd.f32 v5, v4;
	v5 =	vmul.f32 v51, v50  }
0xdf: {  	s2 =	sor.u32 $0xC00, s23;
	v57 =	vld [tilespmem:s20+$0xD10]  }
0xe0: {  	v58 =	vld [tilespmem:s2+$0xD00];
	v4 =	vadd.f32 v5, v4;
	v5 =	vmul.f32 v53, v52  }
0xe1: {  	s0 =	sor.u32 $0xC10, s23;
	v59 =	vld [tilespmem:s9+$0x3D10]  }
0xe2: {  	v60 =	vld [tilespmem:s0+$0xD00];
	v4 =	vadd.f32 v5, v4;
	v5 =	vmul.f32 v55, v54  }
0xe3: {  	v61 =	vld [tilespmem:s21+$0xD10]  }
0xe4: {  	v62 =	vld [tilespmem:s30+$0xD30];
	v4 =	vadd.f32 v5, v4;
	v5 =	vmul.f32 v57, v56  }
0xe5: {  	v63 =	vld [tilespmem:s10+$0xD20]  }
0xe6: {  	v12 =	vld [tilespmem:s30+$0xD40];
	v4 =	vadd.f32 v5, v4;
	v5 =	vmul.f32 v59, v58  }
0xe7: {  	v13 =	vld [tilespmem:s31+$0xD20]  }
0xe8: {  	v14 =	vld [tilespmem:s30+$0xD50];
	v4 =	vadd.f32 v5, v4;
	v5 =	vmul.f32 v61, v60  }
0xe9: {  	v15 =	vld [tilespmem:s11+$0xD20]  }
0xea: {  	v16 =	vld [tilespmem:s30+$0xD60];
	v4 =	vadd.f32 v5, v4;
	v5 =	vmul.f32 v63, v62  }
0xeb: {  	v17 =	vld [tilespmem:s28+$0xD20]  }
0xec: {  	v18 =	vld [tilespmem:s30+$0xD70];
	v4 =	vadd.f32 v5, v4;
	v5 =	vmul.f32 v13, v12  }
0xed: {  	v19 =	vld [tilespmem:s12+$0xD20]  }
0xee: {  	v20 =	vld [tilespmem:s30+$0x1100];
	v4 =	vadd.f32 v5, v4;
	v5 =	vmul.f32 v15, v14  }
0xef: {  	v21 =	vld [tilespmem:s9+$0x1D20]  }
0xf0: {  	v22 =	vld [tilespmem:s30+$0x1110];
	v4 =	vadd.f32 v5, v4;
	v5 =	vmul.f32 v17, v16  }
0xf1: {  	v23 =	vld [tilespmem:s13+$0xD20]  }
0xf2: {  	v24 =	vld [tilespmem:s30+$0x1120];
	v4 =	vadd.f32 v5, v4;
	v5 =	vmul.f32 v19, v18  }
0xf3: {  	v25 =	vld [tilespmem:s7+$0xD20]  }
0xf4: {  	v26 =	vld [tilespmem:s30+$0x1130];
	v4 =	vadd.f32 v5, v4;
	v5 =	vmul.f32 v21, v20  }
0xf5: {  	v27 =	vld [tilespmem:s14+$0xD20]  }
0xf6: {  	v28 =	vld [tilespmem:s30+$0x1140];
	v4 =	vadd.f32 v5, v4;
	v5 =	vmul.f32 v23, v22  }
0xf7: {  	v29 =	vld [tilespmem:s3+$0xD20]  }
0xf8: {  	v30 =	vld [tilespmem:s30+$0x1150];
	v4 =	vadd.f32 v5, v4;
	v5 =	vmul.f32 v25, v24  }
0xf9: {  	v31 =	vld [tilespmem:s15+$0xD20]  }
0xfa: {  	v32 =	vld [tilespmem:s30+$0x1160];
	v4 =	vadd.f32 v5, v4;
	v5 =	vmul.f32 v27, v26  }
0xfb: {  	v33 =	vld [tilespmem:s6+$0xD20]  }
0xfc: {  	v34 =	vld [tilespmem:s30+$0x1170];
	v4 =	vadd.f32 v5, v4;
	v5 =	vmul.f32 v29, v28  }
0xfd: {  	v35 =	vld [tilespmem:s16+$0xD20]  }
0xfe: {  	v36 =	vld [tilespmem:s30+$0x1500];
	v4 =	vadd.f32 v5, v4;
	v5 =	vmul.f32 v31, v30  }
0xff: {  	v37 =	vld [tilespmem:s9+$0x2D20]  }
0x100: {  	v38 =	vld [tilespmem:s30+$0x1510];
	v4 =	vadd.f32 v5, v4;
	v5 =	vmul.f32 v33, v32  }
0x101: {  	v39 =	vld [tilespmem:s17+$0xD20]  }
0x102: {  	v40 =	vld [tilespmem:s30+$0x1520];
	v4 =	vadd.f32 v5, v4;
	v5 =	vmul.f32 v35, v34  }
0x103: {  	v41 =	vld [tilespmem:s1+$0xD20]  }
0x104: {  	v42 =	vld [tilespmem:s30+$0x1530];
	v4 =	vadd.f32 v5, v4;
	v5 =	vmul.f32 v37, v36  }
0x105: {  	v43 =	vld [tilespmem:s18+$0xD20]  }
0x106: {  	v44 =	vld [tilespmem:s30+$0x1540];
	v4 =	vadd.f32 v5, v4;
	v5 =	vmul.f32 v39, v38  }
0x107: {  	v45 =	vld [tilespmem:s29+$0xD20]  }
0x108: {  	v46 =	vld [tilespmem:s30+$0x1550];
	v4 =	vadd.f32 v5, v4;
	v5 =	vmul.f32 v41, v40  }
0x109: {  	v47 =	vld [tilespmem:s19+$0xD20]  }
0x10a: {  	v48 =	vld [tilespmem:s30+$0x1560];
	v4 =	vadd.f32 v5, v4;
	v5 =	vmul.f32 v43, v42  }
0x10b: {  	s2 =	rddreg [dreg:$0x19];
	v49 =	vld [tilespmem:s25+$0xD20]  }
0x10c: {  	s22 =	sor.u32 s2, s5;
	v50 =	vld [tilespmem:s30+$0x1570];
	v4 =	vadd.f32 v5, v4;
	v5 =	vmul.f32 v45, v44  }
0x10d: {  	s8 =	sor.u32 $0xC00, s22;
	v51 =	vld [tilespmem:s20+$0xD20]  }
0x10e: {  	v52 =	vld [tilespmem:s8+$0xD00];
	v4 =	vadd.f32 v5, v4;
	v5 =	vmul.f32 v47, v46  }
0x10f: {  	s26 =	sor.u32 $0xC10, s22;
	v53 =	vld [tilespmem:s9+$0x3D20]  }
0x110: {  	v54 =	vld [tilespmem:s26+$0xD00];
	v4 =	vadd.f32 v5, v4;
	v5 =	vmul.f32 v49, v48  }
0x111: {  	v55 =	vld [tilespmem:s21+$0xD20]  }
0x112: {  	v56 =	vld [tilespmem:s10+$0xD40];
	v4 =	vadd.f32 v5, v4;
	v5 =	vmul.f32 v51, v50  }
0x113: {  	v57 =	vld [tilespmem:s31+$0xD30]  }
0x114: {  	v58 =	vld [tilespmem:s10+$0xD50];
	v4 =	vadd.f32 v5, v4;
	v5 =	vmul.f32 v53, v52  }
0x115: {  	v59 =	vld [tilespmem:s11+$0xD30]  }
0x116: {  	v60 =	vld [tilespmem:s10+$0xD60];
	v4 =	vadd.f32 v5, v4;
	v5 =	vmul.f32 v55, v54  }
0x117: {  	v61 =	vld [tilespmem:s28+$0xD30]  }
0x118: {  	v62 =	vld [tilespmem:s10+$0xD70];
	v4 =	vadd.f32 v5, v4;
	v5 =	vmul.f32 v57, v56  }
0x119: {  	v63 =	vld [tilespmem:s12+$0xD30]  }
0x11a: {  	v12 =	vld [tilespmem:s10+$0x1100];
	v4 =	vadd.f32 v5, v4;
	v5 =	vmul.f32 v59, v58  }
0x11b: {  	v13 =	vld [tilespmem:s9+$0x1D30]  }
0x11c: {  	v14 =	vld [tilespmem:s10+$0x1110];
	v4 =	vadd.f32 v5, v4;
	v5 =	vmul.f32 v61, v60  }
0x11d: {  	v15 =	vld [tilespmem:s13+$0xD30]  }
0x11e: {  	v16 =	vld [tilespmem:s10+$0x1120];
	v4 =	vadd.f32 v5, v4;
	v5 =	vmul.f32 v63, v62  }
0x11f: {  	v17 =	vld [tilespmem:s7+$0xD30]  }
0x120: {  	v18 =	vld [tilespmem:s10+$0x1130];
	v4 =	vadd.f32 v5, v4;
	v5 =	vmul.f32 v13, v12  }
0x121: {  	v19 =	vld [tilespmem:s14+$0xD30]  }
0x122: {  	v20 =	vld [tilespmem:s10+$0x1140];
	v4 =	vadd.f32 v5, v4;
	v5 =	vmul.f32 v15, v14  }
0x123: {  	v21 =	vld [tilespmem:s3+$0xD30]  }
0x124: {  	v22 =	vld [tilespmem:s10+$0x1150];
	v4 =	vadd.f32 v5, v4;
	v5 =	vmul.f32 v17, v16  }
0x125: {  	v23 =	vld [tilespmem:s15+$0xD30]  }
0x126: {  	v24 =	vld [tilespmem:s10+$0x1160];
	v4 =	vadd.f32 v5, v4;
	v5 =	vmul.f32 v19, v18  }
0x127: {  	v25 =	vld [tilespmem:s6+$0xD30]  }
0x128: {  	v26 =	vld [tilespmem:s10+$0x1170];
	v4 =	vadd.f32 v5, v4;
	v5 =	vmul.f32 v21, v20  }
0x129: {  	v27 =	vld [tilespmem:s16+$0xD30]  }
0x12a: {  	v28 =	vld [tilespmem:s10+$0x1500];
	v4 =	vadd.f32 v5, v4;
	v5 =	vmul.f32 v23, v22  }
0x12b: {  	v29 =	vld [tilespmem:s9+$0x2D30]  }
0x12c: {  	v30 =	vld [tilespmem:s10+$0x1510];
	v4 =	vadd.f32 v5, v4;
	v5 =	vmul.f32 v25, v24  }
0x12d: {  	v31 =	vld [tilespmem:s17+$0xD30]  }
0x12e: {  	v32 =	vld [tilespmem:s10+$0x1520];
	v4 =	vadd.f32 v5, v4;
	v5 =	vmul.f32 v27, v26  }
0x12f: {  	v33 =	vld [tilespmem:s1+$0xD30]  }
0x130: {  	v34 =	vld [tilespmem:s10+$0x1530];
	v4 =	vadd.f32 v5, v4;
	v5 =	vmul.f32 v29, v28  }
0x131: {  	v35 =	vld [tilespmem:s18+$0xD30]  }
0x132: {  	v36 =	vld [tilespmem:s10+$0x1540];
	v4 =	vadd.f32 v5, v4;
	v5 =	vmul.f32 v31, v30  }
0x133: {  	v37 =	vld [tilespmem:s29+$0xD30]  }
0x134: {  	v38 =	vld [tilespmem:s10+$0x1550];
	v4 =	vadd.f32 v5, v4;
	v5 =	vmul.f32 v33, v32  }
0x135: {  	v39 =	vld [tilespmem:s19+$0xD30]  }
0x136: {  	v40 =	vld [tilespmem:s10+$0x1560];
	v4 =	vadd.f32 v5, v4;
	v5 =	vmul.f32 v35, v34  }
0x137: {  	v41 =	vld [tilespmem:s25+$0xD30]  }
0x138: {  	v42 =	vld [tilespmem:s10+$0x1570];
	v4 =	vadd.f32 v5, v4;
	v5 =	vmul.f32 v37, v36  }
0x139: {  	v43 =	vld [tilespmem:s20+$0xD30]  }
0x13a: {  	v44 =	vld [tilespmem:s10+$0x1900];
	v4 =	vadd.f32 v5, v4;
	v5 =	vmul.f32 v39, v38  }
0x13b: {  	v45 =	vld [tilespmem:s9+$0x3D30]  }
0x13c: {  	v46 =	vld [tilespmem:s10+$0x1910];
	v4 =	vadd.f32 v5, v4;
	v5 =	vmul.f32 v41, v40  }
0x13d: {  	v47 =	vld [tilespmem:s21+$0xD30]  }
0x13e: {  	v48 =	vld [tilespmem:s31+$0xD50];
	v4 =	vadd.f32 v5, v4;
	v5 =	vmul.f32 v43, v42  }
0x13f: {  	v49 =	vld [tilespmem:s11+$0xD40]  }
0x140: {  	v50 =	vld [tilespmem:s31+$0xD60];
	v4 =	vadd.f32 v5, v4;
	v5 =	vmul.f32 v45, v44  }
0x141: {  	v51 =	vld [tilespmem:s28+$0xD40]  }
0x142: {  	v52 =	vld [tilespmem:s31+$0xD70];
	v4 =	vadd.f32 v5, v4;
	v5 =	vmul.f32 v47, v46  }
0x143: {  	v53 =	vld [tilespmem:s12+$0xD40]  }
0x144: {  	v54 =	vld [tilespmem:s31+$0x1100];
	v4 =	vadd.f32 v5, v4;
	v5 =	vmul.f32 v49, v48  }
0x145: {  	v55 =	vld [tilespmem:s9+$0x1D40]  }
0x146: {  	v56 =	vld [tilespmem:s31+$0x1110];
	v4 =	vadd.f32 v5, v4;
	v5 =	vmul.f32 v51, v50  }
0x147: {  	v57 =	vld [tilespmem:s13+$0xD40]  }
0x148: {  	v58 =	vld [tilespmem:s31+$0x1120];
	v4 =	vadd.f32 v5, v4;
	v5 =	vmul.f32 v53, v52  }
0x149: {  	v59 =	vld [tilespmem:s7+$0xD40]  }
0x14a: {  	v60 =	vld [tilespmem:s31+$0x1130];
	v4 =	vadd.f32 v5, v4;
	v5 =	vmul.f32 v55, v54  }
0x14b: {  	v61 =	vld [tilespmem:s14+$0xD40]  }
0x14c: {  	v62 =	vld [tilespmem:s31+$0x1140];
	v4 =	vadd.f32 v5, v4;
	v5 =	vmul.f32 v57, v56  }
0x14d: {  	v63 =	vld [tilespmem:s3+$0xD40]  }
0x14e: {  	v12 =	vld [tilespmem:s31+$0x1150];
	v4 =	vadd.f32 v5, v4;
	v5 =	vmul.f32 v59, v58  }
0x14f: {  	v13 =	vld [tilespmem:s15+$0xD40]  }
0x150: {  	v14 =	vld [tilespmem:s31+$0x1160];
	v4 =	vadd.f32 v5, v4;
	v5 =	vmul.f32 v61, v60  }
0x151: {  	v15 =	vld [tilespmem:s6+$0xD40]  }
0x152: {  	v16 =	vld [tilespmem:s31+$0x1170];
	v4 =	vadd.f32 v5, v4;
	v5 =	vmul.f32 v63, v62  }
0x153: {  	v17 =	vld [tilespmem:s16+$0xD40]  }
0x154: {  	v18 =	vld [tilespmem:s31+$0x1500];
	v4 =	vadd.f32 v5, v4;
	v5 =	vmul.f32 v13, v12  }
0x155: {  	v19 =	vld [tilespmem:s9+$0x2D40]  }
0x156: {  	v20 =	vld [tilespmem:s31+$0x1510];
	v4 =	vadd.f32 v5, v4;
	v5 =	vmul.f32 v15, v14  }
0x157: {  	v21 =	vld [tilespmem:s17+$0xD40]  }
0x158: {  	v22 =	vld [tilespmem:s31+$0x1520];
	v4 =	vadd.f32 v5, v4;
	v5 =	vmul.f32 v17, v16  }
0x159: {  	v23 =	vld [tilespmem:s1+$0xD40]  }
0x15a: {  	v24 =	vld [tilespmem:s31+$0x1530];
	v4 =	vadd.f32 v5, v4;
	v5 =	vmul.f32 v19, v18  }
0x15b: {  	v25 =	vld [tilespmem:s18+$0xD40]  }
0x15c: {  	v26 =	vld [tilespmem:s31+$0x1540];
	v4 =	vadd.f32 v5, v4;
	v5 =	vmul.f32 v21, v20  }
0x15d: {  	v27 =	vld [tilespmem:s29+$0xD40]  }
0x15e: {  	v28 =	vld [tilespmem:s31+$0x1550];
	v4 =	vadd.f32 v5, v4;
	v5 =	vmul.f32 v23, v22  }
0x15f: {  	v29 =	vld [tilespmem:s19+$0xD40]  }
0x160: {  	v30 =	vld [tilespmem:s31+$0x1560];
	v4 =	vadd.f32 v5, v4;
	v5 =	vmul.f32 v25, v24  }
0x161: {  	s30 =	rddreg [dreg:$0x18];
	v31 =	vld [tilespmem:s25+$0xD40]  }
0x162: {  	s26 =	sor.u32 s30, s4;
	v32 =	vld [tilespmem:s31+$0x1570];
	v4 =	vadd.f32 v5, v4;
	v5 =	vmul.f32 v27, v26  }
0x163: {  	v33 =	vld [tilespmem:s20+$0xD40];
	s31 =	sor.u32 $0xC00, s26  }
0x164: {  	v34 =	vld [tilespmem:s31+$0xD00];
	v4 =	vadd.f32 v5, v4;
	v5 =	vmul.f32 v29, v28  }
0x165: {  	s0 =	sor.u32 $0xC10, s26;
	v35 =	vld [tilespmem:s9+$0x3D40]  }
0x166: {  	v36 =	vld [tilespmem:s0+$0xD00];
	v4 =	vadd.f32 v5, v4;
	v5 =	vmul.f32 v31, v30  }
0x167: {  	v37 =	vld [tilespmem:s21+$0xD40]  }
0x168: {  	v38 =	vld [tilespmem:s11+$0xD60];
	v4 =	vadd.f32 v5, v4;
	v5 =	vmul.f32 v33, v32  }
0x169: {  	v39 =	vld [tilespmem:s28+$0xD50]  }
0x16a: {  	v40 =	vld [tilespmem:s11+$0xD70];
	v4 =	vadd.f32 v5, v4;
	v5 =	vmul.f32 v35, v34  }
0x16b: {  	v41 =	vld [tilespmem:s12+$0xD50]  }
0x16c: {  	v42 =	vld [tilespmem:s11+$0x1100];
	v4 =	vadd.f32 v5, v4;
	v5 =	vmul.f32 v37, v36  }
0x16d: {  	v43 =	vld [tilespmem:s9+$0x1D50]  }
0x16e: {  	v44 =	vld [tilespmem:s11+$0x1110];
	v4 =	vadd.f32 v5, v4;
	v5 =	vmul.f32 v39, v38  }
0x16f: {  	v45 =	vld [tilespmem:s13+$0xD50]  }
0x170: {  	v46 =	vld [tilespmem:s11+$0x1120];
	v4 =	vadd.f32 v5, v4;
	v5 =	vmul.f32 v41, v40  }
0x171: {  	v47 =	vld [tilespmem:s7+$0xD50]  }
0x172: {  	v48 =	vld [tilespmem:s11+$0x1130];
	v4 =	vadd.f32 v5, v4;
	v5 =	vmul.f32 v43, v42  }
0x173: {  	v49 =	vld [tilespmem:s14+$0xD50]  }
0x174: {  	v50 =	vld [tilespmem:s11+$0x1140];
	v4 =	vadd.f32 v5, v4;
	v5 =	vmul.f32 v45, v44  }
0x175: {  	v51 =	vld [tilespmem:s3+$0xD50]  }
0x176: {  	v52 =	vld [tilespmem:s11+$0x1150];
	v4 =	vadd.f32 v5, v4;
	v5 =	vmul.f32 v47, v46  }
0x177: {  	v53 =	vld [tilespmem:s15+$0xD50]  }
0x178: {  	v54 =	vld [tilespmem:s11+$0x1160];
	v4 =	vadd.f32 v5, v4;
	v5 =	vmul.f32 v49, v48  }
0x179: {  	v55 =	vld [tilespmem:s6+$0xD50]  }
0x17a: {  	v56 =	vld [tilespmem:s11+$0x1170];
	v4 =	vadd.f32 v5, v4;
	v5 =	vmul.f32 v51, v50  }
0x17b: {  	v57 =	vld [tilespmem:s16+$0xD50]  }
0x17c: {  	v58 =	vld [tilespmem:s11+$0x1500];
	v4 =	vadd.f32 v5, v4;
	v5 =	vmul.f32 v53, v52  }
0x17d: {  	v59 =	vld [tilespmem:s9+$0x2D50]  }
0x17e: {  	v60 =	vld [tilespmem:s11+$0x1510];
	v4 =	vadd.f32 v5, v4;
	v5 =	vmul.f32 v55, v54  }
0x17f: {  	v61 =	vld [tilespmem:s17+$0xD50]  }
0x180: {  	v62 =	vld [tilespmem:s11+$0x1520];
	v4 =	vadd.f32 v5, v4;
	v5 =	vmul.f32 v57, v56  }
0x181: {  	v63 =	vld [tilespmem:s1+$0xD50]  }
0x182: {  	v12 =	vld [tilespmem:s11+$0x1530];
	v4 =	vadd.f32 v5, v4;
	v5 =	vmul.f32 v59, v58  }
0x183: {  	v13 =	vld [tilespmem:s18+$0xD50]  }
0x184: {  	v14 =	vld [tilespmem:s11+$0x1540];
	v4 =	vadd.f32 v5, v4;
	v5 =	vmul.f32 v61, v60  }
0x185: {  	v15 =	vld [tilespmem:s29+$0xD50]  }
0x186: {  	v16 =	vld [tilespmem:s11+$0x1550];
	v4 =	vadd.f32 v5, v4;
	v5 =	vmul.f32 v63, v62  }
0x187: {  	v17 =	vld [tilespmem:s19+$0xD50]  }
0x188: {  	v18 =	vld [tilespmem:s11+$0x1560];
	v4 =	vadd.f32 v5, v4;
	v5 =	vmul.f32 v13, v12  }
0x189: {  	v19 =	vld [tilespmem:s25+$0xD50]  }
0x18a: {  	v20 =	vld [tilespmem:s11+$0x1570];
	v4 =	vadd.f32 v5, v4;
	v5 =	vmul.f32 v15, v14  }
0x18b: {  	v21 =	vld [tilespmem:s20+$0xD50]  }
0x18c: {  	v22 =	vld [tilespmem:s11+$0x1900];
	v4 =	vadd.f32 v5, v4;
	v5 =	vmul.f32 v17, v16  }
0x18d: {  	v23 =	vld [tilespmem:s9+$0x3D50]  }
0x18e: {  	v24 =	vld [tilespmem:s11+$0x1910];
	v4 =	vadd.f32 v5, v4;
	v5 =	vmul.f32 v19, v18  }
0x18f: {  	v25 =	vld [tilespmem:s21+$0xD50]  }
0x190: {  	v26 =	vld [tilespmem:s28+$0xD70];
	v4 =	vadd.f32 v5, v4;
	v5 =	vmul.f32 v21, v20  }
0x191: {  	v27 =	vld [tilespmem:s12+$0xD60]  }
0x192: {  	v28 =	vld [tilespmem:s28+$0x1100];
	v4 =	vadd.f32 v5, v4;
	v5 =	vmul.f32 v23, v22  }
0x193: {  	v29 =	vld [tilespmem:s9+$0x1D60]  }
0x194: {  	v30 =	vld [tilespmem:s28+$0x1110];
	v4 =	vadd.f32 v5, v4;
	v5 =	vmul.f32 v25, v24  }
0x195: {  	v31 =	vld [tilespmem:s13+$0xD60]  }
0x196: {  	v32 =	vld [tilespmem:s28+$0x1120];
	v4 =	vadd.f32 v5, v4;
	v5 =	vmul.f32 v27, v26  }
0x197: {  	v33 =	vld [tilespmem:s7+$0xD60]  }
0x198: {  	v34 =	vld [tilespmem:s28+$0x1130];
	v4 =	vadd.f32 v5, v4;
	v5 =	vmul.f32 v29, v28  }
0x199: {  	v35 =	vld [tilespmem:s14+$0xD60]  }
0x19a: {  	v36 =	vld [tilespmem:s28+$0x1140];
	v4 =	vadd.f32 v5, v4;
	v5 =	vmul.f32 v31, v30  }
0x19b: {  	v37 =	vld [tilespmem:s3+$0xD60]  }
0x19c: {  	v38 =	vld [tilespmem:s28+$0x1150];
	v4 =	vadd.f32 v5, v4;
	v5 =	vmul.f32 v33, v32  }
0x19d: {  	v39 =	vld [tilespmem:s15+$0xD60]  }
0x19e: {  	v40 =	vld [tilespmem:s28+$0x1160];
	v4 =	vadd.f32 v5, v4;
	v5 =	vmul.f32 v35, v34  }
0x19f: {  	v41 =	vld [tilespmem:s6+$0xD60]  }
0x1a0: {  	v42 =	vld [tilespmem:s28+$0x1170];
	v4 =	vadd.f32 v5, v4;
	v5 =	vmul.f32 v37, v36  }
0x1a1: {  	v43 =	vld [tilespmem:s16+$0xD60]  }
0x1a2: {  	v44 =	vld [tilespmem:s28+$0x1500];
	v4 =	vadd.f32 v5, v4;
	v5 =	vmul.f32 v39, v38  }
0x1a3: {  	v45 =	vld [tilespmem:s9+$0x2D60]  }
0x1a4: {  	v46 =	vld [tilespmem:s28+$0x1510];
	v4 =	vadd.f32 v5, v4;
	v5 =	vmul.f32 v41, v40  }
0x1a5: {  	v47 =	vld [tilespmem:s17+$0xD60]  }
0x1a6: {  	v48 =	vld [tilespmem:s28+$0x1520];
	v4 =	vadd.f32 v5, v4;
	v5 =	vmul.f32 v43, v42  }
0x1a7: {  	v49 =	vld [tilespmem:s1+$0xD60]  }
0x1a8: {  	v50 =	vld [tilespmem:s28+$0x1530];
	v4 =	vadd.f32 v5, v4;
	v5 =	vmul.f32 v45, v44  }
0x1a9: {  	v51 =	vld [tilespmem:s18+$0xD60]  }
0x1aa: {  	v52 =	vld [tilespmem:s28+$0x1540];
	v4 =	vadd.f32 v5, v4;
	v5 =	vmul.f32 v47, v46  }
0x1ab: {  	v53 =	vld [tilespmem:s29+$0xD60]  }
0x1ac: {  	v54 =	vld [tilespmem:s28+$0x1550];
	v4 =	vadd.f32 v5, v4;
	v5 =	vmul.f32 v49, v48  }
0x1ad: {  	v55 =	vld [tilespmem:s19+$0xD60]  }
0x1ae: {  	s2 =	rddreg [dreg:$0x16];
	v56 =	vld [tilespmem:s28+$0x1560];
	v4 =	vadd.f32 v5, v4;
	v5 =	vmul.f32 v51, v50  }
0x1af: {  	s4 =	rddreg [dreg:$0x17];
	v57 =	vld [tilespmem:s25+$0xD60]  }
0x1b0: {  	s2 =	sor.u32 s2, s4;
	v58 =	vld [tilespmem:s28+$0x1570];
	v4 =	vadd.f32 v5, v4;
	v5 =	vmul.f32 v53, v52  }
0x1b1: {  	s5 =	sor.u32 $0xC00, s2;
	v59 =	vld [tilespmem:s20+$0xD60]  }
0x1b2: {  	v60 =	vld [tilespmem:s5+$0xD00];
	v4 =	vadd.f32 v5, v4;
	v5 =	vmul.f32 v55, v54  }
0x1b3: {  	s8 =	sor.u32 $0xC10, s2;
	v61 =	vld [tilespmem:s9+$0x3D60]  }
0x1b4: {  	v62 =	vld [tilespmem:s8+$0xD00];
	v4 =	vadd.f32 v5, v4;
	v5 =	vmul.f32 v57, v56  }
0x1b5: {  	v63 =	vld [tilespmem:s21+$0xD60]  }
0x1b6: {  	v12 =	vld [tilespmem:s12+$0x1100];
	v4 =	vadd.f32 v5, v4;
	v5 =	vmul.f32 v59, v58  }
0x1b7: {  	v13 =	vld [tilespmem:s9+$0x1D70]  }
0x1b8: {  	v14 =	vld [tilespmem:s12+$0x1110];
	v4 =	vadd.f32 v5, v4;
	v5 =	vmul.f32 v61, v60  }
0x1b9: {  	v15 =	vld [tilespmem:s13+$0xD70]  }
0x1ba: {  	v16 =	vld [tilespmem:s12+$0x1120];
	v4 =	vadd.f32 v5, v4;
	v5 =	vmul.f32 v63, v62  }
0x1bb: {  	v17 =	vld [tilespmem:s7+$0xD70]  }
0x1bc: {  	v18 =	vld [tilespmem:s12+$0x1130];
	v4 =	vadd.f32 v5, v4;
	v5 =	vmul.f32 v13, v12  }
0x1bd: {  	v19 =	vld [tilespmem:s14+$0xD70]  }
0x1be: {  	v20 =	vld [tilespmem:s12+$0x1140];
	v4 =	vadd.f32 v5, v4;
	v5 =	vmul.f32 v15, v14  }
0x1bf: {  	v21 =	vld [tilespmem:s3+$0xD70]  }
0x1c0: {  	v22 =	vld [tilespmem:s12+$0x1150];
	v4 =	vadd.f32 v5, v4;
	v5 =	vmul.f32 v17, v16  }
0x1c1: {  	v23 =	vld [tilespmem:s15+$0xD70]  }
0x1c2: {  	v24 =	vld [tilespmem:s12+$0x1160];
	v4 =	vadd.f32 v5, v4;
	v5 =	vmul.f32 v19, v18  }
0x1c3: {  	v25 =	vld [tilespmem:s6+$0xD70]  }
0x1c4: {  	v26 =	vld [tilespmem:s12+$0x1170];
	v4 =	vadd.f32 v5, v4;
	v5 =	vmul.f32 v21, v20  }
0x1c5: {  	v27 =	vld [tilespmem:s16+$0xD70]  }
0x1c6: {  	v28 =	vld [tilespmem:s12+$0x1500];
	v4 =	vadd.f32 v5, v4;
	v5 =	vmul.f32 v23, v22  }
0x1c7: {  	v29 =	vld [tilespmem:s9+$0x2D70]  }
0x1c8: {  	v30 =	vld [tilespmem:s12+$0x1510];
	v4 =	vadd.f32 v5, v4;
	v5 =	vmul.f32 v25, v24  }
0x1c9: {  	v31 =	vld [tilespmem:s17+$0xD70]  }
0x1ca: {  	v32 =	vld [tilespmem:s12+$0x1520];
	v4 =	vadd.f32 v5, v4;
	v5 =	vmul.f32 v27, v26  }
0x1cb: {  	v33 =	vld [tilespmem:s1+$0xD70]  }
0x1cc: {  	v34 =	vld [tilespmem:s12+$0x1530];
	v4 =	vadd.f32 v5, v4;
	v5 =	vmul.f32 v29, v28  }
0x1cd: {  	v35 =	vld [tilespmem:s18+$0xD70]  }
0x1ce: {  	v36 =	vld [tilespmem:s12+$0x1540];
	v4 =	vadd.f32 v5, v4;
	v5 =	vmul.f32 v31, v30  }
0x1cf: {  	v37 =	vld [tilespmem:s29+$0xD70]  }
0x1d0: {  	v38 =	vld [tilespmem:s12+$0x1550];
	v4 =	vadd.f32 v5, v4;
	v5 =	vmul.f32 v33, v32  }
0x1d1: {  	v39 =	vld [tilespmem:s19+$0xD70]  }
0x1d2: {  	v40 =	vld [tilespmem:s12+$0x1560];
	v4 =	vadd.f32 v5, v4;
	v5 =	vmul.f32 v35, v34  }
0x1d3: {  	v41 =	vld [tilespmem:s25+$0xD70]  }
0x1d4: {  	v42 =	vld [tilespmem:s12+$0x1570];
	v4 =	vadd.f32 v5, v4;
	v5 =	vmul.f32 v37, v36  }
0x1d5: {  	v43 =	vld [tilespmem:s20+$0xD70]  }
0x1d6: {  	v44 =	vld [tilespmem:s12+$0x1900];
	v4 =	vadd.f32 v5, v4;
	v5 =	vmul.f32 v39, v38  }
0x1d7: {  	v45 =	vld [tilespmem:s9+$0x3D70]  }
0x1d8: {  	v46 =	vld [tilespmem:s12+$0x1910];
	v4 =	vadd.f32 v5, v4;
	v5 =	vmul.f32 v41, v40  }
0x1d9: {  	v47 =	vld [tilespmem:s21+$0xD70]  }
0x1da: {  	v48 =	vld [tilespmem:s9+$0x2110];
	v4 =	vadd.f32 v5, v4;
	v5 =	vmul.f32 v43, v42  }
0x1db: {  	v49 =	vld [tilespmem:s13+$0x1100]  }
0x1dc: {  	v50 =	vld [tilespmem:s9+$0x2120];
	v4 =	vadd.f32 v5, v4;
	v5 =	vmul.f32 v45, v44  }
0x1dd: {  	v51 =	vld [tilespmem:s7+$0x1100]  }
0x1de: {  	v52 =	vld [tilespmem:s9+$0x2130];
	v4 =	vadd.f32 v5, v4;
	v5 =	vmul.f32 v47, v46  }
0x1df: {  	v53 =	vld [tilespmem:s14+$0x1100]  }
0x1e0: {  	v54 =	vld [tilespmem:s9+$0x2140];
	v4 =	vadd.f32 v5, v4;
	v5 =	vmul.f32 v49, v48  }
0x1e1: {  	v55 =	vld [tilespmem:s3+$0x1100]  }
0x1e2: {  	v56 =	vld [tilespmem:s9+$0x2150];
	v4 =	vadd.f32 v5, v4;
	v5 =	vmul.f32 v51, v50  }
0x1e3: {  	v57 =	vld [tilespmem:s15+$0x1100]  }
0x1e4: {  	v58 =	vld [tilespmem:s9+$0x2160];
	v4 =	vadd.f32 v5, v4;
	v5 =	vmul.f32 v53, v52  }
0x1e5: {  	v59 =	vld [tilespmem:s6+$0x1100]  }
0x1e6: {  	v60 =	vld [tilespmem:s9+$0x2170];
	v4 =	vadd.f32 v5, v4;
	v5 =	vmul.f32 v55, v54  }
0x1e7: {  	v61 =	vld [tilespmem:s16+$0x1100]  }
0x1e8: {  	v62 =	vld [tilespmem:s9+$0x2500];
	v4 =	vadd.f32 v5, v4;
	v5 =	vmul.f32 v57, v56  }
0x1e9: {  	v63 =	vld [tilespmem:s9+$0x3100]  }
0x1ea: {  	v12 =	vld [tilespmem:s9+$0x2510];
	v4 =	vadd.f32 v5, v4;
	v5 =	vmul.f32 v59, v58  }
0x1eb: {  	v13 =	vld [tilespmem:s17+$0x1100]  }
0x1ec: {  	v14 =	vld [tilespmem:s9+$0x2520];
	v4 =	vadd.f32 v5, v4;
	v5 =	vmul.f32 v61, v60  }
0x1ed: {  	v15 =	vld [tilespmem:s1+$0x1100]  }
0x1ee: {  	v16 =	vld [tilespmem:s9+$0x2530];
	v4 =	vadd.f32 v5, v4;
	v5 =	vmul.f32 v63, v62  }
0x1ef: {  	v17 =	vld [tilespmem:s18+$0x1100]  }
0x1f0: {  	v18 =	vld [tilespmem:s9+$0x2540];
	v4 =	vadd.f32 v5, v4;
	v5 =	vmul.f32 v13, v12  }
0x1f1: {  	v19 =	vld [tilespmem:s29+$0x1100]  }
0x1f2: {  	v20 =	vld [tilespmem:s9+$0x2550];
	v4 =	vadd.f32 v5, v4;
	v5 =	vmul.f32 v15, v14  }
0x1f3: {  	v21 =	vld [tilespmem:s19+$0x1100]  }
0x1f4: {  	v22 =	vld [tilespmem:s9+$0x2560];
	v4 =	vadd.f32 v5, v4;
	v5 =	vmul.f32 v17, v16  }
0x1f5: {  	v23 =	vld [tilespmem:s25+$0x1100]  }
0x1f6: {  	v24 =	vld [tilespmem:s9+$0x2570];
	v4 =	vadd.f32 v5, v4;
	v5 =	vmul.f32 v19, v18  }
0x1f7: {  	v25 =	vld [tilespmem:s20+$0x1100]  }
0x1f8: {  	v26 =	vld [tilespmem:s9+$0x2900];
	v4 =	vadd.f32 v5, v4;
	v5 =	vmul.f32 v21, v20  }
0x1f9: {  	v27 =	vld [tilespmem:s9+$0x4100]  }
0x1fa: {  	v28 =	vld [tilespmem:s9+$0x2910];
	v4 =	vadd.f32 v5, v4;
	v5 =	vmul.f32 v23, v22  }
0x1fb: {  	v29 =	vld [tilespmem:s21+$0x1100]  }
0x1fc: {  	v30 =	vld [tilespmem:s13+$0x1120];
	v4 =	vadd.f32 v5, v4;
	v5 =	vmul.f32 v25, v24  }
0x1fd: {  	v31 =	vld [tilespmem:s7+$0x1110]  }
0x1fe: {  	v32 =	vld [tilespmem:s13+$0x1130];
	v4 =	vadd.f32 v5, v4;
	v5 =	vmul.f32 v27, v26  }
0x1ff: {  	v33 =	vld [tilespmem:s14+$0x1110]  }
0x200: {  	v34 =	vld [tilespmem:s13+$0x1140];
	v4 =	vadd.f32 v5, v4;
	v5 =	vmul.f32 v29, v28  }
0x201: {  	v35 =	vld [tilespmem:s3+$0x1110]  }
0x202: {  	v36 =	vld [tilespmem:s13+$0x1150];
	v4 =	vadd.f32 v5, v4;
	v5 =	vmul.f32 v31, v30  }
0x203: {  	v37 =	vld [tilespmem:s15+$0x1110]  }
0x204: {  	v38 =	vld [tilespmem:s13+$0x1160];
	v4 =	vadd.f32 v5, v4;
	v5 =	vmul.f32 v33, v32  }
0x205: {  	v39 =	vld [tilespmem:s6+$0x1110]  }
0x206: {  	v40 =	vld [tilespmem:s13+$0x1170];
	v4 =	vadd.f32 v5, v4;
	v5 =	vmul.f32 v35, v34  }
0x207: {  	v41 =	vld [tilespmem:s16+$0x1110]  }
0x208: {  	v42 =	vld [tilespmem:s13+$0x1500];
	v4 =	vadd.f32 v5, v4;
	v5 =	vmul.f32 v37, v36  }
0x209: {  	v43 =	vld [tilespmem:s9+$0x3110]  }
0x20a: {  	v44 =	vld [tilespmem:s13+$0x1510];
	v4 =	vadd.f32 v5, v4;
	v5 =	vmul.f32 v39, v38  }
0x20b: {  	v45 =	vld [tilespmem:s17+$0x1110]  }
0x20c: {  	v46 =	vld [tilespmem:s13+$0x1520];
	v4 =	vadd.f32 v5, v4;
	v5 =	vmul.f32 v41, v40  }
0x20d: {  	v47 =	vld [tilespmem:s1+$0x1110]  }
0x20e: {  	v48 =	vld [tilespmem:s13+$0x1530];
	v4 =	vadd.f32 v5, v4;
	v5 =	vmul.f32 v43, v42  }
0x20f: {  	v49 =	vld [tilespmem:s18+$0x1110]  }
0x210: {  	v50 =	vld [tilespmem:s13+$0x1540];
	v4 =	vadd.f32 v5, v4;
	v5 =	vmul.f32 v45, v44  }
0x211: {  	v51 =	vld [tilespmem:s29+$0x1110]  }
0x212: {  	v52 =	vld [tilespmem:s13+$0x1550];
	v4 =	vadd.f32 v5, v4;
	v5 =	vmul.f32 v47, v46  }
0x213: {  	v53 =	vld [tilespmem:s19+$0x1110]  }
0x214: {  	v54 =	vld [tilespmem:s13+$0x1560];
	v4 =	vadd.f32 v5, v4;
	v5 =	vmul.f32 v49, v48  }
0x215: {  	v55 =	vld [tilespmem:s25+$0x1110]  }
0x216: {  	v56 =	vld [tilespmem:s13+$0x1570];
	v4 =	vadd.f32 v5, v4;
	v5 =	vmul.f32 v51, v50  }
0x217: {  	v57 =	vld [tilespmem:s20+$0x1110]  }
0x218: {  	v58 =	vld [tilespmem:s13+$0x1900];
	v4 =	vadd.f32 v5, v4;
	v5 =	vmul.f32 v53, v52  }
0x219: {  	v59 =	vld [tilespmem:s9+$0x4110]  }
0x21a: {  	v60 =	vld [tilespmem:s13+$0x1910];
	v4 =	vadd.f32 v5, v4;
	v5 =	vmul.f32 v55, v54  }
0x21b: {  	v61 =	vld [tilespmem:s21+$0x1110]  }
0x21c: {  	v62 =	vld [tilespmem:s7+$0x1130];
	v4 =	vadd.f32 v5, v4;
	v5 =	vmul.f32 v57, v56  }
0x21d: {  	v63 =	vld [tilespmem:s14+$0x1120]  }
0x21e: {  	v12 =	vld [tilespmem:s7+$0x1140];
	v4 =	vadd.f32 v5, v4;
	v5 =	vmul.f32 v59, v58  }
0x21f: {  	v13 =	vld [tilespmem:s3+$0x1120]  }
0x220: {  	v14 =	vld [tilespmem:s7+$0x1150];
	v4 =	vadd.f32 v5, v4;
	v5 =	vmul.f32 v61, v60  }
0x221: {  	v15 =	vld [tilespmem:s15+$0x1120]  }
0x222: {  	v16 =	vld [tilespmem:s7+$0x1160];
	v4 =	vadd.f32 v5, v4;
	v5 =	vmul.f32 v63, v62  }
0x223: {  	v17 =	vld [tilespmem:s6+$0x1120]  }
0x224: {  	v18 =	vld [tilespmem:s7+$0x1170];
	v4 =	vadd.f32 v5, v4;
	v5 =	vmul.f32 v13, v12  }
0x225: {  	v19 =	vld [tilespmem:s16+$0x1120]  }
0x226: {  	v20 =	vld [tilespmem:s7+$0x1500];
	v4 =	vadd.f32 v5, v4;
	v5 =	vmul.f32 v15, v14  }
0x227: {  	v21 =	vld [tilespmem:s9+$0x3120]  }
0x228: {  	v22 =	vld [tilespmem:s7+$0x1510];
	v4 =	vadd.f32 v5, v4;
	v5 =	vmul.f32 v17, v16  }
0x229: {  	v23 =	vld [tilespmem:s17+$0x1120]  }
0x22a: {  	v24 =	vld [tilespmem:s7+$0x1520];
	v4 =	vadd.f32 v5, v4;
	v5 =	vmul.f32 v19, v18  }
0x22b: {  	v25 =	vld [tilespmem:s1+$0x1120]  }
0x22c: {  	v26 =	vld [tilespmem:s7+$0x1530];
	v4 =	vadd.f32 v5, v4;
	v5 =	vmul.f32 v21, v20  }
0x22d: {  	v27 =	vld [tilespmem:s18+$0x1120]  }
0x22e: {  	v28 =	vld [tilespmem:s7+$0x1540];
	v4 =	vadd.f32 v5, v4;
	v5 =	vmul.f32 v23, v22  }
0x22f: {  	v29 =	vld [tilespmem:s29+$0x1120]  }
0x230: {  	v30 =	vld [tilespmem:s7+$0x1550];
	v4 =	vadd.f32 v5, v4;
	v5 =	vmul.f32 v25, v24  }
0x231: {  	v31 =	vld [tilespmem:s19+$0x1120]  }
0x232: {  	s30 =	rddreg [dreg:$0x15];
	v32 =	vld [tilespmem:s7+$0x1560];
	v4 =	vadd.f32 v5, v4;
	v5 =	vmul.f32 v27, v26  }
0x233: {  	s28 =	rddreg [dreg:$0x14];
	v33 =	vld [tilespmem:s25+$0x1120]  }
0x234: {  	s4 =	sor.u32 s28, s30;
	v34 =	vld [tilespmem:s7+$0x1570];
	v4 =	vadd.f32 v5, v4;
	v5 =	vmul.f32 v29, v28  }
0x235: {  	s31 =	sor.u32 $0xC00, s4;
	v35 =	vld [tilespmem:s20+$0x1120]  }
0x236: {  	v36 =	vld [tilespmem:s31+$0xD00];
	v4 =	vadd.f32 v5, v4;
	v5 =	vmul.f32 v31, v30  }
0x237: {  	s0 =	sor.u32 $0xC10, s4;
	v37 =	vld [tilespmem:s9+$0x4120]  }
0x238: {  	v38 =	vld [tilespmem:s0+$0xD00];
	v4 =	vadd.f32 v5, v4;
	v5 =	vmul.f32 v33, v32  }
0x239: {  	v39 =	vld [tilespmem:s21+$0x1120]  }
0x23a: {  	v40 =	vld [tilespmem:s14+$0x1140];
	v4 =	vadd.f32 v5, v4;
	v5 =	vmul.f32 v35, v34  }
0x23b: {  	v41 =	vld [tilespmem:s3+$0x1130]  }
0x23c: {  	v42 =	vld [tilespmem:s14+$0x1150];
	v4 =	vadd.f32 v5, v4;
	v5 =	vmul.f32 v37, v36  }
0x23d: {  	v43 =	vld [tilespmem:s15+$0x1130]  }
0x23e: {  	v44 =	vld [tilespmem:s14+$0x1160];
	v4 =	vadd.f32 v5, v4;
	v5 =	vmul.f32 v39, v38  }
0x23f: {  	v45 =	vld [tilespmem:s6+$0x1130]  }
0x240: {  	v46 =	vld [tilespmem:s14+$0x1170];
	v4 =	vadd.f32 v5, v4;
	v5 =	vmul.f32 v41, v40  }
0x241: {  	v47 =	vld [tilespmem:s16+$0x1130]  }
0x242: {  	v48 =	vld [tilespmem:s14+$0x1500];
	v4 =	vadd.f32 v5, v4;
	v5 =	vmul.f32 v43, v42  }
0x243: {  	v49 =	vld [tilespmem:s9+$0x3130]  }
0x244: {  	v50 =	vld [tilespmem:s14+$0x1510];
	v4 =	vadd.f32 v5, v4;
	v5 =	vmul.f32 v45, v44  }
0x245: {  	v51 =	vld [tilespmem:s17+$0x1130]  }
0x246: {  	v52 =	vld [tilespmem:s14+$0x1520];
	v4 =	vadd.f32 v5, v4;
	v5 =	vmul.f32 v47, v46  }
0x247: {  	v53 =	vld [tilespmem:s1+$0x1130]  }
0x248: {  	v54 =	vld [tilespmem:s14+$0x1530];
	v4 =	vadd.f32 v5, v4;
	v5 =	vmul.f32 v49, v48  }
0x249: {  	v55 =	vld [tilespmem:s18+$0x1130]  }
0x24a: {  	v56 =	vld [tilespmem:s14+$0x1540];
	v4 =	vadd.f32 v5, v4;
	v5 =	vmul.f32 v51, v50  }
0x24b: {  	v57 =	vld [tilespmem:s29+$0x1130]  }
0x24c: {  	v58 =	vld [tilespmem:s14+$0x1550];
	v4 =	vadd.f32 v5, v4;
	v5 =	vmul.f32 v53, v52  }
0x24d: {  	v59 =	vld [tilespmem:s19+$0x1130]  }
0x24e: {  	v60 =	vld [tilespmem:s14+$0x1560];
	v4 =	vadd.f32 v5, v4;
	v5 =	vmul.f32 v55, v54  }
0x24f: {  	v61 =	vld [tilespmem:s25+$0x1130]  }
0x250: {  	v62 =	vld [tilespmem:s14+$0x1570];
	v4 =	vadd.f32 v5, v4;
	v5 =	vmul.f32 v57, v56  }
0x251: {  	v63 =	vld [tilespmem:s20+$0x1130]  }
0x252: {  	v12 =	vld [tilespmem:s14+$0x1900];
	v4 =	vadd.f32 v5, v4;
	v5 =	vmul.f32 v59, v58  }
0x253: {  	v13 =	vld [tilespmem:s9+$0x4130]  }
0x254: {  	v14 =	vld [tilespmem:s14+$0x1910];
	v4 =	vadd.f32 v5, v4;
	v5 =	vmul.f32 v61, v60  }
0x255: {  	v15 =	vld [tilespmem:s21+$0x1130]  }
0x256: {  	v16 =	vld [tilespmem:s3+$0x1150];
	v4 =	vadd.f32 v5, v4;
	v5 =	vmul.f32 v63, v62  }
0x257: {  	v17 =	vld [tilespmem:s15+$0x1140]  }
0x258: {  	v18 =	vld [tilespmem:s3+$0x1160];
	v4 =	vadd.f32 v5, v4;
	v5 =	vmul.f32 v13, v12  }
0x259: {  	v19 =	vld [tilespmem:s6+$0x1140]  }
0x25a: {  	v20 =	vld [tilespmem:s3+$0x1170];
	v4 =	vadd.f32 v5, v4;
	v5 =	vmul.f32 v15, v14  }
0x25b: {  	v21 =	vld [tilespmem:s16+$0x1140]  }
0x25c: {  	v22 =	vld [tilespmem:s3+$0x1500];
	v4 =	vadd.f32 v5, v4;
	v5 =	vmul.f32 v17, v16  }
0x25d: {  	v23 =	vld [tilespmem:s9+$0x3140]  }
0x25e: {  	v24 =	vld [tilespmem:s3+$0x1510];
	v4 =	vadd.f32 v5, v4;
	v5 =	vmul.f32 v19, v18  }
0x25f: {  	v25 =	vld [tilespmem:s17+$0x1140]  }
0x260: {  	v26 =	vld [tilespmem:s3+$0x1520];
	v4 =	vadd.f32 v5, v4;
	v5 =	vmul.f32 v21, v20  }
0x261: {  	v27 =	vld [tilespmem:s1+$0x1140]  }
0x262: {  	v28 =	vld [tilespmem:s3+$0x1530];
	v4 =	vadd.f32 v5, v4;
	v5 =	vmul.f32 v23, v22  }
0x263: {  	v29 =	vld [tilespmem:s18+$0x1140]  }
0x264: {  	v30 =	vld [tilespmem:s3+$0x1540];
	v4 =	vadd.f32 v5, v4;
	v5 =	vmul.f32 v25, v24  }
0x265: {  	v31 =	vld [tilespmem:s29+$0x1140]  }
0x266: {  	v32 =	vld [tilespmem:s3+$0x1550];
	v4 =	vadd.f32 v5, v4;
	v5 =	vmul.f32 v27, v26  }
0x267: {  	v33 =	vld [tilespmem:s19+$0x1140]  }
0x268: {  	v34 =	vld [tilespmem:s3+$0x1560];
	v4 =	vadd.f32 v5, v4;
	v5 =	vmul.f32 v29, v28  }
0x269: {  	s5 =	rddreg [dreg:$0x13];
	v35 =	vld [tilespmem:s25+$0x1140]  }
0x26a: {  	v36 =	vld [tilespmem:s3+$0x1570];
	s3 =	rddreg [dreg:$0x12];
	v4 =	vadd.f32 v5, v4;
	v5 =	vmul.f32 v31, v30  }
0x26b: {  	v37 =	vld [tilespmem:s20+$0x1140];
	s0 =	sor.u32 s3, s5  }
0x26c: {  	s7 =	sor.u32 $0xC00, s0;
	v39 =	vld [tilespmem:s9+$0x4140];
	v4 =	vadd.f32 v5, v4;
	v5 =	vmul.f32 v33, v32  }
0x26d: {  	s8 =	sor.u32 $0xC10, s0;
	v38 =	vld [tilespmem:s7+$0xD00]  }
0x26e: {  	v40 =	vld [tilespmem:s8+$0xD00];
	v4 =	vadd.f32 v5, v4;
	v5 =	vmul.f32 v35, v34  }
0x26f: {  	v41 =	vld [tilespmem:s21+$0x1140]  }
0x270: {  	v42 =	vld [tilespmem:s15+$0x1160];
	v4 =	vadd.f32 v5, v4;
	v5 =	vmul.f32 v37, v36  }
0x271: {  	v43 =	vld [tilespmem:s6+$0x1150]  }
0x272: {  	v44 =	vld [tilespmem:s15+$0x1170];
	v4 =	vadd.f32 v5, v4;
	v5 =	vmul.f32 v39, v38  }
0x273: {  	v45 =	vld [tilespmem:s16+$0x1150]  }
0x274: {  	v46 =	vld [tilespmem:s15+$0x1500];
	v4 =	vadd.f32 v5, v4;
	v5 =	vmul.f32 v41, v40  }
0x275: {  	v47 =	vld [tilespmem:s9+$0x3150]  }
0x276: {  	v48 =	vld [tilespmem:s15+$0x1510];
	v4 =	vadd.f32 v5, v4;
	v5 =	vmul.f32 v43, v42  }
0x277: {  	v49 =	vld [tilespmem:s17+$0x1150]  }
0x278: {  	v50 =	vld [tilespmem:s15+$0x1520];
	v4 =	vadd.f32 v5, v4;
	v5 =	vmul.f32 v45, v44  }
0x279: {  	v51 =	vld [tilespmem:s1+$0x1150]  }
0x27a: {  	v52 =	vld [tilespmem:s15+$0x1530];
	v4 =	vadd.f32 v5, v4;
	v5 =	vmul.f32 v47, v46  }
0x27b: {  	v53 =	vld [tilespmem:s18+$0x1150]  }
0x27c: {  	v54 =	vld [tilespmem:s15+$0x1540];
	v4 =	vadd.f32 v5, v4;
	v5 =	vmul.f32 v49, v48  }
0x27d: {  	v55 =	vld [tilespmem:s29+$0x1150]  }
0x27e: {  	v56 =	vld [tilespmem:s15+$0x1550];
	v4 =	vadd.f32 v5, v4;
	v5 =	vmul.f32 v51, v50  }
0x27f: {  	v57 =	vld [tilespmem:s19+$0x1150]  }
0x280: {  	v58 =	vld [tilespmem:s15+$0x1560];
	v4 =	vadd.f32 v5, v4;
	v5 =	vmul.f32 v53, v52  }
0x281: {  	v59 =	vld [tilespmem:s25+$0x1150]  }
0x282: {  	v60 =	vld [tilespmem:s15+$0x1570];
	v4 =	vadd.f32 v5, v4;
	v5 =	vmul.f32 v55, v54  }
0x283: {  	v61 =	vld [tilespmem:s20+$0x1150]  }
0x284: {  	v62 =	vld [tilespmem:s15+$0x1900];
	v4 =	vadd.f32 v5, v4;
	v5 =	vmul.f32 v57, v56  }
0x285: {  	v63 =	vld [tilespmem:s9+$0x4150]  }
0x286: {  	v12 =	vld [tilespmem:s15+$0x1910];
	v4 =	vadd.f32 v5, v4;
	v5 =	vmul.f32 v59, v58  }
0x287: {  	v13 =	vld [tilespmem:s21+$0x1150]  }
0x288: {  	v14 =	vld [tilespmem:s6+$0x1170];
	v4 =	vadd.f32 v5, v4;
	v5 =	vmul.f32 v61, v60  }
0x289: {  	v15 =	vld [tilespmem:s16+$0x1160]  }
0x28a: {  	v16 =	vld [tilespmem:s6+$0x1500];
	v4 =	vadd.f32 v5, v4;
	v5 =	vmul.f32 v63, v62  }
0x28b: {  	v17 =	vld [tilespmem:s9+$0x3160]  }
0x28c: {  	v18 =	vld [tilespmem:s6+$0x1510];
	v4 =	vadd.f32 v5, v4;
	v5 =	vmul.f32 v13, v12  }
0x28d: {  	v19 =	vld [tilespmem:s17+$0x1160]  }
0x28e: {  	v20 =	vld [tilespmem:s6+$0x1520];
	v4 =	vadd.f32 v5, v4;
	v5 =	vmul.f32 v15, v14  }
0x28f: {  	v21 =	vld [tilespmem:s1+$0x1160]  }
0x290: {  	v22 =	vld [tilespmem:s6+$0x1530];
	v4 =	vadd.f32 v5, v4;
	v5 =	vmul.f32 v17, v16  }
0x291: {  	v23 =	vld [tilespmem:s18+$0x1160]  }
0x292: {  	v24 =	vld [tilespmem:s6+$0x1540];
	v4 =	vadd.f32 v5, v4;
	v5 =	vmul.f32 v19, v18  }
0x293: {  	v25 =	vld [tilespmem:s29+$0x1160]  }
0x294: {  	v26 =	vld [tilespmem:s6+$0x1550];
	v4 =	vadd.f32 v5, v4;
	v5 =	vmul.f32 v21, v20  }
0x295: {  	v27 =	vld [tilespmem:s19+$0x1160]  }
0x296: {  	s28 =	rddreg [dreg:$0x10];
	v28 =	vld [tilespmem:s6+$0x1560];
	v4 =	vadd.f32 v5, v4;
	v5 =	vmul.f32 v23, v22  }
0x297: {  	s30 =	rddreg [dreg:$0x11];
	v29 =	vld [tilespmem:s25+$0x1160]  }
0x298: {  	s5 =	sor.u32 s28, s30;
	v30 =	vld [tilespmem:s6+$0x1570];
	v4 =	vadd.f32 v5, v4;
	v5 =	vmul.f32 v25, v24  }
0x299: {  	s31 =	sor.u32 $0xC00, s5;
	v31 =	vld [tilespmem:s20+$0x1160]  }
0x29a: {  	v32 =	vld [tilespmem:s31+$0xD00];
	v4 =	vadd.f32 v5, v4;
	v5 =	vmul.f32 v27, v26  }
0x29b: {  	s3 =	sor.u32 $0xC10, s5;
	v33 =	vld [tilespmem:s9+$0x4160]  }
0x29c: {  	v34 =	vld [tilespmem:s3+$0xD00];
	v4 =	vadd.f32 v5, v4;
	v5 =	vmul.f32 v29, v28  }
0x29d: {  	v35 =	vld [tilespmem:s21+$0x1160]  }
0x29e: {  	v36 =	vld [tilespmem:s16+$0x1500];
	v4 =	vadd.f32 v5, v4;
	v5 =	vmul.f32 v31, v30  }
0x29f: {  	v37 =	vld [tilespmem:s9+$0x3170]  }
0x2a0: {  	v38 =	vld [tilespmem:s16+$0x1510];
	v4 =	vadd.f32 v5, v4;
	v5 =	vmul.f32 v33, v32  }
0x2a1: {  	v39 =	vld [tilespmem:s17+$0x1170]  }
0x2a2: {  	v40 =	vld [tilespmem:s16+$0x1520];
	v4 =	vadd.f32 v5, v4;
	v5 =	vmul.f32 v35, v34  }
0x2a3: {  	v41 =	vld [tilespmem:s1+$0x1170]  }
0x2a4: {  	v42 =	vld [tilespmem:s16+$0x1530];
	v4 =	vadd.f32 v5, v4;
	v5 =	vmul.f32 v37, v36  }
0x2a5: {  	v43 =	vld [tilespmem:s18+$0x1170]  }
0x2a6: {  	v44 =	vld [tilespmem:s16+$0x1540];
	v4 =	vadd.f32 v5, v4;
	v5 =	vmul.f32 v39, v38  }
0x2a7: {  	v45 =	vld [tilespmem:s29+$0x1170]  }
0x2a8: {  	v46 =	vld [tilespmem:s16+$0x1550];
	v4 =	vadd.f32 v5, v4;
	v5 =	vmul.f32 v41, v40  }
0x2a9: {  	v47 =	vld [tilespmem:s19+$0x1170]  }
0x2aa: {  	v48 =	vld [tilespmem:s16+$0x1560];
	v4 =	vadd.f32 v5, v4;
	v5 =	vmul.f32 v43, v42  }
0x2ab: {  	v49 =	vld [tilespmem:s25+$0x1170]  }
0x2ac: {  	v50 =	vld [tilespmem:s16+$0x1570];
	v4 =	vadd.f32 v5, v4;
	v5 =	vmul.f32 v45, v44  }
0x2ad: {  	v51 =	vld [tilespmem:s20+$0x1170]  }
0x2ae: {  	v52 =	vld [tilespmem:s16+$0x1900];
	v4 =	vadd.f32 v5, v4;
	v5 =	vmul.f32 v47, v46  }
0x2af: {  	v53 =	vld [tilespmem:s9+$0x4170]  }
0x2b0: {  	v54 =	vld [tilespmem:s16+$0x1910];
	v4 =	vadd.f32 v5, v4;
	v5 =	vmul.f32 v49, v48  }
0x2b1: {  	v55 =	vld [tilespmem:s21+$0x1170]  }
0x2b2: {  	v56 =	vld [tilespmem:s9+$0x3510];
	v4 =	vadd.f32 v5, v4;
	v5 =	vmul.f32 v51, v50  }
0x2b3: {  	v57 =	vld [tilespmem:s17+$0x1500]  }
0x2b4: {  	v58 =	vld [tilespmem:s9+$0x3520];
	v4 =	vadd.f32 v5, v4;
	v5 =	vmul.f32 v53, v52  }
0x2b5: {  	v59 =	vld [tilespmem:s1+$0x1500]  }
0x2b6: {  	v60 =	vld [tilespmem:s9+$0x3530];
	v4 =	vadd.f32 v5, v4;
	v5 =	vmul.f32 v55, v54  }
0x2b7: {  	v61 =	vld [tilespmem:s18+$0x1500]  }
0x2b8: {  	v62 =	vld [tilespmem:s9+$0x3540];
	v4 =	vadd.f32 v5, v4;
	v5 =	vmul.f32 v57, v56  }
0x2b9: {  	v63 =	vld [tilespmem:s29+$0x1500]  }
0x2ba: {  	v12 =	vld [tilespmem:s9+$0x3550];
	v4 =	vadd.f32 v5, v4;
	v5 =	vmul.f32 v59, v58  }
0x2bb: {  	v13 =	vld [tilespmem:s19+$0x1500]  }
0x2bc: {  	v14 =	vld [tilespmem:s9+$0x3560];
	v4 =	vadd.f32 v5, v4;
	v5 =	vmul.f32 v61, v60  }
0x2bd: {  	v15 =	vld [tilespmem:s25+$0x1500]  }
0x2be: {  	v16 =	vld [tilespmem:s9+$0x3570];
	v4 =	vadd.f32 v5, v4;
	v5 =	vmul.f32 v63, v62  }
0x2bf: {  	v17 =	vld [tilespmem:s20+$0x1500]  }
0x2c0: {  	v18 =	vld [tilespmem:s9+$0x3900];
	v4 =	vadd.f32 v5, v4;
	v5 =	vmul.f32 v13, v12  }
0x2c1: {  	v19 =	vld [tilespmem:s9+$0x4500]  }
0x2c2: {  	v20 =	vld [tilespmem:s9+$0x3910];
	v4 =	vadd.f32 v5, v4;
	v5 =	vmul.f32 v15, v14  }
0x2c3: {  	v21 =	vld [tilespmem:s21+$0x1500]  }
0x2c4: {  	v22 =	vld [tilespmem:s17+$0x1520];
	v4 =	vadd.f32 v5, v4;
	v5 =	vmul.f32 v17, v16  }
0x2c5: {  	v23 =	vld [tilespmem:s1+$0x1510]  }
0x2c6: {  	v24 =	vld [tilespmem:s17+$0x1530];
	v4 =	vadd.f32 v5, v4;
	v5 =	vmul.f32 v19, v18  }
0x2c7: {  	v25 =	vld [tilespmem:s18+$0x1510]  }
0x2c8: {  	v26 =	vld [tilespmem:s17+$0x1540];
	v4 =	vadd.f32 v5, v4;
	v5 =	vmul.f32 v21, v20  }
0x2c9: {  	v27 =	vld [tilespmem:s29+$0x1510]  }
0x2ca: {  	v28 =	vld [tilespmem:s17+$0x1550];
	v4 =	vadd.f32 v5, v4;
	v5 =	vmul.f32 v23, v22  }
0x2cb: {  	v29 =	vld [tilespmem:s19+$0x1510]  }
0x2cc: {  	v30 =	vld [tilespmem:s17+$0x1560];
	v4 =	vadd.f32 v5, v4;
	v5 =	vmul.f32 v25, v24  }
0x2cd: {  	v31 =	vld [tilespmem:s25+$0x1510]  }
0x2ce: {  	v32 =	vld [tilespmem:s17+$0x1570];
	v4 =	vadd.f32 v5, v4;
	v5 =	vmul.f32 v27, v26  }
0x2cf: {  	v33 =	vld [tilespmem:s20+$0x1510]  }
0x2d0: {  	v34 =	vld [tilespmem:s17+$0x1900];
	v4 =	vadd.f32 v5, v4;
	v5 =	vmul.f32 v29, v28  }
0x2d1: {  	v35 =	vld [tilespmem:s9+$0x4510]  }
0x2d2: {  	v36 =	vld [tilespmem:s17+$0x1910];
	v4 =	vadd.f32 v5, v4;
	v5 =	vmul.f32 v31, v30  }
0x2d3: {  	v37 =	vld [tilespmem:s21+$0x1510]  }
0x2d4: {  	v38 =	vld [tilespmem:s1+$0x1530];
	v4 =	vadd.f32 v5, v4;
	v5 =	vmul.f32 v33, v32  }
0x2d5: {  	v39 =	vld [tilespmem:s18+$0x1520]  }
0x2d6: {  	v40 =	vld [tilespmem:s1+$0x1540];
	v4 =	vadd.f32 v5, v4;
	v5 =	vmul.f32 v35, v34  }
0x2d7: {  	v41 =	vld [tilespmem:s29+$0x1520]  }
0x2d8: {  	v42 =	vld [tilespmem:s1+$0x1550];
	v4 =	vadd.f32 v5, v4;
	v5 =	vmul.f32 v37, v36  }
0x2d9: {  	v43 =	vld [tilespmem:s19+$0x1520]  }
0x2da: {  	s7 =	rddreg [dreg:$0xf];
	v44 =	vld [tilespmem:s1+$0x1560];
	v4 =	vadd.f32 v5, v4;
	v5 =	vmul.f32 v39, v38  }
0x2db: {  	s6 =	rddreg [dreg:$0xe];
	v45 =	vld [tilespmem:s25+$0x1520]  }
0x2dc: {  	v46 =	vld [tilespmem:s1+$0x1570];
	s1 =	sor.u32 s6, s7;
	v4 =	vadd.f32 v5, v4;
	v5 =	vmul.f32 v41, v40  }
0x2dd: {  	v47 =	vld [tilespmem:s20+$0x1520];
	s8 =	sor.u32 $0xC00, s1  }
0x2de: {  	v48 =	vld [tilespmem:s8+$0xD00];
	v4 =	vadd.f32 v5, v4;
	v5 =	vmul.f32 v43, v42  }
0x2df: {  	s28 =	sor.u32 $0xC10, s1;
	v49 =	vld [tilespmem:s9+$0x4520]  }
0x2e0: {  	v50 =	vld [tilespmem:s28+$0xD00];
	v4 =	vadd.f32 v5, v4;
	v5 =	vmul.f32 v45, v44  }
0x2e1: {  	v51 =	vld [tilespmem:s21+$0x1520]  }
0x2e2: {  	v52 =	vld [tilespmem:s18+$0x1540];
	v4 =	vadd.f32 v5, v4;
	v5 =	vmul.f32 v47, v46  }
0x2e3: {  	v53 =	vld [tilespmem:s29+$0x1530]  }
0x2e4: {  	v54 =	vld [tilespmem:s18+$0x1550];
	v4 =	vadd.f32 v5, v4;
	v5 =	vmul.f32 v49, v48  }
0x2e5: {  	v55 =	vld [tilespmem:s19+$0x1530]  }
0x2e6: {  	v56 =	vld [tilespmem:s18+$0x1560];
	v4 =	vadd.f32 v5, v4;
	v5 =	vmul.f32 v51, v50  }
0x2e7: {  	v57 =	vld [tilespmem:s25+$0x1530]  }
0x2e8: {  	v58 =	vld [tilespmem:s18+$0x1570];
	v4 =	vadd.f32 v5, v4;
	v5 =	vmul.f32 v53, v52  }
0x2e9: {  	v59 =	vld [tilespmem:s20+$0x1530]  }
0x2ea: {  	v60 =	vld [tilespmem:s18+$0x1900];
	v4 =	vadd.f32 v5, v4;
	v5 =	vmul.f32 v55, v54  }
0x2eb: {  	v61 =	vld [tilespmem:s9+$0x4530]  }
0x2ec: {  	v62 =	vld [tilespmem:s18+$0x1910];
	v4 =	vadd.f32 v5, v4;
	v5 =	vmul.f32 v57, v56  }
0x2ed: {  	v63 =	vld [tilespmem:s21+$0x1530]  }
0x2ee: {  	v16 =	vld [tilespmem:s29+$0x1550];
	v4 =	vadd.f32 v5, v4;
	v5 =	vmul.f32 v59, v58  }
0x2ef: {  	v17 =	vld [tilespmem:s19+$0x1540]  }
0x2f0: {  	s30 =	rddreg [dreg:$0xc];
	v18 =	vld [tilespmem:s29+$0x1560];
	v4 =	vadd.f32 v5, v4;
	v5 =	vmul.f32 v61, v60  }
0x2f1: {  	s31 =	rddreg [dreg:$0xd];
	v19 =	vld [tilespmem:s25+$0x1540]  }
0x2f2: {  	s6 =	sor.u32 s30, s31;
	v20 =	vld [tilespmem:s29+$0x1570];
	v4 =	vadd.f32 v5, v4;
	v5 =	vmul.f32 v63, v62  }
0x2f3: {  	s3 =	sor.u32 $0xC00, s6;
	v21 =	vld [tilespmem:s20+$0x1540]  }
0x2f4: {  	v22 =	vld [tilespmem:s3+$0xD00];
	v4 =	vadd.f32 v5, v4;
	v5 =	vmul.f32 v17, v16  }
0x2f5: {  	s8 =	sor.u32 $0xC10, s6;
	v23 =	vld [tilespmem:s9+$0x4540]  }
0x2f6: {  	v24 =	vld [tilespmem:s8+$0xD00];
	v4 =	vadd.f32 v5, v4;
	v5 =	vmul.f32 v19, v18  }
0x2f7: {  	v25 =	vld [tilespmem:s21+$0x1540]  }
0x2f8: {  	v26 =	vld [tilespmem:s19+$0x1560];
	v4 =	vadd.f32 v5, v4;
	v5 =	vmul.f32 v21, v20  }
0x2f9: {  	v27 =	vld [tilespmem:s25+$0x1550]  }
0x2fa: {  	v28 =	vld [tilespmem:s19+$0x1570];
	v4 =	vadd.f32 v5, v4;
	v5 =	vmul.f32 v23, v22  }
0x2fb: {  	v29 =	vld [tilespmem:s20+$0x1550]  }
0x2fc: {  	v30 =	vld [tilespmem:s19+$0x1900];
	v4 =	vadd.f32 v5, v4;
	v5 =	vmul.f32 v25, v24  }
0x2fd: {  	v31 =	vld [tilespmem:s9+$0x4550]  }
0x2fe: {  	v32 =	vld [tilespmem:s19+$0x1910];
	v4 =	vadd.f32 v5, v4;
	v5 =	vmul.f32 v27, v26  }
0x2ff: {  	s28 =	rddreg [dreg:$0xb];
	v33 =	vld [tilespmem:s21+$0x1550]  }
0x300: {  	v34 =	vld [tilespmem:s25+$0x1570];
	s25 =	rddreg [dreg:$0xa];
	v4 =	vadd.f32 v5, v4;
	v5 =	vmul.f32 v29, v28  }
0x301: {  	v35 =	vld [tilespmem:s20+$0x1560];
	s7 =	sor.u32 s25, s28  }
0x302: {  	s29 =	sor.u32 $0xC00, s7;
	v37 =	vld [tilespmem:s9+$0x4560];
	v4 =	vadd.f32 v5, v4;
	v5 =	vmul.f32 v31, v30  }
0x303: {  	s30 =	sor.u32 $0xC10, s7;
	v36 =	vld [tilespmem:s29+$0xD00]  }
0x304: {  	v38 =	vld [tilespmem:s30+$0xD00];
	v4 =	vadd.f32 v5, v4;
	v5 =	vmul.f32 v33, v32  }
0x305: {  	v39 =	vld [tilespmem:s21+$0x1560]  }
0x306: {  	v40 =	vld [tilespmem:s20+$0x1900];
	v4 =	vadd.f32 v5, v4;
	v5 =	vmul.f32 v35, v34  }
0x307: {  	v41 =	vld [tilespmem:s9+$0x4570]  }
0x308: {  	v42 =	vld [tilespmem:s20+$0x1910];
	v4 =	vadd.f32 v5, v4;
	v5 =	vmul.f32 v37, v36  }
0x309: {  	v43 =	vld [tilespmem:s21+$0x1570]  }
0x30a: {  	v44 =	vld [tilespmem:s9+$0x4910];
	v4 =	vadd.f32 v5, v4;
	v5 =	vmul.f32 v39, v38  }
0x30b: {  	v45 =	vld [tilespmem:s21+$0x1900]  }
0x30c: {  	v4 =	vadd.f32 v5, v4;
	v5 =	vmul.f32 v41, v40;
	_ =	sdelay $0x1  }
0x30d: {  	s31 =	sor.u32 $0xC20, s24;
	v4 =	vadd.f32 v5, v4;
	v5 =	vmul.f32 v43, v42  }
0x30e: {  	v46 =	vld [tilespmem:s31+$0xD00]  }
0x30f: {  	s3 =	sor.u32 $0xC20, s23;
	v4 =	vadd.f32 v5, v4;
	v5 =	vmul.f32 v45, v44  }
0x310: {  	v47 =	vld [tilespmem:s3+$0xD00]  }
0x311: {  	s22 =	sor.u32 $0xC20, s22;
	v4 =	vadd.f32 v5, v4  }
0x312: {  	v5 =	vld [tilespmem:s22+$0xD00]  }
0x313: {  	v4 =	vadd.f32 v4, v46  }
0x314: {  	v48 =	vld [tilespmem:s10+$0x1920]  }
0x315: {  	s23 =	sor.u32 $0xC20, s26;
	v4 =	vadd.f32 v4, v47  }
0x316: {  	v49 =	vld [tilespmem:s23+$0xD00]  }
0x317: {  	v4 =	vadd.f32 v4, v5  }
0x318: {  	v5 =	vld [tilespmem:s11+$0x1920]  }
0x319: {  	s2 =	sor.u32 $0xC20, s2;
	v4 =	vadd.f32 v4, v48  }
0x31a: {  	v50 =	vld [tilespmem:s2+$0xD00]  }
0x31b: {  	v4 =	vadd.f32 v4, v49  }
0x31c: {  	v51 =	vld [tilespmem:s12+$0x1920]  }
0x31d: {  	v4 =	vadd.f32 v4, v5  }
0x31e: {  	v5 =	vld [tilespmem:s9+$0x2920]  }
0x31f: {  	v4 =	vadd.f32 v4, v50  }
0x320: {  	v52 =	vld [tilespmem:s13+$0x1920]  }
0x321: {  	s24 =	sor.u32 $0xC20, s4;
	v4 =	vadd.f32 v4, v51  }
0x322: {  	v53 =	vld [tilespmem:s24+$0xD00]  }
0x323: {  	v4 =	vadd.f32 v4, v5  }
0x324: {  	v5 =	vld [tilespmem:s14+$0x1920]  }
0x325: {  	s0 =	sor.u32 $0xC20, s0;
	v4 =	vadd.f32 v4, v52  }
0x326: {  	v54 =	vld [tilespmem:s0+$0xD00]  }
0x327: {  	v4 =	vadd.f32 v4, v53  }
0x328: {  	v55 =	vld [tilespmem:s15+$0x1920]  }
0x329: {  	s25 =	sor.u32 $0xC20, s5;
	v4 =	vadd.f32 v4, v5  }
0x32a: {  	v5 =	vld [tilespmem:s25+$0xD00]  }
0x32b: {  	v4 =	vadd.f32 v4, v54  }
0x32c: {  	v56 =	vld [tilespmem:s16+$0x1920]  }
0x32d: {  	v4 =	vadd.f32 v4, v55  }
0x32e: {  	v57 =	vld [tilespmem:s9+$0x3920]  }
0x32f: {  	v4 =	vadd.f32 v4, v5  }
0x330: {  	v5 =	vld [tilespmem:s17+$0x1920]  }
0x331: {  	s28 =	sor.u32 $0xC20, s1;
	v4 =	vadd.f32 v4, v56  }
0x332: {  	v58 =	vld [tilespmem:s28+$0xD00]  }
0x333: {  	v4 =	vadd.f32 v4, v57  }
0x334: {  	v59 =	vld [tilespmem:s18+$0x1920]  }
0x335: {  	s29 =	sor.u32 $0xC20, s6;
	v4 =	vadd.f32 v4, v5  }
0x336: {  	v5 =	vld [tilespmem:s29+$0xD00]  }
0x337: {  	v4 =	vadd.f32 v4, v58  }
0x338: {  	v60 =	vld [tilespmem:s19+$0x1920]  }
0x339: {  	s30 =	sor.u32 $0xC20, s7;
	v4 =	vadd.f32 v4, v59  }
0x33a: {  	v61 =	vld [tilespmem:s30+$0xD00]  }
0x33b: {  	v4 =	vadd.f32 v4, v5  }
0x33c: {  	v5 =	vld [tilespmem:s20+$0x1920]  }
0x33d: {  	v4 =	vadd.f32 v4, v60  }
0x33e: {  	v62 =	vld [tilespmem:s9+$0x4920]  }
0x33f: {  	v4 =	vadd.f32 v4, v61  }
0x340: {  	v63 =	vld [tilespmem:s21+$0x1920]  }
0x341: {  	s26 =	rddreg [dreg:$0x9];
	v4 =	vadd.f32 v4, v5  }
0x342: {  	p0 =	sne.s32 s26, $0x3  }
.Ltmp0:
0x343: {  	v4 =	vadd.f32 v4, v62;
	(pc) =	sbr.rel @p0 .LBB2_3-.Ltmp0, $4  }
0x344: {  	_ = 	snop  }
0x345: {  	s31 =	sshll.u32 s26, $0x7;
	v4 =	vadd.f32 v4, v63  }
0x346: {  	s0 =	sand.u32 $0x3FFFFF80, s31  }
0x347: {  	s5 =	sadd.s32 $0x1, s26;
	[tilespmem:v3+s0+$0x0 ss:$0x1] =	vst.idx.msk $0xffff, v4  }
0x348: {  	s4 =	rddreg [dreg:$0x8]  }
0x349: {  	s4 =	sadd.s32 $0x1, s4  }
0x34a: {  	p0 =	sne.s32 s4, $0x20  }
.Ltmp1:
0x34b: {  	_ = 	snop;
	(pc) =	sbr.rel @p0 .LBB2_2-.Ltmp1, $1  }
0x34c: {  	_ =	sdelay $0x3  }
0x34d: {  	s5 =	simm.s32 $0x0;
	s0 =	rddreg [dreg:$0x5];
	s1 =	simm.s32 $0xDD00  }
0x34e: {  	[hbm4b:s0+s5] =	stream.linear.scatter [tilespmem:s1], [sflag:$0x2], $0x4000, $0x38;
	[tilespmem:$0x11D00] =	vst v63  }
0x34f: {  	s1 =	simm.s32 $0x2  }
0x350: {  	_ =	swait.ge [sflag:s1], $0x4000  }
0x351: {  	s2 =	rddreg [dreg:$0x7]  }
0x352: {  	s31 =	rddreg [dreg:$0x6];
	s2 =	sadd.s32 $0x1, s2  }
0x353: {  	p0 =	sne.s32 s2, s31  }
.Ltmp2:
0x354: {  	_ = 	snop;
	(pc) =	sbr.rel @p0 .LBB2_1-.Ltmp2, $3  }
0x355: {  	_ =	sdelay $0x1  }
0x356: {  	[sflag:s1] =	ssyncset.done $0x0  }
0x357: {  	[sflag:s1] =	ssyncadd.s32 $0xFFFFC000  }
0x358: {  	_ =	sfence.sel $0x180000  }
0x359: {  	[bflag:$0x0] =	sbarrier.arrive $0xFFFF  }
0x35a: {  	_ =	strace $0x9000004A  }
0x35b: {  	s0 =	stileid.u32;
	[bflag:$0x2] =	sbarrier.arrive $0xFFFF  }
0x35c: {  	p0 =	sne.s32 s0, $0x0;
	s0 =	rddreg [dreg:$0x1]  }
0x35d: {  	s0 =	sadd.s32 @!p0 $0x100000, s0  }
0x35e: {  	[sflag:s0] =	ssyncadd.tile.s32 @!p0 $0x1;
	_ =	shalt  }
.Lfunc_end2:
_tile_overlayer_lowered:
.L_overlay_start_2:
0x35f: {  	(tag) =	ssettag $0x2  }
0x360: {  	s0 =	rddreg [dreg:$0x0];
	s2 =	stileid.u32  }
0x361: {  	s1 =	rddreg [dreg:$0x1];
	p0 =	sne.s32 s2, $0x0  }
0x362: {  	s3 =	rddreg [dreg:$0x2];
	[bflag:$0x3] =	sbarrier.arrive $0xFFFF;
	s2 =	simm.s32 @!p0 $0x1C02  }
0x363: {  	[timem:s3], [sflag:s2] =	dma.local @!p0 [hbm:s0], s1  }
0x364: {  	s0 =	simm.s32 @!p0 $0x2  }
0x365: {  	_ =	swait.ge @!p0 [sflag:s0], s1  }
0x366: {  	s1 =	ssub.s32 @!p0 $0x0, s1;
	[sflag:s0] =	ssyncset.done @!p0 $0x0  }
0x367: {  	[sflag:s0] =	ssyncadd.s32 @!p0 s1  }
0x368: {  	[bflag:$0x3] =	sbarrier.arrive $0xFFFF  }
0x369: {  	_ =	shalt  }

// kernel: sparse-core-data-format-call.cloned.1.call-start
scs
called_computation_lowered:
.L_overlay_start_0:
0x0: {  	s2 =	sld [smem:$0x3FD9]  }
0x1: {  	s3 =	sld [smem:$0x3FFE];
	_ =	sdelay $0x1  }
0x2: {  	s1 =	srdreg.scid  }
0x3: {  	s0 =	sand.u32 $0x1, s1  }
0x4: {  	s18 =	sshll.u32 s0, $0xA;
	s2 =	sadd.s32 s3, s2  }
0x5: {  	s2 =	sadd.s32 s2, s18  }
0x6: {  	[smem:$0x3FC2] =	sst s2  }
0x7: {  	_ = 	snop  }
0x8: {  	s2 =	sld [smem:$0x3FC4];
	(tm) =	ssettm $0x1  }
0x9: {  	s19 =	sld [smem:$0x3FFB];
	_ =	sdelay $0x3  }
0xa: {  	_ =	strace s19  }
0xb: {  	s3 =	sld [smem:$0x3FFC];
	_ =	sdelay $0x3  }
0xc: {  	_ =	strace s3  }
0xd: {  	s3 =	sld [smem:$0x3FFD];
	_ =	sdelay $0x3  }
0xe: {  	_ =	strace s3  }
0xf: {  	_ =	strace $0x8FFFFFFF  }
0x10: {  	s20 =	sld [smem:$0x3FDB];
	_ =	sdelay $0x1  }
0x11: {  	s4 =	simm.s32 $_scs_section_size  }
0x12: {  	s5 =	simm.s32 $_size__tile_overlayer_lowered;
	s6 =	simm.s32 $_tile_overlayer_lowered  }
0x13: {  	s23 =	simm.s32 $0x1BFF;
	s22 =	sshll.u32 s6, $0x1;
	s3 =	sadd.s32 s4, s20  }
0x14: {  	s7 =	simm.s32 $0x0;
	s21 =	sshll.u32 s5, $0x1;
	s5 =	sadd.s32 s22, s3  }
0x15: {  	[timem:s7], [sflag:s23] =	dma.local [hbm:s5], s21  }
0x16: {  	_ =	swait.ge [sflag:s23], s21  }
0x17: {  	s4 =	ssub.s32 $0x0, s21;
	[sflag:s23] =	ssyncset.done $0x0  }
0x18: {  	[sflag:s23] =	ssyncadd.s32 s4;
	_ =	sdelay $0x1  }
0x19: {  	s24 =	simm.s32 $0x1B8B  }
0x1a: {  	_ =	swait.ge [sflag:s24], $0x1  }
0x1b: {  	[sflag:s24] =	ssyncset.done $0x0  }
0x1c: {  	s26 =	simm.s32 $0x1B8E;
	s25 =	sld [smem:$0x3FFE];
	[sflag:s24] =	ssyncadd.s32 $0xFFFFFFFF  }
0x1d: {  	s27 =	simm.s32 $execute0_lowered;
	[smem:$0x3FD2] =	sst s26  }
0x1e: {  	s5 =	sshll.u32 s27, $0x1;
	_ =	strace $0x80000046;
	[dreg:$0x1] =	wrdreg $0xFFFFFFFF  }
0x1f: {  	s28 =	simm.s32 $_size_execute0_lowered;
	s3 =	sadd.s32 s3, s5;
	[dreg:$0x0] =	wrdreg $0x0  }
0x20: {  	s5 =	sshll.u32 s28, $0x1;
	[dreg:$0x2] =	wrdreg s3  }
0x21: {  	[dreg:$0x3] =	wrdreg s5  }
0x22: {  	[dreg:$0x4] =	wrdreg $0xC0  }
0x23: {  	_ =	task [dreg:s7], $0x5FFFF  }
0x24: {  	[dreg:$0x1] =	wrdreg $0xFFFFFFFF  }
0x25: {  	[dreg:$0x0] =	wrdreg $0x60  }
0x26: {  	[dreg:$0x2] =	wrdreg s2  }
0x27: {  	[dreg:$0x3] =	wrdreg s25  }
0x28: {  	[dreg:$0x4] =	wrdreg $0x9  }
0x29: {  	_ =	task.clear_ibuf [dreg:s7], $0x5FFFF;
	_ =	strace $0x90000046  }
0x2a: {  	s29 =	simm.s32 $0x9;
	_ =	strace $0x80000048  }
0x2b: {  	_ =	swait.ge [sflag:s29], $0x1  }
0x2c: {  	[sflag:s29] =	ssyncadd.s32 $0xFFFFFFFF  }
0x2d: {  	_ =	strace $0x90000048  }
0x2e: {  	_ =	sfence  }
0x2f: {  	s30 =	sld [smem:$0x0];
	_ =	sdelay $0x2  }
0x30: {  	s31 =	sshll.u32 s1, $0xD;
	s1 =	sshrl.u32 s1, $0x2  }
0x31: {  	s3 =	sand.u32 $0x4000, s31;
	s1 =	sadd.s32 s1, s30  }
0x32: {  	s0 =	sor.u32 s3, s0;
	s1 =	sshll.u32 s1, $0x11  }
0x33: {  	s0 =	sor.u32 s1, s0  }
0x34: {  	s0 =	sadd.s32 $0x8F2B, s0  }
0x35: {  	[sflag:s0] =	ssyncadd.remote.s32 $0x1  }
0x36: {  	_ =	sfence.sel $0xFFFF  }
0x37: {  	[dreg:$0x0] =	wrdreg $0xFFFFFFFF;
	(pc) =	sbr.abs _section_cstart, $3  }
0x38: {  	[dreg:$0x1] =	wrdreg $0xFFFFFFFF  }
0x39: {  	_ =	task.clear_ibuf [dreg:s7], $0x2FFFF;
	_ =	strace $0x9FFFFFFF  }
0x3a: {  	(tm) =	ssettm $0x7FFFFFFF  }
0x3b: {  	_ =	shalt  }
tec
execute0_lowered:
.L_overlay_start_1:
0x0: {  	(tag) =	ssettag $0x1  }
0x1: {  	s3 =	stileid.u32;
	s0 =	srdreg.scid  }
0x2: {  	s1 =	rddreg [dreg:$0x1];
	_ =	strace $0x80000047;
	s29 =	simm.s32 $0x1  }
0x3: {  	s31 =	simm.s32 $0x2;
	s10 =	simm.s32 $0x0;
	s9 =	simm.s32 $0x0  }
0x4: {  	s2 =	sshll.u32 s3, $0x5;
	s0 =	sshll.u32 s0, $0x9;
	s1 =	sadd.s32 $0x1200, s1  }
0x5: {  	s28 =	sshll.u32 s3, $0x7;
	s0 =	sor.u32 s2, s0;
	[dreg:$0x3] =	wrdreg s1  }
.Ltmp0:
0x6: {  	s13 =	sand.u32 $0x180, s28;
	s11 =	sand.u32 $0x380, s0;
	(pc) =	sbr.rel .LBB1_1-.Ltmp0, $4  }
0x7: {  	s8 =	simm.s32 $0x0;
	[dreg:$0x6] =	wrdreg s13;
	s30 =	ssub.s32 $0x19600, s11  }
0x8: {  	s12 =	simm.s32 $0x0;
	[dreg:$0x4] =	wrdreg s11;
	s1 =	sshrl.u32 s30, $0xA  }
0x9: {  	[sflag:s29] =	ssyncpa.u1 $0x0;
	[dreg:$0x5] =	wrdreg s1;
	s7 =	sor.u32 $0x2, s1  }
0xa: {  	s14 =	simm.s32 $0x0;
	[sflag:s31] =	ssyncpa.u1 $0x0;
	[dreg:$0x7] =	wrdreg s7  }
.LBB1_12:
0xb: {  	s8 =	rddreg [dreg:$0x8]  }
0xc: {  	s5 =	rddreg [dreg:$0xc]  }
0xd: {  	s1 =	sshll.u32 s12, $0x3;
	s24 =	rddreg [dreg:$0xb]  }
0xe: {  	s4 =	smov.u32 s12;
	s27 =	sand.u32 $0x78, s12;
	s29 =	rddreg [dreg:$0x3]  }
0xf: {  	s28 =	sand.u32 $0x7, s12;
	s31 =	simm.s32 $0x1000;
	s7 =	rddreg [dreg:$0x7]  }
0x10: {  	s9 =	rddreg [dreg:$0x9];
	s0 =	sshll.u32 s8, $0x9;
	s1 =	sand.u32 $0xFFFFFC00, s1  }
0x11: {  	s2 =	sshll.u32 s8, $0x7;
	p0 =	sgt.s32 s8, $0x195C0;
	s0 =	sand.u32 $0xFFFFF000, s0  }
0x12: {  	s23 =	sand.u32 $0x200, s2;
	s0 =	sadd.s32 s1, s0;
	s1 =	smov.u32 s8  }
0x13: {  	s2 =	sand.u32 $0x180, s2;
	s0 =	sor.u32 s23, s0;
	s1 =	simm.s32 @!p0 $0x195C0  }
0x14: {  	p0 =	sgt.s32 s12, $0x180;
	s0 =	sshrl.u32 s0, $0x9;
	s1 =	sadd.s32 s5, s1  }
0x15: {  	s4 =	simm.s32 @!p0 $0x180;
	s3 =	smulhi.u32 $0x285471, s0;
	s25 =	sadd.s32 $0xFFFE6A40, s1  }
0x16: {  	s4 =	sadd.s32 s24, s4;
	s1 =	ssub.s32 $0x19640, s1;
	p0 =	sgt.s32 s25, $0x7F  }
0x17: {  	s26 =	sadd.s32 $0xFFFFFE80, s4;
	s4 =	ssub.s32 $0x200, s4;
	s3 =	sshrl.u32 s3, $0x6  }
0x18: {  	s1 =	simm.s32 @p0 $0x0;
	p0 =	sgt.s32 s26, $0x7F;
	s3 =	smul.u32 $0x19640, s3  }
0x19: {  	s10 =	rddreg [dreg:$0xa];
	s2 =	sor.u32 s27, s2;
	s4 =	simm.s32 @p0 $0x0  }
0x1a: {  	s2 =	sshrl.u32 s2, $0x3;
	s1 =	smul.u32 s4, s1;
	s0 =	ssub.s32 s0, s3  }
0x1b: {  	s2 =	sadd.s32 s29, s2;
	s3 =	sshll.u32 s28, $0x12;
	s0 =	sshll.u32 s0, $0x6  }
0x1c: {  	s1 =	sand.u32 $0x3FFFFFFF, s1;
	s30 =	sor.u32 $0x400, s3;
	s0 =	sadd.s32 s0, s2  }
0x1d: {  	[hbm4b:s0+s30] =	stream.strided.scatter [tilespmem:s18], [sflag:$0x2], s1, s31, s30, $0x20;
	[tilespmem:$0x10100] =	vst v63  }
.LBB1_13:
0x1e: {  	p0 =	slt.u32 s14, $0x2  }
0x1f: {  	s1 =	smov.u32 s10;
	s2 =	smov.u32 s9;
	p1 =	sgt.s32 @!p0 s10, $0x195C0  }
0x20: {  	s0 =	sshra.s32 @!p0 s10, $0x1F;
	p2 =	sgt.s32 @!p0 s9, $0x180;
	s3 =	sshra.s32 @!p0 s9, $0x1F  }
0x21: {  	p1 =	por !p1, p0;
	s0 =	sand.u32 @!p0 s0, s10;
	p2 =	por !p2, p0  }
0x22: {  	s3 =	sand.u32 @!p0 s3, s9;
	s1 =	simm.s32 @p1 $0x195C0;
	s2 =	simm.s32 @p2 $0x180  }
0x23: {  	s0 =	ssub.s32 @!p0 s1, s0;
	s1 =	ssub.s32 @!p0 s2, s3  }
0x24: {  	s2 =	sadd.s32 @!p0 $0xFFFE6A40, s0;
	s3 =	sadd.s32 @!p0 $0xFFFFFE80, s1  }
0x25: {  	s0 =	ssub.s32 @!p0 $0x19640, s0;
	p1 =	sgt.s32 @!p0 s2, $0x7F;
	p2 =	sgt.s32 @!p0 s3, $0x7F  }
0x26: {  	s1 =	ssub.s32 @!p0 $0x200, s1;
	p1 =	por !p1, p0;
	p2 =	por !p2, p0  }
0x27: {  	s0 =	simm.s32 @!p1 $0x0;
	s1 =	simm.s32 @!p2 $0x0  }
0x28: {  	s0 =	smul.u32 @!p0 s1, s0  }
0x29: {  	s4 =	smov.u32 s13  }
0x2a: {  	s2 =	simm.s32 @!p0 $0x2;
	s1 =	sadd.s32 $0x400, s11;
	s0 =	sand.u32 @!p0 $0x3FFFFFFF, s0  }
0x2b: {  	s3 =	sadd.s32 $0x200, s13;
	p1 =	sgt.s32 s1, $0x1963F;
	_ =	swait.ge @!p0 [sflag:s2], s0  }
0x2c: {  	s4 =	smov.u32 @p1 s3;
	s3 =	rddreg [dreg:$0x4]  }
0x2d: {  	s1 =	smov.u32 @p1 s3;
	p1 =	sgt.s32 s4, $0x19F;
	s3 =	rddreg [dreg:$0x6]  }
0x2e: {  	s4 =	smov.u32 @p1 s3;
	p1 =	sne.s32 s14, s7  }
.Ltmp1:
0x2f: {  	_ = 	snop;
	(pc) =	sbr.rel @!p1 .LBB1_14-.Ltmp1, $4  }
0x30: {  	s10 =	smov.u32 s8  }
0x31: {  	s9 =	smov.u32 s12;
	s0 =	ssub.s32 @!p0 $0x0, s0;
	[sflag:s2] =	ssyncset.done @!p0 $0x0  }
0x32: {  	s8 =	smov.u32 s11;
	s12 =	smov.u32 s13;
	[sflag:s2] =	ssyncadd.s32 @!p0 s0  }
0x33: {  	s14 =	sadd.s32 $0x1, s14;
	s11 =	smov.u32 s1;
	s13 =	smov.u32 s4  }
.LBB1_1:
0x34: {  	s0 =	rddreg [dreg:$0x5]  }
0x35: {  	p0 =	sgt.u32 s14, s0  }
0x36: {  	s0 =	sshrl.u32 @!p0 s13, $0x3  }
0x37: {  	s1 =	sshll.u32 @!p0 s11, $0x3;
	s0 =	smul.u32 @!p0 $0xCB400, s0  }
0x38: {  	s5 =	smov.u32 s11;
	s2 =	sshll.u32 @!p0 s13, $0x7;
	s1 =	sand.u32 @!p0 $0xFFFFFC00, s1  }
0x39: {  	s3 =	sand.u32 @!p0 $0x7F, s11;
	s0 =	sadd.s32 @!p0 s0, s1;
	s1 =	sand.u32 @!p0 $0x380, s2  }
0x3a: {  	p1 =	sgt.s32 @!p0 s13, $0x120;
	s4 =	sshra.s32 @!p0 s13, $0x1F;
	s0 =	sor.u32 @!p0 s1, s0  }
0x3b: {  	s6 =	sshra.s32 @!p0 s11, $0x1F;
	p1 =	por !p1, p0;
	s1 =	smulhi.u32 @!p0 $0xA1385D35, s0  }
0x3c: {  	s4 =	sand.u32 @!p0 s4, s13;
	s0 =	sor.u32 @!p0 s3, s0;
	s3 =	smov.u32 s13  }
0x3d: {  	s3 =	simm.s32 @p1 $0x120;
	p1 =	sgt.s32 @!p0 s11, $0x19600;
	s1 =	sshrl.u32 @!p0 s1, $0x10  }
0x3e: {  	p1 =	por !p1, p0;
	s3 =	ssub.s32 @!p0 s3, s4;
	s2 =	smul.u32 @!p0 $0x4EC5, s1  }
0x3f: {  	s4 =	sand.u32 @!p0 s6, s11;
	s6 =	smulhi.u32 @!p0 $0xA1385D35, s0;
	s5 =	simm.s32 @p1 $0x19600  }
0x40: {  	s4 =	ssub.s32 @!p0 s5, s4;
	s5 =	sadd.s32 @!p0 $0xFFFFFEE0, s3;
	s2 =	sshrl.u32 @!p0 s2, $0x17  }
0x41: {  	p1 =	sgt.s32 @!p0 s5, $0x7F;
	s5 =	sshrl.u32 @!p0 s6, $0x10;
	s2 =	smul.u32 @!p0 $0x1A0, s2  }
0x42: {  	s3 =	ssub.s32 @!p0 $0x1A0, s3;
	s5 =	smul.u32 @!p0 $0x19680, s5  }
0x43: {  	p1 =	por !p1, p0;
	s1 =	ssub.s32 @!p0 s1, s2;
	s2 =	sadd.s32 @!p0 $0xFFFE6A00, s4  }
0x44: {  	s3 =	simm.s32 @!p1 $0x0;
	s4 =	ssub.s32 @!p0 $0x19680, s4;
	p2 =	sgt.s32 @!p0 s2, $0x7F  }
0x45: {  	s0 =	ssub.s32 @!p0 s0, s5;
	s1 =	sand.u32 @!p0 $0xFFFF, s1;
	p2 =	por !p2, p0  }
0x46: {  	s2 =	sxor.u32 @!p0 $0xFFFFFFFF, s14;
	s1 =	smul.u32 @!p0 $0x32D0, s1;
	s4 =	simm.s32 @!p2 $0x0  }
0x47: {  	s5 =	rddreg [dreg:$0x0];
	s2 =	sshll.u32 @!p0 s2, $0xE;
	s3 =	smul.u32 @!p0 s3, s4  }
0x48: {  	s2 =	sand.u32 @!p0 $0x4000, s2;
	s4 =	sshrl.u32 @!p0 s0, $0x3;
	s0 =	sand.u32 @!p0 $0x7, s0  }
0x49: {  	s4 =	sadd.s32 @!p0 s5, s4;
	s0 =	sshll.u32 @!p0 s0, $0x12;
	s3 =	sand.u32 @!p0 $0x3FFFFFFF, s3  }
0x4a: {  	s1 =	sadd.s32 @!p0 s1, s4;
	s0 =	sor.u32 @!p0 $0x400, s0;
	s4 =	simm.s32 @!p0 $0xCB400  }
0x4b: {  	[tilespmem:s2], [sflag:$0x1] =	stream.strided.gather @!p0 [hbm4b:s1+s0], s3, s4, s0, $0x38;
	[tilespmem:$0x10100] =	vst v63  }
0x4c: {  	p0 =	seq.s32 s14, $0x0  }
0x4d: {  	p1 =	sge.u32 @!p0 s14, s7  }
0x4e: {  	p0 =	por p0, p1  }
.Ltmp2:
0x4f: {  	_ = 	snop;
	(pc) =	sbr.rel @p0 .LBB1_13-.Ltmp2, $1  }
0x50: {  	_ =	sdelay $0x3  }
0x51: {  	s0 =	ssub.s32 $0x0, s12;
	s1 =	sshra.s32 s12, $0x1F;
	p0 =	sgt.s32 s12, $0x120  }
0x52: {  	s2 =	smov.u32 s12;
	s25 =	ssub.s32 $0x0, s8;
	s26 =	sshra.s32 s8, $0x1F  }
0x53: {  	s3 =	smov.u32 s8;
	s2 =	simm.s32 @!p0 $0x120;
	p0 =	sgt.s32 s8, $0x19600  }
0x54: {  	s4 =	sand.u32 s0, s1;
	s1 =	sand.u32 s25, s26;
	s3 =	simm.s32 @!p0 $0x19600  }
0x55: {  	s2 =	sadd.s32 s4, s2;
	[dreg:$0xc] =	wrdreg s1;
	s1 =	sadd.s32 s1, s3  }
0x56: {  	s27 =	sadd.s32 $0xFFFFFEE0, s2;
	s2 =	ssub.s32 $0x1A0, s2;
	s28 =	sadd.s32 $0xFFFE6A00, s1  }
0x57: {  	p0 =	sgt.s32 s27, $0x7F;
	s0 =	ssub.s32 $0x19680, s1;
	p1 =	sgt.s32 s28, $0x7F  }
0x58: {  	s2 =	simm.s32 @p0 $0x0;
	s0 =	simm.s32 @p1 $0x0  }
0x59: {  	s29 =	smul.u32 s2, s0;
	s2 =	sadd.s32 $0x80, s12  }
0x5a: {  	p0 =	slt.s32 s2, $0x1A0  }
0x5b: {  	s2 =	simm.s32 @!p0 $0x1A0  }
0x5c: {  	[dreg:$0xa] =	wrdreg s10;
	s20 =	ssub.s32 s2, s12  }
0x5d: {  	[dreg:$0x9] =	wrdreg s9;
	p0 =	slt.s32 s20, $0x1  }
.Ltmp3:
0x5e: {  	[dreg:$0x8] =	wrdreg s8;
	s30 =	simm.s32 $0x1;
	(pc) =	sbr.rel @p0 .LBB1_12-.Ltmp3, $4  }
0x5f: {  	[dreg:$0xb] =	wrdreg s4;
	s0 =	sand.u32 $0x1, s14;
	s1 =	sand.u32 $0x3FFFFFFF, s29  }
0x60: {  	s31 =	smul.u32 $0x4080, s0;
	_ =	swait.ge [sflag:s30], s1  }
0x61: {  	s1 =	ssub.s32 $0x0, s1;
	[sflag:s30] =	ssyncset.done $0x0  }
0x62: {  	s18 =	sor.u32 $0x8000, s31;
	[sflag:s30] =	ssyncadd.s32 s1  }
0x63: {  	s2 =	rddreg [dreg:$0x8]  }
0x64: {  	s1 =	sadd.s32 $0x80, s2  }
0x65: {  	p0 =	slt.s32 s1, $0x19640  }
.Ltmp4:
0x66: {  	s1 =	simm.s32 @!p0 $0x19640;
	(pc) =	sbr.rel .LBB1_4-.Ltmp4, $4  }
0x67: {  	s23 =	sshll.u32 s0, $0xE;
	s1 =	ssub.s32 s1, s2  }
0x68: {  	s25 =	simm.s32 $0x0;
	s26 =	simm.s32 $0x400;
	s1 =	sadd.s32 $0xF, s1  }
0x69: {  	s21 =	sand.u32 $0xFFFFFFF0, s1;
	s22 =	sand.u32 $0xFFFFFF00, s1;
	s31 =	sshll.u32 s1, $0x3  }
0x6a: {  	p0 =	slt.s32 s1, $0x100;
	s24 =	sand.u32 $0xFFFFF800, s31;
	p1 =	sge.s32 s22, s21  }
.LBB1_11:
0x6b: {  	s25 =	sadd.s32 $0x1, s25  }
0x6c: {  	p2 =	sne.s32 s25, s20  }
.Ltmp5:
0x6d: {  	_ = 	snop;
	(pc) =	sbr.rel @!p2 .LBB1_12-.Ltmp5, $2  }
0x6e: {  	_ =	sdelay $0x2  }
0x6f: {  	s26 =	sadd.s32 $0x80, s26  }
.LBB1_4:
.Ltmp6:
0x70: {  	(pc) =	sbr.rel @p0 .LBB1_8-.Ltmp6, $2  }
0x71: {  	_ =	sdelay $0x2  }
0x72: {  	s27 =	sshll.u32 s25, $0x7;
	s28 =	sand.u32 $0x7F, s25  }
0x73: {  	s2 =	sshll.u32 s25, $0x3  }
0x74: {  	s5 =	sand.u32 $0x380, s27;
	s4 =	sshrl.u32 s2, $0x7  }
0x75: {  	s1 =	sadd.s32 $0x800, s2;
	s6 =	sadd.s32 $0x1000, s2;
	s19 =	sadd.s32 s5, s23  }
0x76: {  	s7 =	sadd.s32 $0x1800, s2;
	s10 =	sadd.s32 $0x2800, s2;
	s17 =	sadd.s32 $0x3000, s2  }
0x77: {  	s2 =	sadd.s32 $0x3800, s2;
	s0 =	sand.u32 $0x78, s4;
	s1 =	sshrl.u32 s1, $0x7  }
0x78: {  	s6 =	sshrl.u32 s6, $0x7;
	s15 =	sshrl.u32 s10, $0x7;
	s2 =	sshrl.u32 s2, $0x7  }
0x79: {  	v0 =	vmov s19;
	s19 =	sand.u32 $0x3C00, s26;
	s3 =	smul.u32 $0x204, s0;
	s1 =	sand.u32 $0x78, s1  }
0x7a: {  	s5 =	sand.u32 $0x78, s6;
	s6 =	sshrl.u32 s7, $0x7;
	s1 =	smul.u32 $0x204, s1  }
0x7b: {  	s0 =	sxor.u32 $0x40, s0;
	s7 =	sshrl.u32 s17, $0x7;
	s5 =	smul.u32 $0x204, s5  }
0x7c: {  	s2 =	sand.u32 $0x78, s2;
	s0 =	smul.u32 $0x204, s0;
	s3 =	sshrl.u32 s3, $0x2  }
0x7d: {  	s8 =	sand.u32 $0x78, s6;
	s10 =	smul.u32 $0x204, s2;
	s3 =	sadd.s32 s3, s18  }
0x7e: {  	s1 =	sshrl.u32 s1, $0x2;
	s9 =	sshrl.u32 s5, $0x2;
	s0 =	sshrl.u32 s0, $0x2  }
0x7f: {  	s5 =	sand.u32 $0x78, s7;
	s7 =	sadd.s32 $0x20, s4;
	s6 =	sshrl.u32 s10, $0x2  }
0x80: {  	s1 =	sadd.s32 s1, s18;
	s29 =	sadd.s32 s28, s3;
	s3 =	sadd.s32 s9, s18  }
0x81: {  	s16 =	sadd.s32 s0, s18;
	s5 =	smul.u32 $0x204, s5;
	s30 =	sadd.s32 s28, s1  }
0x82: {  	s1 =	smul.u32 $0x204, s8;
	s31 =	sadd.s32 s28, s3;
	s3 =	sand.u32 $0x78, s15  }
0x83: {  	s7 =	sand.u32 $0x78, s7;
	s8 =	sadd.s32 $0x10, s4;
	s3 =	smul.u32 $0x204, s3  }
0x84: {  	s5 =	sshrl.u32 s5, $0x2;
	s15 =	sand.u32 $0x78, s8;
	s8 =	sadd.s32 $0x30, s4  }
0x85: {  	s1 =	sshrl.u32 s1, $0x2;
	s17 =	smul.u32 $0x204, s15;
	s15 =	sadd.s32 $0x60, s4  }
0x86: {  	s1 =	sadd.s32 s1, s18;
	s3 =	sshrl.u32 s3, $0x2;
	s15 =	sand.u32 $0x78, s15  }
0x87: {  	s0 =	sadd.s32 s28, s1;
	s1 =	sadd.s32 s28, s16;
	s3 =	sadd.s32 s3, s18  }
0x88: {  	s16 =	sadd.s32 s5, s18;
	s5 =	sshrl.u32 s17, $0x2;
	s15 =	smul.u32 $0x204, s15  }
0x89: {  	s9 =	sadd.s32 s28, s3;
	s2 =	sadd.s32 s28, s16;
	s3 =	sadd.s32 s6, s18  }
0x8a: {  	s6 =	smul.u32 $0x204, s7;
	s7 =	sand.u32 $0x78, s8;
	s8 =	sadd.s32 $0x50, s4  }
0x8b: {  	s4 =	sadd.s32 $0x70, s4;
	s7 =	smul.u32 $0x204, s7;
	s8 =	sand.u32 $0x78, s8  }
0x8c: {  	s5 =	sadd.s32 s5, s18;
	s4 =	sand.u32 $0x78, s4;
	s8 =	smul.u32 $0x204, s8  }
0x8d: {  	v1 =	vld.idx.msk [tilespmem:v0+s19+$0x0 ss:$0x1], $0xffff;
	s15 =	sshrl.u32 s15, $0x2;
	s6 =	sshrl.u32 s6, $0x2;
	s4 =	smul.u32 $0x204, s4  }
0x8e: {  	s15 =	sadd.s32 s15, s18;
	s7 =	sshrl.u32 s7, $0x2;
	s6 =	sadd.s32 s6, s18  }
0x8f: {  	s16 =	sadd.s32 s7, s18;
	s7 =	sadd.s32 s28, s5;
	s5 =	sadd.s32 s28, s6  }
0x90: {  	s8 =	sshrl.u32 s8, $0x2;
	s4 =	sshrl.u32 s4, $0x2;
	s6 =	sadd.s32 s28, s16  }
0x91: {  	s8 =	sadd.s32 s8, s18;
	s10 =	sadd.s32 s4, s18;
	s16 =	sadd.s32 $0xFFFFFC00, s26  }
0x92: {  	[tilespmem:s29+$0x0 ss:$0x81] =	vst.msk $0xffff, v1;
	v1 =	vld.idx.msk [tilespmem:v0+s19+$0x20 ss:$0x1], $0xffff;
	s4 =	sadd.s32 s28, s8;
	s8 =	sadd.s32 s28, s15;
	s15 =	sand.u32 $0x3C00, s16  }
0x93: {  	v2 =	vld.idx.msk [tilespmem:v0+s15+$0x70 ss:$0x1], $0xffff  }
0x94: {  	v3 =	vld.idx.msk [tilespmem:v0+s15+$0x0 ss:$0x1], $0xffff  }
0x95: {  	v4 =	vld.idx.msk [tilespmem:v0+s15+$0x10 ss:$0x1], $0xffff  }
0x96: {  	v5 =	vld.idx.msk [tilespmem:v0+s15+$0x20 ss:$0x1], $0xffff  }
0x97: {  	s3 =	sadd.s32 s28, s3;
	v6 =	vld.idx.msk [tilespmem:v0+s15+$0x30 ss:$0x1], $0xffff  }
0x98: {  	v7 =	vld.idx.msk [tilespmem:v0+s15+$0x40 ss:$0x1], $0xffff;
	[tilespmem:s3+$0x0 ss:$0x81] =	vst.msk $0xffff, v2  }
0x99: {  	v8 =	vld.idx.msk [tilespmem:v0+s15+$0x50 ss:$0x1], $0xffff;
	[tilespmem:s29+$0x0 ss:$0x81] =	vst.msk $0xffff, v3  }
0x9a: {  	p2 =	sgt.s32 s22, $0x100;
	v9 =	vld.idx.msk [tilespmem:v0+s15+$0x60 ss:$0x1], $0xffff;
	[tilespmem:s30+$0x0 ss:$0x81] =	vst.msk $0xffff, v4  }
.Ltmp7:
0x9b: {  	v4 =	vld.idx.msk [tilespmem:v0+s19+$0x10 ss:$0x1], $0xffff;
	[tilespmem:s31+$0x0 ss:$0x81] =	vst.msk $0xffff, v5;
	(pc) =	sbr.rel @!p2 .LBB1_7-.Ltmp7, $4  }
0x9c: {  	[tilespmem:s0+$0x0 ss:$0x81] =	vst.msk $0xffff, v6;
	v2 =	vld.idx.msk [tilespmem:v0+s19+$0x30 ss:$0x1], $0xffff  }
0x9d: {  	[tilespmem:s1+$0x0 ss:$0x81] =	vst.msk $0xffff, v7;
	v3 =	vld.idx.msk [tilespmem:v0+s19+$0x40 ss:$0x1], $0xffff  }
0x9e: {  	[tilespmem:s9+$0x0 ss:$0x81] =	vst.msk $0xffff, v8;
	v5 =	vld.idx.msk [tilespmem:v0+s19+$0x50 ss:$0x1], $0xffff  }
0x9f: {  	s17 =	sadd.s32 s28, s10;
	s16 =	sadd.s32 $0x800, s26;
	s15 =	simm.s32 $0x100;
	[tilespmem:s2+$0x0 ss:$0x81] =	vst.msk $0xffff, v9;
	v6 =	vld.idx.msk [tilespmem:v0+s19+$0x60 ss:$0x1], $0xffff  }
.LBB1_6:
0xa0: {  	s10 =	sadd.s32 $0xFFFFFC00, s16;
	s15 =	sadd.s32 $0x100, s15;
	[tilespmem:s7+$0x0 ss:$0x81] =	vst.msk $0xffff, v4;
	v4 =	vld.idx.msk [tilespmem:v0+s19+$0x70 ss:$0x1], $0xffff;
	s19 =	sand.u32 $0x3C00, s16  }
0xa1: {  	s10 =	sand.u32 $0x3C00, s10;
	v7 =	vld.idx.msk [tilespmem:v0+s19+$0x0 ss:$0x1], $0xffff;
	p2 =	slt.s32 s15, s22;
	[tilespmem:s5+$0x0 ss:$0x81] =	vst.msk $0xffff, v1  }
0xa2: {  	v1 =	vld.idx.msk [tilespmem:v0+s10+$0x70 ss:$0x1], $0xffff;
	[tilespmem:s6+$0x0 ss:$0x81] =	vst.msk $0xffff, v2  }
0xa3: {  	v2 =	vld.idx.msk [tilespmem:v0+s10+$0x0 ss:$0x1], $0xffff;
	[tilespmem:s1+$0x0 ss:$0x81] =	vst.msk $0xffff, v3  }
0xa4: {  	v3 =	vld.idx.msk [tilespmem:v0+s10+$0x10 ss:$0x1], $0xffff;
	[tilespmem:s4+$0x0 ss:$0x81] =	vst.msk $0xffff, v5  }
0xa5: {  	v5 =	vld.idx.msk [tilespmem:v0+s10+$0x20 ss:$0x1], $0xffff;
	[tilespmem:s8+$0x0 ss:$0x81] =	vst.msk $0xffff, v6  }
0xa6: {  	v6 =	vld.idx.msk [tilespmem:v0+s10+$0x30 ss:$0x1], $0xffff;
	[tilespmem:s17+$0x0 ss:$0x81] =	vst.msk $0xffff, v4  }
0xa7: {  	v8 =	vld.idx.msk [tilespmem:v0+s10+$0x40 ss:$0x1], $0xffff;
	[tilespmem:s29+$0x0 ss:$0x81] =	vst.msk $0xffff, v7  }
0xa8: {  	v7 =	vld.idx.msk [tilespmem:v0+s10+$0x50 ss:$0x1], $0xffff;
	[tilespmem:s3+$0x0 ss:$0x81] =	vst.msk $0xffff, v1  }
0xa9: {  	[tilespmem:s29+$0x0 ss:$0x81] =	vst.msk $0xffff, v2;
	v9 =	vld.idx.msk [tilespmem:v0+s10+$0x60 ss:$0x1], $0xffff  }
0xaa: {  	[tilespmem:s30+$0x0 ss:$0x81] =	vst.msk $0xffff, v3;
	v4 =	vld.idx.msk [tilespmem:v0+s19+$0x10 ss:$0x1], $0xffff  }
.Ltmp8:
0xab: {  	[tilespmem:s31+$0x0 ss:$0x81] =	vst.msk $0xffff, v5;
	v1 =	vld.idx.msk [tilespmem:v0+s19+$0x20 ss:$0x1], $0xffff;
	(pc) =	sbr.rel @p2 .LBB1_6-.Ltmp8, $4  }
0xac: {  	[tilespmem:s0+$0x0 ss:$0x81] =	vst.msk $0xffff, v6;
	v2 =	vld.idx.msk [tilespmem:v0+s19+$0x30 ss:$0x1], $0xffff  }
0xad: {  	[tilespmem:s1+$0x0 ss:$0x81] =	vst.msk $0xffff, v8;
	v3 =	vld.idx.msk [tilespmem:v0+s19+$0x40 ss:$0x1], $0xffff  }
0xae: {  	[tilespmem:s9+$0x0 ss:$0x81] =	vst.msk $0xffff, v7;
	v5 =	vld.idx.msk [tilespmem:v0+s19+$0x50 ss:$0x1], $0xffff  }
0xaf: {  	s16 =	sadd.s32 $0x800, s16;
	[tilespmem:s2+$0x0 ss:$0x81] =	vst.msk $0xffff, v9;
	v6 =	vld.idx.msk [tilespmem:v0+s19+$0x60 ss:$0x1], $0xffff  }
.LBB1_7:
0xb0: {  	_ =	sdelay $0x2  }
0xb1: {  	[tilespmem:s7+$0x0 ss:$0x81] =	vst.msk $0xffff, v4  }
0xb2: {  	v0 =	vld.idx.msk [tilespmem:v0+s19+$0x70 ss:$0x1], $0xffff;
	[tilespmem:s5+$0x0 ss:$0x81] =	vst.msk $0xffff, v1  }
0xb3: {  	[tilespmem:s6+$0x0 ss:$0x81] =	vst.msk $0xffff, v2  }
0xb4: {  	[tilespmem:s1+$0x0 ss:$0x81] =	vst.msk $0xffff, v3  }
0xb5: {  	[tilespmem:s4+$0x0 ss:$0x81] =	vst.msk $0xffff, v5  }
0xb6: {  	[tilespmem:s8+$0x0 ss:$0x81] =	vst.msk $0xffff, v6  }
0xb7: {  	[tilespmem:s17+$0x0 ss:$0x81] =	vst.msk $0xffff, v0  }
.LBB1_8:
.Ltmp9:
0xb8: {  	(pc) =	sbr.rel @p1 .LBB1_11-.Ltmp9, $1  }
0xb9: {  	_ =	sdelay $0x3  }
0xba: {  	s1 =	sand.u32 $0x380, s27;
	s0 =	sshrl.u32 s25, $0x4;
	s2 =	sadd.s32 s28, s18  }
0xbb: {  	s3 =	smov.u32 s24;
	s4 =	smov.u32 s22;
	s1 =	sadd.s32 s1, s23  }
.LBB1_10:
0xbc: {  	s5 =	sand.u32 $0x3C00, s3  }
0xbd: {  	s5 =	sadd.s32 s27, s5  }
0xbe: {  	s5 =	sand.u32 $0x3C00, s5  }
0xbf: {  	s6 =	sand.u32 $0x70, s4;
	s30 =	sadd.s32 s4, s0;
	s5 =	sadd.s32 s5, s1  }
0xc0: {  	s4 =	sadd.s32 $0x10, s4;
	s31 =	sand.u32 $0x78, s30;
	s5 =	sadd.s32 s6, s5  }
0xc1: {  	p2 =	slt.s32 s4, s21;
	v0 =	vld [tilespmem:s5+$0x0];
	s5 =	smul.u32 $0x204, s31  }
.Ltmp10:
0xc2: {  	_ = 	snop;
	(pc) =	sbr.rel @p2 .LBB1_10-.Ltmp10, $4  }
0xc3: {  	_ = 	snop  }
0xc4: {  	s5 =	sshrl.u32 s5, $0x2  }
0xc5: {  	s5 =	sadd.s32 s5, s2  }
0xc6: {  	s3 =	sadd.s32 $0x80, s3;
	[tilespmem:s5+$0x0 ss:$0x81] =	vst.msk $0xffff, v0  }
.Ltmp11:
0xc7: {  	_ = 	snop;
	(pc) =	sbr.rel .LBB1_11-.Ltmp11, $1  }
0xc8: {  	_ =	sdelay $0x3  }
.LBB1_14:
0xc9: {  	_ =	sfence.sel $0x180000  }
0xca: {  	s0 =	simm.s32 $0x1;
	[bflag:$0x0] =	sbarrier.arrive $0xFFFF  }
0xcb: {  	s30 =	simm.s32 $0x2;
	[sflag:s0] =	ssyncpa.u1 $0x1  }
0xcc: {  	[sflag:s30] =	ssyncpa.u1 $0x1  }
0xcd: {  	_ =	strace $0x90000047  }
0xce: {  	s31 =	stileid.u32;
	[bflag:$0x2] =	sbarrier.arrive $0xFFFF  }
0xcf: {  	p0 =	sne.s32 s31, $0x0;
	s0 =	rddreg [dreg:$0x2]  }
0xd0: {  	s0 =	sadd.s32 @!p0 $0x100000, s0  }
0xd1: {  	[sflag:s0] =	ssyncadd.tile.s32 @!p0 $0x1;
	_ =	shalt  }
.Lfunc_end1:
_tile_overlayer_lowered:
.L_overlay_start_2:
0xd2: {  	(tag) =	ssettag $0x2  }
0xd3: {  	s0 =	rddreg [dreg:$0x0];
	s2 =	stileid.u32  }
0xd4: {  	s1 =	rddreg [dreg:$0x1];
	p0 =	sne.s32 s2, $0x0  }
0xd5: {  	s3 =	rddreg [dreg:$0x2];
	[bflag:$0x3] =	sbarrier.arrive $0xFFFF;
	s2 =	simm.s32 @!p0 $0x1C01  }
0xd6: {  	[timem:s3], [sflag:s2] =	dma.local @!p0 [hbm:s0], s1  }
0xd7: {  	s0 =	simm.s32 @!p0 $0x1  }
0xd8: {  	_ =	swait.ge @!p0 [sflag:s0], s1  }
0xd9: {  	s1 =	ssub.s32 @!p0 $0x0, s1;
	[sflag:s0] =	ssyncset.done @!p0 $0x0  }
0xda: {  	[sflag:s0] =	ssyncadd.s32 @!p0 s1  }
0xdb: {  	[bflag:$0x3] =	sbarrier.arrive $0xFFFF  }
0xdc: {  	_ =	shalt  }

</sc_bundles>
